<compile_context>
chip_gen: v7x
topology: tpu7x:2x2x1
jax: 0.10.2.dev20260603
libtpu: 0.0.44.dev20260713+nightly
codegen_flags: <defaults>
</compile_context>

<pallas_src>
import functools

import jax
import jax.numpy as jnp
from jax import lax
from jax.experimental import pallas as pl
from jax.experimental.pallas import tpu as pltpu
from jax.experimental.pallas import tpu_sc as plsc

NUM_GRAPHS = 1024

_C = 80
_GROWS = 32
_BM = _GROWS * _C




def _gate_body(h_ref, wgt_ref, bg_ref, g_ref):
    hb = h_ref[...]
    s = lax.dot_general(
        wgt_ref[...], hb, (((1,), (1,)), ((), ())),
        preferred_element_type=jnp.float32,
    )
    s = s + bg_ref[...]
    g_ref[0] = 1.0 / (1.0 + jnp.exp(-s))


def _gate_stage(h, W_g, b_g, block_base, nblocks):
    _, ndim = h.shape
    g3d = pl.pallas_call(
        _gate_body,
        grid=(nblocks,),
        in_specs=[
            pl.BlockSpec((_BM, ndim), lambda i: (i + block_base, 0)),
            pl.BlockSpec((1, ndim), lambda i: (0, 0)),
            pl.BlockSpec((1, 1), lambda i: (0, 0)),
        ],
        out_specs=pl.BlockSpec((1, 1, _BM), lambda i: (i, 0, 0)),
        out_shape=jax.ShapeDtypeStruct((nblocks, 1, _BM), jnp.float32),
    )(h, W_g.reshape(1, ndim), b_g.reshape(1, 1))
    return g3d.reshape(nblocks * _BM)




def _splat(vec, lane):
    lane_v = (jnp.full((16,), 0, jnp.int32) + lane)[:, None]
    return lax.gather(
        vec,
        lane_v,
        dimension_numbers=lax.GatherDimensionNumbers(
            offset_dims=(),
            collapsed_slice_dims=(0,),
            start_index_map=(0,),
        ),
        slice_sizes=(1,),
        mode=lax.GatherScatterMode.PROMISE_IN_BOUNDS,
    )


def _make_scatter(ndim, chunk_base, nchunk_part, g_row_base):
    rows_per_sub = NUM_GRAPHS // 16
    mesh = plsc.VectorSubcoreMesh(core_axis_name="c", subcore_axis_name="s")

    @functools.partial(
        pl.kernel,
        out_type=(
            jax.ShapeDtypeStruct((2, NUM_GRAPHS, ndim), jnp.float32),
            jax.ShapeDtypeStruct((2, NUM_GRAPHS), jnp.float32),
        ),
        mesh=mesh,
        scratch_types=[
            pltpu.VMEM((_C,), jnp.int32),
            pltpu.VMEM((_C,), jnp.int32),
            pltpu.VMEM((_C,), jnp.float32),
            pltpu.VMEM((_C,), jnp.float32),
            pltpu.VMEM((_C, ndim), jnp.float32),
            pltpu.VMEM((_C, ndim), jnp.float32),
            pltpu.VMEM((NUM_GRAPHS // 16,), jnp.float32),
            pltpu.VMEM_SHARED((NUM_GRAPHS, ndim), jnp.float32),
            pltpu.VMEM_SHARED((NUM_GRAPHS,), jnp.float32),
            pltpu.SemaphoreType.DMA,
            pltpu.SemaphoreType.DMA,
        ],
    )
    def _scatter(h_hbm, batch_hbm, g1d_hbm, zeros_hbm,
                 outh_hbm, outg_hbm,
                 idx0, idx1, g0, g1, rows0, rows1, gbuf, acc, acc_g,
                 sem0, sem1):
        cid = lax.axis_index("c")
        sid = lax.axis_index("s")
        wid = sid * 2 + cid

        pltpu.sync_copy(
            zeros_hbm.at[pl.ds(sid * rows_per_sub, rows_per_sub)],
            acc.at[pl.ds(sid * rows_per_sub, rows_per_sub)],
        )
        for i in range(rows_per_sub // 16):
            gbuf[pl.ds(i * 16, 16)] = jnp.zeros((16,), jnp.float32)
        pltpu.sync_copy(gbuf, acc_g.at[pl.ds(sid * rows_per_sub, rows_per_sub)])
        plsc.subcore_barrier()

        nt = (nchunk_part - wid + 31) // 32

        def srcs(t, idx_v, g_v, rows_v):
            c = chunk_base + wid + t * 32
            row0 = c * _C
            return (
                (batch_hbm.at[pl.ds(row0, _C)], idx_v),
                (g1d_hbm.at[pl.ds(row0 - g_row_base, _C)], g_v),
                (h_hbm.at[pl.ds(row0, _C)], rows_v),
            )

        def start_load(t, idx_v, g_v, rows_v, sem):
            for src, dst in srcs(t, idx_v, g_v, rows_v):
                pltpu.async_copy(src, dst, sem)

        def wait_load(t, idx_v, g_v, rows_v, sem):
            for src, dst in srcs(t, idx_v, g_v, rows_v):
                pltpu.make_async_copy(src, dst, sem).wait()

        def process(t, idx_v, g_v, rows_v, sem, idx_n, g_n, rows_n, sem_n):
            wait_load(t, idx_v, g_v, rows_v, sem)

            @pl.when(t + 1 < nt)
            def _():
                start_load(t + 1, idx_n, g_n, rows_n, sem_n)

            @plsc.parallel_loop(0, _C, unroll=4)
            def scale_row(r):
                grp = (r // 16) * 16
                gvec = g_v[pl.ds(grp, 16)]
                gs = _splat(gvec, r - grp)
                for j in range(ndim // 16):
                    rows_v[r, pl.ds(j * 16, 16)] = (
                        rows_v[r, pl.ds(j * 16, 16)] * gs
                    )

            pltpu.sync_copy(rows_v, acc.at[idx_v], add=True)
            pltpu.sync_copy(g_v, acc_g.at[idx_v], add=True)

        start_load(0, idx0, g0, rows0, sem0)

        def body(t, carry):
            @pl.when(t % 2 == 0)
            def _():
                process(t, idx0, g0, rows0, sem0, idx1, g1, rows1, sem1)

            @pl.when(t % 2 == 1)
            def _():
                process(t, idx1, g1, rows1, sem1, idx0, g0, rows0, sem0)

            return carry

        lax.fori_loop(0, nt, body, 0)
        plsc.subcore_barrier()

        pltpu.sync_copy(
            acc.at[pl.ds(sid * rows_per_sub, rows_per_sub)],
            outh_hbm.at[cid, pl.ds(sid * rows_per_sub, rows_per_sub)],
        )
        pltpu.sync_copy(
            acc_g.at[pl.ds(sid * rows_per_sub, rows_per_sub)], gbuf
        )
        pltpu.sync_copy(
            gbuf, outg_hbm.at[cid, pl.ds(sid * rows_per_sub, rows_per_sub)]
        )

    return _scatter




def _final(phs, pgs, W_f, b_f):
    gdim = W_f.shape[1]
    nparts = len(phs)

    def _final_body(*refs):
        ph_refs = refs[:nparts]
        pg_refs = refs[nparts:2 * nparts]
        wf_ref, bf_ref, o_ref = refs[2 * nparts:]
        pooled = ph_refs[0][0] + ph_refs[0][1]
        gsum = pg_refs[0][0:1, :] + pg_refs[0][1:2, :]
        for p in range(1, nparts):
            pooled = pooled + ph_refs[p][0] + ph_refs[p][1]
            gsum = gsum + pg_refs[p][0:1, :] + pg_refs[p][1:2, :]
        bias = lax.dot_general(
            gsum, bf_ref[...], (((0,), (0,)), ((), ())),
            preferred_element_type=jnp.float32,
        )
        o_ref[...] = (
            jnp.dot(pooled, wf_ref[...], preferred_element_type=jnp.float32)
            + bias
        )

    return pl.pallas_call(
        _final_body,
        out_shape=jax.ShapeDtypeStruct((NUM_GRAPHS, gdim), jnp.float32),
    )(*phs, *pgs, W_f, b_f.reshape(1, gdim))




_NPARTS = 2


def kernel(h, batch, W_f, b_f, W_g, b_g):
    n, ndim = h.shape
    nchunk = n // _C
    nblocks_all = pl.cdiv(n, _BM)

    idx = batch.astype(jnp.int32)
    zeros = jnp.zeros((NUM_GRAPHS, ndim), jnp.float32)

    base = nchunk // _NPARTS
    rem = nchunk - base * _NPARTS
    bounds = [0]
    for p in range(_NPARTS):
        bounds.append(bounds[-1] + base + (1 if p < rem else 0))

    phs, pgs = [], []
    for p in range(_NPARTS):
        cb, ce = bounds[p], bounds[p + 1]
        b_lo = (cb * _C) // _BM
        b_hi = min(pl.cdiv(ce * _C, _BM), nblocks_all)
        g_p = _gate_stage(h, W_g, b_g, b_lo, b_hi - b_lo)
        ph, pg = _make_scatter(ndim, cb, ce - cb, b_lo * _BM)(
            h, idx, g_p, zeros
        )
        phs.append(ph)
        pgs.append(pg)
    return _final(phs, pgs, W_f, b_f)

# --- scband reference (transcript-rebuilt; emitter-appended) ---
"""Pipeline reference for scband-graph-emb-19284403159293 (READ-ONLY COPY).

The authoritative reference and input builder live on the scoring server;
editing this copy changes nothing except your own understanding.
"""

import jax, jax.numpy as jnp
import numpy as np

N = 100000
NDIM = 128
GDIM = 128
NUM_GRAPHS = 1024


def setup_inputs(seed: int = 0) -> dict:
    key = jax.random.key(seed)
    k1, k2, k3, k4, k5 = jax.random.split(key, 5)
    h = jax.random.normal(k1, (N, NDIM), dtype=jnp.float32)
    batch = jnp.sort(jax.random.randint(k2, (N,), 0, NUM_GRAPHS, dtype=jnp.int64))
    # f_m: Linear(ndim, gdim)
    lim_f = 1.0 / np.sqrt(NDIM)
    W_f = jax.random.uniform(k3, (NDIM, GDIM), dtype=jnp.float32, minval=-lim_f, maxval=lim_f)
    b_f = jnp.zeros((GDIM,), dtype=jnp.float32)
    # g_m: Linear(ndim, 1)
    W_g = jax.random.uniform(k4, (NDIM, 1), dtype=jnp.float32, minval=-lim_f, maxval=lim_f)
    b_g = jnp.zeros((1,), dtype=jnp.float32)
    return {"h": h, "batch": batch, "W_f": W_f, "b_f": b_f, "W_g": W_g, "b_g": b_g}


def reference(h, batch, W_f, b_f, W_g, b_g):
    # aggr == 'gsum'
    h_vG = h @ W_f + b_f                      # [N, gdim]
    g_vG = jax.nn.sigmoid(h @ W_g + b_g)      # [N, 1]
    h_G = h_vG * g_vG                         # [N, gdim]
    out = jax.ops.segment_sum(h_G, batch, num_segments=NUM_GRAPHS)  # [num_graphs, gdim]
    return out

if __name__ == "__main__":
    import jax
    _d = setup_inputs()
    print(jax.jit(kernel)(*tuple(_d.values())))

</pallas_src>

<mosaic_0001>
#map = affine_map<(d0, d1) -> (0, 0)>
#map1 = affine_map<(d0, d1) -> (0)>
#map2 = affine_map<(d0, d1) -> (0, 0, 0)>
module attributes {stable_mosaic.version = 14 : i64} {
  func.func @_scatter(%arg0: i32, %arg1: i32, %arg2: memref<100000x128xf32, #tpu.memory_space<hbm>>, %arg3: memref<100000xi32, #tpu.memory_space<hbm>>, %arg4: memref<51200xf32, #tpu.memory_space<hbm>>, %arg5: memref<1024x128xf32, #tpu.memory_space<hbm>>, %arg6: memref<2x1024x128xf32, #tpu.memory_space<hbm>>, %arg7: memref<2x1024xf32, #tpu.memory_space<hbm>>, %arg8: memref<80xi32, #tpu.memory_space<vmem>>, %arg9: memref<80xi32, #tpu.memory_space<vmem>>, %arg10: memref<80xf32, #tpu.memory_space<vmem>>, %arg11: memref<80xf32, #tpu.memory_space<vmem>>, %arg12: memref<80x128xf32, #tpu.memory_space<vmem>>, %arg13: memref<80x128xf32, #tpu.memory_space<vmem>>, %arg14: memref<64xf32, #tpu.memory_space<vmem>>, %arg15: memref<1024x128xf32, #tpu.memory_space<vmem_shared>>, %arg16: memref<1024xf32, #tpu.memory_space<vmem_shared>>, %arg17: memref<!tpu.dma_semaphore, #tpu.memory_space<semaphore_mem>>, %arg18: memref<!tpu.dma_semaphore, #tpu.memory_space<semaphore_mem>>) attributes {dimension_semantics = [#tpu.dimension_semantics<core_parallel>, #tpu.dimension_semantics<subcore_parallel>], iteration_bounds = array<i64: 2, 16>, scalar_prefetch = 0 : i64, scratch_operands = 11 : i64, tpu.core_type = #tpu.core_type<sc_vector_subcore>, window_params = [{transform_indices = #map}, {transform_indices = #map1}, {transform_indices = #map1}, {transform_indices = #map}, {transform_indices = #map2}, {transform_indices = #map}]} {
    %mul3A = arith.constant 2 : i32
    %mul3A_0 = arith.muli %arg1, %mul3A : i32
    %add3A = arith.addi %mul3A_0, %arg0 : i32
    %mul3A_1 = arith.constant 64 : i32
    %mul3A_2 = arith.muli %arg1, %mul3A_1 : i32
    %mul3A_3 = arith.constant 64 : i32
    %mul3A_4 = arith.muli %arg1, %mul3A_3 : i32
    "tpu.region"() ({
      %run_scoped3A = tpu.sem_alloc : memref<!tpu.dma_semaphore, #tpu.memory_space<semaphore_mem>>
      %dma_start3A_82 = arith.constant 0 : i32
      %dma_start3A_83 = tpu.memref_slice %arg15[%mul3A_4, %dma_start3A_82] : memref<1024x128xf32, #tpu.memory_space<vmem_shared>> -> memref<64x128xf32, #tpu.memory_space<vmem_shared>>
      %dma_start3A_84 = arith.constant 0 : i32
      %dma_start3A_85 = tpu.memref_slice %arg5[%mul3A_2, %dma_start3A_84] : memref<1024x128xf32, #tpu.memory_space<hbm>> -> memref<64x128xf32, #tpu.memory_space<hbm>>
      tpu.enqueue_dma source(%dma_start3A_85 : memref<64x128xf32, #tpu.memory_space<hbm>>) target(%dma_start3A_83 : memref<64x128xf32, #tpu.memory_space<vmem_shared>>) target_semaphore(%run_scoped3A : memref<!tpu.dma_semaphore, #tpu.memory_space<semaphore_mem>>)
      %dma_wait3A = arith.constant 0 : i32
      %dma_wait3A_86 = tpu.memref_slice %arg15[%mul3A_4, %dma_wait3A] : memref<1024x128xf32, #tpu.memory_space<vmem_shared>> -> memref<64x128xf32, #tpu.memory_space<vmem_shared>>
      %dma_wait3A_87 = arith.constant 0 : i32
      %dma_wait3A_88 = tpu.memref_slice %arg5[%mul3A_2, %dma_wait3A_87] : memref<1024x128xf32, #tpu.memory_space<hbm>> -> memref<64x128xf32, #tpu.memory_space<hbm>>
      tpu.wait_dma2 semaphore(%run_scoped3A : memref<!tpu.dma_semaphore, #tpu.memory_space<semaphore_mem>>) src(%dma_wait3A_88 : memref<64x128xf32, #tpu.memory_space<hbm>>) dst(%dma_wait3A_86 : memref<64x128xf32, #tpu.memory_space<vmem_shared>>)
      tpu.yield
    }) : () -> ()
    %broadcast_in_dim3A = arith.constant 0.000000e+00 : f32
    %broadcast_in_dim3A_5 = vector.broadcast %broadcast_in_dim3A : f32 to vector<16xf32>
    %swap3A = arith.constant 0 : index
    %swap3A_6 = tpu.vector_load %arg14[%swap3A] {strides = array<i32>} : memref<64xf32, #tpu.memory_space<vmem>>, vector<16xf32>,
    %swap3A_7 = vector.shape_cast %swap3A_6 : vector<16xf32> to vector<16xf32>
    %swap3A_8 = vector.shape_cast %broadcast_in_dim3A_5 : vector<16xf32> to vector<16xf32>
    tpu.vector_store %arg14[%swap3A], %swap3A_8 {strides = array<i32>} : memref<64xf32, #tpu.memory_space<vmem>>, vector<16xf32>,
    %broadcast_in_dim3A_9 = arith.constant 0.000000e+00 : f32
    %broadcast_in_dim3A_10 = vector.broadcast %broadcast_in_dim3A_9 : f32 to vector<16xf32>
    %swap3A_11 = arith.constant 16 : index
    %swap3A_12 = tpu.vector_load %arg14[%swap3A_11] {strides = array<i32>} : memref<64xf32, #tpu.memory_space<vmem>>, vector<16xf32>,
    %swap3A_13 = vector.shape_cast %swap3A_12 : vector<16xf32> to vector<16xf32>
    %swap3A_14 = vector.shape_cast %broadcast_in_dim3A_10 : vector<16xf32> to vector<16xf32>
    tpu.vector_store %arg14[%swap3A_11], %swap3A_14 {strides = array<i32>} : memref<64xf32, #tpu.memory_space<vmem>>, vector<16xf32>,
    %broadcast_in_dim3A_15 = arith.constant 0.000000e+00 : f32
    %broadcast_in_dim3A_16 = vector.broadcast %broadcast_in_dim3A_15 : f32 to vector<16xf32>
    %swap3A_17 = arith.constant 32 : index
    %swap3A_18 = tpu.vector_load %arg14[%swap3A_17] {strides = array<i32>} : memref<64xf32, #tpu.memory_space<vmem>>, vector<16xf32>,
    %swap3A_19 = vector.shape_cast %swap3A_18 : vector<16xf32> to vector<16xf32>
    %swap3A_20 = vector.shape_cast %broadcast_in_dim3A_16 : vector<16xf32> to vector<16xf32>
    tpu.vector_store %arg14[%swap3A_17], %swap3A_20 {strides = array<i32>} : memref<64xf32, #tpu.memory_space<vmem>>, vector<16xf32>,
    %broadcast_in_dim3A_21 = arith.constant 0.000000e+00 : f32
    %broadcast_in_dim3A_22 = vector.broadcast %broadcast_in_dim3A_21 : f32 to vector<16xf32>
    %swap3A_23 = arith.constant 48 : index
    %swap3A_24 = tpu.vector_load %arg14[%swap3A_23] {strides = array<i32>} : memref<64xf32, #tpu.memory_space<vmem>>, vector<16xf32>,
    %swap3A_25 = vector.shape_cast %swap3A_24 : vector<16xf32> to vector<16xf32>
    %swap3A_26 = vector.shape_cast %broadcast_in_dim3A_22 : vector<16xf32> to vector<16xf32>
    tpu.vector_store %arg14[%swap3A_23], %swap3A_26 {strides = array<i32>} : memref<64xf32, #tpu.memory_space<vmem>>, vector<16xf32>,
    %mul3A_27 = arith.constant 64 : i32
    %mul3A_28 = arith.muli %arg1, %mul3A_27 : i32
    "tpu.region"() ({
      %run_scoped3A = tpu.sem_alloc : memref<!tpu.dma_semaphore, #tpu.memory_space<semaphore_mem>>
      %dma_start3A_82 = tpu.memref_slice %arg16[%mul3A_28] : memref<1024xf32, #tpu.memory_space<vmem_shared>> -> memref<64xf32, #tpu.memory_space<vmem_shared>>
      %dma_start3A_83 = tpu.memref_slice %arg16[%mul3A_28] : memref<1024xf32, #tpu.memory_space<vmem_shared>> -> memref<64xf32, #tpu.memory_space<vmem_shared>>
      tpu.enqueue_dma source(%arg14 : memref<64xf32, #tpu.memory_space<vmem>>) target(%dma_start3A_83 : memref<64xf32, #tpu.memory_space<vmem_shared>>) target_semaphore(%run_scoped3A : memref<!tpu.dma_semaphore, #tpu.memory_space<semaphore_mem>>)
      %dma_wait3A = tpu.memref_slice %arg16[%mul3A_28] : memref<1024xf32, #tpu.memory_space<vmem_shared>> -> memref<64xf32, #tpu.memory_space<vmem_shared>>
      %dma_wait3A_84 = tpu.memref_slice %arg16[%mul3A_28] : memref<1024xf32, #tpu.memory_space<vmem_shared>> -> memref<64xf32, #tpu.memory_space<vmem_shared>>
      tpu.wait_dma2 semaphore(%run_scoped3A : memref<!tpu.dma_semaphore, #tpu.memory_space<semaphore_mem>>) src(%arg14 : memref<64xf32, #tpu.memory_space<vmem>>) dst(%dma_wait3A_84 : memref<64xf32, #tpu.memory_space<vmem_shared>>)
      tpu.yield
    }) : () -> ()
    %barrier3A = arith.constant 0 : index
    tpu.barrier barrier_id(%barrier3A)
    %sub3A = arith.constant 625 : i32
    %sub3A_29 = arith.subi %sub3A, %add3A : i32
    %add3A_30 = arith.constant 31 : i32
    %add3A_31 = arith.addi %sub3A_29, %add3A_30 : i32
    %jit3A = arith.constant 32 : i32
    %div3A = arith.divsi %add3A_31, %jit3A : i32
    %sign3A = arith.constant 0 : i32
    %sign3A_32 = arith.cmpi sgt, %add3A_31, %sign3A : i32
    %sign3A_33 = arith.extui %sign3A_32 : i1 to i32
    %sign3A_34 = arith.constant 0 : i32
    %sign3A_35 = arith.cmpi slt, %add3A_31, %sign3A_34 : i32
    %sign3A_36 = arith.extui %sign3A_35 : i1 to i32
    %sign3A_37 = arith.subi %sign3A_33, %sign3A_36 : i32
    %sign3A_38 = arith.constant 0 : i32
    %sign3A_39 = arith.cmpi sgt, %jit3A, %sign3A_38 : i32
    %sign3A_40 = arith.extui %sign3A_39 : i1 to i32
    %sign3A_41 = arith.constant 0 : i32
    %sign3A_42 = arith.cmpi slt, %jit3A, %sign3A_41 : i32
    %sign3A_43 = arith.extui %sign3A_42 : i1 to i32
    %sign3A_44 = arith.subi %sign3A_40, %sign3A_43 : i32
    %ne3A = arith.cmpi ne, %sign3A_37, %sign3A_44 : i32
    %rem3A = arith.remsi %add3A_31, %jit3A : i32
    %ne3A_45 = arith.constant 0 : i32
    %ne3A_46 = arith.cmpi ne, %rem3A, %ne3A_45 : i32
    %and3A = arith.andi %ne3A, %ne3A_46 : i1
    %sub3A_47 = arith.constant 1 : i32
    %sub3A_48 = arith.subi %div3A, %sub3A_47 : i32
    %select_n3A = arith.select %and3A, %sub3A_48, %div3A : i32
    %add3A_49 = arith.constant 0 : i32
    %add3A_50 = arith.addi %add3A_49, %add3A : i32
    %add3A_51 = arith.constant 0 : i32
    %add3A_52 = arith.addi %add3A_50, %add3A_51 : i32
    %mul3A_53 = arith.constant 80 : i32
    %mul3A_54 = arith.muli %add3A_52, %mul3A_53 : i32
    %sub3A_55 = arith.constant 0 : i32
    %sub3A_56 = arith.subi %mul3A_54, %sub3A_55 : i32
    %dma_start3A = tpu.memref_slice %arg3[%mul3A_54] : memref<100000xi32, #tpu.memory_space<hbm>> -> memref<80xi32, #tpu.memory_space<hbm>>
    %dma_start3A_57 = tpu.memref_slice %arg3[%mul3A_54] : memref<100000xi32, #tpu.memory_space<hbm>> -> memref<80xi32, #tpu.memory_space<hbm>>
    tpu.enqueue_dma source(%dma_start3A_57 : memref<80xi32, #tpu.memory_space<hbm>>) target(%arg8 : memref<80xi32, #tpu.memory_space<vmem>>) target_semaphore(%arg17 : memref<!tpu.dma_semaphore, #tpu.memory_space<semaphore_mem>>)
    %dma_start3A_58 = tpu.memref_slice %arg4[%sub3A_56] : memref<51200xf32, #tpu.memory_space<hbm>> -> memref<80xf32, #tpu.memory_space<hbm>>
    %dma_start3A_59 = tpu.memref_slice %arg4[%sub3A_56] : memref<51200xf32, #tpu.memory_space<hbm>> -> memref<80xf32, #tpu.memory_space<hbm>>
    tpu.enqueue_dma source(%dma_start3A_59 : memref<80xf32, #tpu.memory_space<hbm>>) target(%arg10 : memref<80xf32, #tpu.memory_space<vmem>>) target_semaphore(%arg17 : memref<!tpu.dma_semaphore, #tpu.memory_space<semaphore_mem>>)
    %dma_start3A_60 = arith.constant 0 : i32
    %dma_start3A_61 = tpu.memref_slice %arg2[%mul3A_54, %dma_start3A_60] : memref<100000x128xf32, #tpu.memory_space<hbm>> -> memref<80x128xf32, #tpu.memory_space<hbm>>
    %dma_start3A_62 = arith.constant 0 : i32
    %dma_start3A_63 = tpu.memref_slice %arg2[%mul3A_54, %dma_start3A_62] : memref<100000x128xf32, #tpu.memory_space<hbm>> -> memref<80x128xf32, #tpu.memory_space<hbm>>
    tpu.enqueue_dma source(%dma_start3A_63 : memref<80x128xf32, #tpu.memory_space<hbm>>) target(%arg12 : memref<80x128xf32, #tpu.memory_space<vmem>>) target_semaphore(%arg17 : memref<!tpu.dma_semaphore, #tpu.memory_space<semaphore_mem>>)
    %while3A = arith.constant 0 : i32
    %while3A_64 = arith.constant 0 : i32
    %while3A_65 = arith.subi %select_n3A, %while3A_64 : i32
    %while3A_66 = arith.addi %while3A_64, %while3A_65 : i32
    %while3A_67 = arith.constant 1 : i32
    %while3A_68 = arith.divsi %while3A_65, %while3A_67 : i32
    %while3A_69 = arith.muli %while3A_68, %while3A_67 : i32
    %while3A_70 = arith.addi %while3A_64, %while3A_69 : i32
    %while3A_71 = arith.constant 1 : i32
    scf.for %while3A_82 = %while3A_64 to %while3A_70 step %while3A_71  : i32 {
      %jit3A_83 = arith.constant 2 : i32
      %eq3A = arith.constant 0 : i32
      %eq3A_84 = arith.cmpi eq, %jit3A_83, %eq3A : i32
      %jit3A_85 = arith.constant 1 : i32
      %select_n3A_86 = arith.select %eq3A_84, %jit3A_85, %jit3A_83 : i32
      %rem3A_87 = arith.remsi %while3A_82, %select_n3A_86 : i32
      %ne3A_88 = arith.constant 0 : i32
      %ne3A_89 = arith.cmpi ne, %rem3A_87, %ne3A_88 : i32
      %lt3A = arith.constant 0 : i32
      %lt3A_90 = arith.cmpi slt, %rem3A_87, %lt3A : i32
      %lt3A_91 = arith.constant 0 : i32
      %lt3A_92 = arith.cmpi slt, %select_n3A_86, %lt3A_91 : i32
      %ne3A_93 = arith.xori %lt3A_90, %lt3A_92 : i1
      %and3A_94 = arith.andi %ne3A_93, %ne3A_89 : i1
      %add3A_95 = arith.addi %rem3A_87, %select_n3A_86 : i32
      %select_n3A_96 = arith.select %and3A_94, %add3A_95, %rem3A_87 : i32
      %eq3A_97 = arith.constant 0 : i32
      %eq3A_98 = arith.cmpi eq, %select_n3A_96, %eq3A_97 : i32
      %convert_element_type3A = arith.extui %eq3A_98 : i1 to i32
      %cond3A = arith.constant 0 : i32
      %cond3A_99 = arith.cmpi ne, %convert_element_type3A, %cond3A : i32
      scf.if %cond3A_99 {
        %add3A_121 = arith.constant 0 : i32
        %add3A_122 = arith.addi %add3A_121, %add3A : i32
        %mul3A_123 = arith.constant 32 : i32
        %mul3A_124 = arith.muli %while3A_82, %mul3A_123 : i32
        %add3A_125 = arith.addi %add3A_122, %mul3A_124 : i32
        %mul3A_126 = arith.constant 80 : i32
        %mul3A_127 = arith.muli %add3A_125, %mul3A_126 : i32
        %sub3A_128 = arith.constant 0 : i32
        %sub3A_129 = arith.subi %mul3A_127, %sub3A_128 : i32
        %dma_wait3A = tpu.memref_slice %arg3[%mul3A_127] : memref<100000xi32, #tpu.memory_space<hbm>> -> memref<80xi32, #tpu.memory_space<hbm>>
        %dma_wait3A_130 = tpu.memref_slice %arg3[%mul3A_127] : memref<100000xi32, #tpu.memory_space<hbm>> -> memref<80xi32, #tpu.memory_space<hbm>>
        tpu.wait_dma2 semaphore(%arg17 : memref<!tpu.dma_semaphore, #tpu.memory_space<semaphore_mem>>) src(%dma_wait3A_130 : memref<80xi32, #tpu.memory_space<hbm>>) dst(%arg8 : memref<80xi32, #tpu.memory_space<vmem>>)
        %dma_wait3A_131 = tpu.memref_slice %arg4[%sub3A_129] : memref<51200xf32, #tpu.memory_space<hbm>> -> memref<80xf32, #tpu.memory_space<hbm>>
        %dma_wait3A_132 = tpu.memref_slice %arg4[%sub3A_129] : memref<51200xf32, #tpu.memory_space<hbm>> -> memref<80xf32, #tpu.memory_space<hbm>>
        tpu.wait_dma2 semaphore(%arg17 : memref<!tpu.dma_semaphore, #tpu.memory_space<semaphore_mem>>) src(%dma_wait3A_132 : memref<80xf32, #tpu.memory_space<hbm>>) dst(%arg10 : memref<80xf32, #tpu.memory_space<vmem>>)
        %dma_wait3A_133 = arith.constant 0 : i32
        %dma_wait3A_134 = tpu.memref_slice %arg2[%mul3A_127, %dma_wait3A_133] : memref<100000x128xf32, #tpu.memory_space<hbm>> -> memref<80x128xf32, #tpu.memory_space<hbm>>
        %dma_wait3A_135 = arith.constant 0 : i32
        %dma_wait3A_136 = tpu.memref_slice %arg2[%mul3A_127, %dma_wait3A_135] : memref<100000x128xf32, #tpu.memory_space<hbm>> -> memref<80x128xf32, #tpu.memory_space<hbm>>
        tpu.wait_dma2 semaphore(%arg17 : memref<!tpu.dma_semaphore, #tpu.memory_space<semaphore_mem>>) src(%dma_wait3A_136 : memref<80x128xf32, #tpu.memory_space<hbm>>) dst(%arg12 : memref<80x128xf32, #tpu.memory_space<vmem>>)
        %add3A_137 = arith.constant 1 : i32
        %add3A_138 = arith.addi %while3A_82, %add3A_137 : i32
        %lt3A_139 = arith.cmpi slt, %add3A_138, %select_n3A : i32
        %convert_element_type3A_140 = arith.extui %lt3A_139 : i1 to i32
        %cond3A_141 = arith.constant 0 : i32
        %cond3A_142 = arith.cmpi ne, %convert_element_type3A_140, %cond3A_141 : i32
        scf.if %cond3A_142 {
          %add3A_145 = arith.constant 1 : i32
          %add3A_146 = arith.addi %while3A_82, %add3A_145 : i32
          %add3A_147 = arith.constant 0 : i32
          %add3A_148 = arith.addi %add3A_147, %add3A : i32
          %mul3A_149 = arith.constant 32 : i32
          %mul3A_150 = arith.muli %add3A_146, %mul3A_149 : i32
          %add3A_151 = arith.addi %add3A_148, %mul3A_150 : i32
          %mul3A_152 = arith.constant 80 : i32
          %mul3A_153 = arith.muli %add3A_151, %mul3A_152 : i32
          %sub3A_154 = arith.constant 0 : i32
          %sub3A_155 = arith.subi %mul3A_153, %sub3A_154 : i32
          %dma_start3A_156 = tpu.memref_slice %arg3[%mul3A_153] : memref<100000xi32, #tpu.memory_space<hbm>> -> memref<80xi32, #tpu.memory_space<hbm>>
          %dma_start3A_157 = tpu.memref_slice %arg3[%mul3A_153] : memref<100000xi32, #tpu.memory_space<hbm>> -> memref<80xi32, #tpu.memory_space<hbm>>
          tpu.enqueue_dma source(%dma_start3A_157 : memref<80xi32, #tpu.memory_space<hbm>>) target(%arg9 : memref<80xi32, #tpu.memory_space<vmem>>) target_semaphore(%arg18 : memref<!tpu.dma_semaphore, #tpu.memory_space<semaphore_mem>>)
          %dma_start3A_158 = tpu.memref_slice %arg4[%sub3A_155] : memref<51200xf32, #tpu.memory_space<hbm>> -> memref<80xf32, #tpu.memory_space<hbm>>
          %dma_start3A_159 = tpu.memref_slice %arg4[%sub3A_155] : memref<51200xf32, #tpu.memory_space<hbm>> -> memref<80xf32, #tpu.memory_space<hbm>>
          tpu.enqueue_dma source(%dma_start3A_159 : memref<80xf32, #tpu.memory_space<hbm>>) target(%arg11 : memref<80xf32, #tpu.memory_space<vmem>>) target_semaphore(%arg18 : memref<!tpu.dma_semaphore, #tpu.memory_space<semaphore_mem>>)
          %dma_start3A_160 = arith.constant 0 : i32
          %dma_start3A_161 = tpu.memref_slice %arg2[%mul3A_153, %dma_start3A_160] : memref<100000x128xf32, #tpu.memory_space<hbm>> -> memref<80x128xf32, #tpu.memory_space<hbm>>
          %dma_start3A_162 = arith.constant 0 : i32
          %dma_start3A_163 = tpu.memref_slice %arg2[%mul3A_153, %dma_start3A_162] : memref<100000x128xf32, #tpu.memory_space<hbm>> -> memref<80x128xf32, #tpu.memory_space<hbm>>
          tpu.enqueue_dma source(%dma_start3A_163 : memref<80x128xf32, #tpu.memory_space<hbm>>) target(%arg13 : memref<80x128xf32, #tpu.memory_space<vmem>>) target_semaphore(%arg18 : memref<!tpu.dma_semaphore, #tpu.memory_space<semaphore_mem>>)
        } else {
        }
        %parallel_loop3A = arith.constant 0 : i32
        %parallel_loop3A_143 = arith.constant 80 : i32
        %parallel_loop3A_144 = arith.constant 1 : i32
        scf.for %parallel_loop3A_145 = %parallel_loop3A to %parallel_loop3A_143 step %parallel_loop3A_144  : i32 {
          %parallel_loop3A_146 = arith.constant 16 : i32
          %parallel_loop3A_147 = arith.divsi %parallel_loop3A_145, %parallel_loop3A_146 : i32
          %parallel_loop3A_148 = arith.constant 0 : i32
          %parallel_loop3A_149 = arith.cmpi sgt, %parallel_loop3A_145, %parallel_loop3A_148 : i32
          %parallel_loop3A_150 = arith.extui %parallel_loop3A_149 : i1 to i32
          %parallel_loop3A_151 = arith.constant 0 : i32
          %parallel_loop3A_152 = arith.cmpi slt, %parallel_loop3A_145, %parallel_loop3A_151 : i32
          %parallel_loop3A_153 = arith.extui %parallel_loop3A_152 : i1 to i32
          %parallel_loop3A_154 = arith.subi %parallel_loop3A_150, %parallel_loop3A_153 : i32
          %parallel_loop3A_155 = arith.constant 0 : i32
          %parallel_loop3A_156 = arith.cmpi sgt, %parallel_loop3A_146, %parallel_loop3A_155 : i32
          %parallel_loop3A_157 = arith.extui %parallel_loop3A_156 : i1 to i32
          %parallel_loop3A_158 = arith.constant 0 : i32
          %parallel_loop3A_159 = arith.cmpi slt, %parallel_loop3A_146, %parallel_loop3A_158 : i32
          %parallel_loop3A_160 = arith.extui %parallel_loop3A_159 : i1 to i32
          %parallel_loop3A_161 = arith.subi %parallel_loop3A_157, %parallel_loop3A_160 : i32
          %parallel_loop3A_162 = arith.cmpi ne, %parallel_loop3A_154, %parallel_loop3A_161 : i32
          %parallel_loop3A_163 = arith.remsi %parallel_loop3A_145, %parallel_loop3A_146 : i32
          %parallel_loop3A_164 = arith.constant 0 : i32
          %parallel_loop3A_165 = arith.cmpi ne, %parallel_loop3A_163, %parallel_loop3A_164 : i32
          %parallel_loop3A_166 = arith.andi %parallel_loop3A_162, %parallel_loop3A_165 : i1
          %parallel_loop3A_167 = arith.constant 1 : i32
          %parallel_loop3A_168 = arith.subi %parallel_loop3A_147, %parallel_loop3A_167 : i32
          %parallel_loop3A_169 = arith.select %parallel_loop3A_166, %parallel_loop3A_168, %parallel_loop3A_147 : i32
          %parallel_loop3A_170 = arith.constant 16 : i32
          %parallel_loop3A_171 = arith.muli %parallel_loop3A_169, %parallel_loop3A_170 : i32
          %parallel_loop3A_172 = arith.index_cast %parallel_loop3A_171 : i32 to index
          %parallel_loop3A_173 = tpu.vector_load %arg10[%parallel_loop3A_172] {strides = array<i32>} : memref<80xf32, #tpu.memory_space<vmem>>, vector<16xf32>,
          %parallel_loop3A_174 = vector.shape_cast %parallel_loop3A_173 : vector<16xf32> to vector<16xf32>
          %parallel_loop3A_175 = arith.subi %parallel_loop3A_145, %parallel_loop3A_171 : i32
          %parallel_loop3A_176 = arith.constant 0 : i32
          %parallel_loop3A_177 = vector.broadcast %parallel_loop3A_176 : i32 to vector<16xi32>
          %parallel_loop3A_178 = vector.broadcast %parallel_loop3A_175 : i32 to vector<16xi32>
          %parallel_loop3A_179 = arith.addi %parallel_loop3A_177, %parallel_loop3A_178 : vector<16xi32>
          %parallel_loop3A_180 = vector.shape_cast %parallel_loop3A_179 : vector<16xi32> to vector<16x1xi32>
          %parallel_loop3A_181 = vector.shape_cast %parallel_loop3A_180 : vector<16x1xi32> to vector<16xi32>
          %parallel_loop3A_182 = tpu.dynamic_gather %parallel_loop3A_174[%parallel_loop3A_181] in [0] : vector<16xf32>, vector<16xi32> -> vector<16xf32>
          %parallel_loop3A_183 = arith.index_cast %parallel_loop3A_145 : i32 to index
          %parallel_loop3A_184 = arith.constant 0 : index
          %parallel_loop3A_185 = tpu.vector_load %arg12[%parallel_loop3A_183, %parallel_loop3A_184] {strides = array<i32>} : memref<80x128xf32, #tpu.memory_space<vmem>>, vector<1x16xf32>,
          %parallel_loop3A_186 = vector.shape_cast %parallel_loop3A_185 : vector<1x16xf32> to vector<16xf32>
          %parallel_loop3A_187 = arith.mulf %parallel_loop3A_186, %parallel_loop3A_182 : vector<16xf32>
          %parallel_loop3A_188 = arith.index_cast %parallel_loop3A_145 : i32 to index
          %parallel_loop3A_189 = arith.constant 0 : index
          %parallel_loop3A_190 = tpu.vector_load %arg12[%parallel_loop3A_188, %parallel_loop3A_189] {strides = array<i32>} : memref<80x128xf32, #tpu.memory_space<vmem>>, vector<1x16xf32>,
          %parallel_loop3A_191 = vector.shape_cast %parallel_loop3A_190 : vector<1x16xf32> to vector<16xf32>
          %parallel_loop3A_192 = vector.shape_cast %parallel_loop3A_187 : vector<16xf32> to vector<1x16xf32>
          tpu.vector_store %arg12[%parallel_loop3A_188, %parallel_loop3A_189], %parallel_loop3A_192 {strides = array<i32>} : memref<80x128xf32, #tpu.memory_space<vmem>>, vector<1x16xf32>,
          %parallel_loop3A_193 = arith.index_cast %parallel_loop3A_145 : i32 to index
          %parallel_loop3A_194 = arith.constant 16 : index
          %parallel_loop3A_195 = tpu.vector_load %arg12[%parallel_loop3A_193, %parallel_loop3A_194] {strides = array<i32>} : memref<80x128xf32, #tpu.memory_space<vmem>>, vector<1x16xf32>,
          %parallel_loop3A_196 = vector.shape_cast %parallel_loop3A_195 : vector<1x16xf32> to vector<16xf32>
          %parallel_loop3A_197 = arith.mulf %parallel_loop3A_196, %parallel_loop3A_182 : vector<16xf32>
          %parallel_loop3A_198 = arith.index_cast %parallel_loop3A_145 : i32 to index
          %parallel_loop3A_199 = arith.constant 16 : index
          %parallel_loop3A_200 = tpu.vector_load %arg12[%parallel_loop3A_198, %parallel_loop3A_199] {strides = array<i32>} : memref<80x128xf32, #tpu.memory_space<vmem>>, vector<1x16xf32>,
          %parallel_loop3A_201 = vector.shape_cast %parallel_loop3A_200 : vector<1x16xf32> to vector<16xf32>
          %parallel_loop3A_202 = vector.shape_cast %parallel_loop3A_197 : vector<16xf32> to vector<1x16xf32>
          tpu.vector_store %arg12[%parallel_loop3A_198, %parallel_loop3A_199], %parallel_loop3A_202 {strides = array<i32>} : memref<80x128xf32, #tpu.memory_space<vmem>>, vector<1x16xf32>,
          %parallel_loop3A_203 = arith.index_cast %parallel_loop3A_145 : i32 to index
          %parallel_loop3A_204 = arith.constant 32 : index
          %parallel_loop3A_205 = tpu.vector_load %arg12[%parallel_loop3A_203, %parallel_loop3A_204] {strides = array<i32>} : memref<80x128xf32, #tpu.memory_space<vmem>>, vector<1x16xf32>,
          %parallel_loop3A_206 = vector.shape_cast %parallel_loop3A_205 : vector<1x16xf32> to vector<16xf32>
          %parallel_loop3A_207 = arith.mulf %parallel_loop3A_206, %parallel_loop3A_182 : vector<16xf32>
          %parallel_loop3A_208 = arith.index_cast %parallel_loop3A_145 : i32 to index
          %parallel_loop3A_209 = arith.constant 32 : index
          %parallel_loop3A_210 = tpu.vector_load %arg12[%parallel_loop3A_208, %parallel_loop3A_209] {strides = array<i32>} : memref<80x128xf32, #tpu.memory_space<vmem>>, vector<1x16xf32>,
          %parallel_loop3A_211 = vector.shape_cast %parallel_loop3A_210 : vector<1x16xf32> to vector<16xf32>
          %parallel_loop3A_212 = vector.shape_cast %parallel_loop3A_207 : vector<16xf32> to vector<1x16xf32>
          tpu.vector_store %arg12[%parallel_loop3A_208, %parallel_loop3A_209], %parallel_loop3A_212 {strides = array<i32>} : memref<80x128xf32, #tpu.memory_space<vmem>>, vector<1x16xf32>,
          %parallel_loop3A_213 = arith.index_cast %parallel_loop3A_145 : i32 to index
          %parallel_loop3A_214 = arith.constant 48 : index
          %parallel_loop3A_215 = tpu.vector_load %arg12[%parallel_loop3A_213, %parallel_loop3A_214] {strides = array<i32>} : memref<80x128xf32, #tpu.memory_space<vmem>>, vector<1x16xf32>,
          %parallel_loop3A_216 = vector.shape_cast %parallel_loop3A_215 : vector<1x16xf32> to vector<16xf32>
          %parallel_loop3A_217 = arith.mulf %parallel_loop3A_216, %parallel_loop3A_182 : vector<16xf32>
          %parallel_loop3A_218 = arith.index_cast %parallel_loop3A_145 : i32 to index
          %parallel_loop3A_219 = arith.constant 48 : index
          %parallel_loop3A_220 = tpu.vector_load %arg12[%parallel_loop3A_218, %parallel_loop3A_219] {strides = array<i32>} : memref<80x128xf32, #tpu.memory_space<vmem>>, vector<1x16xf32>,
          %parallel_loop3A_221 = vector.shape_cast %parallel_loop3A_220 : vector<1x16xf32> to vector<16xf32>
          %parallel_loop3A_222 = vector.shape_cast %parallel_loop3A_217 : vector<16xf32> to vector<1x16xf32>
          tpu.vector_store %arg12[%parallel_loop3A_218, %parallel_loop3A_219], %parallel_loop3A_222 {strides = array<i32>} : memref<80x128xf32, #tpu.memory_space<vmem>>, vector<1x16xf32>,
          %parallel_loop3A_223 = arith.index_cast %parallel_loop3A_145 : i32 to index
          %parallel_loop3A_224 = arith.constant 64 : index
          %parallel_loop3A_225 = tpu.vector_load %arg12[%parallel_loop3A_223, %parallel_loop3A_224] {strides = array<i32>} : memref<80x128xf32, #tpu.memory_space<vmem>>, vector<1x16xf32>,
          %parallel_loop3A_226 = vector.shape_cast %parallel_loop3A_225 : vector<1x16xf32> to vector<16xf32>
          %parallel_loop3A_227 = arith.mulf %parallel_loop3A_226, %parallel_loop3A_182 : vector<16xf32>
          %parallel_loop3A_228 = arith.index_cast %parallel_loop3A_145 : i32 to index
          %parallel_loop3A_229 = arith.constant 64 : index
          %parallel_loop3A_230 = tpu.vector_load %arg12[%parallel_loop3A_228, %parallel_loop3A_229] {strides = array<i32>} : memref<80x128xf32, #tpu.memory_space<vmem>>, vector<1x16xf32>,
          %parallel_loop3A_231 = vector.shape_cast %parallel_loop3A_230 : vector<1x16xf32> to vector<16xf32>
          %parallel_loop3A_232 = vector.shape_cast %parallel_loop3A_227 : vector<16xf32> to vector<1x16xf32>
          tpu.vector_store %arg12[%parallel_loop3A_228, %parallel_loop3A_229], %parallel_loop3A_232 {strides = array<i32>} : memref<80x128xf32, #tpu.memory_space<vmem>>, vector<1x16xf32>,
          %parallel_loop3A_233 = arith.index_cast %parallel_loop3A_145 : i32 to index
          %parallel_loop3A_234 = arith.constant 80 : index
          %parallel_loop3A_235 = tpu.vector_load %arg12[%parallel_loop3A_233, %parallel_loop3A_234] {strides = array<i32>} : memref<80x128xf32, #tpu.memory_space<vmem>>, vector<1x16xf32>,
          %parallel_loop3A_236 = vector.shape_cast %parallel_loop3A_235 : vector<1x16xf32> to vector<16xf32>
          %parallel_loop3A_237 = arith.mulf %parallel_loop3A_236, %parallel_loop3A_182 : vector<16xf32>
          %parallel_loop3A_238 = arith.index_cast %parallel_loop3A_145 : i32 to index
          %parallel_loop3A_239 = arith.constant 80 : index
          %parallel_loop3A_240 = tpu.vector_load %arg12[%parallel_loop3A_238, %parallel_loop3A_239] {strides = array<i32>} : memref<80x128xf32, #tpu.memory_space<vmem>>, vector<1x16xf32>,
          %parallel_loop3A_241 = vector.shape_cast %parallel_loop3A_240 : vector<1x16xf32> to vector<16xf32>
          %parallel_loop3A_242 = vector.shape_cast %parallel_loop3A_237 : vector<16xf32> to vector<1x16xf32>
          tpu.vector_store %arg12[%parallel_loop3A_238, %parallel_loop3A_239], %parallel_loop3A_242 {strides = array<i32>} : memref<80x128xf32, #tpu.memory_space<vmem>>, vector<1x16xf32>,
          %parallel_loop3A_243 = arith.index_cast %parallel_loop3A_145 : i32 to index
          %parallel_loop3A_244 = arith.constant 96 : index
          %parallel_loop3A_245 = tpu.vector_load %arg12[%parallel_loop3A_243, %parallel_loop3A_244] {strides = array<i32>} : memref<80x128xf32, #tpu.memory_space<vmem>>, vector<1x16xf32>,
          %parallel_loop3A_246 = vector.shape_cast %parallel_loop3A_245 : vector<1x16xf32> to vector<16xf32>
          %parallel_loop3A_247 = arith.mulf %parallel_loop3A_246, %parallel_loop3A_182 : vector<16xf32>
          %parallel_loop3A_248 = arith.index_cast %parallel_loop3A_145 : i32 to index
          %parallel_loop3A_249 = arith.constant 96 : index
          %parallel_loop3A_250 = tpu.vector_load %arg12[%parallel_loop3A_248, %parallel_loop3A_249] {strides = array<i32>} : memref<80x128xf32, #tpu.memory_space<vmem>>, vector<1x16xf32>,
          %parallel_loop3A_251 = vector.shape_cast %parallel_loop3A_250 : vector<1x16xf32> to vector<16xf32>
          %parallel_loop3A_252 = vector.shape_cast %parallel_loop3A_247 : vector<16xf32> to vector<1x16xf32>
          tpu.vector_store %arg12[%parallel_loop3A_248, %parallel_loop3A_249], %parallel_loop3A_252 {strides = array<i32>} : memref<80x128xf32, #tpu.memory_space<vmem>>, vector<1x16xf32>,
          %parallel_loop3A_253 = arith.index_cast %parallel_loop3A_145 : i32 to index
          %parallel_loop3A_254 = arith.constant 112 : index
          %parallel_loop3A_255 = tpu.vector_load %arg12[%parallel_loop3A_253, %parallel_loop3A_254] {strides = array<i32>} : memref<80x128xf32, #tpu.memory_space<vmem>>, vector<1x16xf32>,
          %parallel_loop3A_256 = vector.shape_cast %parallel_loop3A_255 : vector<1x16xf32> to vector<16xf32>
          %parallel_loop3A_257 = arith.mulf %parallel_loop3A_256, %parallel_loop3A_182 : vector<16xf32>
          %parallel_loop3A_258 = arith.index_cast %parallel_loop3A_145 : i32 to index
          %parallel_loop3A_259 = arith.constant 112 : index
          %parallel_loop3A_260 = tpu.vector_load %arg12[%parallel_loop3A_258, %parallel_loop3A_259] {strides = array<i32>} : memref<80x128xf32, #tpu.memory_space<vmem>>, vector<1x16xf32>,
          %parallel_loop3A_261 = vector.shape_cast %parallel_loop3A_260 : vector<1x16xf32> to vector<16xf32>
          %parallel_loop3A_262 = vector.shape_cast %parallel_loop3A_257 : vector<16xf32> to vector<1x16xf32>
          tpu.vector_store %arg12[%parallel_loop3A_258, %parallel_loop3A_259], %parallel_loop3A_262 {strides = array<i32>} : memref<80x128xf32, #tpu.memory_space<vmem>>, vector<1x16xf32>,
        } {sc.loop_unroll_factor = 4 : i64, sc.parallel_access}
        "tpu.region"() ({
          %run_scoped3A = tpu.sem_alloc : memref<!tpu.dma_semaphore, #tpu.memory_space<semaphore_mem>>
          %dma_start3A_145 = arith.constant 0 : i32
          %dma_start3A_146 = arith.constant 0 : i32
          %dma_start3A_147 = tpu.memref_slice %arg15[%dma_start3A_145, %dma_start3A_146] : memref<1024x128xf32, #tpu.memory_space<vmem_shared>> -> memref<1024x128xf32, #tpu.memory_space<vmem_shared>>
          tpu.enqueue_indirect_dma source(%arg12 : memref<80x128xf32, #tpu.memory_space<vmem>>) target(%dma_start3A_147 : memref<1024x128xf32, #tpu.memory_space<vmem_shared>>) offsets(%arg8 : memref<80xi32, #tpu.memory_space<vmem>>) semaphore(%run_scoped3A : memref<!tpu.dma_semaphore, #tpu.memory_space<semaphore_mem>>) {add = true}
          %dma_wait3A_148 = arith.constant 0 : i32
          %dma_wait3A_149 = arith.constant 0 : i32
          %dma_wait3A_150 = tpu.memref_slice %arg15[%dma_wait3A_148, %dma_wait3A_149] : memref<1024x128xf32, #tpu.memory_space<vmem_shared>> -> memref<1024x128xf32, #tpu.memory_space<vmem_shared>>
          tpu.wait_indirect_dma semaphore(%run_scoped3A : memref<!tpu.dma_semaphore, #tpu.memory_space<semaphore_mem>>) src(%arg12 : memref<80x128xf32, #tpu.memory_space<vmem>>) dst(%dma_wait3A_150 : memref<1024x128xf32, #tpu.memory_space<vmem_shared>>)
          tpu.yield
        }) : () -> ()
        "tpu.region"() ({
          %run_scoped3A = tpu.sem_alloc : memref<!tpu.dma_semaphore, #tpu.memory_space<semaphore_mem>>
          %dma_start3A_145 = arith.constant 0 : i32
          %dma_start3A_146 = tpu.memref_slice %arg16[%dma_start3A_145] : memref<1024xf32, #tpu.memory_space<vmem_shared>> -> memref<1024xf32, #tpu.memory_space<vmem_shared>>
          tpu.enqueue_indirect_dma source(%arg10 : memref<80xf32, #tpu.memory_space<vmem>>) target(%dma_start3A_146 : memref<1024xf32, #tpu.memory_space<vmem_shared>>) offsets(%arg8 : memref<80xi32, #tpu.memory_space<vmem>>) semaphore(%run_scoped3A : memref<!tpu.dma_semaphore, #tpu.memory_space<semaphore_mem>>) {add = true}
          %dma_wait3A_147 = arith.constant 0 : i32
          %dma_wait3A_148 = tpu.memref_slice %arg16[%dma_wait3A_147] : memref<1024xf32, #tpu.memory_space<vmem_shared>> -> memref<1024xf32, #tpu.memory_space<vmem_shared>>
          tpu.wait_indirect_dma semaphore(%run_scoped3A : memref<!tpu.dma_semaphore, #tpu.memory_space<semaphore_mem>>) src(%arg10 : memref<80xf32, #tpu.memory_space<vmem>>) dst(%dma_wait3A_148 : memref<1024xf32, #tpu.memory_space<vmem_shared>>)
          tpu.yield
        }) : () -> ()
      } else {
      }
      %jit3A_100 = arith.constant 2 : i32
      %eq3A_101 = arith.constant 0 : i32
      %eq3A_102 = arith.cmpi eq, %jit3A_100, %eq3A_101 : i32
      %jit3A_103 = arith.constant 1 : i32
      %select_n3A_104 = arith.select %eq3A_102, %jit3A_103, %jit3A_100 : i32
      %rem3A_105 = arith.remsi %while3A_82, %select_n3A_104 : i32
      %ne3A_106 = arith.constant 0 : i32
      %ne3A_107 = arith.cmpi ne, %rem3A_105, %ne3A_106 : i32
      %lt3A_108 = arith.constant 0 : i32
      %lt3A_109 = arith.cmpi slt, %rem3A_105, %lt3A_108 : i32
      %lt3A_110 = arith.constant 0 : i32
      %lt3A_111 = arith.cmpi slt, %select_n3A_104, %lt3A_110 : i32
      %ne3A_112 = arith.xori %lt3A_109, %lt3A_111 : i1
      %and3A_113 = arith.andi %ne3A_112, %ne3A_107 : i1
      %add3A_114 = arith.addi %rem3A_105, %select_n3A_104 : i32
      %select_n3A_115 = arith.select %and3A_113, %add3A_114, %rem3A_105 : i32
      %eq3A_116 = arith.constant 1 : i32
      %eq3A_117 = arith.cmpi eq, %select_n3A_115, %eq3A_116 : i32
      %convert_element_type3A_118 = arith.extui %eq3A_117 : i1 to i32
      %cond3A_119 = arith.constant 0 : i32
      %cond3A_120 = arith.cmpi ne, %convert_element_type3A_118, %cond3A_119 : i32
      scf.if %cond3A_120 {
        %add3A_121 = arith.constant 0 : i32
        %add3A_122 = arith.addi %add3A_121, %add3A : i32
        %mul3A_123 = arith.constant 32 : i32
        %mul3A_124 = arith.muli %while3A_82, %mul3A_123 : i32
        %add3A_125 = arith.addi %add3A_122, %mul3A_124 : i32
        %mul3A_126 = arith.constant 80 : i32
        %mul3A_127 = arith.muli %add3A_125, %mul3A_126 : i32
        %sub3A_128 = arith.constant 0 : i32
        %sub3A_129 = arith.subi %mul3A_127, %sub3A_128 : i32
        %dma_wait3A = tpu.memref_slice %arg3[%mul3A_127] : memref<100000xi32, #tpu.memory_space<hbm>> -> memref<80xi32, #tpu.memory_space<hbm>>
        %dma_wait3A_130 = tpu.memref_slice %arg3[%mul3A_127] : memref<100000xi32, #tpu.memory_space<hbm>> -> memref<80xi32, #tpu.memory_space<hbm>>
        tpu.wait_dma2 semaphore(%arg18 : memref<!tpu.dma_semaphore, #tpu.memory_space<semaphore_mem>>) src(%dma_wait3A_130 : memref<80xi32, #tpu.memory_space<hbm>>) dst(%arg9 : memref<80xi32, #tpu.memory_space<vmem>>)
        %dma_wait3A_131 = tpu.memref_slice %arg4[%sub3A_129] : memref<51200xf32, #tpu.memory_space<hbm>> -> memref<80xf32, #tpu.memory_space<hbm>>
        %dma_wait3A_132 = tpu.memref_slice %arg4[%sub3A_129] : memref<51200xf32, #tpu.memory_space<hbm>> -> memref<80xf32, #tpu.memory_space<hbm>>
        tpu.wait_dma2 semaphore(%arg18 : memref<!tpu.dma_semaphore, #tpu.memory_space<semaphore_mem>>) src(%dma_wait3A_132 : memref<80xf32, #tpu.memory_space<hbm>>) dst(%arg11 : memref<80xf32, #tpu.memory_space<vmem>>)
        %dma_wait3A_133 = arith.constant 0 : i32
        %dma_wait3A_134 = tpu.memref_slice %arg2[%mul3A_127, %dma_wait3A_133] : memref<100000x128xf32, #tpu.memory_space<hbm>> -> memref<80x128xf32, #tpu.memory_space<hbm>>
        %dma_wait3A_135 = arith.constant 0 : i32
        %dma_wait3A_136 = tpu.memref_slice %arg2[%mul3A_127, %dma_wait3A_135] : memref<100000x128xf32, #tpu.memory_space<hbm>> -> memref<80x128xf32, #tpu.memory_space<hbm>>
        tpu.wait_dma2 semaphore(%arg18 : memref<!tpu.dma_semaphore, #tpu.memory_space<semaphore_mem>>) src(%dma_wait3A_136 : memref<80x128xf32, #tpu.memory_space<hbm>>) dst(%arg13 : memref<80x128xf32, #tpu.memory_space<vmem>>)
        %add3A_137 = arith.constant 1 : i32
        %add3A_138 = arith.addi %while3A_82, %add3A_137 : i32
        %lt3A_139 = arith.cmpi slt, %add3A_138, %select_n3A : i32
        %convert_element_type3A_140 = arith.extui %lt3A_139 : i1 to i32
        %cond3A_141 = arith.constant 0 : i32
        %cond3A_142 = arith.cmpi ne, %convert_element_type3A_140, %cond3A_141 : i32
        scf.if %cond3A_142 {
          %add3A_145 = arith.constant 1 : i32
          %add3A_146 = arith.addi %while3A_82, %add3A_145 : i32
          %add3A_147 = arith.constant 0 : i32
          %add3A_148 = arith.addi %add3A_147, %add3A : i32
          %mul3A_149 = arith.constant 32 : i32
          %mul3A_150 = arith.muli %add3A_146, %mul3A_149 : i32
          %add3A_151 = arith.addi %add3A_148, %mul3A_150 : i32
          %mul3A_152 = arith.constant 80 : i32
          %mul3A_153 = arith.muli %add3A_151, %mul3A_152 : i32
          %sub3A_154 = arith.constant 0 : i32
          %sub3A_155 = arith.subi %mul3A_153, %sub3A_154 : i32
          %dma_start3A_156 = tpu.memref_slice %arg3[%mul3A_153] : memref<100000xi32, #tpu.memory_space<hbm>> -> memref<80xi32, #tpu.memory_space<hbm>>
          %dma_start3A_157 = tpu.memref_slice %arg3[%mul3A_153] : memref<100000xi32, #tpu.memory_space<hbm>> -> memref<80xi32, #tpu.memory_space<hbm>>
          tpu.enqueue_dma source(%dma_start3A_157 : memref<80xi32, #tpu.memory_space<hbm>>) target(%arg8 : memref<80xi32, #tpu.memory_space<vmem>>) target_semaphore(%arg17 : memref<!tpu.dma_semaphore, #tpu.memory_space<semaphore_mem>>)
          %dma_start3A_158 = tpu.memref_slice %arg4[%sub3A_155] : memref<51200xf32, #tpu.memory_space<hbm>> -> memref<80xf32, #tpu.memory_space<hbm>>
          %dma_start3A_159 = tpu.memref_slice %arg4[%sub3A_155] : memref<51200xf32, #tpu.memory_space<hbm>> -> memref<80xf32, #tpu.memory_space<hbm>>
          tpu.enqueue_dma source(%dma_start3A_159 : memref<80xf32, #tpu.memory_space<hbm>>) target(%arg10 : memref<80xf32, #tpu.memory_space<vmem>>) target_semaphore(%arg17 : memref<!tpu.dma_semaphore, #tpu.memory_space<semaphore_mem>>)
          %dma_start3A_160 = arith.constant 0 : i32
          %dma_start3A_161 = tpu.memref_slice %arg2[%mul3A_153, %dma_start3A_160] : memref<100000x128xf32, #tpu.memory_space<hbm>> -> memref<80x128xf32, #tpu.memory_space<hbm>>
          %dma_start3A_162 = arith.constant 0 : i32
          %dma_start3A_163 = tpu.memref_slice %arg2[%mul3A_153, %dma_start3A_162] : memref<100000x128xf32, #tpu.memory_space<hbm>> -> memref<80x128xf32, #tpu.memory_space<hbm>>
          tpu.enqueue_dma source(%dma_start3A_163 : memref<80x128xf32, #tpu.memory_space<hbm>>) target(%arg12 : memref<80x128xf32, #tpu.memory_space<vmem>>) target_semaphore(%arg17 : memref<!tpu.dma_semaphore, #tpu.memory_space<semaphore_mem>>)
        } else {
        }
        %parallel_loop3A = arith.constant 0 : i32
        %parallel_loop3A_143 = arith.constant 80 : i32
        %parallel_loop3A_144 = arith.constant 1 : i32
        scf.for %parallel_loop3A_145 = %parallel_loop3A to %parallel_loop3A_143 step %parallel_loop3A_144  : i32 {
          %parallel_loop3A_146 = arith.constant 16 : i32
          %parallel_loop3A_147 = arith.divsi %parallel_loop3A_145, %parallel_loop3A_146 : i32
          %parallel_loop3A_148 = arith.constant 0 : i32
          %parallel_loop3A_149 = arith.cmpi sgt, %parallel_loop3A_145, %parallel_loop3A_148 : i32
          %parallel_loop3A_150 = arith.extui %parallel_loop3A_149 : i1 to i32
          %parallel_loop3A_151 = arith.constant 0 : i32
          %parallel_loop3A_152 = arith.cmpi slt, %parallel_loop3A_145, %parallel_loop3A_151 : i32
          %parallel_loop3A_153 = arith.extui %parallel_loop3A_152 : i1 to i32
          %parallel_loop3A_154 = arith.subi %parallel_loop3A_150, %parallel_loop3A_153 : i32
          %parallel_loop3A_155 = arith.constant 0 : i32
          %parallel_loop3A_156 = arith.cmpi sgt, %parallel_loop3A_146, %parallel_loop3A_155 : i32
          %parallel_loop3A_157 = arith.extui %parallel_loop3A_156 : i1 to i32
          %parallel_loop3A_158 = arith.constant 0 : i32
          %parallel_loop3A_159 = arith.cmpi slt, %parallel_loop3A_146, %parallel_loop3A_158 : i32
          %parallel_loop3A_160 = arith.extui %parallel_loop3A_159 : i1 to i32
          %parallel_loop3A_161 = arith.subi %parallel_loop3A_157, %parallel_loop3A_160 : i32
          %parallel_loop3A_162 = arith.cmpi ne, %parallel_loop3A_154, %parallel_loop3A_161 : i32
          %parallel_loop3A_163 = arith.remsi %parallel_loop3A_145, %parallel_loop3A_146 : i32
          %parallel_loop3A_164 = arith.constant 0 : i32
          %parallel_loop3A_165 = arith.cmpi ne, %parallel_loop3A_163, %parallel_loop3A_164 : i32
          %parallel_loop3A_166 = arith.andi %parallel_loop3A_162, %parallel_loop3A_165 : i1
          %parallel_loop3A_167 = arith.constant 1 : i32
          %parallel_loop3A_168 = arith.subi %parallel_loop3A_147, %parallel_loop3A_167 : i32
          %parallel_loop3A_169 = arith.select %parallel_loop3A_166, %parallel_loop3A_168, %parallel_loop3A_147 : i32
          %parallel_loop3A_170 = arith.constant 16 : i32
          %parallel_loop3A_171 = arith.muli %parallel_loop3A_169, %parallel_loop3A_170 : i32
          %parallel_loop3A_172 = arith.index_cast %parallel_loop3A_171 : i32 to index
          %parallel_loop3A_173 = tpu.vector_load %arg11[%parallel_loop3A_172] {strides = array<i32>} : memref<80xf32, #tpu.memory_space<vmem>>, vector<16xf32>,
          %parallel_loop3A_174 = vector.shape_cast %parallel_loop3A_173 : vector<16xf32> to vector<16xf32>
          %parallel_loop3A_175 = arith.subi %parallel_loop3A_145, %parallel_loop3A_171 : i32
          %parallel_loop3A_176 = arith.constant 0 : i32
          %parallel_loop3A_177 = vector.broadcast %parallel_loop3A_176 : i32 to vector<16xi32>
          %parallel_loop3A_178 = vector.broadcast %parallel_loop3A_175 : i32 to vector<16xi32>
          %parallel_loop3A_179 = arith.addi %parallel_loop3A_177, %parallel_loop3A_178 : vector<16xi32>
          %parallel_loop3A_180 = vector.shape_cast %parallel_loop3A_179 : vector<16xi32> to vector<16x1xi32>
          %parallel_loop3A_181 = vector.shape_cast %parallel_loop3A_180 : vector<16x1xi32> to vector<16xi32>
          %parallel_loop3A_182 = tpu.dynamic_gather %parallel_loop3A_174[%parallel_loop3A_181] in [0] : vector<16xf32>, vector<16xi32> -> vector<16xf32>
          %parallel_loop3A_183 = arith.index_cast %parallel_loop3A_145 : i32 to index
          %parallel_loop3A_184 = arith.constant 0 : index
          %parallel_loop3A_185 = tpu.vector_load %arg13[%parallel_loop3A_183, %parallel_loop3A_184] {strides = array<i32>} : memref<80x128xf32, #tpu.memory_space<vmem>>, vector<1x16xf32>,
          %parallel_loop3A_186 = vector.shape_cast %parallel_loop3A_185 : vector<1x16xf32> to vector<16xf32>
          %parallel_loop3A_187 = arith.mulf %parallel_loop3A_186, %parallel_loop3A_182 : vector<16xf32>
          %parallel_loop3A_188 = arith.index_cast %parallel_loop3A_145 : i32 to index
          %parallel_loop3A_189 = arith.constant 0 : index
          %parallel_loop3A_190 = tpu.vector_load %arg13[%parallel_loop3A_188, %parallel_loop3A_189] {strides = array<i32>} : memref<80x128xf32, #tpu.memory_space<vmem>>, vector<1x16xf32>,
          %parallel_loop3A_191 = vector.shape_cast %parallel_loop3A_190 : vector<1x16xf32> to vector<16xf32>
          %parallel_loop3A_192 = vector.shape_cast %parallel_loop3A_187 : vector<16xf32> to vector<1x16xf32>
          tpu.vector_store %arg13[%parallel_loop3A_188, %parallel_loop3A_189], %parallel_loop3A_192 {strides = array<i32>} : memref<80x128xf32, #tpu.memory_space<vmem>>, vector<1x16xf32>,
          %parallel_loop3A_193 = arith.index_cast %parallel_loop3A_145 : i32 to index
          %parallel_loop3A_194 = arith.constant 16 : index
          %parallel_loop3A_195 = tpu.vector_load %arg13[%parallel_loop3A_193, %parallel_loop3A_194] {strides = array<i32>} : memref<80x128xf32, #tpu.memory_space<vmem>>, vector<1x16xf32>,
          %parallel_loop3A_196 = vector.shape_cast %parallel_loop3A_195 : vector<1x16xf32> to vector<16xf32>
          %parallel_loop3A_197 = arith.mulf %parallel_loop3A_196, %parallel_loop3A_182 : vector<16xf32>
          %parallel_loop3A_198 = arith.index_cast %parallel_loop3A_145 : i32 to index
          %parallel_loop3A_199 = arith.constant 16 : index
          %parallel_loop3A_200 = tpu.vector_load %arg13[%parallel_loop3A_198, %parallel_loop3A_199] {strides = array<i32>} : memref<80x128xf32, #tpu.memory_space<vmem>>, vector<1x16xf32>,
          %parallel_loop3A_201 = vector.shape_cast %parallel_loop3A_200 : vector<1x16xf32> to vector<16xf32>
          %parallel_loop3A_202 = vector.shape_cast %parallel_loop3A_197 : vector<16xf32> to vector<1x16xf32>
          tpu.vector_store %arg13[%parallel_loop3A_198, %parallel_loop3A_199], %parallel_loop3A_202 {strides = array<i32>} : memref<80x128xf32, #tpu.memory_space<vmem>>, vector<1x16xf32>,
          %parallel_loop3A_203 = arith.index_cast %parallel_loop3A_145 : i32 to index
          %parallel_loop3A_204 = arith.constant 32 : index
          %parallel_loop3A_205 = tpu.vector_load %arg13[%parallel_loop3A_203, %parallel_loop3A_204] {strides = array<i32>} : memref<80x128xf32, #tpu.memory_space<vmem>>, vector<1x16xf32>,
          %parallel_loop3A_206 = vector.shape_cast %parallel_loop3A_205 : vector<1x16xf32> to vector<16xf32>
          %parallel_loop3A_207 = arith.mulf %parallel_loop3A_206, %parallel_loop3A_182 : vector<16xf32>
          %parallel_loop3A_208 = arith.index_cast %parallel_loop3A_145 : i32 to index
          %parallel_loop3A_209 = arith.constant 32 : index
          %parallel_loop3A_210 = tpu.vector_load %arg13[%parallel_loop3A_208, %parallel_loop3A_209] {strides = array<i32>} : memref<80x128xf32, #tpu.memory_space<vmem>>, vector<1x16xf32>,
          %parallel_loop3A_211 = vector.shape_cast %parallel_loop3A_210 : vector<1x16xf32> to vector<16xf32>
          %parallel_loop3A_212 = vector.shape_cast %parallel_loop3A_207 : vector<16xf32> to vector<1x16xf32>
          tpu.vector_store %arg13[%parallel_loop3A_208, %parallel_loop3A_209], %parallel_loop3A_212 {strides = array<i32>} : memref<80x128xf32, #tpu.memory_space<vmem>>, vector<1x16xf32>,
          %parallel_loop3A_213 = arith.index_cast %parallel_loop3A_145 : i32 to index
          %parallel_loop3A_214 = arith.constant 48 : index
          %parallel_loop3A_215 = tpu.vector_load %arg13[%parallel_loop3A_213, %parallel_loop3A_214] {strides = array<i32>} : memref<80x128xf32, #tpu.memory_space<vmem>>, vector<1x16xf32>,
          %parallel_loop3A_216 = vector.shape_cast %parallel_loop3A_215 : vector<1x16xf32> to vector<16xf32>
          %parallel_loop3A_217 = arith.mulf %parallel_loop3A_216, %parallel_loop3A_182 : vector<16xf32>
          %parallel_loop3A_218 = arith.index_cast %parallel_loop3A_145 : i32 to index
          %parallel_loop3A_219 = arith.constant 48 : index
          %parallel_loop3A_220 = tpu.vector_load %arg13[%parallel_loop3A_218, %parallel_loop3A_219] {strides = array<i32>} : memref<80x128xf32, #tpu.memory_space<vmem>>, vector<1x16xf32>,
          %parallel_loop3A_221 = vector.shape_cast %parallel_loop3A_220 : vector<1x16xf32> to vector<16xf32>
          %parallel_loop3A_222 = vector.shape_cast %parallel_loop3A_217 : vector<16xf32> to vector<1x16xf32>
          tpu.vector_store %arg13[%parallel_loop3A_218, %parallel_loop3A_219], %parallel_loop3A_222 {strides = array<i32>} : memref<80x128xf32, #tpu.memory_space<vmem>>, vector<1x16xf32>,
          %parallel_loop3A_223 = arith.index_cast %parallel_loop3A_145 : i32 to index
          %parallel_loop3A_224 = arith.constant 64 : index
          %parallel_loop3A_225 = tpu.vector_load %arg13[%parallel_loop3A_223, %parallel_loop3A_224] {strides = array<i32>} : memref<80x128xf32, #tpu.memory_space<vmem>>, vector<1x16xf32>,
          %parallel_loop3A_226 = vector.shape_cast %parallel_loop3A_225 : vector<1x16xf32> to vector<16xf32>
          %parallel_loop3A_227 = arith.mulf %parallel_loop3A_226, %parallel_loop3A_182 : vector<16xf32>
          %parallel_loop3A_228 = arith.index_cast %parallel_loop3A_145 : i32 to index
          %parallel_loop3A_229 = arith.constant 64 : index
          %parallel_loop3A_230 = tpu.vector_load %arg13[%parallel_loop3A_228, %parallel_loop3A_229] {strides = array<i32>} : memref<80x128xf32, #tpu.memory_space<vmem>>, vector<1x16xf32>,
          %parallel_loop3A_231 = vector.shape_cast %parallel_loop3A_230 : vector<1x16xf32> to vector<16xf32>
          %parallel_loop3A_232 = vector.shape_cast %parallel_loop3A_227 : vector<16xf32> to vector<1x16xf32>
          tpu.vector_store %arg13[%parallel_loop3A_228, %parallel_loop3A_229], %parallel_loop3A_232 {strides = array<i32>} : memref<80x128xf32, #tpu.memory_space<vmem>>, vector<1x16xf32>,
          %parallel_loop3A_233 = arith.index_cast %parallel_loop3A_145 : i32 to index
          %parallel_loop3A_234 = arith.constant 80 : index
          %parallel_loop3A_235 = tpu.vector_load %arg13[%parallel_loop3A_233, %parallel_loop3A_234] {strides = array<i32>} : memref<80x128xf32, #tpu.memory_space<vmem>>, vector<1x16xf32>,
          %parallel_loop3A_236 = vector.shape_cast %parallel_loop3A_235 : vector<1x16xf32> to vector<16xf32>
          %parallel_loop3A_237 = arith.mulf %parallel_loop3A_236, %parallel_loop3A_182 : vector<16xf32>
          %parallel_loop3A_238 = arith.index_cast %parallel_loop3A_145 : i32 to index
          %parallel_loop3A_239 = arith.constant 80 : index
          %parallel_loop3A_240 = tpu.vector_load %arg13[%parallel_loop3A_238, %parallel_loop3A_239] {strides = array<i32>} : memref<80x128xf32, #tpu.memory_space<vmem>>, vector<1x16xf32>,
          %parallel_loop3A_241 = vector.shape_cast %parallel_loop3A_240 : vector<1x16xf32> to vector<16xf32>
          %parallel_loop3A_242 = vector.shape_cast %parallel_loop3A_237 : vector<16xf32> to vector<1x16xf32>
          tpu.vector_store %arg13[%parallel_loop3A_238, %parallel_loop3A_239], %parallel_loop3A_242 {strides = array<i32>} : memref<80x128xf32, #tpu.memory_space<vmem>>, vector<1x16xf32>,
          %parallel_loop3A_243 = arith.index_cast %parallel_loop3A_145 : i32 to index
          %parallel_loop3A_244 = arith.constant 96 : index
          %parallel_loop3A_245 = tpu.vector_load %arg13[%parallel_loop3A_243, %parallel_loop3A_244] {strides = array<i32>} : memref<80x128xf32, #tpu.memory_space<vmem>>, vector<1x16xf32>,
          %parallel_loop3A_246 = vector.shape_cast %parallel_loop3A_245 : vector<1x16xf32> to vector<16xf32>
          %parallel_loop3A_247 = arith.mulf %parallel_loop3A_246, %parallel_loop3A_182 : vector<16xf32>
          %parallel_loop3A_248 = arith.index_cast %parallel_loop3A_145 : i32 to index
          %parallel_loop3A_249 = arith.constant 96 : index
          %parallel_loop3A_250 = tpu.vector_load %arg13[%parallel_loop3A_248, %parallel_loop3A_249] {strides = array<i32>} : memref<80x128xf32, #tpu.memory_space<vmem>>, vector<1x16xf32>,
          %parallel_loop3A_251 = vector.shape_cast %parallel_loop3A_250 : vector<1x16xf32> to vector<16xf32>
          %parallel_loop3A_252 = vector.shape_cast %parallel_loop3A_247 : vector<16xf32> to vector<1x16xf32>
          tpu.vector_store %arg13[%parallel_loop3A_248, %parallel_loop3A_249], %parallel_loop3A_252 {strides = array<i32>} : memref<80x128xf32, #tpu.memory_space<vmem>>, vector<1x16xf32>,
          %parallel_loop3A_253 = arith.index_cast %parallel_loop3A_145 : i32 to index
          %parallel_loop3A_254 = arith.constant 112 : index
          %parallel_loop3A_255 = tpu.vector_load %arg13[%parallel_loop3A_253, %parallel_loop3A_254] {strides = array<i32>} : memref<80x128xf32, #tpu.memory_space<vmem>>, vector<1x16xf32>,
          %parallel_loop3A_256 = vector.shape_cast %parallel_loop3A_255 : vector<1x16xf32> to vector<16xf32>
          %parallel_loop3A_257 = arith.mulf %parallel_loop3A_256, %parallel_loop3A_182 : vector<16xf32>
          %parallel_loop3A_258 = arith.index_cast %parallel_loop3A_145 : i32 to index
          %parallel_loop3A_259 = arith.constant 112 : index
          %parallel_loop3A_260 = tpu.vector_load %arg13[%parallel_loop3A_258, %parallel_loop3A_259] {strides = array<i32>} : memref<80x128xf32, #tpu.memory_space<vmem>>, vector<1x16xf32>,
          %parallel_loop3A_261 = vector.shape_cast %parallel_loop3A_260 : vector<1x16xf32> to vector<16xf32>
          %parallel_loop3A_262 = vector.shape_cast %parallel_loop3A_257 : vector<16xf32> to vector<1x16xf32>
          tpu.vector_store %arg13[%parallel_loop3A_258, %parallel_loop3A_259], %parallel_loop3A_262 {strides = array<i32>} : memref<80x128xf32, #tpu.memory_space<vmem>>, vector<1x16xf32>,
        } {sc.loop_unroll_factor = 4 : i64, sc.parallel_access}
        "tpu.region"() ({
          %run_scoped3A = tpu.sem_alloc : memref<!tpu.dma_semaphore, #tpu.memory_space<semaphore_mem>>
          %dma_start3A_145 = arith.constant 0 : i32
          %dma_start3A_146 = arith.constant 0 : i32
          %dma_start3A_147 = tpu.memref_slice %arg15[%dma_start3A_145, %dma_start3A_146] : memref<1024x128xf32, #tpu.memory_space<vmem_shared>> -> memref<1024x128xf32, #tpu.memory_space<vmem_shared>>
          tpu.enqueue_indirect_dma source(%arg13 : memref<80x128xf32, #tpu.memory_space<vmem>>) target(%dma_start3A_147 : memref<1024x128xf32, #tpu.memory_space<vmem_shared>>) offsets(%arg9 : memref<80xi32, #tpu.memory_space<vmem>>) semaphore(%run_scoped3A : memref<!tpu.dma_semaphore, #tpu.memory_space<semaphore_mem>>) {add = true}
          %dma_wait3A_148 = arith.constant 0 : i32
          %dma_wait3A_149 = arith.constant 0 : i32
          %dma_wait3A_150 = tpu.memref_slice %arg15[%dma_wait3A_148, %dma_wait3A_149] : memref<1024x128xf32, #tpu.memory_space<vmem_shared>> -> memref<1024x128xf32, #tpu.memory_space<vmem_shared>>
          tpu.wait_indirect_dma semaphore(%run_scoped3A : memref<!tpu.dma_semaphore, #tpu.memory_space<semaphore_mem>>) src(%arg13 : memref<80x128xf32, #tpu.memory_space<vmem>>) dst(%dma_wait3A_150 : memref<1024x128xf32, #tpu.memory_space<vmem_shared>>)
          tpu.yield
        }) : () -> ()
        "tpu.region"() ({
          %run_scoped3A = tpu.sem_alloc : memref<!tpu.dma_semaphore, #tpu.memory_space<semaphore_mem>>
          %dma_start3A_145 = arith.constant 0 : i32
          %dma_start3A_146 = tpu.memref_slice %arg16[%dma_start3A_145] : memref<1024xf32, #tpu.memory_space<vmem_shared>> -> memref<1024xf32, #tpu.memory_space<vmem_shared>>
          tpu.enqueue_indirect_dma source(%arg11 : memref<80xf32, #tpu.memory_space<vmem>>) target(%dma_start3A_146 : memref<1024xf32, #tpu.memory_space<vmem_shared>>) offsets(%arg9 : memref<80xi32, #tpu.memory_space<vmem>>) semaphore(%run_scoped3A : memref<!tpu.dma_semaphore, #tpu.memory_space<semaphore_mem>>) {add = true}
          %dma_wait3A_147 = arith.constant 0 : i32
          %dma_wait3A_148 = tpu.memref_slice %arg16[%dma_wait3A_147] : memref<1024xf32, #tpu.memory_space<vmem_shared>> -> memref<1024xf32, #tpu.memory_space<vmem_shared>>
          tpu.wait_indirect_dma semaphore(%run_scoped3A : memref<!tpu.dma_semaphore, #tpu.memory_space<semaphore_mem>>) src(%arg11 : memref<80xf32, #tpu.memory_space<vmem>>) dst(%dma_wait3A_148 : memref<1024xf32, #tpu.memory_space<vmem_shared>>)
          tpu.yield
        }) : () -> ()
      } else {
      }
    }
    %while3A_72 = arith.constant 1 : i32
    scf.for %while3A_82 = %while3A_70 to %while3A_66 step %while3A_72  : i32 {
      %jit3A_83 = arith.constant 2 : i32
      %eq3A = arith.constant 0 : i32
      %eq3A_84 = arith.cmpi eq, %jit3A_83, %eq3A : i32
      %jit3A_85 = arith.constant 1 : i32
      %select_n3A_86 = arith.select %eq3A_84, %jit3A_85, %jit3A_83 : i32
      %rem3A_87 = arith.remsi %while3A_82, %select_n3A_86 : i32
      %ne3A_88 = arith.constant 0 : i32
      %ne3A_89 = arith.cmpi ne, %rem3A_87, %ne3A_88 : i32
      %lt3A = arith.constant 0 : i32
      %lt3A_90 = arith.cmpi slt, %rem3A_87, %lt3A : i32
      %lt3A_91 = arith.constant 0 : i32
      %lt3A_92 = arith.cmpi slt, %select_n3A_86, %lt3A_91 : i32
      %ne3A_93 = arith.xori %lt3A_90, %lt3A_92 : i1
      %and3A_94 = arith.andi %ne3A_93, %ne3A_89 : i1
      %add3A_95 = arith.addi %rem3A_87, %select_n3A_86 : i32
      %select_n3A_96 = arith.select %and3A_94, %add3A_95, %rem3A_87 : i32
      %eq3A_97 = arith.constant 0 : i32
      %eq3A_98 = arith.cmpi eq, %select_n3A_96, %eq3A_97 : i32
      %convert_element_type3A = arith.extui %eq3A_98 : i1 to i32
      %cond3A = arith.constant 0 : i32
      %cond3A_99 = arith.cmpi ne, %convert_element_type3A, %cond3A : i32
      scf.if %cond3A_99 {
        %add3A_121 = arith.constant 0 : i32
        %add3A_122 = arith.addi %add3A_121, %add3A : i32
        %mul3A_123 = arith.constant 32 : i32
        %mul3A_124 = arith.muli %while3A_82, %mul3A_123 : i32
        %add3A_125 = arith.addi %add3A_122, %mul3A_124 : i32
        %mul3A_126 = arith.constant 80 : i32
        %mul3A_127 = arith.muli %add3A_125, %mul3A_126 : i32
        %sub3A_128 = arith.constant 0 : i32
        %sub3A_129 = arith.subi %mul3A_127, %sub3A_128 : i32
        %dma_wait3A = tpu.memref_slice %arg3[%mul3A_127] : memref<100000xi32, #tpu.memory_space<hbm>> -> memref<80xi32, #tpu.memory_space<hbm>>
        %dma_wait3A_130 = tpu.memref_slice %arg3[%mul3A_127] : memref<100000xi32, #tpu.memory_space<hbm>> -> memref<80xi32, #tpu.memory_space<hbm>>
        tpu.wait_dma2 semaphore(%arg17 : memref<!tpu.dma_semaphore, #tpu.memory_space<semaphore_mem>>) src(%dma_wait3A_130 : memref<80xi32, #tpu.memory_space<hbm>>) dst(%arg8 : memref<80xi32, #tpu.memory_space<vmem>>)
        %dma_wait3A_131 = tpu.memref_slice %arg4[%sub3A_129] : memref<51200xf32, #tpu.memory_space<hbm>> -> memref<80xf32, #tpu.memory_space<hbm>>
        %dma_wait3A_132 = tpu.memref_slice %arg4[%sub3A_129] : memref<51200xf32, #tpu.memory_space<hbm>> -> memref<80xf32, #tpu.memory_space<hbm>>
        tpu.wait_dma2 semaphore(%arg17 : memref<!tpu.dma_semaphore, #tpu.memory_space<semaphore_mem>>) src(%dma_wait3A_132 : memref<80xf32, #tpu.memory_space<hbm>>) dst(%arg10 : memref<80xf32, #tpu.memory_space<vmem>>)
        %dma_wait3A_133 = arith.constant 0 : i32
        %dma_wait3A_134 = tpu.memref_slice %arg2[%mul3A_127, %dma_wait3A_133] : memref<100000x128xf32, #tpu.memory_space<hbm>> -> memref<80x128xf32, #tpu.memory_space<hbm>>
        %dma_wait3A_135 = arith.constant 0 : i32
        %dma_wait3A_136 = tpu.memref_slice %arg2[%mul3A_127, %dma_wait3A_135] : memref<100000x128xf32, #tpu.memory_space<hbm>> -> memref<80x128xf32, #tpu.memory_space<hbm>>
        tpu.wait_dma2 semaphore(%arg17 : memref<!tpu.dma_semaphore, #tpu.memory_space<semaphore_mem>>) src(%dma_wait3A_136 : memref<80x128xf32, #tpu.memory_space<hbm>>) dst(%arg12 : memref<80x128xf32, #tpu.memory_space<vmem>>)
        %add3A_137 = arith.constant 1 : i32
        %add3A_138 = arith.addi %while3A_82, %add3A_137 : i32
        %lt3A_139 = arith.cmpi slt, %add3A_138, %select_n3A : i32
        %convert_element_type3A_140 = arith.extui %lt3A_139 : i1 to i32
        %cond3A_141 = arith.constant 0 : i32
        %cond3A_142 = arith.cmpi ne, %convert_element_type3A_140, %cond3A_141 : i32
        scf.if %cond3A_142 {
          %add3A_145 = arith.constant 1 : i32
          %add3A_146 = arith.addi %while3A_82, %add3A_145 : i32
          %add3A_147 = arith.constant 0 : i32
          %add3A_148 = arith.addi %add3A_147, %add3A : i32
          %mul3A_149 = arith.constant 32 : i32
          %mul3A_150 = arith.muli %add3A_146, %mul3A_149 : i32
          %add3A_151 = arith.addi %add3A_148, %mul3A_150 : i32
          %mul3A_152 = arith.constant 80 : i32
          %mul3A_153 = arith.muli %add3A_151, %mul3A_152 : i32
          %sub3A_154 = arith.constant 0 : i32
          %sub3A_155 = arith.subi %mul3A_153, %sub3A_154 : i32
          %dma_start3A_156 = tpu.memref_slice %arg3[%mul3A_153] : memref<100000xi32, #tpu.memory_space<hbm>> -> memref<80xi32, #tpu.memory_space<hbm>>
          %dma_start3A_157 = tpu.memref_slice %arg3[%mul3A_153] : memref<100000xi32, #tpu.memory_space<hbm>> -> memref<80xi32, #tpu.memory_space<hbm>>
          tpu.enqueue_dma source(%dma_start3A_157 : memref<80xi32, #tpu.memory_space<hbm>>) target(%arg9 : memref<80xi32, #tpu.memory_space<vmem>>) target_semaphore(%arg18 : memref<!tpu.dma_semaphore, #tpu.memory_space<semaphore_mem>>)
          %dma_start3A_158 = tpu.memref_slice %arg4[%sub3A_155] : memref<51200xf32, #tpu.memory_space<hbm>> -> memref<80xf32, #tpu.memory_space<hbm>>
          %dma_start3A_159 = tpu.memref_slice %arg4[%sub3A_155] : memref<51200xf32, #tpu.memory_space<hbm>> -> memref<80xf32, #tpu.memory_space<hbm>>
          tpu.enqueue_dma source(%dma_start3A_159 : memref<80xf32, #tpu.memory_space<hbm>>) target(%arg11 : memref<80xf32, #tpu.memory_space<vmem>>) target_semaphore(%arg18 : memref<!tpu.dma_semaphore, #tpu.memory_space<semaphore_mem>>)
          %dma_start3A_160 = arith.constant 0 : i32
          %dma_start3A_161 = tpu.memref_slice %arg2[%mul3A_153, %dma_start3A_160] : memref<100000x128xf32, #tpu.memory_space<hbm>> -> memref<80x128xf32, #tpu.memory_space<hbm>>
          %dma_start3A_162 = arith.constant 0 : i32
          %dma_start3A_163 = tpu.memref_slice %arg2[%mul3A_153, %dma_start3A_162] : memref<100000x128xf32, #tpu.memory_space<hbm>> -> memref<80x128xf32, #tpu.memory_space<hbm>>
          tpu.enqueue_dma source(%dma_start3A_163 : memref<80x128xf32, #tpu.memory_space<hbm>>) target(%arg13 : memref<80x128xf32, #tpu.memory_space<vmem>>) target_semaphore(%arg18 : memref<!tpu.dma_semaphore, #tpu.memory_space<semaphore_mem>>)
        } else {
        }
        %parallel_loop3A = arith.constant 0 : i32
        %parallel_loop3A_143 = arith.constant 80 : i32
        %parallel_loop3A_144 = arith.constant 1 : i32
        scf.for %parallel_loop3A_145 = %parallel_loop3A to %parallel_loop3A_143 step %parallel_loop3A_144  : i32 {
          %parallel_loop3A_146 = arith.constant 16 : i32
          %parallel_loop3A_147 = arith.divsi %parallel_loop3A_145, %parallel_loop3A_146 : i32
          %parallel_loop3A_148 = arith.constant 0 : i32
          %parallel_loop3A_149 = arith.cmpi sgt, %parallel_loop3A_145, %parallel_loop3A_148 : i32
          %parallel_loop3A_150 = arith.extui %parallel_loop3A_149 : i1 to i32
          %parallel_loop3A_151 = arith.constant 0 : i32
          %parallel_loop3A_152 = arith.cmpi slt, %parallel_loop3A_145, %parallel_loop3A_151 : i32
          %parallel_loop3A_153 = arith.extui %parallel_loop3A_152 : i1 to i32
          %parallel_loop3A_154 = arith.subi %parallel_loop3A_150, %parallel_loop3A_153 : i32
          %parallel_loop3A_155 = arith.constant 0 : i32
          %parallel_loop3A_156 = arith.cmpi sgt, %parallel_loop3A_146, %parallel_loop3A_155 : i32
          %parallel_loop3A_157 = arith.extui %parallel_loop3A_156 : i1 to i32
          %parallel_loop3A_158 = arith.constant 0 : i32
          %parallel_loop3A_159 = arith.cmpi slt, %parallel_loop3A_146, %parallel_loop3A_158 : i32
          %parallel_loop3A_160 = arith.extui %parallel_loop3A_159 : i1 to i32
          %parallel_loop3A_161 = arith.subi %parallel_loop3A_157, %parallel_loop3A_160 : i32
          %parallel_loop3A_162 = arith.cmpi ne, %parallel_loop3A_154, %parallel_loop3A_161 : i32
          %parallel_loop3A_163 = arith.remsi %parallel_loop3A_145, %parallel_loop3A_146 : i32
          %parallel_loop3A_164 = arith.constant 0 : i32
          %parallel_loop3A_165 = arith.cmpi ne, %parallel_loop3A_163, %parallel_loop3A_164 : i32
          %parallel_loop3A_166 = arith.andi %parallel_loop3A_162, %parallel_loop3A_165 : i1
          %parallel_loop3A_167 = arith.constant 1 : i32
          %parallel_loop3A_168 = arith.subi %parallel_loop3A_147, %parallel_loop3A_167 : i32
          %parallel_loop3A_169 = arith.select %parallel_loop3A_166, %parallel_loop3A_168, %parallel_loop3A_147 : i32
          %parallel_loop3A_170 = arith.constant 16 : i32
          %parallel_loop3A_171 = arith.muli %parallel_loop3A_169, %parallel_loop3A_170 : i32
          %parallel_loop3A_172 = arith.index_cast %parallel_loop3A_171 : i32 to index
          %parallel_loop3A_173 = tpu.vector_load %arg10[%parallel_loop3A_172] {strides = array<i32>} : memref<80xf32, #tpu.memory_space<vmem>>, vector<16xf32>,
          %parallel_loop3A_174 = vector.shape_cast %parallel_loop3A_173 : vector<16xf32> to vector<16xf32>
          %parallel_loop3A_175 = arith.subi %parallel_loop3A_145, %parallel_loop3A_171 : i32
          %parallel_loop3A_176 = arith.constant 0 : i32
          %parallel_loop3A_177 = vector.broadcast %parallel_loop3A_176 : i32 to vector<16xi32>
          %parallel_loop3A_178 = vector.broadcast %parallel_loop3A_175 : i32 to vector<16xi32>
          %parallel_loop3A_179 = arith.addi %parallel_loop3A_177, %parallel_loop3A_178 : vector<16xi32>
          %parallel_loop3A_180 = vector.shape_cast %parallel_loop3A_179 : vector<16xi32> to vector<16x1xi32>
          %parallel_loop3A_181 = vector.shape_cast %parallel_loop3A_180 : vector<16x1xi32> to vector<16xi32>
          %parallel_loop3A_182 = tpu.dynamic_gather %parallel_loop3A_174[%parallel_loop3A_181] in [0] : vector<16xf32>, vector<16xi32> -> vector<16xf32>
          %parallel_loop3A_183 = arith.index_cast %parallel_loop3A_145 : i32 to index
          %parallel_loop3A_184 = arith.constant 0 : index
          %parallel_loop3A_185 = tpu.vector_load %arg12[%parallel_loop3A_183, %parallel_loop3A_184] {strides = array<i32>} : memref<80x128xf32, #tpu.memory_space<vmem>>, vector<1x16xf32>,
          %parallel_loop3A_186 = vector.shape_cast %parallel_loop3A_185 : vector<1x16xf32> to vector<16xf32>
          %parallel_loop3A_187 = arith.mulf %parallel_loop3A_186, %parallel_loop3A_182 : vector<16xf32>
          %parallel_loop3A_188 = arith.index_cast %parallel_loop3A_145 : i32 to index
          %parallel_loop3A_189 = arith.constant 0 : index
          %parallel_loop3A_190 = tpu.vector_load %arg12[%parallel_loop3A_188, %parallel_loop3A_189] {strides = array<i32>} : memref<80x128xf32, #tpu.memory_space<vmem>>, vector<1x16xf32>,
          %parallel_loop3A_191 = vector.shape_cast %parallel_loop3A_190 : vector<1x16xf32> to vector<16xf32>
          %parallel_loop3A_192 = vector.shape_cast %parallel_loop3A_187 : vector<16xf32> to vector<1x16xf32>
          tpu.vector_store %arg12[%parallel_loop3A_188, %parallel_loop3A_189], %parallel_loop3A_192 {strides = array<i32>} : memref<80x128xf32, #tpu.memory_space<vmem>>, vector<1x16xf32>,
          %parallel_loop3A_193 = arith.index_cast %parallel_loop3A_145 : i32 to index
          %parallel_loop3A_194 = arith.constant 16 : index
          %parallel_loop3A_195 = tpu.vector_load %arg12[%parallel_loop3A_193, %parallel_loop3A_194] {strides = array<i32>} : memref<80x128xf32, #tpu.memory_space<vmem>>, vector<1x16xf32>,
          %parallel_loop3A_196 = vector.shape_cast %parallel_loop3A_195 : vector<1x16xf32> to vector<16xf32>
          %parallel_loop3A_197 = arith.mulf %parallel_loop3A_196, %parallel_loop3A_182 : vector<16xf32>
          %parallel_loop3A_198 = arith.index_cast %parallel_loop3A_145 : i32 to index
          %parallel_loop3A_199 = arith.constant 16 : index
          %parallel_loop3A_200 = tpu.vector_load %arg12[%parallel_loop3A_198, %parallel_loop3A_199] {strides = array<i32>} : memref<80x128xf32, #tpu.memory_space<vmem>>, vector<1x16xf32>,
          %parallel_loop3A_201 = vector.shape_cast %parallel_loop3A_200 : vector<1x16xf32> to vector<16xf32>
          %parallel_loop3A_202 = vector.shape_cast %parallel_loop3A_197 : vector<16xf32> to vector<1x16xf32>
          tpu.vector_store %arg12[%parallel_loop3A_198, %parallel_loop3A_199], %parallel_loop3A_202 {strides = array<i32>} : memref<80x128xf32, #tpu.memory_space<vmem>>, vector<1x16xf32>,
          %parallel_loop3A_203 = arith.index_cast %parallel_loop3A_145 : i32 to index
          %parallel_loop3A_204 = arith.constant 32 : index
          %parallel_loop3A_205 = tpu.vector_load %arg12[%parallel_loop3A_203, %parallel_loop3A_204] {strides = array<i32>} : memref<80x128xf32, #tpu.memory_space<vmem>>, vector<1x16xf32>,
          %parallel_loop3A_206 = vector.shape_cast %parallel_loop3A_205 : vector<1x16xf32> to vector<16xf32>
          %parallel_loop3A_207 = arith.mulf %parallel_loop3A_206, %parallel_loop3A_182 : vector<16xf32>
          %parallel_loop3A_208 = arith.index_cast %parallel_loop3A_145 : i32 to index
          %parallel_loop3A_209 = arith.constant 32 : index
          %parallel_loop3A_210 = tpu.vector_load %arg12[%parallel_loop3A_208, %parallel_loop3A_209] {strides = array<i32>} : memref<80x128xf32, #tpu.memory_space<vmem>>, vector<1x16xf32>,
          %parallel_loop3A_211 = vector.shape_cast %parallel_loop3A_210 : vector<1x16xf32> to vector<16xf32>
          %parallel_loop3A_212 = vector.shape_cast %parallel_loop3A_207 : vector<16xf32> to vector<1x16xf32>
          tpu.vector_store %arg12[%parallel_loop3A_208, %parallel_loop3A_209], %parallel_loop3A_212 {strides = array<i32>} : memref<80x128xf32, #tpu.memory_space<vmem>>, vector<1x16xf32>,
          %parallel_loop3A_213 = arith.index_cast %parallel_loop3A_145 : i32 to index
          %parallel_loop3A_214 = arith.constant 48 : index
          %parallel_loop3A_215 = tpu.vector_load %arg12[%parallel_loop3A_213, %parallel_loop3A_214] {strides = array<i32>} : memref<80x128xf32, #tpu.memory_space<vmem>>, vector<1x16xf32>,
          %parallel_loop3A_216 = vector.shape_cast %parallel_loop3A_215 : vector<1x16xf32> to vector<16xf32>
          %parallel_loop3A_217 = arith.mulf %parallel_loop3A_216, %parallel_loop3A_182 : vector<16xf32>
          %parallel_loop3A_218 = arith.index_cast %parallel_loop3A_145 : i32 to index
          %parallel_loop3A_219 = arith.constant 48 : index
          %parallel_loop3A_220 = tpu.vector_load %arg12[%parallel_loop3A_218, %parallel_loop3A_219] {strides = array<i32>} : memref<80x128xf32, #tpu.memory_space<vmem>>, vector<1x16xf32>,
          %parallel_loop3A_221 = vector.shape_cast %parallel_loop3A_220 : vector<1x16xf32> to vector<16xf32>
          %parallel_loop3A_222 = vector.shape_cast %parallel_loop3A_217 : vector<16xf32> to vector<1x16xf32>
          tpu.vector_store %arg12[%parallel_loop3A_218, %parallel_loop3A_219], %parallel_loop3A_222 {strides = array<i32>} : memref<80x128xf32, #tpu.memory_space<vmem>>, vector<1x16xf32>,
          %parallel_loop3A_223 = arith.index_cast %parallel_loop3A_145 : i32 to index
          %parallel_loop3A_224 = arith.constant 64 : index
          %parallel_loop3A_225 = tpu.vector_load %arg12[%parallel_loop3A_223, %parallel_loop3A_224] {strides = array<i32>} : memref<80x128xf32, #tpu.memory_space<vmem>>, vector<1x16xf32>,
          %parallel_loop3A_226 = vector.shape_cast %parallel_loop3A_225 : vector<1x16xf32> to vector<16xf32>
          %parallel_loop3A_227 = arith.mulf %parallel_loop3A_226, %parallel_loop3A_182 : vector<16xf32>
          %parallel_loop3A_228 = arith.index_cast %parallel_loop3A_145 : i32 to index
          %parallel_loop3A_229 = arith.constant 64 : index
          %parallel_loop3A_230 = tpu.vector_load %arg12[%parallel_loop3A_228, %parallel_loop3A_229] {strides = array<i32>} : memref<80x128xf32, #tpu.memory_space<vmem>>, vector<1x16xf32>,
          %parallel_loop3A_231 = vector.shape_cast %parallel_loop3A_230 : vector<1x16xf32> to vector<16xf32>
          %parallel_loop3A_232 = vector.shape_cast %parallel_loop3A_227 : vector<16xf32> to vector<1x16xf32>
          tpu.vector_store %arg12[%parallel_loop3A_228, %parallel_loop3A_229], %parallel_loop3A_232 {strides = array<i32>} : memref<80x128xf32, #tpu.memory_space<vmem>>, vector<1x16xf32>,
          %parallel_loop3A_233 = arith.index_cast %parallel_loop3A_145 : i32 to index
          %parallel_loop3A_234 = arith.constant 80 : index
          %parallel_loop3A_235 = tpu.vector_load %arg12[%parallel_loop3A_233, %parallel_loop3A_234] {strides = array<i32>} : memref<80x128xf32, #tpu.memory_space<vmem>>, vector<1x16xf32>,
          %parallel_loop3A_236 = vector.shape_cast %parallel_loop3A_235 : vector<1x16xf32> to vector<16xf32>
          %parallel_loop3A_237 = arith.mulf %parallel_loop3A_236, %parallel_loop3A_182 : vector<16xf32>
          %parallel_loop3A_238 = arith.index_cast %parallel_loop3A_145 : i32 to index
          %parallel_loop3A_239 = arith.constant 80 : index
          %parallel_loop3A_240 = tpu.vector_load %arg12[%parallel_loop3A_238, %parallel_loop3A_239] {strides = array<i32>} : memref<80x128xf32, #tpu.memory_space<vmem>>, vector<1x16xf32>,
          %parallel_loop3A_241 = vector.shape_cast %parallel_loop3A_240 : vector<1x16xf32> to vector<16xf32>
          %parallel_loop3A_242 = vector.shape_cast %parallel_loop3A_237 : vector<16xf32> to vector<1x16xf32>
          tpu.vector_store %arg12[%parallel_loop3A_238, %parallel_loop3A_239], %parallel_loop3A_242 {strides = array<i32>} : memref<80x128xf32, #tpu.memory_space<vmem>>, vector<1x16xf32>,
          %parallel_loop3A_243 = arith.index_cast %parallel_loop3A_145 : i32 to index
          %parallel_loop3A_244 = arith.constant 96 : index
          %parallel_loop3A_245 = tpu.vector_load %arg12[%parallel_loop3A_243, %parallel_loop3A_244] {strides = array<i32>} : memref<80x128xf32, #tpu.memory_space<vmem>>, vector<1x16xf32>,
          %parallel_loop3A_246 = vector.shape_cast %parallel_loop3A_245 : vector<1x16xf32> to vector<16xf32>
          %parallel_loop3A_247 = arith.mulf %parallel_loop3A_246, %parallel_loop3A_182 : vector<16xf32>
          %parallel_loop3A_248 = arith.index_cast %parallel_loop3A_145 : i32 to index
          %parallel_loop3A_249 = arith.constant 96 : index
          %parallel_loop3A_250 = tpu.vector_load %arg12[%parallel_loop3A_248, %parallel_loop3A_249] {strides = array<i32>} : memref<80x128xf32, #tpu.memory_space<vmem>>, vector<1x16xf32>,
          %parallel_loop3A_251 = vector.shape_cast %parallel_loop3A_250 : vector<1x16xf32> to vector<16xf32>
          %parallel_loop3A_252 = vector.shape_cast %parallel_loop3A_247 : vector<16xf32> to vector<1x16xf32>
          tpu.vector_store %arg12[%parallel_loop3A_248, %parallel_loop3A_249], %parallel_loop3A_252 {strides = array<i32>} : memref<80x128xf32, #tpu.memory_space<vmem>>, vector<1x16xf32>,
          %parallel_loop3A_253 = arith.index_cast %parallel_loop3A_145 : i32 to index
          %parallel_loop3A_254 = arith.constant 112 : index
          %parallel_loop3A_255 = tpu.vector_load %arg12[%parallel_loop3A_253, %parallel_loop3A_254] {strides = array<i32>} : memref<80x128xf32, #tpu.memory_space<vmem>>, vector<1x16xf32>,
          %parallel_loop3A_256 = vector.shape_cast %parallel_loop3A_255 : vector<1x16xf32> to vector<16xf32>
          %parallel_loop3A_257 = arith.mulf %parallel_loop3A_256, %parallel_loop3A_182 : vector<16xf32>
          %parallel_loop3A_258 = arith.index_cast %parallel_loop3A_145 : i32 to index
          %parallel_loop3A_259 = arith.constant 112 : index
          %parallel_loop3A_260 = tpu.vector_load %arg12[%parallel_loop3A_258, %parallel_loop3A_259] {strides = array<i32>} : memref<80x128xf32, #tpu.memory_space<vmem>>, vector<1x16xf32>,
          %parallel_loop3A_261 = vector.shape_cast %parallel_loop3A_260 : vector<1x16xf32> to vector<16xf32>
          %parallel_loop3A_262 = vector.shape_cast %parallel_loop3A_257 : vector<16xf32> to vector<1x16xf32>
          tpu.vector_store %arg12[%parallel_loop3A_258, %parallel_loop3A_259], %parallel_loop3A_262 {strides = array<i32>} : memref<80x128xf32, #tpu.memory_space<vmem>>, vector<1x16xf32>,
        } {sc.loop_unroll_factor = 4 : i64, sc.parallel_access}
        "tpu.region"() ({
          %run_scoped3A = tpu.sem_alloc : memref<!tpu.dma_semaphore, #tpu.memory_space<semaphore_mem>>
          %dma_start3A_145 = arith.constant 0 : i32
          %dma_start3A_146 = arith.constant 0 : i32
          %dma_start3A_147 = tpu.memref_slice %arg15[%dma_start3A_145, %dma_start3A_146] : memref<1024x128xf32, #tpu.memory_space<vmem_shared>> -> memref<1024x128xf32, #tpu.memory_space<vmem_shared>>
          tpu.enqueue_indirect_dma source(%arg12 : memref<80x128xf32, #tpu.memory_space<vmem>>) target(%dma_start3A_147 : memref<1024x128xf32, #tpu.memory_space<vmem_shared>>) offsets(%arg8 : memref<80xi32, #tpu.memory_space<vmem>>) semaphore(%run_scoped3A : memref<!tpu.dma_semaphore, #tpu.memory_space<semaphore_mem>>) {add = true}
          %dma_wait3A_148 = arith.constant 0 : i32
          %dma_wait3A_149 = arith.constant 0 : i32
          %dma_wait3A_150 = tpu.memref_slice %arg15[%dma_wait3A_148, %dma_wait3A_149] : memref<1024x128xf32, #tpu.memory_space<vmem_shared>> -> memref<1024x128xf32, #tpu.memory_space<vmem_shared>>
          tpu.wait_indirect_dma semaphore(%run_scoped3A : memref<!tpu.dma_semaphore, #tpu.memory_space<semaphore_mem>>) src(%arg12 : memref<80x128xf32, #tpu.memory_space<vmem>>) dst(%dma_wait3A_150 : memref<1024x128xf32, #tpu.memory_space<vmem_shared>>)
          tpu.yield
        }) : () -> ()
        "tpu.region"() ({
          %run_scoped3A = tpu.sem_alloc : memref<!tpu.dma_semaphore, #tpu.memory_space<semaphore_mem>>
          %dma_start3A_145 = arith.constant 0 : i32
          %dma_start3A_146 = tpu.memref_slice %arg16[%dma_start3A_145] : memref<1024xf32, #tpu.memory_space<vmem_shared>> -> memref<1024xf32, #tpu.memory_space<vmem_shared>>
          tpu.enqueue_indirect_dma source(%arg10 : memref<80xf32, #tpu.memory_space<vmem>>) target(%dma_start3A_146 : memref<1024xf32, #tpu.memory_space<vmem_shared>>) offsets(%arg8 : memref<80xi32, #tpu.memory_space<vmem>>) semaphore(%run_scoped3A : memref<!tpu.dma_semaphore, #tpu.memory_space<semaphore_mem>>) {add = true}
          %dma_wait3A_147 = arith.constant 0 : i32
          %dma_wait3A_148 = tpu.memref_slice %arg16[%dma_wait3A_147] : memref<1024xf32, #tpu.memory_space<vmem_shared>> -> memref<1024xf32, #tpu.memory_space<vmem_shared>>
          tpu.wait_indirect_dma semaphore(%run_scoped3A : memref<!tpu.dma_semaphore, #tpu.memory_space<semaphore_mem>>) src(%arg10 : memref<80xf32, #tpu.memory_space<vmem>>) dst(%dma_wait3A_148 : memref<1024xf32, #tpu.memory_space<vmem_shared>>)
          tpu.yield
        }) : () -> ()
      } else {
      }
      %jit3A_100 = arith.constant 2 : i32
      %eq3A_101 = arith.constant 0 : i32
      %eq3A_102 = arith.cmpi eq, %jit3A_100, %eq3A_101 : i32
      %jit3A_103 = arith.constant 1 : i32
      %select_n3A_104 = arith.select %eq3A_102, %jit3A_103, %jit3A_100 : i32
      %rem3A_105 = arith.remsi %while3A_82, %select_n3A_104 : i32
      %ne3A_106 = arith.constant 0 : i32
      %ne3A_107 = arith.cmpi ne, %rem3A_105, %ne3A_106 : i32
      %lt3A_108 = arith.constant 0 : i32
      %lt3A_109 = arith.cmpi slt, %rem3A_105, %lt3A_108 : i32
      %lt3A_110 = arith.constant 0 : i32
      %lt3A_111 = arith.cmpi slt, %select_n3A_104, %lt3A_110 : i32
      %ne3A_112 = arith.xori %lt3A_109, %lt3A_111 : i1
      %and3A_113 = arith.andi %ne3A_112, %ne3A_107 : i1
      %add3A_114 = arith.addi %rem3A_105, %select_n3A_104 : i32
      %select_n3A_115 = arith.select %and3A_113, %add3A_114, %rem3A_105 : i32
      %eq3A_116 = arith.constant 1 : i32
      %eq3A_117 = arith.cmpi eq, %select_n3A_115, %eq3A_116 : i32
      %convert_element_type3A_118 = arith.extui %eq3A_117 : i1 to i32
      %cond3A_119 = arith.constant 0 : i32
      %cond3A_120 = arith.cmpi ne, %convert_element_type3A_118, %cond3A_119 : i32
      scf.if %cond3A_120 {
        %add3A_121 = arith.constant 0 : i32
        %add3A_122 = arith.addi %add3A_121, %add3A : i32
        %mul3A_123 = arith.constant 32 : i32
        %mul3A_124 = arith.muli %while3A_82, %mul3A_123 : i32
        %add3A_125 = arith.addi %add3A_122, %mul3A_124 : i32
        %mul3A_126 = arith.constant 80 : i32
        %mul3A_127 = arith.muli %add3A_125, %mul3A_126 : i32
        %sub3A_128 = arith.constant 0 : i32
        %sub3A_129 = arith.subi %mul3A_127, %sub3A_128 : i32
        %dma_wait3A = tpu.memref_slice %arg3[%mul3A_127] : memref<100000xi32, #tpu.memory_space<hbm>> -> memref<80xi32, #tpu.memory_space<hbm>>
        %dma_wait3A_130 = tpu.memref_slice %arg3[%mul3A_127] : memref<100000xi32, #tpu.memory_space<hbm>> -> memref<80xi32, #tpu.memory_space<hbm>>
        tpu.wait_dma2 semaphore(%arg18 : memref<!tpu.dma_semaphore, #tpu.memory_space<semaphore_mem>>) src(%dma_wait3A_130 : memref<80xi32, #tpu.memory_space<hbm>>) dst(%arg9 : memref<80xi32, #tpu.memory_space<vmem>>)
        %dma_wait3A_131 = tpu.memref_slice %arg4[%sub3A_129] : memref<51200xf32, #tpu.memory_space<hbm>> -> memref<80xf32, #tpu.memory_space<hbm>>
        %dma_wait3A_132 = tpu.memref_slice %arg4[%sub3A_129] : memref<51200xf32, #tpu.memory_space<hbm>> -> memref<80xf32, #tpu.memory_space<hbm>>
        tpu.wait_dma2 semaphore(%arg18 : memref<!tpu.dma_semaphore, #tpu.memory_space<semaphore_mem>>) src(%dma_wait3A_132 : memref<80xf32, #tpu.memory_space<hbm>>) dst(%arg11 : memref<80xf32, #tpu.memory_space<vmem>>)
        %dma_wait3A_133 = arith.constant 0 : i32
        %dma_wait3A_134 = tpu.memref_slice %arg2[%mul3A_127, %dma_wait3A_133] : memref<100000x128xf32, #tpu.memory_space<hbm>> -> memref<80x128xf32, #tpu.memory_space<hbm>>
        %dma_wait3A_135 = arith.constant 0 : i32
        %dma_wait3A_136 = tpu.memref_slice %arg2[%mul3A_127, %dma_wait3A_135] : memref<100000x128xf32, #tpu.memory_space<hbm>> -> memref<80x128xf32, #tpu.memory_space<hbm>>
        tpu.wait_dma2 semaphore(%arg18 : memref<!tpu.dma_semaphore, #tpu.memory_space<semaphore_mem>>) src(%dma_wait3A_136 : memref<80x128xf32, #tpu.memory_space<hbm>>) dst(%arg13 : memref<80x128xf32, #tpu.memory_space<vmem>>)
        %add3A_137 = arith.constant 1 : i32
        %add3A_138 = arith.addi %while3A_82, %add3A_137 : i32
        %lt3A_139 = arith.cmpi slt, %add3A_138, %select_n3A : i32
        %convert_element_type3A_140 = arith.extui %lt3A_139 : i1 to i32
        %cond3A_141 = arith.constant 0 : i32
        %cond3A_142 = arith.cmpi ne, %convert_element_type3A_140, %cond3A_141 : i32
        scf.if %cond3A_142 {
          %add3A_145 = arith.constant 1 : i32
          %add3A_146 = arith.addi %while3A_82, %add3A_145 : i32
          %add3A_147 = arith.constant 0 : i32
          %add3A_148 = arith.addi %add3A_147, %add3A : i32
          %mul3A_149 = arith.constant 32 : i32
          %mul3A_150 = arith.muli %add3A_146, %mul3A_149 : i32
          %add3A_151 = arith.addi %add3A_148, %mul3A_150 : i32
          %mul3A_152 = arith.constant 80 : i32
          %mul3A_153 = arith.muli %add3A_151, %mul3A_152 : i32
          %sub3A_154 = arith.constant 0 : i32
          %sub3A_155 = arith.subi %mul3A_153, %sub3A_154 : i32
          %dma_start3A_156 = tpu.memref_slice %arg3[%mul3A_153] : memref<100000xi32, #tpu.memory_space<hbm>> -> memref<80xi32, #tpu.memory_space<hbm>>
          %dma_start3A_157 = tpu.memref_slice %arg3[%mul3A_153] : memref<100000xi32, #tpu.memory_space<hbm>> -> memref<80xi32, #tpu.memory_space<hbm>>
          tpu.enqueue_dma source(%dma_start3A_157 : memref<80xi32, #tpu.memory_space<hbm>>) target(%arg8 : memref<80xi32, #tpu.memory_space<vmem>>) target_semaphore(%arg17 : memref<!tpu.dma_semaphore, #tpu.memory_space<semaphore_mem>>)
          %dma_start3A_158 = tpu.memref_slice %arg4[%sub3A_155] : memref<51200xf32, #tpu.memory_space<hbm>> -> memref<80xf32, #tpu.memory_space<hbm>>
          %dma_start3A_159 = tpu.memref_slice %arg4[%sub3A_155] : memref<51200xf32, #tpu.memory_space<hbm>> -> memref<80xf32, #tpu.memory_space<hbm>>
          tpu.enqueue_dma source(%dma_start3A_159 : memref<80xf32, #tpu.memory_space<hbm>>) target(%arg10 : memref<80xf32, #tpu.memory_space<vmem>>) target_semaphore(%arg17 : memref<!tpu.dma_semaphore, #tpu.memory_space<semaphore_mem>>)
          %dma_start3A_160 = arith.constant 0 : i32
          %dma_start3A_161 = tpu.memref_slice %arg2[%mul3A_153, %dma_start3A_160] : memref<100000x128xf32, #tpu.memory_space<hbm>> -> memref<80x128xf32, #tpu.memory_space<hbm>>
          %dma_start3A_162 = arith.constant 0 : i32
          %dma_start3A_163 = tpu.memref_slice %arg2[%mul3A_153, %dma_start3A_162] : memref<100000x128xf32, #tpu.memory_space<hbm>> -> memref<80x128xf32, #tpu.memory_space<hbm>>
          tpu.enqueue_dma source(%dma_start3A_163 : memref<80x128xf32, #tpu.memory_space<hbm>>) target(%arg12 : memref<80x128xf32, #tpu.memory_space<vmem>>) target_semaphore(%arg17 : memref<!tpu.dma_semaphore, #tpu.memory_space<semaphore_mem>>)
        } else {
        }
        %parallel_loop3A = arith.constant 0 : i32
        %parallel_loop3A_143 = arith.constant 80 : i32
        %parallel_loop3A_144 = arith.constant 1 : i32
        scf.for %parallel_loop3A_145 = %parallel_loop3A to %parallel_loop3A_143 step %parallel_loop3A_144  : i32 {
          %parallel_loop3A_146 = arith.constant 16 : i32
          %parallel_loop3A_147 = arith.divsi %parallel_loop3A_145, %parallel_loop3A_146 : i32
          %parallel_loop3A_148 = arith.constant 0 : i32
          %parallel_loop3A_149 = arith.cmpi sgt, %parallel_loop3A_145, %parallel_loop3A_148 : i32
          %parallel_loop3A_150 = arith.extui %parallel_loop3A_149 : i1 to i32
          %parallel_loop3A_151 = arith.constant 0 : i32
          %parallel_loop3A_152 = arith.cmpi slt, %parallel_loop3A_145, %parallel_loop3A_151 : i32
          %parallel_loop3A_153 = arith.extui %parallel_loop3A_152 : i1 to i32
          %parallel_loop3A_154 = arith.subi %parallel_loop3A_150, %parallel_loop3A_153 : i32
          %parallel_loop3A_155 = arith.constant 0 : i32
          %parallel_loop3A_156 = arith.cmpi sgt, %parallel_loop3A_146, %parallel_loop3A_155 : i32
          %parallel_loop3A_157 = arith.extui %parallel_loop3A_156 : i1 to i32
          %parallel_loop3A_158 = arith.constant 0 : i32
          %parallel_loop3A_159 = arith.cmpi slt, %parallel_loop3A_146, %parallel_loop3A_158 : i32
          %parallel_loop3A_160 = arith.extui %parallel_loop3A_159 : i1 to i32
          %parallel_loop3A_161 = arith.subi %parallel_loop3A_157, %parallel_loop3A_160 : i32
          %parallel_loop3A_162 = arith.cmpi ne, %parallel_loop3A_154, %parallel_loop3A_161 : i32
          %parallel_loop3A_163 = arith.remsi %parallel_loop3A_145, %parallel_loop3A_146 : i32
          %parallel_loop3A_164 = arith.constant 0 : i32
          %parallel_loop3A_165 = arith.cmpi ne, %parallel_loop3A_163, %parallel_loop3A_164 : i32
          %parallel_loop3A_166 = arith.andi %parallel_loop3A_162, %parallel_loop3A_165 : i1
          %parallel_loop3A_167 = arith.constant 1 : i32
          %parallel_loop3A_168 = arith.subi %parallel_loop3A_147, %parallel_loop3A_167 : i32
          %parallel_loop3A_169 = arith.select %parallel_loop3A_166, %parallel_loop3A_168, %parallel_loop3A_147 : i32
          %parallel_loop3A_170 = arith.constant 16 : i32
          %parallel_loop3A_171 = arith.muli %parallel_loop3A_169, %parallel_loop3A_170 : i32
          %parallel_loop3A_172 = arith.index_cast %parallel_loop3A_171 : i32 to index
          %parallel_loop3A_173 = tpu.vector_load %arg11[%parallel_loop3A_172] {strides = array<i32>} : memref<80xf32, #tpu.memory_space<vmem>>, vector<16xf32>,
          %parallel_loop3A_174 = vector.shape_cast %parallel_loop3A_173 : vector<16xf32> to vector<16xf32>
          %parallel_loop3A_175 = arith.subi %parallel_loop3A_145, %parallel_loop3A_171 : i32
          %parallel_loop3A_176 = arith.constant 0 : i32
          %parallel_loop3A_177 = vector.broadcast %parallel_loop3A_176 : i32 to vector<16xi32>
          %parallel_loop3A_178 = vector.broadcast %parallel_loop3A_175 : i32 to vector<16xi32>
          %parallel_loop3A_179 = arith.addi %parallel_loop3A_177, %parallel_loop3A_178 : vector<16xi32>
          %parallel_loop3A_180 = vector.shape_cast %parallel_loop3A_179 : vector<16xi32> to vector<16x1xi32>
          %parallel_loop3A_181 = vector.shape_cast %parallel_loop3A_180 : vector<16x1xi32> to vector<16xi32>
          %parallel_loop3A_182 = tpu.dynamic_gather %parallel_loop3A_174[%parallel_loop3A_181] in [0] : vector<16xf32>, vector<16xi32> -> vector<16xf32>
          %parallel_loop3A_183 = arith.index_cast %parallel_loop3A_145 : i32 to index
          %parallel_loop3A_184 = arith.constant 0 : index
          %parallel_loop3A_185 = tpu.vector_load %arg13[%parallel_loop3A_183, %parallel_loop3A_184] {strides = array<i32>} : memref<80x128xf32, #tpu.memory_space<vmem>>, vector<1x16xf32>,
          %parallel_loop3A_186 = vector.shape_cast %parallel_loop3A_185 : vector<1x16xf32> to vector<16xf32>
          %parallel_loop3A_187 = arith.mulf %parallel_loop3A_186, %parallel_loop3A_182 : vector<16xf32>
          %parallel_loop3A_188 = arith.index_cast %parallel_loop3A_145 : i32 to index
          %parallel_loop3A_189 = arith.constant 0 : index
          %parallel_loop3A_190 = tpu.vector_load %arg13[%parallel_loop3A_188, %parallel_loop3A_189] {strides = array<i32>} : memref<80x128xf32, #tpu.memory_space<vmem>>, vector<1x16xf32>,
          %parallel_loop3A_191 = vector.shape_cast %parallel_loop3A_190 : vector<1x16xf32> to vector<16xf32>
          %parallel_loop3A_192 = vector.shape_cast %parallel_loop3A_187 : vector<16xf32> to vector<1x16xf32>
          tpu.vector_store %arg13[%parallel_loop3A_188, %parallel_loop3A_189], %parallel_loop3A_192 {strides = array<i32>} : memref<80x128xf32, #tpu.memory_space<vmem>>, vector<1x16xf32>,
          %parallel_loop3A_193 = arith.index_cast %parallel_loop3A_145 : i32 to index
          %parallel_loop3A_194 = arith.constant 16 : index
          %parallel_loop3A_195 = tpu.vector_load %arg13[%parallel_loop3A_193, %parallel_loop3A_194] {strides = array<i32>} : memref<80x128xf32, #tpu.memory_space<vmem>>, vector<1x16xf32>,
          %parallel_loop3A_196 = vector.shape_cast %parallel_loop3A_195 : vector<1x16xf32> to vector<16xf32>
          %parallel_loop3A_197 = arith.mulf %parallel_loop3A_196, %parallel_loop3A_182 : vector<16xf32>
          %parallel_loop3A_198 = arith.index_cast %parallel_loop3A_145 : i32 to index
          %parallel_loop3A_199 = arith.constant 16 : index
          %parallel_loop3A_200 = tpu.vector_load %arg13[%parallel_loop3A_198, %parallel_loop3A_199] {strides = array<i32>} : memref<80x128xf32, #tpu.memory_space<vmem>>, vector<1x16xf32>,
          %parallel_loop3A_201 = vector.shape_cast %parallel_loop3A_200 : vector<1x16xf32> to vector<16xf32>
          %parallel_loop3A_202 = vector.shape_cast %parallel_loop3A_197 : vector<16xf32> to vector<1x16xf32>
          tpu.vector_store %arg13[%parallel_loop3A_198, %parallel_loop3A_199], %parallel_loop3A_202 {strides = array<i32>} : memref<80x128xf32, #tpu.memory_space<vmem>>, vector<1x16xf32>,
          %parallel_loop3A_203 = arith.index_cast %parallel_loop3A_145 : i32 to index
          %parallel_loop3A_204 = arith.constant 32 : index
          %parallel_loop3A_205 = tpu.vector_load %arg13[%parallel_loop3A_203, %parallel_loop3A_204] {strides = array<i32>} : memref<80x128xf32, #tpu.memory_space<vmem>>, vector<1x16xf32>,
          %parallel_loop3A_206 = vector.shape_cast %parallel_loop3A_205 : vector<1x16xf32> to vector<16xf32>
          %parallel_loop3A_207 = arith.mulf %parallel_loop3A_206, %parallel_loop3A_182 : vector<16xf32>
          %parallel_loop3A_208 = arith.index_cast %parallel_loop3A_145 : i32 to index
          %parallel_loop3A_209 = arith.constant 32 : index
          %parallel_loop3A_210 = tpu.vector_load %arg13[%parallel_loop3A_208, %parallel_loop3A_209] {strides = array<i32>} : memref<80x128xf32, #tpu.memory_space<vmem>>, vector<1x16xf32>,
          %parallel_loop3A_211 = vector.shape_cast %parallel_loop3A_210 : vector<1x16xf32> to vector<16xf32>
          %parallel_loop3A_212 = vector.shape_cast %parallel_loop3A_207 : vector<16xf32> to vector<1x16xf32>
          tpu.vector_store %arg13[%parallel_loop3A_208, %parallel_loop3A_209], %parallel_loop3A_212 {strides = array<i32>} : memref<80x128xf32, #tpu.memory_space<vmem>>, vector<1x16xf32>,
          %parallel_loop3A_213 = arith.index_cast %parallel_loop3A_145 : i32 to index
          %parallel_loop3A_214 = arith.constant 48 : index
          %parallel_loop3A_215 = tpu.vector_load %arg13[%parallel_loop3A_213, %parallel_loop3A_214] {strides = array<i32>} : memref<80x128xf32, #tpu.memory_space<vmem>>, vector<1x16xf32>,
          %parallel_loop3A_216 = vector.shape_cast %parallel_loop3A_215 : vector<1x16xf32> to vector<16xf32>
          %parallel_loop3A_217 = arith.mulf %parallel_loop3A_216, %parallel_loop3A_182 : vector<16xf32>
          %parallel_loop3A_218 = arith.index_cast %parallel_loop3A_145 : i32 to index
          %parallel_loop3A_219 = arith.constant 48 : index
          %parallel_loop3A_220 = tpu.vector_load %arg13[%parallel_loop3A_218, %parallel_loop3A_219] {strides = array<i32>} : memref<80x128xf32, #tpu.memory_space<vmem>>, vector<1x16xf32>,
          %parallel_loop3A_221 = vector.shape_cast %parallel_loop3A_220 : vector<1x16xf32> to vector<16xf32>
          %parallel_loop3A_222 = vector.shape_cast %parallel_loop3A_217 : vector<16xf32> to vector<1x16xf32>
          tpu.vector_store %arg13[%parallel_loop3A_218, %parallel_loop3A_219], %parallel_loop3A_222 {strides = array<i32>} : memref<80x128xf32, #tpu.memory_space<vmem>>, vector<1x16xf32>,
          %parallel_loop3A_223 = arith.index_cast %parallel_loop3A_145 : i32 to index
          %parallel_loop3A_224 = arith.constant 64 : index
          %parallel_loop3A_225 = tpu.vector_load %arg13[%parallel_loop3A_223, %parallel_loop3A_224] {strides = array<i32>} : memref<80x128xf32, #tpu.memory_space<vmem>>, vector<1x16xf32>,
          %parallel_loop3A_226 = vector.shape_cast %parallel_loop3A_225 : vector<1x16xf32> to vector<16xf32>
          %parallel_loop3A_227 = arith.mulf %parallel_loop3A_226, %parallel_loop3A_182 : vector<16xf32>
          %parallel_loop3A_228 = arith.index_cast %parallel_loop3A_145 : i32 to index
          %parallel_loop3A_229 = arith.constant 64 : index
          %parallel_loop3A_230 = tpu.vector_load %arg13[%parallel_loop3A_228, %parallel_loop3A_229] {strides = array<i32>} : memref<80x128xf32, #tpu.memory_space<vmem>>, vector<1x16xf32>,
          %parallel_loop3A_231 = vector.shape_cast %parallel_loop3A_230 : vector<1x16xf32> to vector<16xf32>
          %parallel_loop3A_232 = vector.shape_cast %parallel_loop3A_227 : vector<16xf32> to vector<1x16xf32>
          tpu.vector_store %arg13[%parallel_loop3A_228, %parallel_loop3A_229], %parallel_loop3A_232 {strides = array<i32>} : memref<80x128xf32, #tpu.memory_space<vmem>>, vector<1x16xf32>,
          %parallel_loop3A_233 = arith.index_cast %parallel_loop3A_145 : i32 to index
          %parallel_loop3A_234 = arith.constant 80 : index
          %parallel_loop3A_235 = tpu.vector_load %arg13[%parallel_loop3A_233, %parallel_loop3A_234] {strides = array<i32>} : memref<80x128xf32, #tpu.memory_space<vmem>>, vector<1x16xf32>,
          %parallel_loop3A_236 = vector.shape_cast %parallel_loop3A_235 : vector<1x16xf32> to vector<16xf32>
          %parallel_loop3A_237 = arith.mulf %parallel_loop3A_236, %parallel_loop3A_182 : vector<16xf32>
          %parallel_loop3A_238 = arith.index_cast %parallel_loop3A_145 : i32 to index
          %parallel_loop3A_239 = arith.constant 80 : index
          %parallel_loop3A_240 = tpu.vector_load %arg13[%parallel_loop3A_238, %parallel_loop3A_239] {strides = array<i32>} : memref<80x128xf32, #tpu.memory_space<vmem>>, vector<1x16xf32>,
          %parallel_loop3A_241 = vector.shape_cast %parallel_loop3A_240 : vector<1x16xf32> to vector<16xf32>
          %parallel_loop3A_242 = vector.shape_cast %parallel_loop3A_237 : vector<16xf32> to vector<1x16xf32>
          tpu.vector_store %arg13[%parallel_loop3A_238, %parallel_loop3A_239], %parallel_loop3A_242 {strides = array<i32>} : memref<80x128xf32, #tpu.memory_space<vmem>>, vector<1x16xf32>,
          %parallel_loop3A_243 = arith.index_cast %parallel_loop3A_145 : i32 to index
          %parallel_loop3A_244 = arith.constant 96 : index
          %parallel_loop3A_245 = tpu.vector_load %arg13[%parallel_loop3A_243, %parallel_loop3A_244] {strides = array<i32>} : memref<80x128xf32, #tpu.memory_space<vmem>>, vector<1x16xf32>,
          %parallel_loop3A_246 = vector.shape_cast %parallel_loop3A_245 : vector<1x16xf32> to vector<16xf32>
          %parallel_loop3A_247 = arith.mulf %parallel_loop3A_246, %parallel_loop3A_182 : vector<16xf32>
          %parallel_loop3A_248 = arith.index_cast %parallel_loop3A_145 : i32 to index
          %parallel_loop3A_249 = arith.constant 96 : index
          %parallel_loop3A_250 = tpu.vector_load %arg13[%parallel_loop3A_248, %parallel_loop3A_249] {strides = array<i32>} : memref<80x128xf32, #tpu.memory_space<vmem>>, vector<1x16xf32>,
          %parallel_loop3A_251 = vector.shape_cast %parallel_loop3A_250 : vector<1x16xf32> to vector<16xf32>
          %parallel_loop3A_252 = vector.shape_cast %parallel_loop3A_247 : vector<16xf32> to vector<1x16xf32>
          tpu.vector_store %arg13[%parallel_loop3A_248, %parallel_loop3A_249], %parallel_loop3A_252 {strides = array<i32>} : memref<80x128xf32, #tpu.memory_space<vmem>>, vector<1x16xf32>,
          %parallel_loop3A_253 = arith.index_cast %parallel_loop3A_145 : i32 to index
          %parallel_loop3A_254 = arith.constant 112 : index
          %parallel_loop3A_255 = tpu.vector_load %arg13[%parallel_loop3A_253, %parallel_loop3A_254] {strides = array<i32>} : memref<80x128xf32, #tpu.memory_space<vmem>>, vector<1x16xf32>,
          %parallel_loop3A_256 = vector.shape_cast %parallel_loop3A_255 : vector<1x16xf32> to vector<16xf32>
          %parallel_loop3A_257 = arith.mulf %parallel_loop3A_256, %parallel_loop3A_182 : vector<16xf32>
          %parallel_loop3A_258 = arith.index_cast %parallel_loop3A_145 : i32 to index
          %parallel_loop3A_259 = arith.constant 112 : index
          %parallel_loop3A_260 = tpu.vector_load %arg13[%parallel_loop3A_258, %parallel_loop3A_259] {strides = array<i32>} : memref<80x128xf32, #tpu.memory_space<vmem>>, vector<1x16xf32>,
          %parallel_loop3A_261 = vector.shape_cast %parallel_loop3A_260 : vector<1x16xf32> to vector<16xf32>
          %parallel_loop3A_262 = vector.shape_cast %parallel_loop3A_257 : vector<16xf32> to vector<1x16xf32>
          tpu.vector_store %arg13[%parallel_loop3A_258, %parallel_loop3A_259], %parallel_loop3A_262 {strides = array<i32>} : memref<80x128xf32, #tpu.memory_space<vmem>>, vector<1x16xf32>,
        } {sc.loop_unroll_factor = 4 : i64, sc.parallel_access}
        "tpu.region"() ({
          %run_scoped3A = tpu.sem_alloc : memref<!tpu.dma_semaphore, #tpu.memory_space<semaphore_mem>>
          %dma_start3A_145 = arith.constant 0 : i32
          %dma_start3A_146 = arith.constant 0 : i32
          %dma_start3A_147 = tpu.memref_slice %arg15[%dma_start3A_145, %dma_start3A_146] : memref<1024x128xf32, #tpu.memory_space<vmem_shared>> -> memref<1024x128xf32, #tpu.memory_space<vmem_shared>>
          tpu.enqueue_indirect_dma source(%arg13 : memref<80x128xf32, #tpu.memory_space<vmem>>) target(%dma_start3A_147 : memref<1024x128xf32, #tpu.memory_space<vmem_shared>>) offsets(%arg9 : memref<80xi32, #tpu.memory_space<vmem>>) semaphore(%run_scoped3A : memref<!tpu.dma_semaphore, #tpu.memory_space<semaphore_mem>>) {add = true}
          %dma_wait3A_148 = arith.constant 0 : i32
          %dma_wait3A_149 = arith.constant 0 : i32
          %dma_wait3A_150 = tpu.memref_slice %arg15[%dma_wait3A_148, %dma_wait3A_149] : memref<1024x128xf32, #tpu.memory_space<vmem_shared>> -> memref<1024x128xf32, #tpu.memory_space<vmem_shared>>
          tpu.wait_indirect_dma semaphore(%run_scoped3A : memref<!tpu.dma_semaphore, #tpu.memory_space<semaphore_mem>>) src(%arg13 : memref<80x128xf32, #tpu.memory_space<vmem>>) dst(%dma_wait3A_150 : memref<1024x128xf32, #tpu.memory_space<vmem_shared>>)
          tpu.yield
        }) : () -> ()
        "tpu.region"() ({
          %run_scoped3A = tpu.sem_alloc : memref<!tpu.dma_semaphore, #tpu.memory_space<semaphore_mem>>
          %dma_start3A_145 = arith.constant 0 : i32
          %dma_start3A_146 = tpu.memref_slice %arg16[%dma_start3A_145] : memref<1024xf32, #tpu.memory_space<vmem_shared>> -> memref<1024xf32, #tpu.memory_space<vmem_shared>>
          tpu.enqueue_indirect_dma source(%arg11 : memref<80xf32, #tpu.memory_space<vmem>>) target(%dma_start3A_146 : memref<1024xf32, #tpu.memory_space<vmem_shared>>) offsets(%arg9 : memref<80xi32, #tpu.memory_space<vmem>>) semaphore(%run_scoped3A : memref<!tpu.dma_semaphore, #tpu.memory_space<semaphore_mem>>) {add = true}
          %dma_wait3A_147 = arith.constant 0 : i32
          %dma_wait3A_148 = tpu.memref_slice %arg16[%dma_wait3A_147] : memref<1024xf32, #tpu.memory_space<vmem_shared>> -> memref<1024xf32, #tpu.memory_space<vmem_shared>>
          tpu.wait_indirect_dma semaphore(%run_scoped3A : memref<!tpu.dma_semaphore, #tpu.memory_space<semaphore_mem>>) src(%arg11 : memref<80xf32, #tpu.memory_space<vmem>>) dst(%dma_wait3A_148 : memref<1024xf32, #tpu.memory_space<vmem_shared>>)
          tpu.yield
        }) : () -> ()
      } else {
      }
    }
    %barrier3A_73 = arith.constant 0 : index
    tpu.barrier barrier_id(%barrier3A_73)
    %mul3A_74 = arith.constant 64 : i32
    %mul3A_75 = arith.muli %arg1, %mul3A_74 : i32
    %mul3A_76 = arith.constant 64 : i32
    %mul3A_77 = arith.muli %arg1, %mul3A_76 : i32
    "tpu.region"() ({
      %run_scoped3A = tpu.sem_alloc : memref<!tpu.dma_semaphore, #tpu.memory_space<semaphore_mem>>
      %dma_start3A_82 = arith.constant 0 : i32
      %dma_start3A_83 = tpu.memref_slice %arg6[%arg0, %mul3A_77, %dma_start3A_82] : memref<2x1024x128xf32, #tpu.memory_space<hbm>> -> memref<1x64x128xf32, #tpu.memory_space<hbm>>
      %dma_start3A_84 = tpu.memref_squeeze %dma_start3A_83 : memref<1x64x128xf32, #tpu.memory_space<hbm>> -> memref<64x128xf32, #tpu.memory_space<hbm>>
      %dma_start3A_85 = arith.constant 0 : i32
      %dma_start3A_86 = tpu.memref_slice %arg15[%mul3A_75, %dma_start3A_85] : memref<1024x128xf32, #tpu.memory_space<vmem_shared>> -> memref<64x128xf32, #tpu.memory_space<vmem_shared>>
      tpu.enqueue_dma source(%dma_start3A_86 : memref<64x128xf32, #tpu.memory_space<vmem_shared>>) target(%dma_start3A_84 : memref<64x128xf32, #tpu.memory_space<hbm>>) target_semaphore(%run_scoped3A : memref<!tpu.dma_semaphore, #tpu.memory_space<semaphore_mem>>)
      %dma_wait3A = arith.constant 0 : i32
      %dma_wait3A_87 = tpu.memref_slice %arg6[%arg0, %mul3A_77, %dma_wait3A] : memref<2x1024x128xf32, #tpu.memory_space<hbm>> -> memref<1x64x128xf32, #tpu.memory_space<hbm>>
      %dma_wait3A_88 = tpu.memref_squeeze %dma_wait3A_87 : memref<1x64x128xf32, #tpu.memory_space<hbm>> -> memref<64x128xf32, #tpu.memory_space<hbm>>
      %dma_wait3A_89 = arith.constant 0 : i32
      %dma_wait3A_90 = tpu.memref_slice %arg15[%mul3A_75, %dma_wait3A_89] : memref<1024x128xf32, #tpu.memory_space<vmem_shared>> -> memref<64x128xf32, #tpu.memory_space<vmem_shared>>
      tpu.wait_dma2 semaphore(%run_scoped3A : memref<!tpu.dma_semaphore, #tpu.memory_space<semaphore_mem>>) src(%dma_wait3A_90 : memref<64x128xf32, #tpu.memory_space<vmem_shared>>) dst(%dma_wait3A_88 : memref<64x128xf32, #tpu.memory_space<hbm>>)
      tpu.yield
    }) : () -> ()
    %mul3A_78 = arith.constant 64 : i32
    %mul3A_79 = arith.muli %arg1, %mul3A_78 : i32
    "tpu.region"() ({
      %run_scoped3A = tpu.sem_alloc : memref<!tpu.dma_semaphore, #tpu.memory_space<semaphore_mem>>
      %dma_start3A_82 = tpu.memref_slice %arg16[%mul3A_79] : memref<1024xf32, #tpu.memory_space<vmem_shared>> -> memref<64xf32, #tpu.memory_space<vmem_shared>>
      %dma_start3A_83 = tpu.memref_slice %arg16[%mul3A_79] : memref<1024xf32, #tpu.memory_space<vmem_shared>> -> memref<64xf32, #tpu.memory_space<vmem_shared>>
      tpu.enqueue_dma source(%dma_start3A_83 : memref<64xf32, #tpu.memory_space<vmem_shared>>) target(%arg14 : memref<64xf32, #tpu.memory_space<vmem>>) target_semaphore(%run_scoped3A : memref<!tpu.dma_semaphore, #tpu.memory_space<semaphore_mem>>)
      %dma_wait3A = tpu.memref_slice %arg16[%mul3A_79] : memref<1024xf32, #tpu.memory_space<vmem_shared>> -> memref<64xf32, #tpu.memory_space<vmem_shared>>
      %dma_wait3A_84 = tpu.memref_slice %arg16[%mul3A_79] : memref<1024xf32, #tpu.memory_space<vmem_shared>> -> memref<64xf32, #tpu.memory_space<vmem_shared>>
      tpu.wait_dma2 semaphore(%run_scoped3A : memref<!tpu.dma_semaphore, #tpu.memory_space<semaphore_mem>>) src(%dma_wait3A_84 : memref<64xf32, #tpu.memory_space<vmem_shared>>) dst(%arg14 : memref<64xf32, #tpu.memory_space<vmem>>)
      tpu.yield
    }) : () -> ()
    %mul3A_80 = arith.constant 64 : i32
    %mul3A_81 = arith.muli %arg1, %mul3A_80 : i32
    "tpu.region"() ({
      %run_scoped3A = tpu.sem_alloc : memref<!tpu.dma_semaphore, #tpu.memory_space<semaphore_mem>>
      %dma_start3A_82 = tpu.memref_slice %arg7[%arg0, %mul3A_81] : memref<2x1024xf32, #tpu.memory_space<hbm>> -> memref<1x64xf32, #tpu.memory_space<hbm>>
      %dma_start3A_83 = tpu.memref_squeeze %dma_start3A_82 : memref<1x64xf32, #tpu.memory_space<hbm>> -> memref<64xf32, #tpu.memory_space<hbm>>
      %dma_start3A_84 = tpu.memref_slice %arg7[%arg0, %mul3A_81] : memref<2x1024xf32, #tpu.memory_space<hbm>> -> memref<1x64xf32, #tpu.memory_space<hbm>>
      %dma_start3A_85 = tpu.memref_squeeze %dma_start3A_84 : memref<1x64xf32, #tpu.memory_space<hbm>> -> memref<64xf32, #tpu.memory_space<hbm>>
      tpu.enqueue_dma source(%arg14 : memref<64xf32, #tpu.memory_space<vmem>>) target(%dma_start3A_85 : memref<64xf32, #tpu.memory_space<hbm>>) target_semaphore(%run_scoped3A : memref<!tpu.dma_semaphore, #tpu.memory_space<semaphore_mem>>)
      %dma_wait3A = tpu.memref_slice %arg7[%arg0, %mul3A_81] : memref<2x1024xf32, #tpu.memory_space<hbm>> -> memref<1x64xf32, #tpu.memory_space<hbm>>
      %dma_wait3A_86 = tpu.memref_squeeze %dma_wait3A : memref<1x64xf32, #tpu.memory_space<hbm>> -> memref<64xf32, #tpu.memory_space<hbm>>
      %dma_wait3A_87 = tpu.memref_slice %arg7[%arg0, %mul3A_81] : memref<2x1024xf32, #tpu.memory_space<hbm>> -> memref<1x64xf32, #tpu.memory_space<hbm>>
      %dma_wait3A_88 = tpu.memref_squeeze %dma_wait3A_87 : memref<1x64xf32, #tpu.memory_space<hbm>> -> memref<64xf32, #tpu.memory_space<hbm>>
      tpu.wait_dma2 semaphore(%run_scoped3A : memref<!tpu.dma_semaphore, #tpu.memory_space<semaphore_mem>>) src(%arg14 : memref<64xf32, #tpu.memory_space<vmem>>) dst(%dma_wait3A_88 : memref<64xf32, #tpu.memory_space<hbm>>)
      tpu.yield
    }) : () -> ()
    return
  }
}

#map = affine_map<(d0, d1) -> (0, 0)>
#map1 = affine_map<(d0, d1) -> (0)>
#map2 = affine_map<(d0, d1) -> (0, 0, 0)>
module attributes {stable_mosaic.version = 14 : i64} {
  func.func @_scatter(%arg0: i32, %arg1: i32, %arg2: memref<100000x128xf32, #tpu.memory_space<hbm>>, %arg3: memref<100000xi32, #tpu.memory_space<hbm>>, %arg4: memref<53760xf32, #tpu.memory_space<hbm>>, %arg5: memref<1024x128xf32, #tpu.memory_space<hbm>>, %arg6: memref<2x1024x128xf32, #tpu.memory_space<hbm>>, %arg7: memref<2x1024xf32, #tpu.memory_space<hbm>>, %arg8: memref<80xi32, #tpu.memory_space<vmem>>, %arg9: memref<80xi32, #tpu.memory_space<vmem>>, %arg10: memref<80xf32, #tpu.memory_space<vmem>>, %arg11: memref<80xf32, #tpu.memory_space<vmem>>, %arg12: memref<80x128xf32, #tpu.memory_space<vmem>>, %arg13: memref<80x128xf32, #tpu.memory_space<vmem>>, %arg14: memref<64xf32, #tpu.memory_space<vmem>>, %arg15: memref<1024x128xf32, #tpu.memory_space<vmem_shared>>, %arg16: memref<1024xf32, #tpu.memory_space<vmem_shared>>, %arg17: memref<!tpu.dma_semaphore, #tpu.memory_space<semaphore_mem>>, %arg18: memref<!tpu.dma_semaphore, #tpu.memory_space<semaphore_mem>>) attributes {dimension_semantics = [#tpu.dimension_semantics<core_parallel>, #tpu.dimension_semantics<subcore_parallel>], iteration_bounds = array<i64: 2, 16>, scalar_prefetch = 0 : i64, scratch_operands = 11 : i64, tpu.core_type = #tpu.core_type<sc_vector_subcore>, window_params = [{transform_indices = #map}, {transform_indices = #map1}, {transform_indices = #map1}, {transform_indices = #map}, {transform_indices = #map2}, {transform_indices = #map}]} {
    %mul3A = arith.constant 2 : i32
    %mul3A_0 = arith.muli %arg1, %mul3A : i32
    %add3A = arith.addi %mul3A_0, %arg0 : i32
    %mul3A_1 = arith.constant 64 : i32
    %mul3A_2 = arith.muli %arg1, %mul3A_1 : i32
    %mul3A_3 = arith.constant 64 : i32
    %mul3A_4 = arith.muli %arg1, %mul3A_3 : i32
    "tpu.region"() ({
      %run_scoped3A = tpu.sem_alloc : memref<!tpu.dma_semaphore, #tpu.memory_space<semaphore_mem>>
      %dma_start3A_82 = arith.constant 0 : i32
      %dma_start3A_83 = tpu.memref_slice %arg15[%mul3A_4, %dma_start3A_82] : memref<1024x128xf32, #tpu.memory_space<vmem_shared>> -> memref<64x128xf32, #tpu.memory_space<vmem_shared>>
      %dma_start3A_84 = arith.constant 0 : i32
      %dma_start3A_85 = tpu.memref_slice %arg5[%mul3A_2, %dma_start3A_84] : memref<1024x128xf32, #tpu.memory_space<hbm>> -> memref<64x128xf32, #tpu.memory_space<hbm>>
      tpu.enqueue_dma source(%dma_start3A_85 : memref<64x128xf32, #tpu.memory_space<hbm>>) target(%dma_start3A_83 : memref<64x128xf32, #tpu.memory_space<vmem_shared>>) target_semaphore(%run_scoped3A : memref<!tpu.dma_semaphore, #tpu.memory_space<semaphore_mem>>)
      %dma_wait3A = arith.constant 0 : i32
      %dma_wait3A_86 = tpu.memref_slice %arg15[%mul3A_4, %dma_wait3A] : memref<1024x128xf32, #tpu.memory_space<vmem_shared>> -> memref<64x128xf32, #tpu.memory_space<vmem_shared>>
      %dma_wait3A_87 = arith.constant 0 : i32
      %dma_wait3A_88 = tpu.memref_slice %arg5[%mul3A_2, %dma_wait3A_87] : memref<1024x128xf32, #tpu.memory_space<hbm>> -> memref<64x128xf32, #tpu.memory_space<hbm>>
      tpu.wait_dma2 semaphore(%run_scoped3A : memref<!tpu.dma_semaphore, #tpu.memory_space<semaphore_mem>>) src(%dma_wait3A_88 : memref<64x128xf32, #tpu.memory_space<hbm>>) dst(%dma_wait3A_86 : memref<64x128xf32, #tpu.memory_space<vmem_shared>>)
      tpu.yield
    }) : () -> ()
    %broadcast_in_dim3A = arith.constant 0.000000e+00 : f32
    %broadcast_in_dim3A_5 = vector.broadcast %broadcast_in_dim3A : f32 to vector<16xf32>
    %swap3A = arith.constant 0 : index
    %swap3A_6 = tpu.vector_load %arg14[%swap3A] {strides = array<i32>} : memref<64xf32, #tpu.memory_space<vmem>>, vector<16xf32>,
    %swap3A_7 = vector.shape_cast %swap3A_6 : vector<16xf32> to vector<16xf32>
    %swap3A_8 = vector.shape_cast %broadcast_in_dim3A_5 : vector<16xf32> to vector<16xf32>
    tpu.vector_store %arg14[%swap3A], %swap3A_8 {strides = array<i32>} : memref<64xf32, #tpu.memory_space<vmem>>, vector<16xf32>,
    %broadcast_in_dim3A_9 = arith.constant 0.000000e+00 : f32
    %broadcast_in_dim3A_10 = vector.broadcast %broadcast_in_dim3A_9 : f32 to vector<16xf32>
    %swap3A_11 = arith.constant 16 : index
    %swap3A_12 = tpu.vector_load %arg14[%swap3A_11] {strides = array<i32>} : memref<64xf32, #tpu.memory_space<vmem>>, vector<16xf32>,
    %swap3A_13 = vector.shape_cast %swap3A_12 : vector<16xf32> to vector<16xf32>
    %swap3A_14 = vector.shape_cast %broadcast_in_dim3A_10 : vector<16xf32> to vector<16xf32>
    tpu.vector_store %arg14[%swap3A_11], %swap3A_14 {strides = array<i32>} : memref<64xf32, #tpu.memory_space<vmem>>, vector<16xf32>,
    %broadcast_in_dim3A_15 = arith.constant 0.000000e+00 : f32
    %broadcast_in_dim3A_16 = vector.broadcast %broadcast_in_dim3A_15 : f32 to vector<16xf32>
    %swap3A_17 = arith.constant 32 : index
    %swap3A_18 = tpu.vector_load %arg14[%swap3A_17] {strides = array<i32>} : memref<64xf32, #tpu.memory_space<vmem>>, vector<16xf32>,
    %swap3A_19 = vector.shape_cast %swap3A_18 : vector<16xf32> to vector<16xf32>
    %swap3A_20 = vector.shape_cast %broadcast_in_dim3A_16 : vector<16xf32> to vector<16xf32>
    tpu.vector_store %arg14[%swap3A_17], %swap3A_20 {strides = array<i32>} : memref<64xf32, #tpu.memory_space<vmem>>, vector<16xf32>,
    %broadcast_in_dim3A_21 = arith.constant 0.000000e+00 : f32
    %broadcast_in_dim3A_22 = vector.broadcast %broadcast_in_dim3A_21 : f32 to vector<16xf32>
    %swap3A_23 = arith.constant 48 : index
    %swap3A_24 = tpu.vector_load %arg14[%swap3A_23] {strides = array<i32>} : memref<64xf32, #tpu.memory_space<vmem>>, vector<16xf32>,
    %swap3A_25 = vector.shape_cast %swap3A_24 : vector<16xf32> to vector<16xf32>
    %swap3A_26 = vector.shape_cast %broadcast_in_dim3A_22 : vector<16xf32> to vector<16xf32>
    tpu.vector_store %arg14[%swap3A_23], %swap3A_26 {strides = array<i32>} : memref<64xf32, #tpu.memory_space<vmem>>, vector<16xf32>,
    %mul3A_27 = arith.constant 64 : i32
    %mul3A_28 = arith.muli %arg1, %mul3A_27 : i32
    "tpu.region"() ({
      %run_scoped3A = tpu.sem_alloc : memref<!tpu.dma_semaphore, #tpu.memory_space<semaphore_mem>>
      %dma_start3A_82 = tpu.memref_slice %arg16[%mul3A_28] : memref<1024xf32, #tpu.memory_space<vmem_shared>> -> memref<64xf32, #tpu.memory_space<vmem_shared>>
      %dma_start3A_83 = tpu.memref_slice %arg16[%mul3A_28] : memref<1024xf32, #tpu.memory_space<vmem_shared>> -> memref<64xf32, #tpu.memory_space<vmem_shared>>
      tpu.enqueue_dma source(%arg14 : memref<64xf32, #tpu.memory_space<vmem>>) target(%dma_start3A_83 : memref<64xf32, #tpu.memory_space<vmem_shared>>) target_semaphore(%run_scoped3A : memref<!tpu.dma_semaphore, #tpu.memory_space<semaphore_mem>>)
      %dma_wait3A = tpu.memref_slice %arg16[%mul3A_28] : memref<1024xf32, #tpu.memory_space<vmem_shared>> -> memref<64xf32, #tpu.memory_space<vmem_shared>>
      %dma_wait3A_84 = tpu.memref_slice %arg16[%mul3A_28] : memref<1024xf32, #tpu.memory_space<vmem_shared>> -> memref<64xf32, #tpu.memory_space<vmem_shared>>
      tpu.wait_dma2 semaphore(%run_scoped3A : memref<!tpu.dma_semaphore, #tpu.memory_space<semaphore_mem>>) src(%arg14 : memref<64xf32, #tpu.memory_space<vmem>>) dst(%dma_wait3A_84 : memref<64xf32, #tpu.memory_space<vmem_shared>>)
      tpu.yield
    }) : () -> ()
    %barrier3A = arith.constant 0 : index
    tpu.barrier barrier_id(%barrier3A)
    %sub3A = arith.constant 625 : i32
    %sub3A_29 = arith.subi %sub3A, %add3A : i32
    %add3A_30 = arith.constant 31 : i32
    %add3A_31 = arith.addi %sub3A_29, %add3A_30 : i32
    %jit3A = arith.constant 32 : i32
    %div3A = arith.divsi %add3A_31, %jit3A : i32
    %sign3A = arith.constant 0 : i32
    %sign3A_32 = arith.cmpi sgt, %add3A_31, %sign3A : i32
    %sign3A_33 = arith.extui %sign3A_32 : i1 to i32
    %sign3A_34 = arith.constant 0 : i32
    %sign3A_35 = arith.cmpi slt, %add3A_31, %sign3A_34 : i32
    %sign3A_36 = arith.extui %sign3A_35 : i1 to i32
    %sign3A_37 = arith.subi %sign3A_33, %sign3A_36 : i32
    %sign3A_38 = arith.constant 0 : i32
    %sign3A_39 = arith.cmpi sgt, %jit3A, %sign3A_38 : i32
    %sign3A_40 = arith.extui %sign3A_39 : i1 to i32
    %sign3A_41 = arith.constant 0 : i32
    %sign3A_42 = arith.cmpi slt, %jit3A, %sign3A_41 : i32
    %sign3A_43 = arith.extui %sign3A_42 : i1 to i32
    %sign3A_44 = arith.subi %sign3A_40, %sign3A_43 : i32
    %ne3A = arith.cmpi ne, %sign3A_37, %sign3A_44 : i32
    %rem3A = arith.remsi %add3A_31, %jit3A : i32
    %ne3A_45 = arith.constant 0 : i32
    %ne3A_46 = arith.cmpi ne, %rem3A, %ne3A_45 : i32
    %and3A = arith.andi %ne3A, %ne3A_46 : i1
    %sub3A_47 = arith.constant 1 : i32
    %sub3A_48 = arith.subi %div3A, %sub3A_47 : i32
    %select_n3A = arith.select %and3A, %sub3A_48, %div3A : i32
    %add3A_49 = arith.constant 625 : i32
    %add3A_50 = arith.addi %add3A_49, %add3A : i32
    %add3A_51 = arith.constant 0 : i32
    %add3A_52 = arith.addi %add3A_50, %add3A_51 : i32
    %mul3A_53 = arith.constant 80 : i32
    %mul3A_54 = arith.muli %add3A_52, %mul3A_53 : i32
    %sub3A_55 = arith.constant 48640 : i32
    %sub3A_56 = arith.subi %mul3A_54, %sub3A_55 : i32
    %dma_start3A = tpu.memref_slice %arg3[%mul3A_54] : memref<100000xi32, #tpu.memory_space<hbm>> -> memref<80xi32, #tpu.memory_space<hbm>>
    %dma_start3A_57 = tpu.memref_slice %arg3[%mul3A_54] : memref<100000xi32, #tpu.memory_space<hbm>> -> memref<80xi32, #tpu.memory_space<hbm>>
    tpu.enqueue_dma source(%dma_start3A_57 : memref<80xi32, #tpu.memory_space<hbm>>) target(%arg8 : memref<80xi32, #tpu.memory_space<vmem>>) target_semaphore(%arg17 : memref<!tpu.dma_semaphore, #tpu.memory_space<semaphore_mem>>)
    %dma_start3A_58 = tpu.memref_slice %arg4[%sub3A_56] : memref<53760xf32, #tpu.memory_space<hbm>> -> memref<80xf32, #tpu.memory_space<hbm>>
    %dma_start3A_59 = tpu.memref_slice %arg4[%sub3A_56] : memref<53760xf32, #tpu.memory_space<hbm>> -> memref<80xf32, #tpu.memory_space<hbm>>
    tpu.enqueue_dma source(%dma_start3A_59 : memref<80xf32, #tpu.memory_space<hbm>>) target(%arg10 : memref<80xf32, #tpu.memory_space<vmem>>) target_semaphore(%arg17 : memref<!tpu.dma_semaphore, #tpu.memory_space<semaphore_mem>>)
    %dma_start3A_60 = arith.constant 0 : i32
    %dma_start3A_61 = tpu.memref_slice %arg2[%mul3A_54, %dma_start3A_60] : memref<100000x128xf32, #tpu.memory_space<hbm>> -> memref<80x128xf32, #tpu.memory_space<hbm>>
    %dma_start3A_62 = arith.constant 0 : i32
    %dma_start3A_63 = tpu.memref_slice %arg2[%mul3A_54, %dma_start3A_62] : memref<100000x128xf32, #tpu.memory_space<hbm>> -> memref<80x128xf32, #tpu.memory_space<hbm>>
    tpu.enqueue_dma source(%dma_start3A_63 : memref<80x128xf32, #tpu.memory_space<hbm>>) target(%arg12 : memref<80x128xf32, #tpu.memory_space<vmem>>) target_semaphore(%arg17 : memref<!tpu.dma_semaphore, #tpu.memory_space<semaphore_mem>>)
    %while3A = arith.constant 0 : i32
    %while3A_64 = arith.constant 0 : i32
    %while3A_65 = arith.subi %select_n3A, %while3A_64 : i32
    %while3A_66 = arith.addi %while3A_64, %while3A_65 : i32
    %while3A_67 = arith.constant 1 : i32
    %while3A_68 = arith.divsi %while3A_65, %while3A_67 : i32
    %while3A_69 = arith.muli %while3A_68, %while3A_67 : i32
    %while3A_70 = arith.addi %while3A_64, %while3A_69 : i32
    %while3A_71 = arith.constant 1 : i32
    scf.for %while3A_82 = %while3A_64 to %while3A_70 step %while3A_71  : i32 {
      %jit3A_83 = arith.constant 2 : i32
      %eq3A = arith.constant 0 : i32
      %eq3A_84 = arith.cmpi eq, %jit3A_83, %eq3A : i32
      %jit3A_85 = arith.constant 1 : i32
      %select_n3A_86 = arith.select %eq3A_84, %jit3A_85, %jit3A_83 : i32
      %rem3A_87 = arith.remsi %while3A_82, %select_n3A_86 : i32
      %ne3A_88 = arith.constant 0 : i32
      %ne3A_89 = arith.cmpi ne, %rem3A_87, %ne3A_88 : i32
      %lt3A = arith.constant 0 : i32
      %lt3A_90 = arith.cmpi slt, %rem3A_87, %lt3A : i32
      %lt3A_91 = arith.constant 0 : i32
      %lt3A_92 = arith.cmpi slt, %select_n3A_86, %lt3A_91 : i32
      %ne3A_93 = arith.xori %lt3A_90, %lt3A_92 : i1
      %and3A_94 = arith.andi %ne3A_93, %ne3A_89 : i1
      %add3A_95 = arith.addi %rem3A_87, %select_n3A_86 : i32
      %select_n3A_96 = arith.select %and3A_94, %add3A_95, %rem3A_87 : i32
      %eq3A_97 = arith.constant 0 : i32
      %eq3A_98 = arith.cmpi eq, %select_n3A_96, %eq3A_97 : i32
      %convert_element_type3A = arith.extui %eq3A_98 : i1 to i32
      %cond3A = arith.constant 0 : i32
      %cond3A_99 = arith.cmpi ne, %convert_element_type3A, %cond3A : i32
      scf.if %cond3A_99 {
        %add3A_121 = arith.constant 625 : i32
        %add3A_122 = arith.addi %add3A_121, %add3A : i32
        %mul3A_123 = arith.constant 32 : i32
        %mul3A_124 = arith.muli %while3A_82, %mul3A_123 : i32
        %add3A_125 = arith.addi %add3A_122, %mul3A_124 : i32
        %mul3A_126 = arith.constant 80 : i32
        %mul3A_127 = arith.muli %add3A_125, %mul3A_126 : i32
        %sub3A_128 = arith.constant 48640 : i32
        %sub3A_129 = arith.subi %mul3A_127, %sub3A_128 : i32
        %dma_wait3A = tpu.memref_slice %arg3[%mul3A_127] : memref<100000xi32, #tpu.memory_space<hbm>> -> memref<80xi32, #tpu.memory_space<hbm>>
        %dma_wait3A_130 = tpu.memref_slice %arg3[%mul3A_127] : memref<100000xi32, #tpu.memory_space<hbm>> -> memref<80xi32, #tpu.memory_space<hbm>>
        tpu.wait_dma2 semaphore(%arg17 : memref<!tpu.dma_semaphore, #tpu.memory_space<semaphore_mem>>) src(%dma_wait3A_130 : memref<80xi32, #tpu.memory_space<hbm>>) dst(%arg8 : memref<80xi32, #tpu.memory_space<vmem>>)
        %dma_wait3A_131 = tpu.memref_slice %arg4[%sub3A_129] : memref<53760xf32, #tpu.memory_space<hbm>> -> memref<80xf32, #tpu.memory_space<hbm>>
        %dma_wait3A_132 = tpu.memref_slice %arg4[%sub3A_129] : memref<53760xf32, #tpu.memory_space<hbm>> -> memref<80xf32, #tpu.memory_space<hbm>>
        tpu.wait_dma2 semaphore(%arg17 : memref<!tpu.dma_semaphore, #tpu.memory_space<semaphore_mem>>) src(%dma_wait3A_132 : memref<80xf32, #tpu.memory_space<hbm>>) dst(%arg10 : memref<80xf32, #tpu.memory_space<vmem>>)
        %dma_wait3A_133 = arith.constant 0 : i32
        %dma_wait3A_134 = tpu.memref_slice %arg2[%mul3A_127, %dma_wait3A_133] : memref<100000x128xf32, #tpu.memory_space<hbm>> -> memref<80x128xf32, #tpu.memory_space<hbm>>
        %dma_wait3A_135 = arith.constant 0 : i32
        %dma_wait3A_136 = tpu.memref_slice %arg2[%mul3A_127, %dma_wait3A_135] : memref<100000x128xf32, #tpu.memory_space<hbm>> -> memref<80x128xf32, #tpu.memory_space<hbm>>
        tpu.wait_dma2 semaphore(%arg17 : memref<!tpu.dma_semaphore, #tpu.memory_space<semaphore_mem>>) src(%dma_wait3A_136 : memref<80x128xf32, #tpu.memory_space<hbm>>) dst(%arg12 : memref<80x128xf32, #tpu.memory_space<vmem>>)
        %add3A_137 = arith.constant 1 : i32
        %add3A_138 = arith.addi %while3A_82, %add3A_137 : i32
        %lt3A_139 = arith.cmpi slt, %add3A_138, %select_n3A : i32
        %convert_element_type3A_140 = arith.extui %lt3A_139 : i1 to i32
        %cond3A_141 = arith.constant 0 : i32
        %cond3A_142 = arith.cmpi ne, %convert_element_type3A_140, %cond3A_141 : i32
        scf.if %cond3A_142 {
          %add3A_145 = arith.constant 1 : i32
          %add3A_146 = arith.addi %while3A_82, %add3A_145 : i32
          %add3A_147 = arith.constant 625 : i32
          %add3A_148 = arith.addi %add3A_147, %add3A : i32
          %mul3A_149 = arith.constant 32 : i32
          %mul3A_150 = arith.muli %add3A_146, %mul3A_149 : i32
          %add3A_151 = arith.addi %add3A_148, %mul3A_150 : i32
          %mul3A_152 = arith.constant 80 : i32
          %mul3A_153 = arith.muli %add3A_151, %mul3A_152 : i32
          %sub3A_154 = arith.constant 48640 : i32
          %sub3A_155 = arith.subi %mul3A_153, %sub3A_154 : i32
          %dma_start3A_156 = tpu.memref_slice %arg3[%mul3A_153] : memref<100000xi32, #tpu.memory_space<hbm>> -> memref<80xi32, #tpu.memory_space<hbm>>
          %dma_start3A_157 = tpu.memref_slice %arg3[%mul3A_153] : memref<100000xi32, #tpu.memory_space<hbm>> -> memref<80xi32, #tpu.memory_space<hbm>>
          tpu.enqueue_dma source(%dma_start3A_157 : memref<80xi32, #tpu.memory_space<hbm>>) target(%arg9 : memref<80xi32, #tpu.memory_space<vmem>>) target_semaphore(%arg18 : memref<!tpu.dma_semaphore, #tpu.memory_space<semaphore_mem>>)
          %dma_start3A_158 = tpu.memref_slice %arg4[%sub3A_155] : memref<53760xf32, #tpu.memory_space<hbm>> -> memref<80xf32, #tpu.memory_space<hbm>>
          %dma_start3A_159 = tpu.memref_slice %arg4[%sub3A_155] : memref<53760xf32, #tpu.memory_space<hbm>> -> memref<80xf32, #tpu.memory_space<hbm>>
          tpu.enqueue_dma source(%dma_start3A_159 : memref<80xf32, #tpu.memory_space<hbm>>) target(%arg11 : memref<80xf32, #tpu.memory_space<vmem>>) target_semaphore(%arg18 : memref<!tpu.dma_semaphore, #tpu.memory_space<semaphore_mem>>)
          %dma_start3A_160 = arith.constant 0 : i32
          %dma_start3A_161 = tpu.memref_slice %arg2[%mul3A_153, %dma_start3A_160] : memref<100000x128xf32, #tpu.memory_space<hbm>> -> memref<80x128xf32, #tpu.memory_space<hbm>>
          %dma_start3A_162 = arith.constant 0 : i32
          %dma_start3A_163 = tpu.memref_slice %arg2[%mul3A_153, %dma_start3A_162] : memref<100000x128xf32, #tpu.memory_space<hbm>> -> memref<80x128xf32, #tpu.memory_space<hbm>>
          tpu.enqueue_dma source(%dma_start3A_163 : memref<80x128xf32, #tpu.memory_space<hbm>>) target(%arg13 : memref<80x128xf32, #tpu.memory_space<vmem>>) target_semaphore(%arg18 : memref<!tpu.dma_semaphore, #tpu.memory_space<semaphore_mem>>)
        } else {
        }
        %parallel_loop3A = arith.constant 0 : i32
        %parallel_loop3A_143 = arith.constant 80 : i32
        %parallel_loop3A_144 = arith.constant 1 : i32
        scf.for %parallel_loop3A_145 = %parallel_loop3A to %parallel_loop3A_143 step %parallel_loop3A_144  : i32 {
          %parallel_loop3A_146 = arith.constant 16 : i32
          %parallel_loop3A_147 = arith.divsi %parallel_loop3A_145, %parallel_loop3A_146 : i32
          %parallel_loop3A_148 = arith.constant 0 : i32
          %parallel_loop3A_149 = arith.cmpi sgt, %parallel_loop3A_145, %parallel_loop3A_148 : i32
          %parallel_loop3A_150 = arith.extui %parallel_loop3A_149 : i1 to i32
          %parallel_loop3A_151 = arith.constant 0 : i32
          %parallel_loop3A_152 = arith.cmpi slt, %parallel_loop3A_145, %parallel_loop3A_151 : i32
          %parallel_loop3A_153 = arith.extui %parallel_loop3A_152 : i1 to i32
          %parallel_loop3A_154 = arith.subi %parallel_loop3A_150, %parallel_loop3A_153 : i32
          %parallel_loop3A_155 = arith.constant 0 : i32
          %parallel_loop3A_156 = arith.cmpi sgt, %parallel_loop3A_146, %parallel_loop3A_155 : i32
          %parallel_loop3A_157 = arith.extui %parallel_loop3A_156 : i1 to i32
          %parallel_loop3A_158 = arith.constant 0 : i32
          %parallel_loop3A_159 = arith.cmpi slt, %parallel_loop3A_146, %parallel_loop3A_158 : i32
          %parallel_loop3A_160 = arith.extui %parallel_loop3A_159 : i1 to i32
          %parallel_loop3A_161 = arith.subi %parallel_loop3A_157, %parallel_loop3A_160 : i32
          %parallel_loop3A_162 = arith.cmpi ne, %parallel_loop3A_154, %parallel_loop3A_161 : i32
          %parallel_loop3A_163 = arith.remsi %parallel_loop3A_145, %parallel_loop3A_146 : i32
          %parallel_loop3A_164 = arith.constant 0 : i32
          %parallel_loop3A_165 = arith.cmpi ne, %parallel_loop3A_163, %parallel_loop3A_164 : i32
          %parallel_loop3A_166 = arith.andi %parallel_loop3A_162, %parallel_loop3A_165 : i1
          %parallel_loop3A_167 = arith.constant 1 : i32
          %parallel_loop3A_168 = arith.subi %parallel_loop3A_147, %parallel_loop3A_167 : i32
          %parallel_loop3A_169 = arith.select %parallel_loop3A_166, %parallel_loop3A_168, %parallel_loop3A_147 : i32
          %parallel_loop3A_170 = arith.constant 16 : i32
          %parallel_loop3A_171 = arith.muli %parallel_loop3A_169, %parallel_loop3A_170 : i32
          %parallel_loop3A_172 = arith.index_cast %parallel_loop3A_171 : i32 to index
          %parallel_loop3A_173 = tpu.vector_load %arg10[%parallel_loop3A_172] {strides = array<i32>} : memref<80xf32, #tpu.memory_space<vmem>>, vector<16xf32>,
          %parallel_loop3A_174 = vector.shape_cast %parallel_loop3A_173 : vector<16xf32> to vector<16xf32>
          %parallel_loop3A_175 = arith.subi %parallel_loop3A_145, %parallel_loop3A_171 : i32
          %parallel_loop3A_176 = arith.constant 0 : i32
          %parallel_loop3A_177 = vector.broadcast %parallel_loop3A_176 : i32 to vector<16xi32>
          %parallel_loop3A_178 = vector.broadcast %parallel_loop3A_175 : i32 to vector<16xi32>
          %parallel_loop3A_179 = arith.addi %parallel_loop3A_177, %parallel_loop3A_178 : vector<16xi32>
          %parallel_loop3A_180 = vector.shape_cast %parallel_loop3A_179 : vector<16xi32> to vector<16x1xi32>
          %parallel_loop3A_181 = vector.shape_cast %parallel_loop3A_180 : vector<16x1xi32> to vector<16xi32>
          %parallel_loop3A_182 = tpu.dynamic_gather %parallel_loop3A_174[%parallel_loop3A_181] in [0] : vector<16xf32>, vector<16xi32> -> vector<16xf32>
          %parallel_loop3A_183 = arith.index_cast %parallel_loop3A_145 : i32 to index
          %parallel_loop3A_184 = arith.constant 0 : index
          %parallel_loop3A_185 = tpu.vector_load %arg12[%parallel_loop3A_183, %parallel_loop3A_184] {strides = array<i32>} : memref<80x128xf32, #tpu.memory_space<vmem>>, vector<1x16xf32>,
          %parallel_loop3A_186 = vector.shape_cast %parallel_loop3A_185 : vector<1x16xf32> to vector<16xf32>
          %parallel_loop3A_187 = arith.mulf %parallel_loop3A_186, %parallel_loop3A_182 : vector<16xf32>
          %parallel_loop3A_188 = arith.index_cast %parallel_loop3A_145 : i32 to index
          %parallel_loop3A_189 = arith.constant 0 : index
          %parallel_loop3A_190 = tpu.vector_load %arg12[%parallel_loop3A_188, %parallel_loop3A_189] {strides = array<i32>} : memref<80x128xf32, #tpu.memory_space<vmem>>, vector<1x16xf32>,
          %parallel_loop3A_191 = vector.shape_cast %parallel_loop3A_190 : vector<1x16xf32> to vector<16xf32>
          %parallel_loop3A_192 = vector.shape_cast %parallel_loop3A_187 : vector<16xf32> to vector<1x16xf32>
          tpu.vector_store %arg12[%parallel_loop3A_188, %parallel_loop3A_189], %parallel_loop3A_192 {strides = array<i32>} : memref<80x128xf32, #tpu.memory_space<vmem>>, vector<1x16xf32>,
          %parallel_loop3A_193 = arith.index_cast %parallel_loop3A_145 : i32 to index
          %parallel_loop3A_194 = arith.constant 16 : index
          %parallel_loop3A_195 = tpu.vector_load %arg12[%parallel_loop3A_193, %parallel_loop3A_194] {strides = array<i32>} : memref<80x128xf32, #tpu.memory_space<vmem>>, vector<1x16xf32>,
          %parallel_loop3A_196 = vector.shape_cast %parallel_loop3A_195 : vector<1x16xf32> to vector<16xf32>
          %parallel_loop3A_197 = arith.mulf %parallel_loop3A_196, %parallel_loop3A_182 : vector<16xf32>
          %parallel_loop3A_198 = arith.index_cast %parallel_loop3A_145 : i32 to index
          %parallel_loop3A_199 = arith.constant 16 : index
          %parallel_loop3A_200 = tpu.vector_load %arg12[%parallel_loop3A_198, %parallel_loop3A_199] {strides = array<i32>} : memref<80x128xf32, #tpu.memory_space<vmem>>, vector<1x16xf32>,
          %parallel_loop3A_201 = vector.shape_cast %parallel_loop3A_200 : vector<1x16xf32> to vector<16xf32>
          %parallel_loop3A_202 = vector.shape_cast %parallel_loop3A_197 : vector<16xf32> to vector<1x16xf32>
          tpu.vector_store %arg12[%parallel_loop3A_198, %parallel_loop3A_199], %parallel_loop3A_202 {strides = array<i32>} : memref<80x128xf32, #tpu.memory_space<vmem>>, vector<1x16xf32>,
          %parallel_loop3A_203 = arith.index_cast %parallel_loop3A_145 : i32 to index
          %parallel_loop3A_204 = arith.constant 32 : index
          %parallel_loop3A_205 = tpu.vector_load %arg12[%parallel_loop3A_203, %parallel_loop3A_204] {strides = array<i32>} : memref<80x128xf32, #tpu.memory_space<vmem>>, vector<1x16xf32>,
          %parallel_loop3A_206 = vector.shape_cast %parallel_loop3A_205 : vector<1x16xf32> to vector<16xf32>
          %parallel_loop3A_207 = arith.mulf %parallel_loop3A_206, %parallel_loop3A_182 : vector<16xf32>
          %parallel_loop3A_208 = arith.index_cast %parallel_loop3A_145 : i32 to index
          %parallel_loop3A_209 = arith.constant 32 : index
          %parallel_loop3A_210 = tpu.vector_load %arg12[%parallel_loop3A_208, %parallel_loop3A_209] {strides = array<i32>} : memref<80x128xf32, #tpu.memory_space<vmem>>, vector<1x16xf32>,
          %parallel_loop3A_211 = vector.shape_cast %parallel_loop3A_210 : vector<1x16xf32> to vector<16xf32>
          %parallel_loop3A_212 = vector.shape_cast %parallel_loop3A_207 : vector<16xf32> to vector<1x16xf32>
          tpu.vector_store %arg12[%parallel_loop3A_208, %parallel_loop3A_209], %parallel_loop3A_212 {strides = array<i32>} : memref<80x128xf32, #tpu.memory_space<vmem>>, vector<1x16xf32>,
          %parallel_loop3A_213 = arith.index_cast %parallel_loop3A_145 : i32 to index
          %parallel_loop3A_214 = arith.constant 48 : index
          %parallel_loop3A_215 = tpu.vector_load %arg12[%parallel_loop3A_213, %parallel_loop3A_214] {strides = array<i32>} : memref<80x128xf32, #tpu.memory_space<vmem>>, vector<1x16xf32>,
          %parallel_loop3A_216 = vector.shape_cast %parallel_loop3A_215 : vector<1x16xf32> to vector<16xf32>
          %parallel_loop3A_217 = arith.mulf %parallel_loop3A_216, %parallel_loop3A_182 : vector<16xf32>
          %parallel_loop3A_218 = arith.index_cast %parallel_loop3A_145 : i32 to index
          %parallel_loop3A_219 = arith.constant 48 : index
          %parallel_loop3A_220 = tpu.vector_load %arg12[%parallel_loop3A_218, %parallel_loop3A_219] {strides = array<i32>} : memref<80x128xf32, #tpu.memory_space<vmem>>, vector<1x16xf32>,
          %parallel_loop3A_221 = vector.shape_cast %parallel_loop3A_220 : vector<1x16xf32> to vector<16xf32>
          %parallel_loop3A_222 = vector.shape_cast %parallel_loop3A_217 : vector<16xf32> to vector<1x16xf32>
          tpu.vector_store %arg12[%parallel_loop3A_218, %parallel_loop3A_219], %parallel_loop3A_222 {strides = array<i32>} : memref<80x128xf32, #tpu.memory_space<vmem>>, vector<1x16xf32>,
          %parallel_loop3A_223 = arith.index_cast %parallel_loop3A_145 : i32 to index
          %parallel_loop3A_224 = arith.constant 64 : index
          %parallel_loop3A_225 = tpu.vector_load %arg12[%parallel_loop3A_223, %parallel_loop3A_224] {strides = array<i32>} : memref<80x128xf32, #tpu.memory_space<vmem>>, vector<1x16xf32>,
          %parallel_loop3A_226 = vector.shape_cast %parallel_loop3A_225 : vector<1x16xf32> to vector<16xf32>
          %parallel_loop3A_227 = arith.mulf %parallel_loop3A_226, %parallel_loop3A_182 : vector<16xf32>
          %parallel_loop3A_228 = arith.index_cast %parallel_loop3A_145 : i32 to index
          %parallel_loop3A_229 = arith.constant 64 : index
          %parallel_loop3A_230 = tpu.vector_load %arg12[%parallel_loop3A_228, %parallel_loop3A_229] {strides = array<i32>} : memref<80x128xf32, #tpu.memory_space<vmem>>, vector<1x16xf32>,
          %parallel_loop3A_231 = vector.shape_cast %parallel_loop3A_230 : vector<1x16xf32> to vector<16xf32>
          %parallel_loop3A_232 = vector.shape_cast %parallel_loop3A_227 : vector<16xf32> to vector<1x16xf32>
          tpu.vector_store %arg12[%parallel_loop3A_228, %parallel_loop3A_229], %parallel_loop3A_232 {strides = array<i32>} : memref<80x128xf32, #tpu.memory_space<vmem>>, vector<1x16xf32>,
          %parallel_loop3A_233 = arith.index_cast %parallel_loop3A_145 : i32 to index
          %parallel_loop3A_234 = arith.constant 80 : index
          %parallel_loop3A_235 = tpu.vector_load %arg12[%parallel_loop3A_233, %parallel_loop3A_234] {strides = array<i32>} : memref<80x128xf32, #tpu.memory_space<vmem>>, vector<1x16xf32>,
          %parallel_loop3A_236 = vector.shape_cast %parallel_loop3A_235 : vector<1x16xf32> to vector<16xf32>
          %parallel_loop3A_237 = arith.mulf %parallel_loop3A_236, %parallel_loop3A_182 : vector<16xf32>
          %parallel_loop3A_238 = arith.index_cast %parallel_loop3A_145 : i32 to index
          %parallel_loop3A_239 = arith.constant 80 : index
          %parallel_loop3A_240 = tpu.vector_load %arg12[%parallel_loop3A_238, %parallel_loop3A_239] {strides = array<i32>} : memref<80x128xf32, #tpu.memory_space<vmem>>, vector<1x16xf32>,
          %parallel_loop3A_241 = vector.shape_cast %parallel_loop3A_240 : vector<1x16xf32> to vector<16xf32>
          %parallel_loop3A_242 = vector.shape_cast %parallel_loop3A_237 : vector<16xf32> to vector<1x16xf32>
          tpu.vector_store %arg12[%parallel_loop3A_238, %parallel_loop3A_239], %parallel_loop3A_242 {strides = array<i32>} : memref<80x128xf32, #tpu.memory_space<vmem>>, vector<1x16xf32>,
          %parallel_loop3A_243 = arith.index_cast %parallel_loop3A_145 : i32 to index
          %parallel_loop3A_244 = arith.constant 96 : index
          %parallel_loop3A_245 = tpu.vector_load %arg12[%parallel_loop3A_243, %parallel_loop3A_244] {strides = array<i32>} : memref<80x128xf32, #tpu.memory_space<vmem>>, vector<1x16xf32>,
          %parallel_loop3A_246 = vector.shape_cast %parallel_loop3A_245 : vector<1x16xf32> to vector<16xf32>
          %parallel_loop3A_247 = arith.mulf %parallel_loop3A_246, %parallel_loop3A_182 : vector<16xf32>
          %parallel_loop3A_248 = arith.index_cast %parallel_loop3A_145 : i32 to index
          %parallel_loop3A_249 = arith.constant 96 : index
          %parallel_loop3A_250 = tpu.vector_load %arg12[%parallel_loop3A_248, %parallel_loop3A_249] {strides = array<i32>} : memref<80x128xf32, #tpu.memory_space<vmem>>, vector<1x16xf32>,
          %parallel_loop3A_251 = vector.shape_cast %parallel_loop3A_250 : vector<1x16xf32> to vector<16xf32>
          %parallel_loop3A_252 = vector.shape_cast %parallel_loop3A_247 : vector<16xf32> to vector<1x16xf32>
          tpu.vector_store %arg12[%parallel_loop3A_248, %parallel_loop3A_249], %parallel_loop3A_252 {strides = array<i32>} : memref<80x128xf32, #tpu.memory_space<vmem>>, vector<1x16xf32>,
          %parallel_loop3A_253 = arith.index_cast %parallel_loop3A_145 : i32 to index
          %parallel_loop3A_254 = arith.constant 112 : index
          %parallel_loop3A_255 = tpu.vector_load %arg12[%parallel_loop3A_253, %parallel_loop3A_254] {strides = array<i32>} : memref<80x128xf32, #tpu.memory_space<vmem>>, vector<1x16xf32>,
          %parallel_loop3A_256 = vector.shape_cast %parallel_loop3A_255 : vector<1x16xf32> to vector<16xf32>
          %parallel_loop3A_257 = arith.mulf %parallel_loop3A_256, %parallel_loop3A_182 : vector<16xf32>
          %parallel_loop3A_258 = arith.index_cast %parallel_loop3A_145 : i32 to index
          %parallel_loop3A_259 = arith.constant 112 : index
          %parallel_loop3A_260 = tpu.vector_load %arg12[%parallel_loop3A_258, %parallel_loop3A_259] {strides = array<i32>} : memref<80x128xf32, #tpu.memory_space<vmem>>, vector<1x16xf32>,
          %parallel_loop3A_261 = vector.shape_cast %parallel_loop3A_260 : vector<1x16xf32> to vector<16xf32>
          %parallel_loop3A_262 = vector.shape_cast %parallel_loop3A_257 : vector<16xf32> to vector<1x16xf32>
          tpu.vector_store %arg12[%parallel_loop3A_258, %parallel_loop3A_259], %parallel_loop3A_262 {strides = array<i32>} : memref<80x128xf32, #tpu.memory_space<vmem>>, vector<1x16xf32>,
        } {sc.loop_unroll_factor = 4 : i64, sc.parallel_access}
        "tpu.region"() ({
          %run_scoped3A = tpu.sem_alloc : memref<!tpu.dma_semaphore, #tpu.memory_space<semaphore_mem>>
          %dma_start3A_145 = arith.constant 0 : i32
          %dma_start3A_146 = arith.constant 0 : i32
          %dma_start3A_147 = tpu.memref_slice %arg15[%dma_start3A_145, %dma_start3A_146] : memref<1024x128xf32, #tpu.memory_space<vmem_shared>> -> memref<1024x128xf32, #tpu.memory_space<vmem_shared>>
          tpu.enqueue_indirect_dma source(%arg12 : memref<80x128xf32, #tpu.memory_space<vmem>>) target(%dma_start3A_147 : memref<1024x128xf32, #tpu.memory_space<vmem_shared>>) offsets(%arg8 : memref<80xi32, #tpu.memory_space<vmem>>) semaphore(%run_scoped3A : memref<!tpu.dma_semaphore, #tpu.memory_space<semaphore_mem>>) {add = true}
          %dma_wait3A_148 = arith.constant 0 : i32
          %dma_wait3A_149 = arith.constant 0 : i32
          %dma_wait3A_150 = tpu.memref_slice %arg15[%dma_wait3A_148, %dma_wait3A_149] : memref<1024x128xf32, #tpu.memory_space<vmem_shared>> -> memref<1024x128xf32, #tpu.memory_space<vmem_shared>>
          tpu.wait_indirect_dma semaphore(%run_scoped3A : memref<!tpu.dma_semaphore, #tpu.memory_space<semaphore_mem>>) src(%arg12 : memref<80x128xf32, #tpu.memory_space<vmem>>) dst(%dma_wait3A_150 : memref<1024x128xf32, #tpu.memory_space<vmem_shared>>)
          tpu.yield
        }) : () -> ()
        "tpu.region"() ({
          %run_scoped3A = tpu.sem_alloc : memref<!tpu.dma_semaphore, #tpu.memory_space<semaphore_mem>>
          %dma_start3A_145 = arith.constant 0 : i32
          %dma_start3A_146 = tpu.memref_slice %arg16[%dma_start3A_145] : memref<1024xf32, #tpu.memory_space<vmem_shared>> -> memref<1024xf32, #tpu.memory_space<vmem_shared>>
          tpu.enqueue_indirect_dma source(%arg10 : memref<80xf32, #tpu.memory_space<vmem>>) target(%dma_start3A_146 : memref<1024xf32, #tpu.memory_space<vmem_shared>>) offsets(%arg8 : memref<80xi32, #tpu.memory_space<vmem>>) semaphore(%run_scoped3A : memref<!tpu.dma_semaphore, #tpu.memory_space<semaphore_mem>>) {add = true}
          %dma_wait3A_147 = arith.constant 0 : i32
          %dma_wait3A_148 = tpu.memref_slice %arg16[%dma_wait3A_147] : memref<1024xf32, #tpu.memory_space<vmem_shared>> -> memref<1024xf32, #tpu.memory_space<vmem_shared>>
          tpu.wait_indirect_dma semaphore(%run_scoped3A : memref<!tpu.dma_semaphore, #tpu.memory_space<semaphore_mem>>) src(%arg10 : memref<80xf32, #tpu.memory_space<vmem>>) dst(%dma_wait3A_148 : memref<1024xf32, #tpu.memory_space<vmem_shared>>)
          tpu.yield
        }) : () -> ()
      } else {
      }
      %jit3A_100 = arith.constant 2 : i32
      %eq3A_101 = arith.constant 0 : i32
      %eq3A_102 = arith.cmpi eq, %jit3A_100, %eq3A_101 : i32
      %jit3A_103 = arith.constant 1 : i32
      %select_n3A_104 = arith.select %eq3A_102, %jit3A_103, %jit3A_100 : i32
      %rem3A_105 = arith.remsi %while3A_82, %select_n3A_104 : i32
      %ne3A_106 = arith.constant 0 : i32
      %ne3A_107 = arith.cmpi ne, %rem3A_105, %ne3A_106 : i32
      %lt3A_108 = arith.constant 0 : i32
      %lt3A_109 = arith.cmpi slt, %rem3A_105, %lt3A_108 : i32
      %lt3A_110 = arith.constant 0 : i32
      %lt3A_111 = arith.cmpi slt, %select_n3A_104, %lt3A_110 : i32
      %ne3A_112 = arith.xori %lt3A_109, %lt3A_111 : i1
      %and3A_113 = arith.andi %ne3A_112, %ne3A_107 : i1
      %add3A_114 = arith.addi %rem3A_105, %select_n3A_104 : i32
      %select_n3A_115 = arith.select %and3A_113, %add3A_114, %rem3A_105 : i32
      %eq3A_116 = arith.constant 1 : i32
      %eq3A_117 = arith.cmpi eq, %select_n3A_115, %eq3A_116 : i32
      %convert_element_type3A_118 = arith.extui %eq3A_117 : i1 to i32
      %cond3A_119 = arith.constant 0 : i32
      %cond3A_120 = arith.cmpi ne, %convert_element_type3A_118, %cond3A_119 : i32
      scf.if %cond3A_120 {
        %add3A_121 = arith.constant 625 : i32
        %add3A_122 = arith.addi %add3A_121, %add3A : i32
        %mul3A_123 = arith.constant 32 : i32
        %mul3A_124 = arith.muli %while3A_82, %mul3A_123 : i32
        %add3A_125 = arith.addi %add3A_122, %mul3A_124 : i32
        %mul3A_126 = arith.constant 80 : i32
        %mul3A_127 = arith.muli %add3A_125, %mul3A_126 : i32
        %sub3A_128 = arith.constant 48640 : i32
        %sub3A_129 = arith.subi %mul3A_127, %sub3A_128 : i32
        %dma_wait3A = tpu.memref_slice %arg3[%mul3A_127] : memref<100000xi32, #tpu.memory_space<hbm>> -> memref<80xi32, #tpu.memory_space<hbm>>
        %dma_wait3A_130 = tpu.memref_slice %arg3[%mul3A_127] : memref<100000xi32, #tpu.memory_space<hbm>> -> memref<80xi32, #tpu.memory_space<hbm>>
        tpu.wait_dma2 semaphore(%arg18 : memref<!tpu.dma_semaphore, #tpu.memory_space<semaphore_mem>>) src(%dma_wait3A_130 : memref<80xi32, #tpu.memory_space<hbm>>) dst(%arg9 : memref<80xi32, #tpu.memory_space<vmem>>)
        %dma_wait3A_131 = tpu.memref_slice %arg4[%sub3A_129] : memref<53760xf32, #tpu.memory_space<hbm>> -> memref<80xf32, #tpu.memory_space<hbm>>
        %dma_wait3A_132 = tpu.memref_slice %arg4[%sub3A_129] : memref<53760xf32, #tpu.memory_space<hbm>> -> memref<80xf32, #tpu.memory_space<hbm>>
        tpu.wait_dma2 semaphore(%arg18 : memref<!tpu.dma_semaphore, #tpu.memory_space<semaphore_mem>>) src(%dma_wait3A_132 : memref<80xf32, #tpu.memory_space<hbm>>) dst(%arg11 : memref<80xf32, #tpu.memory_space<vmem>>)
        %dma_wait3A_133 = arith.constant 0 : i32
        %dma_wait3A_134 = tpu.memref_slice %arg2[%mul3A_127, %dma_wait3A_133] : memref<100000x128xf32, #tpu.memory_space<hbm>> -> memref<80x128xf32, #tpu.memory_space<hbm>>
        %dma_wait3A_135 = arith.constant 0 : i32
        %dma_wait3A_136 = tpu.memref_slice %arg2[%mul3A_127, %dma_wait3A_135] : memref<100000x128xf32, #tpu.memory_space<hbm>> -> memref<80x128xf32, #tpu.memory_space<hbm>>
        tpu.wait_dma2 semaphore(%arg18 : memref<!tpu.dma_semaphore, #tpu.memory_space<semaphore_mem>>) src(%dma_wait3A_136 : memref<80x128xf32, #tpu.memory_space<hbm>>) dst(%arg13 : memref<80x128xf32, #tpu.memory_space<vmem>>)
        %add3A_137 = arith.constant 1 : i32
        %add3A_138 = arith.addi %while3A_82, %add3A_137 : i32
        %lt3A_139 = arith.cmpi slt, %add3A_138, %select_n3A : i32
        %convert_element_type3A_140 = arith.extui %lt3A_139 : i1 to i32
        %cond3A_141 = arith.constant 0 : i32
        %cond3A_142 = arith.cmpi ne, %convert_element_type3A_140, %cond3A_141 : i32
        scf.if %cond3A_142 {
          %add3A_145 = arith.constant 1 : i32
          %add3A_146 = arith.addi %while3A_82, %add3A_145 : i32
          %add3A_147 = arith.constant 625 : i32
          %add3A_148 = arith.addi %add3A_147, %add3A : i32
          %mul3A_149 = arith.constant 32 : i32
          %mul3A_150 = arith.muli %add3A_146, %mul3A_149 : i32
          %add3A_151 = arith.addi %add3A_148, %mul3A_150 : i32
          %mul3A_152 = arith.constant 80 : i32
          %mul3A_153 = arith.muli %add3A_151, %mul3A_152 : i32
          %sub3A_154 = arith.constant 48640 : i32
          %sub3A_155 = arith.subi %mul3A_153, %sub3A_154 : i32
          %dma_start3A_156 = tpu.memref_slice %arg3[%mul3A_153] : memref<100000xi32, #tpu.memory_space<hbm>> -> memref<80xi32, #tpu.memory_space<hbm>>
          %dma_start3A_157 = tpu.memref_slice %arg3[%mul3A_153] : memref<100000xi32, #tpu.memory_space<hbm>> -> memref<80xi32, #tpu.memory_space<hbm>>
          tpu.enqueue_dma source(%dma_start3A_157 : memref<80xi32, #tpu.memory_space<hbm>>) target(%arg8 : memref<80xi32, #tpu.memory_space<vmem>>) target_semaphore(%arg17 : memref<!tpu.dma_semaphore, #tpu.memory_space<semaphore_mem>>)
          %dma_start3A_158 = tpu.memref_slice %arg4[%sub3A_155] : memref<53760xf32, #tpu.memory_space<hbm>> -> memref<80xf32, #tpu.memory_space<hbm>>
          %dma_start3A_159 = tpu.memref_slice %arg4[%sub3A_155] : memref<53760xf32, #tpu.memory_space<hbm>> -> memref<80xf32, #tpu.memory_space<hbm>>
          tpu.enqueue_dma source(%dma_start3A_159 : memref<80xf32, #tpu.memory_space<hbm>>) target(%arg10 : memref<80xf32, #tpu.memory_space<vmem>>) target_semaphore(%arg17 : memref<!tpu.dma_semaphore, #tpu.memory_space<semaphore_mem>>)
          %dma_start3A_160 = arith.constant 0 : i32
          %dma_start3A_161 = tpu.memref_slice %arg2[%mul3A_153, %dma_start3A_160] : memref<100000x128xf32, #tpu.memory_space<hbm>> -> memref<80x128xf32, #tpu.memory_space<hbm>>
          %dma_start3A_162 = arith.constant 0 : i32
          %dma_start3A_163 = tpu.memref_slice %arg2[%mul3A_153, %dma_start3A_162] : memref<100000x128xf32, #tpu.memory_space<hbm>> -> memref<80x128xf32, #tpu.memory_space<hbm>>
          tpu.enqueue_dma source(%dma_start3A_163 : memref<80x128xf32, #tpu.memory_space<hbm>>) target(%arg12 : memref<80x128xf32, #tpu.memory_space<vmem>>) target_semaphore(%arg17 : memref<!tpu.dma_semaphore, #tpu.memory_space<semaphore_mem>>)
        } else {
        }
        %parallel_loop3A = arith.constant 0 : i32
        %parallel_loop3A_143 = arith.constant 80 : i32
        %parallel_loop3A_144 = arith.constant 1 : i32
        scf.for %parallel_loop3A_145 = %parallel_loop3A to %parallel_loop3A_143 step %parallel_loop3A_144  : i32 {
          %parallel_loop3A_146 = arith.constant 16 : i32
          %parallel_loop3A_147 = arith.divsi %parallel_loop3A_145, %parallel_loop3A_146 : i32
          %parallel_loop3A_148 = arith.constant 0 : i32
          %parallel_loop3A_149 = arith.cmpi sgt, %parallel_loop3A_145, %parallel_loop3A_148 : i32
          %parallel_loop3A_150 = arith.extui %parallel_loop3A_149 : i1 to i32
          %parallel_loop3A_151 = arith.constant 0 : i32
          %parallel_loop3A_152 = arith.cmpi slt, %parallel_loop3A_145, %parallel_loop3A_151 : i32
          %parallel_loop3A_153 = arith.extui %parallel_loop3A_152 : i1 to i32
          %parallel_loop3A_154 = arith.subi %parallel_loop3A_150, %parallel_loop3A_153 : i32
          %parallel_loop3A_155 = arith.constant 0 : i32
          %parallel_loop3A_156 = arith.cmpi sgt, %parallel_loop3A_146, %parallel_loop3A_155 : i32
          %parallel_loop3A_157 = arith.extui %parallel_loop3A_156 : i1 to i32
          %parallel_loop3A_158 = arith.constant 0 : i32
          %parallel_loop3A_159 = arith.cmpi slt, %parallel_loop3A_146, %parallel_loop3A_158 : i32
          %parallel_loop3A_160 = arith.extui %parallel_loop3A_159 : i1 to i32
          %parallel_loop3A_161 = arith.subi %parallel_loop3A_157, %parallel_loop3A_160 : i32
          %parallel_loop3A_162 = arith.cmpi ne, %parallel_loop3A_154, %parallel_loop3A_161 : i32
          %parallel_loop3A_163 = arith.remsi %parallel_loop3A_145, %parallel_loop3A_146 : i32
          %parallel_loop3A_164 = arith.constant 0 : i32
          %parallel_loop3A_165 = arith.cmpi ne, %parallel_loop3A_163, %parallel_loop3A_164 : i32
          %parallel_loop3A_166 = arith.andi %parallel_loop3A_162, %parallel_loop3A_165 : i1
          %parallel_loop3A_167 = arith.constant 1 : i32
          %parallel_loop3A_168 = arith.subi %parallel_loop3A_147, %parallel_loop3A_167 : i32
          %parallel_loop3A_169 = arith.select %parallel_loop3A_166, %parallel_loop3A_168, %parallel_loop3A_147 : i32
          %parallel_loop3A_170 = arith.constant 16 : i32
          %parallel_loop3A_171 = arith.muli %parallel_loop3A_169, %parallel_loop3A_170 : i32
          %parallel_loop3A_172 = arith.index_cast %parallel_loop3A_171 : i32 to index
          %parallel_loop3A_173 = tpu.vector_load %arg11[%parallel_loop3A_172] {strides = array<i32>} : memref<80xf32, #tpu.memory_space<vmem>>, vector<16xf32>,
          %parallel_loop3A_174 = vector.shape_cast %parallel_loop3A_173 : vector<16xf32> to vector<16xf32>
          %parallel_loop3A_175 = arith.subi %parallel_loop3A_145, %parallel_loop3A_171 : i32
          %parallel_loop3A_176 = arith.constant 0 : i32
          %parallel_loop3A_177 = vector.broadcast %parallel_loop3A_176 : i32 to vector<16xi32>
          %parallel_loop3A_178 = vector.broadcast %parallel_loop3A_175 : i32 to vector<16xi32>
          %parallel_loop3A_179 = arith.addi %parallel_loop3A_177, %parallel_loop3A_178 : vector<16xi32>
          %parallel_loop3A_180 = vector.shape_cast %parallel_loop3A_179 : vector<16xi32> to vector<16x1xi32>
          %parallel_loop3A_181 = vector.shape_cast %parallel_loop3A_180 : vector<16x1xi32> to vector<16xi32>
          %parallel_loop3A_182 = tpu.dynamic_gather %parallel_loop3A_174[%parallel_loop3A_181] in [0] : vector<16xf32>, vector<16xi32> -> vector<16xf32>
          %parallel_loop3A_183 = arith.index_cast %parallel_loop3A_145 : i32 to index
          %parallel_loop3A_184 = arith.constant 0 : index
          %parallel_loop3A_185 = tpu.vector_load %arg13[%parallel_loop3A_183, %parallel_loop3A_184] {strides = array<i32>} : memref<80x128xf32, #tpu.memory_space<vmem>>, vector<1x16xf32>,
          %parallel_loop3A_186 = vector.shape_cast %parallel_loop3A_185 : vector<1x16xf32> to vector<16xf32>
          %parallel_loop3A_187 = arith.mulf %parallel_loop3A_186, %parallel_loop3A_182 : vector<16xf32>
          %parallel_loop3A_188 = arith.index_cast %parallel_loop3A_145 : i32 to index
          %parallel_loop3A_189 = arith.constant 0 : index
          %parallel_loop3A_190 = tpu.vector_load %arg13[%parallel_loop3A_188, %parallel_loop3A_189] {strides = array<i32>} : memref<80x128xf32, #tpu.memory_space<vmem>>, vector<1x16xf32>,
          %parallel_loop3A_191 = vector.shape_cast %parallel_loop3A_190 : vector<1x16xf32> to vector<16xf32>
          %parallel_loop3A_192 = vector.shape_cast %parallel_loop3A_187 : vector<16xf32> to vector<1x16xf32>
          tpu.vector_store %arg13[%parallel_loop3A_188, %parallel_loop3A_189], %parallel_loop3A_192 {strides = array<i32>} : memref<80x128xf32, #tpu.memory_space<vmem>>, vector<1x16xf32>,
          %parallel_loop3A_193 = arith.index_cast %parallel_loop3A_145 : i32 to index
          %parallel_loop3A_194 = arith.constant 16 : index
          %parallel_loop3A_195 = tpu.vector_load %arg13[%parallel_loop3A_193, %parallel_loop3A_194] {strides = array<i32>} : memref<80x128xf32, #tpu.memory_space<vmem>>, vector<1x16xf32>,
          %parallel_loop3A_196 = vector.shape_cast %parallel_loop3A_195 : vector<1x16xf32> to vector<16xf32>
          %parallel_loop3A_197 = arith.mulf %parallel_loop3A_196, %parallel_loop3A_182 : vector<16xf32>
          %parallel_loop3A_198 = arith.index_cast %parallel_loop3A_145 : i32 to index
          %parallel_loop3A_199 = arith.constant 16 : index
          %parallel_loop3A_200 = tpu.vector_load %arg13[%parallel_loop3A_198, %parallel_loop3A_199] {strides = array<i32>} : memref<80x128xf32, #tpu.memory_space<vmem>>, vector<1x16xf32>,
          %parallel_loop3A_201 = vector.shape_cast %parallel_loop3A_200 : vector<1x16xf32> to vector<16xf32>
          %parallel_loop3A_202 = vector.shape_cast %parallel_loop3A_197 : vector<16xf32> to vector<1x16xf32>
          tpu.vector_store %arg13[%parallel_loop3A_198, %parallel_loop3A_199], %parallel_loop3A_202 {strides = array<i32>} : memref<80x128xf32, #tpu.memory_space<vmem>>, vector<1x16xf32>,
          %parallel_loop3A_203 = arith.index_cast %parallel_loop3A_145 : i32 to index
          %parallel_loop3A_204 = arith.constant 32 : index
          %parallel_loop3A_205 = tpu.vector_load %arg13[%parallel_loop3A_203, %parallel_loop3A_204] {strides = array<i32>} : memref<80x128xf32, #tpu.memory_space<vmem>>, vector<1x16xf32>,
          %parallel_loop3A_206 = vector.shape_cast %parallel_loop3A_205 : vector<1x16xf32> to vector<16xf32>
          %parallel_loop3A_207 = arith.mulf %parallel_loop3A_206, %parallel_loop3A_182 : vector<16xf32>
          %parallel_loop3A_208 = arith.index_cast %parallel_loop3A_145 : i32 to index
          %parallel_loop3A_209 = arith.constant 32 : index
          %parallel_loop3A_210 = tpu.vector_load %arg13[%parallel_loop3A_208, %parallel_loop3A_209] {strides = array<i32>} : memref<80x128xf32, #tpu.memory_space<vmem>>, vector<1x16xf32>,
          %parallel_loop3A_211 = vector.shape_cast %parallel_loop3A_210 : vector<1x16xf32> to vector<16xf32>
          %parallel_loop3A_212 = vector.shape_cast %parallel_loop3A_207 : vector<16xf32> to vector<1x16xf32>
          tpu.vector_store %arg13[%parallel_loop3A_208, %parallel_loop3A_209], %parallel_loop3A_212 {strides = array<i32>} : memref<80x128xf32, #tpu.memory_space<vmem>>, vector<1x16xf32>,
          %parallel_loop3A_213 = arith.index_cast %parallel_loop3A_145 : i32 to index
          %parallel_loop3A_214 = arith.constant 48 : index
          %parallel_loop3A_215 = tpu.vector_load %arg13[%parallel_loop3A_213, %parallel_loop3A_214] {strides = array<i32>} : memref<80x128xf32, #tpu.memory_space<vmem>>, vector<1x16xf32>,
          %parallel_loop3A_216 = vector.shape_cast %parallel_loop3A_215 : vector<1x16xf32> to vector<16xf32>
          %parallel_loop3A_217 = arith.mulf %parallel_loop3A_216, %parallel_loop3A_182 : vector<16xf32>
          %parallel_loop3A_218 = arith.index_cast %parallel_loop3A_145 : i32 to index
          %parallel_loop3A_219 = arith.constant 48 : index
          %parallel_loop3A_220 = tpu.vector_load %arg13[%parallel_loop3A_218, %parallel_loop3A_219] {strides = array<i32>} : memref<80x128xf32, #tpu.memory_space<vmem>>, vector<1x16xf32>,
          %parallel_loop3A_221 = vector.shape_cast %parallel_loop3A_220 : vector<1x16xf32> to vector<16xf32>
          %parallel_loop3A_222 = vector.shape_cast %parallel_loop3A_217 : vector<16xf32> to vector<1x16xf32>
          tpu.vector_store %arg13[%parallel_loop3A_218, %parallel_loop3A_219], %parallel_loop3A_222 {strides = array<i32>} : memref<80x128xf32, #tpu.memory_space<vmem>>, vector<1x16xf32>,
          %parallel_loop3A_223 = arith.index_cast %parallel_loop3A_145 : i32 to index
          %parallel_loop3A_224 = arith.constant 64 : index
          %parallel_loop3A_225 = tpu.vector_load %arg13[%parallel_loop3A_223, %parallel_loop3A_224] {strides = array<i32>} : memref<80x128xf32, #tpu.memory_space<vmem>>, vector<1x16xf32>,
          %parallel_loop3A_226 = vector.shape_cast %parallel_loop3A_225 : vector<1x16xf32> to vector<16xf32>
          %parallel_loop3A_227 = arith.mulf %parallel_loop3A_226, %parallel_loop3A_182 : vector<16xf32>
          %parallel_loop3A_228 = arith.index_cast %parallel_loop3A_145 : i32 to index
          %parallel_loop3A_229 = arith.constant 64 : index
          %parallel_loop3A_230 = tpu.vector_load %arg13[%parallel_loop3A_228, %parallel_loop3A_229] {strides = array<i32>} : memref<80x128xf32, #tpu.memory_space<vmem>>, vector<1x16xf32>,
          %parallel_loop3A_231 = vector.shape_cast %parallel_loop3A_230 : vector<1x16xf32> to vector<16xf32>
          %parallel_loop3A_232 = vector.shape_cast %parallel_loop3A_227 : vector<16xf32> to vector<1x16xf32>
          tpu.vector_store %arg13[%parallel_loop3A_228, %parallel_loop3A_229], %parallel_loop3A_232 {strides = array<i32>} : memref<80x128xf32, #tpu.memory_space<vmem>>, vector<1x16xf32>,
          %parallel_loop3A_233 = arith.index_cast %parallel_loop3A_145 : i32 to index
          %parallel_loop3A_234 = arith.constant 80 : index
          %parallel_loop3A_235 = tpu.vector_load %arg13[%parallel_loop3A_233, %parallel_loop3A_234] {strides = array<i32>} : memref<80x128xf32, #tpu.memory_space<vmem>>, vector<1x16xf32>,
          %parallel_loop3A_236 = vector.shape_cast %parallel_loop3A_235 : vector<1x16xf32> to vector<16xf32>
          %parallel_loop3A_237 = arith.mulf %parallel_loop3A_236, %parallel_loop3A_182 : vector<16xf32>
          %parallel_loop3A_238 = arith.index_cast %parallel_loop3A_145 : i32 to index
          %parallel_loop3A_239 = arith.constant 80 : index
          %parallel_loop3A_240 = tpu.vector_load %arg13[%parallel_loop3A_238, %parallel_loop3A_239] {strides = array<i32>} : memref<80x128xf32, #tpu.memory_space<vmem>>, vector<1x16xf32>,
          %parallel_loop3A_241 = vector.shape_cast %parallel_loop3A_240 : vector<1x16xf32> to vector<16xf32>
          %parallel_loop3A_242 = vector.shape_cast %parallel_loop3A_237 : vector<16xf32> to vector<1x16xf32>
          tpu.vector_store %arg13[%parallel_loop3A_238, %parallel_loop3A_239], %parallel_loop3A_242 {strides = array<i32>} : memref<80x128xf32, #tpu.memory_space<vmem>>, vector<1x16xf32>,
          %parallel_loop3A_243 = arith.index_cast %parallel_loop3A_145 : i32 to index
          %parallel_loop3A_244 = arith.constant 96 : index
          %parallel_loop3A_245 = tpu.vector_load %arg13[%parallel_loop3A_243, %parallel_loop3A_244] {strides = array<i32>} : memref<80x128xf32, #tpu.memory_space<vmem>>, vector<1x16xf32>,
          %parallel_loop3A_246 = vector.shape_cast %parallel_loop3A_245 : vector<1x16xf32> to vector<16xf32>
          %parallel_loop3A_247 = arith.mulf %parallel_loop3A_246, %parallel_loop3A_182 : vector<16xf32>
          %parallel_loop3A_248 = arith.index_cast %parallel_loop3A_145 : i32 to index
          %parallel_loop3A_249 = arith.constant 96 : index
          %parallel_loop3A_250 = tpu.vector_load %arg13[%parallel_loop3A_248, %parallel_loop3A_249] {strides = array<i32>} : memref<80x128xf32, #tpu.memory_space<vmem>>, vector<1x16xf32>,
          %parallel_loop3A_251 = vector.shape_cast %parallel_loop3A_250 : vector<1x16xf32> to vector<16xf32>
          %parallel_loop3A_252 = vector.shape_cast %parallel_loop3A_247 : vector<16xf32> to vector<1x16xf32>
          tpu.vector_store %arg13[%parallel_loop3A_248, %parallel_loop3A_249], %parallel_loop3A_252 {strides = array<i32>} : memref<80x128xf32, #tpu.memory_space<vmem>>, vector<1x16xf32>,
          %parallel_loop3A_253 = arith.index_cast %parallel_loop3A_145 : i32 to index
          %parallel_loop3A_254 = arith.constant 112 : index
          %parallel_loop3A_255 = tpu.vector_load %arg13[%parallel_loop3A_253, %parallel_loop3A_254] {strides = array<i32>} : memref<80x128xf32, #tpu.memory_space<vmem>>, vector<1x16xf32>,
          %parallel_loop3A_256 = vector.shape_cast %parallel_loop3A_255 : vector<1x16xf32> to vector<16xf32>
          %parallel_loop3A_257 = arith.mulf %parallel_loop3A_256, %parallel_loop3A_182 : vector<16xf32>
          %parallel_loop3A_258 = arith.index_cast %parallel_loop3A_145 : i32 to index
          %parallel_loop3A_259 = arith.constant 112 : index
          %parallel_loop3A_260 = tpu.vector_load %arg13[%parallel_loop3A_258, %parallel_loop3A_259] {strides = array<i32>} : memref<80x128xf32, #tpu.memory_space<vmem>>, vector<1x16xf32>,
          %parallel_loop3A_261 = vector.shape_cast %parallel_loop3A_260 : vector<1x16xf32> to vector<16xf32>
          %parallel_loop3A_262 = vector.shape_cast %parallel_loop3A_257 : vector<16xf32> to vector<1x16xf32>
          tpu.vector_store %arg13[%parallel_loop3A_258, %parallel_loop3A_259], %parallel_loop3A_262 {strides = array<i32>} : memref<80x128xf32, #tpu.memory_space<vmem>>, vector<1x16xf32>,
        } {sc.loop_unroll_factor = 4 : i64, sc.parallel_access}
        "tpu.region"() ({
          %run_scoped3A = tpu.sem_alloc : memref<!tpu.dma_semaphore, #tpu.memory_space<semaphore_mem>>
          %dma_start3A_145 = arith.constant 0 : i32
          %dma_start3A_146 = arith.constant 0 : i32
          %dma_start3A_147 = tpu.memref_slice %arg15[%dma_start3A_145, %dma_start3A_146] : memref<1024x128xf32, #tpu.memory_space<vmem_shared>> -> memref<1024x128xf32, #tpu.memory_space<vmem_shared>>
          tpu.enqueue_indirect_dma source(%arg13 : memref<80x128xf32, #tpu.memory_space<vmem>>) target(%dma_start3A_147 : memref<1024x128xf32, #tpu.memory_space<vmem_shared>>) offsets(%arg9 : memref<80xi32, #tpu.memory_space<vmem>>) semaphore(%run_scoped3A : memref<!tpu.dma_semaphore, #tpu.memory_space<semaphore_mem>>) {add = true}
          %dma_wait3A_148 = arith.constant 0 : i32
          %dma_wait3A_149 = arith.constant 0 : i32
          %dma_wait3A_150 = tpu.memref_slice %arg15[%dma_wait3A_148, %dma_wait3A_149] : memref<1024x128xf32, #tpu.memory_space<vmem_shared>> -> memref<1024x128xf32, #tpu.memory_space<vmem_shared>>
          tpu.wait_indirect_dma semaphore(%run_scoped3A : memref<!tpu.dma_semaphore, #tpu.memory_space<semaphore_mem>>) src(%arg13 : memref<80x128xf32, #tpu.memory_space<vmem>>) dst(%dma_wait3A_150 : memref<1024x128xf32, #tpu.memory_space<vmem_shared>>)
          tpu.yield
        }) : () -> ()
        "tpu.region"() ({
          %run_scoped3A = tpu.sem_alloc : memref<!tpu.dma_semaphore, #tpu.memory_space<semaphore_mem>>
          %dma_start3A_145 = arith.constant 0 : i32
          %dma_start3A_146 = tpu.memref_slice %arg16[%dma_start3A_145] : memref<1024xf32, #tpu.memory_space<vmem_shared>> -> memref<1024xf32, #tpu.memory_space<vmem_shared>>
          tpu.enqueue_indirect_dma source(%arg11 : memref<80xf32, #tpu.memory_space<vmem>>) target(%dma_start3A_146 : memref<1024xf32, #tpu.memory_space<vmem_shared>>) offsets(%arg9 : memref<80xi32, #tpu.memory_space<vmem>>) semaphore(%run_scoped3A : memref<!tpu.dma_semaphore, #tpu.memory_space<semaphore_mem>>) {add = true}
          %dma_wait3A_147 = arith.constant 0 : i32
          %dma_wait3A_148 = tpu.memref_slice %arg16[%dma_wait3A_147] : memref<1024xf32, #tpu.memory_space<vmem_shared>> -> memref<1024xf32, #tpu.memory_space<vmem_shared>>
          tpu.wait_indirect_dma semaphore(%run_scoped3A : memref<!tpu.dma_semaphore, #tpu.memory_space<semaphore_mem>>) src(%arg11 : memref<80xf32, #tpu.memory_space<vmem>>) dst(%dma_wait3A_148 : memref<1024xf32, #tpu.memory_space<vmem_shared>>)
          tpu.yield
        }) : () -> ()
      } else {
      }
    }
    %while3A_72 = arith.constant 1 : i32
    scf.for %while3A_82 = %while3A_70 to %while3A_66 step %while3A_72  : i32 {
      %jit3A_83 = arith.constant 2 : i32
      %eq3A = arith.constant 0 : i32
      %eq3A_84 = arith.cmpi eq, %jit3A_83, %eq3A : i32
      %jit3A_85 = arith.constant 1 : i32
      %select_n3A_86 = arith.select %eq3A_84, %jit3A_85, %jit3A_83 : i32
      %rem3A_87 = arith.remsi %while3A_82, %select_n3A_86 : i32
      %ne3A_88 = arith.constant 0 : i32
      %ne3A_89 = arith.cmpi ne, %rem3A_87, %ne3A_88 : i32
      %lt3A = arith.constant 0 : i32
      %lt3A_90 = arith.cmpi slt, %rem3A_87, %lt3A : i32
      %lt3A_91 = arith.constant 0 : i32
      %lt3A_92 = arith.cmpi slt, %select_n3A_86, %lt3A_91 : i32
      %ne3A_93 = arith.xori %lt3A_90, %lt3A_92 : i1
      %and3A_94 = arith.andi %ne3A_93, %ne3A_89 : i1
      %add3A_95 = arith.addi %rem3A_87, %select_n3A_86 : i32
      %select_n3A_96 = arith.select %and3A_94, %add3A_95, %rem3A_87 : i32
      %eq3A_97 = arith.constant 0 : i32
      %eq3A_98 = arith.cmpi eq, %select_n3A_96, %eq3A_97 : i32
      %convert_element_type3A = arith.extui %eq3A_98 : i1 to i32
      %cond3A = arith.constant 0 : i32
      %cond3A_99 = arith.cmpi ne, %convert_element_type3A, %cond3A : i32
      scf.if %cond3A_99 {
        %add3A_121 = arith.constant 625 : i32
        %add3A_122 = arith.addi %add3A_121, %add3A : i32
        %mul3A_123 = arith.constant 32 : i32
        %mul3A_124 = arith.muli %while3A_82, %mul3A_123 : i32
        %add3A_125 = arith.addi %add3A_122, %mul3A_124 : i32
        %mul3A_126 = arith.constant 80 : i32
        %mul3A_127 = arith.muli %add3A_125, %mul3A_126 : i32
        %sub3A_128 = arith.constant 48640 : i32
        %sub3A_129 = arith.subi %mul3A_127, %sub3A_128 : i32
        %dma_wait3A = tpu.memref_slice %arg3[%mul3A_127] : memref<100000xi32, #tpu.memory_space<hbm>> -> memref<80xi32, #tpu.memory_space<hbm>>
        %dma_wait3A_130 = tpu.memref_slice %arg3[%mul3A_127] : memref<100000xi32, #tpu.memory_space<hbm>> -> memref<80xi32, #tpu.memory_space<hbm>>
        tpu.wait_dma2 semaphore(%arg17 : memref<!tpu.dma_semaphore, #tpu.memory_space<semaphore_mem>>) src(%dma_wait3A_130 : memref<80xi32, #tpu.memory_space<hbm>>) dst(%arg8 : memref<80xi32, #tpu.memory_space<vmem>>)
        %dma_wait3A_131 = tpu.memref_slice %arg4[%sub3A_129] : memref<53760xf32, #tpu.memory_space<hbm>> -> memref<80xf32, #tpu.memory_space<hbm>>
        %dma_wait3A_132 = tpu.memref_slice %arg4[%sub3A_129] : memref<53760xf32, #tpu.memory_space<hbm>> -> memref<80xf32, #tpu.memory_space<hbm>>
        tpu.wait_dma2 semaphore(%arg17 : memref<!tpu.dma_semaphore, #tpu.memory_space<semaphore_mem>>) src(%dma_wait3A_132 : memref<80xf32, #tpu.memory_space<hbm>>) dst(%arg10 : memref<80xf32, #tpu.memory_space<vmem>>)
        %dma_wait3A_133 = arith.constant 0 : i32
        %dma_wait3A_134 = tpu.memref_slice %arg2[%mul3A_127, %dma_wait3A_133] : memref<100000x128xf32, #tpu.memory_space<hbm>> -> memref<80x128xf32, #tpu.memory_space<hbm>>
        %dma_wait3A_135 = arith.constant 0 : i32
        %dma_wait3A_136 = tpu.memref_slice %arg2[%mul3A_127, %dma_wait3A_135] : memref<100000x128xf32, #tpu.memory_space<hbm>> -> memref<80x128xf32, #tpu.memory_space<hbm>>
        tpu.wait_dma2 semaphore(%arg17 : memref<!tpu.dma_semaphore, #tpu.memory_space<semaphore_mem>>) src(%dma_wait3A_136 : memref<80x128xf32, #tpu.memory_space<hbm>>) dst(%arg12 : memref<80x128xf32, #tpu.memory_space<vmem>>)
        %add3A_137 = arith.constant 1 : i32
        %add3A_138 = arith.addi %while3A_82, %add3A_137 : i32
        %lt3A_139 = arith.cmpi slt, %add3A_138, %select_n3A : i32
        %convert_element_type3A_140 = arith.extui %lt3A_139 : i1 to i32
        %cond3A_141 = arith.constant 0 : i32
        %cond3A_142 = arith.cmpi ne, %convert_element_type3A_140, %cond3A_141 : i32
        scf.if %cond3A_142 {
          %add3A_145 = arith.constant 1 : i32
          %add3A_146 = arith.addi %while3A_82, %add3A_145 : i32
          %add3A_147 = arith.constant 625 : i32
          %add3A_148 = arith.addi %add3A_147, %add3A : i32
          %mul3A_149 = arith.constant 32 : i32
          %mul3A_150 = arith.muli %add3A_146, %mul3A_149 : i32
          %add3A_151 = arith.addi %add3A_148, %mul3A_150 : i32
          %mul3A_152 = arith.constant 80 : i32
          %mul3A_153 = arith.muli %add3A_151, %mul3A_152 : i32
          %sub3A_154 = arith.constant 48640 : i32
          %sub3A_155 = arith.subi %mul3A_153, %sub3A_154 : i32
          %dma_start3A_156 = tpu.memref_slice %arg3[%mul3A_153] : memref<100000xi32, #tpu.memory_space<hbm>> -> memref<80xi32, #tpu.memory_space<hbm>>
          %dma_start3A_157 = tpu.memref_slice %arg3[%mul3A_153] : memref<100000xi32, #tpu.memory_space<hbm>> -> memref<80xi32, #tpu.memory_space<hbm>>
          tpu.enqueue_dma source(%dma_start3A_157 : memref<80xi32, #tpu.memory_space<hbm>>) target(%arg9 : memref<80xi32, #tpu.memory_space<vmem>>) target_semaphore(%arg18 : memref<!tpu.dma_semaphore, #tpu.memory_space<semaphore_mem>>)
          %dma_start3A_158 = tpu.memref_slice %arg4[%sub3A_155] : memref<53760xf32, #tpu.memory_space<hbm>> -> memref<80xf32, #tpu.memory_space<hbm>>
          %dma_start3A_159 = tpu.memref_slice %arg4[%sub3A_155] : memref<53760xf32, #tpu.memory_space<hbm>> -> memref<80xf32, #tpu.memory_space<hbm>>
          tpu.enqueue_dma source(%dma_start3A_159 : memref<80xf32, #tpu.memory_space<hbm>>) target(%arg11 : memref<80xf32, #tpu.memory_space<vmem>>) target_semaphore(%arg18 : memref<!tpu.dma_semaphore, #tpu.memory_space<semaphore_mem>>)
          %dma_start3A_160 = arith.constant 0 : i32
          %dma_start3A_161 = tpu.memref_slice %arg2[%mul3A_153, %dma_start3A_160] : memref<100000x128xf32, #tpu.memory_space<hbm>> -> memref<80x128xf32, #tpu.memory_space<hbm>>
          %dma_start3A_162 = arith.constant 0 : i32
          %dma_start3A_163 = tpu.memref_slice %arg2[%mul3A_153, %dma_start3A_162] : memref<100000x128xf32, #tpu.memory_space<hbm>> -> memref<80x128xf32, #tpu.memory_space<hbm>>
          tpu.enqueue_dma source(%dma_start3A_163 : memref<80x128xf32, #tpu.memory_space<hbm>>) target(%arg13 : memref<80x128xf32, #tpu.memory_space<vmem>>) target_semaphore(%arg18 : memref<!tpu.dma_semaphore, #tpu.memory_space<semaphore_mem>>)
        } else {
        }
        %parallel_loop3A = arith.constant 0 : i32
        %parallel_loop3A_143 = arith.constant 80 : i32
        %parallel_loop3A_144 = arith.constant 1 : i32
        scf.for %parallel_loop3A_145 = %parallel_loop3A to %parallel_loop3A_143 step %parallel_loop3A_144  : i32 {
          %parallel_loop3A_146 = arith.constant 16 : i32
          %parallel_loop3A_147 = arith.divsi %parallel_loop3A_145, %parallel_loop3A_146 : i32
          %parallel_loop3A_148 = arith.constant 0 : i32
          %parallel_loop3A_149 = arith.cmpi sgt, %parallel_loop3A_145, %parallel_loop3A_148 : i32
          %parallel_loop3A_150 = arith.extui %parallel_loop3A_149 : i1 to i32
          %parallel_loop3A_151 = arith.constant 0 : i32
          %parallel_loop3A_152 = arith.cmpi slt, %parallel_loop3A_145, %parallel_loop3A_151 : i32
          %parallel_loop3A_153 = arith.extui %parallel_loop3A_152 : i1 to i32
          %parallel_loop3A_154 = arith.subi %parallel_loop3A_150, %parallel_loop3A_153 : i32
          %parallel_loop3A_155 = arith.constant 0 : i32
          %parallel_loop3A_156 = arith.cmpi sgt, %parallel_loop3A_146, %parallel_loop3A_155 : i32
          %parallel_loop3A_157 = arith.extui %parallel_loop3A_156 : i1 to i32
          %parallel_loop3A_158 = arith.constant 0 : i32
          %parallel_loop3A_159 = arith.cmpi slt, %parallel_loop3A_146, %parallel_loop3A_158 : i32
          %parallel_loop3A_160 = arith.extui %parallel_loop3A_159 : i1 to i32
          %parallel_loop3A_161 = arith.subi %parallel_loop3A_157, %parallel_loop3A_160 : i32
          %parallel_loop3A_162 = arith.cmpi ne, %parallel_loop3A_154, %parallel_loop3A_161 : i32
          %parallel_loop3A_163 = arith.remsi %parallel_loop3A_145, %parallel_loop3A_146 : i32
          %parallel_loop3A_164 = arith.constant 0 : i32
          %parallel_loop3A_165 = arith.cmpi ne, %parallel_loop3A_163, %parallel_loop3A_164 : i32
          %parallel_loop3A_166 = arith.andi %parallel_loop3A_162, %parallel_loop3A_165 : i1
          %parallel_loop3A_167 = arith.constant 1 : i32
          %parallel_loop3A_168 = arith.subi %parallel_loop3A_147, %parallel_loop3A_167 : i32
          %parallel_loop3A_169 = arith.select %parallel_loop3A_166, %parallel_loop3A_168, %parallel_loop3A_147 : i32
          %parallel_loop3A_170 = arith.constant 16 : i32
          %parallel_loop3A_171 = arith.muli %parallel_loop3A_169, %parallel_loop3A_170 : i32
          %parallel_loop3A_172 = arith.index_cast %parallel_loop3A_171 : i32 to index
          %parallel_loop3A_173 = tpu.vector_load %arg10[%parallel_loop3A_172] {strides = array<i32>} : memref<80xf32, #tpu.memory_space<vmem>>, vector<16xf32>,
          %parallel_loop3A_174 = vector.shape_cast %parallel_loop3A_173 : vector<16xf32> to vector<16xf32>
          %parallel_loop3A_175 = arith.subi %parallel_loop3A_145, %parallel_loop3A_171 : i32
          %parallel_loop3A_176 = arith.constant 0 : i32
          %parallel_loop3A_177 = vector.broadcast %parallel_loop3A_176 : i32 to vector<16xi32>
          %parallel_loop3A_178 = vector.broadcast %parallel_loop3A_175 : i32 to vector<16xi32>
          %parallel_loop3A_179 = arith.addi %parallel_loop3A_177, %parallel_loop3A_178 : vector<16xi32>
          %parallel_loop3A_180 = vector.shape_cast %parallel_loop3A_179 : vector<16xi32> to vector<16x1xi32>
          %parallel_loop3A_181 = vector.shape_cast %parallel_loop3A_180 : vector<16x1xi32> to vector<16xi32>
          %parallel_loop3A_182 = tpu.dynamic_gather %parallel_loop3A_174[%parallel_loop3A_181] in [0] : vector<16xf32>, vector<16xi32> -> vector<16xf32>
          %parallel_loop3A_183 = arith.index_cast %parallel_loop3A_145 : i32 to index
          %parallel_loop3A_184 = arith.constant 0 : index
          %parallel_loop3A_185 = tpu.vector_load %arg12[%parallel_loop3A_183, %parallel_loop3A_184] {strides = array<i32>} : memref<80x128xf32, #tpu.memory_space<vmem>>, vector<1x16xf32>,
          %parallel_loop3A_186 = vector.shape_cast %parallel_loop3A_185 : vector<1x16xf32> to vector<16xf32>
          %parallel_loop3A_187 = arith.mulf %parallel_loop3A_186, %parallel_loop3A_182 : vector<16xf32>
          %parallel_loop3A_188 = arith.index_cast %parallel_loop3A_145 : i32 to index
          %parallel_loop3A_189 = arith.constant 0 : index
          %parallel_loop3A_190 = tpu.vector_load %arg12[%parallel_loop3A_188, %parallel_loop3A_189] {strides = array<i32>} : memref<80x128xf32, #tpu.memory_space<vmem>>, vector<1x16xf32>,
          %parallel_loop3A_191 = vector.shape_cast %parallel_loop3A_190 : vector<1x16xf32> to vector<16xf32>
          %parallel_loop3A_192 = vector.shape_cast %parallel_loop3A_187 : vector<16xf32> to vector<1x16xf32>
          tpu.vector_store %arg12[%parallel_loop3A_188, %parallel_loop3A_189], %parallel_loop3A_192 {strides = array<i32>} : memref<80x128xf32, #tpu.memory_space<vmem>>, vector<1x16xf32>,
          %parallel_loop3A_193 = arith.index_cast %parallel_loop3A_145 : i32 to index
          %parallel_loop3A_194 = arith.constant 16 : index
          %parallel_loop3A_195 = tpu.vector_load %arg12[%parallel_loop3A_193, %parallel_loop3A_194] {strides = array<i32>} : memref<80x128xf32, #tpu.memory_space<vmem>>, vector<1x16xf32>,
          %parallel_loop3A_196 = vector.shape_cast %parallel_loop3A_195 : vector<1x16xf32> to vector<16xf32>
          %parallel_loop3A_197 = arith.mulf %parallel_loop3A_196, %parallel_loop3A_182 : vector<16xf32>
          %parallel_loop3A_198 = arith.index_cast %parallel_loop3A_145 : i32 to index
          %parallel_loop3A_199 = arith.constant 16 : index
          %parallel_loop3A_200 = tpu.vector_load %arg12[%parallel_loop3A_198, %parallel_loop3A_199] {strides = array<i32>} : memref<80x128xf32, #tpu.memory_space<vmem>>, vector<1x16xf32>,
          %parallel_loop3A_201 = vector.shape_cast %parallel_loop3A_200 : vector<1x16xf32> to vector<16xf32>
          %parallel_loop3A_202 = vector.shape_cast %parallel_loop3A_197 : vector<16xf32> to vector<1x16xf32>
          tpu.vector_store %arg12[%parallel_loop3A_198, %parallel_loop3A_199], %parallel_loop3A_202 {strides = array<i32>} : memref<80x128xf32, #tpu.memory_space<vmem>>, vector<1x16xf32>,
          %parallel_loop3A_203 = arith.index_cast %parallel_loop3A_145 : i32 to index
          %parallel_loop3A_204 = arith.constant 32 : index
          %parallel_loop3A_205 = tpu.vector_load %arg12[%parallel_loop3A_203, %parallel_loop3A_204] {strides = array<i32>} : memref<80x128xf32, #tpu.memory_space<vmem>>, vector<1x16xf32>,
          %parallel_loop3A_206 = vector.shape_cast %parallel_loop3A_205 : vector<1x16xf32> to vector<16xf32>
          %parallel_loop3A_207 = arith.mulf %parallel_loop3A_206, %parallel_loop3A_182 : vector<16xf32>
          %parallel_loop3A_208 = arith.index_cast %parallel_loop3A_145 : i32 to index
          %parallel_loop3A_209 = arith.constant 32 : index
          %parallel_loop3A_210 = tpu.vector_load %arg12[%parallel_loop3A_208, %parallel_loop3A_209] {strides = array<i32>} : memref<80x128xf32, #tpu.memory_space<vmem>>, vector<1x16xf32>,
          %parallel_loop3A_211 = vector.shape_cast %parallel_loop3A_210 : vector<1x16xf32> to vector<16xf32>
          %parallel_loop3A_212 = vector.shape_cast %parallel_loop3A_207 : vector<16xf32> to vector<1x16xf32>
          tpu.vector_store %arg12[%parallel_loop3A_208, %parallel_loop3A_209], %parallel_loop3A_212 {strides = array<i32>} : memref<80x128xf32, #tpu.memory_space<vmem>>, vector<1x16xf32>,
          %parallel_loop3A_213 = arith.index_cast %parallel_loop3A_145 : i32 to index
          %parallel_loop3A_214 = arith.constant 48 : index
          %parallel_loop3A_215 = tpu.vector_load %arg12[%parallel_loop3A_213, %parallel_loop3A_214] {strides = array<i32>} : memref<80x128xf32, #tpu.memory_space<vmem>>, vector<1x16xf32>,
          %parallel_loop3A_216 = vector.shape_cast %parallel_loop3A_215 : vector<1x16xf32> to vector<16xf32>
          %parallel_loop3A_217 = arith.mulf %parallel_loop3A_216, %parallel_loop3A_182 : vector<16xf32>
          %parallel_loop3A_218 = arith.index_cast %parallel_loop3A_145 : i32 to index
          %parallel_loop3A_219 = arith.constant 48 : index
          %parallel_loop3A_220 = tpu.vector_load %arg12[%parallel_loop3A_218, %parallel_loop3A_219] {strides = array<i32>} : memref<80x128xf32, #tpu.memory_space<vmem>>, vector<1x16xf32>,
          %parallel_loop3A_221 = vector.shape_cast %parallel_loop3A_220 : vector<1x16xf32> to vector<16xf32>
          %parallel_loop3A_222 = vector.shape_cast %parallel_loop3A_217 : vector<16xf32> to vector<1x16xf32>
          tpu.vector_store %arg12[%parallel_loop3A_218, %parallel_loop3A_219], %parallel_loop3A_222 {strides = array<i32>} : memref<80x128xf32, #tpu.memory_space<vmem>>, vector<1x16xf32>,
          %parallel_loop3A_223 = arith.index_cast %parallel_loop3A_145 : i32 to index
          %parallel_loop3A_224 = arith.constant 64 : index
          %parallel_loop3A_225 = tpu.vector_load %arg12[%parallel_loop3A_223, %parallel_loop3A_224] {strides = array<i32>} : memref<80x128xf32, #tpu.memory_space<vmem>>, vector<1x16xf32>,
          %parallel_loop3A_226 = vector.shape_cast %parallel_loop3A_225 : vector<1x16xf32> to vector<16xf32>
          %parallel_loop3A_227 = arith.mulf %parallel_loop3A_226, %parallel_loop3A_182 : vector<16xf32>
          %parallel_loop3A_228 = arith.index_cast %parallel_loop3A_145 : i32 to index
          %parallel_loop3A_229 = arith.constant 64 : index
          %parallel_loop3A_230 = tpu.vector_load %arg12[%parallel_loop3A_228, %parallel_loop3A_229] {strides = array<i32>} : memref<80x128xf32, #tpu.memory_space<vmem>>, vector<1x16xf32>,
          %parallel_loop3A_231 = vector.shape_cast %parallel_loop3A_230 : vector<1x16xf32> to vector<16xf32>
          %parallel_loop3A_232 = vector.shape_cast %parallel_loop3A_227 : vector<16xf32> to vector<1x16xf32>
          tpu.vector_store %arg12[%parallel_loop3A_228, %parallel_loop3A_229], %parallel_loop3A_232 {strides = array<i32>} : memref<80x128xf32, #tpu.memory_space<vmem>>, vector<1x16xf32>,
          %parallel_loop3A_233 = arith.index_cast %parallel_loop3A_145 : i32 to index
          %parallel_loop3A_234 = arith.constant 80 : index
          %parallel_loop3A_235 = tpu.vector_load %arg12[%parallel_loop3A_233, %parallel_loop3A_234] {strides = array<i32>} : memref<80x128xf32, #tpu.memory_space<vmem>>, vector<1x16xf32>,
          %parallel_loop3A_236 = vector.shape_cast %parallel_loop3A_235 : vector<1x16xf32> to vector<16xf32>
          %parallel_loop3A_237 = arith.mulf %parallel_loop3A_236, %parallel_loop3A_182 : vector<16xf32>
          %parallel_loop3A_238 = arith.index_cast %parallel_loop3A_145 : i32 to index
          %parallel_loop3A_239 = arith.constant 80 : index
          %parallel_loop3A_240 = tpu.vector_load %arg12[%parallel_loop3A_238, %parallel_loop3A_239] {strides = array<i32>} : memref<80x128xf32, #tpu.memory_space<vmem>>, vector<1x16xf32>,
          %parallel_loop3A_241 = vector.shape_cast %parallel_loop3A_240 : vector<1x16xf32> to vector<16xf32>
          %parallel_loop3A_242 = vector.shape_cast %parallel_loop3A_237 : vector<16xf32> to vector<1x16xf32>
          tpu.vector_store %arg12[%parallel_loop3A_238, %parallel_loop3A_239], %parallel_loop3A_242 {strides = array<i32>} : memref<80x128xf32, #tpu.memory_space<vmem>>, vector<1x16xf32>,
          %parallel_loop3A_243 = arith.index_cast %parallel_loop3A_145 : i32 to index
          %parallel_loop3A_244 = arith.constant 96 : index
          %parallel_loop3A_245 = tpu.vector_load %arg12[%parallel_loop3A_243, %parallel_loop3A_244] {strides = array<i32>} : memref<80x128xf32, #tpu.memory_space<vmem>>, vector<1x16xf32>,
          %parallel_loop3A_246 = vector.shape_cast %parallel_loop3A_245 : vector<1x16xf32> to vector<16xf32>
          %parallel_loop3A_247 = arith.mulf %parallel_loop3A_246, %parallel_loop3A_182 : vector<16xf32>
          %parallel_loop3A_248 = arith.index_cast %parallel_loop3A_145 : i32 to index
          %parallel_loop3A_249 = arith.constant 96 : index
          %parallel_loop3A_250 = tpu.vector_load %arg12[%parallel_loop3A_248, %parallel_loop3A_249] {strides = array<i32>} : memref<80x128xf32, #tpu.memory_space<vmem>>, vector<1x16xf32>,
          %parallel_loop3A_251 = vector.shape_cast %parallel_loop3A_250 : vector<1x16xf32> to vector<16xf32>
          %parallel_loop3A_252 = vector.shape_cast %parallel_loop3A_247 : vector<16xf32> to vector<1x16xf32>
          tpu.vector_store %arg12[%parallel_loop3A_248, %parallel_loop3A_249], %parallel_loop3A_252 {strides = array<i32>} : memref<80x128xf32, #tpu.memory_space<vmem>>, vector<1x16xf32>,
          %parallel_loop3A_253 = arith.index_cast %parallel_loop3A_145 : i32 to index
          %parallel_loop3A_254 = arith.constant 112 : index
          %parallel_loop3A_255 = tpu.vector_load %arg12[%parallel_loop3A_253, %parallel_loop3A_254] {strides = array<i32>} : memref<80x128xf32, #tpu.memory_space<vmem>>, vector<1x16xf32>,
          %parallel_loop3A_256 = vector.shape_cast %parallel_loop3A_255 : vector<1x16xf32> to vector<16xf32>
          %parallel_loop3A_257 = arith.mulf %parallel_loop3A_256, %parallel_loop3A_182 : vector<16xf32>
          %parallel_loop3A_258 = arith.index_cast %parallel_loop3A_145 : i32 to index
          %parallel_loop3A_259 = arith.constant 112 : index
          %parallel_loop3A_260 = tpu.vector_load %arg12[%parallel_loop3A_258, %parallel_loop3A_259] {strides = array<i32>} : memref<80x128xf32, #tpu.memory_space<vmem>>, vector<1x16xf32>,
          %parallel_loop3A_261 = vector.shape_cast %parallel_loop3A_260 : vector<1x16xf32> to vector<16xf32>
          %parallel_loop3A_262 = vector.shape_cast %parallel_loop3A_257 : vector<16xf32> to vector<1x16xf32>
          tpu.vector_store %arg12[%parallel_loop3A_258, %parallel_loop3A_259], %parallel_loop3A_262 {strides = array<i32>} : memref<80x128xf32, #tpu.memory_space<vmem>>, vector<1x16xf32>,
        } {sc.loop_unroll_factor = 4 : i64, sc.parallel_access}
        "tpu.region"() ({
          %run_scoped3A = tpu.sem_alloc : memref<!tpu.dma_semaphore, #tpu.memory_space<semaphore_mem>>
          %dma_start3A_145 = arith.constant 0 : i32
          %dma_start3A_146 = arith.constant 0 : i32
          %dma_start3A_147 = tpu.memref_slice %arg15[%dma_start3A_145, %dma_start3A_146] : memref<1024x128xf32, #tpu.memory_space<vmem_shared>> -> memref<1024x128xf32, #tpu.memory_space<vmem_shared>>
          tpu.enqueue_indirect_dma source(%arg12 : memref<80x128xf32, #tpu.memory_space<vmem>>) target(%dma_start3A_147 : memref<1024x128xf32, #tpu.memory_space<vmem_shared>>) offsets(%arg8 : memref<80xi32, #tpu.memory_space<vmem>>) semaphore(%run_scoped3A : memref<!tpu.dma_semaphore, #tpu.memory_space<semaphore_mem>>) {add = true}
          %dma_wait3A_148 = arith.constant 0 : i32
          %dma_wait3A_149 = arith.constant 0 : i32
          %dma_wait3A_150 = tpu.memref_slice %arg15[%dma_wait3A_148, %dma_wait3A_149] : memref<1024x128xf32, #tpu.memory_space<vmem_shared>> -> memref<1024x128xf32, #tpu.memory_space<vmem_shared>>
          tpu.wait_indirect_dma semaphore(%run_scoped3A : memref<!tpu.dma_semaphore, #tpu.memory_space<semaphore_mem>>) src(%arg12 : memref<80x128xf32, #tpu.memory_space<vmem>>) dst(%dma_wait3A_150 : memref<1024x128xf32, #tpu.memory_space<vmem_shared>>)
          tpu.yield
        }) : () -> ()
        "tpu.region"() ({
          %run_scoped3A = tpu.sem_alloc : memref<!tpu.dma_semaphore, #tpu.memory_space<semaphore_mem>>
          %dma_start3A_145 = arith.constant 0 : i32
          %dma_start3A_146 = tpu.memref_slice %arg16[%dma_start3A_145] : memref<1024xf32, #tpu.memory_space<vmem_shared>> -> memref<1024xf32, #tpu.memory_space<vmem_shared>>
          tpu.enqueue_indirect_dma source(%arg10 : memref<80xf32, #tpu.memory_space<vmem>>) target(%dma_start3A_146 : memref<1024xf32, #tpu.memory_space<vmem_shared>>) offsets(%arg8 : memref<80xi32, #tpu.memory_space<vmem>>) semaphore(%run_scoped3A : memref<!tpu.dma_semaphore, #tpu.memory_space<semaphore_mem>>) {add = true}
          %dma_wait3A_147 = arith.constant 0 : i32
          %dma_wait3A_148 = tpu.memref_slice %arg16[%dma_wait3A_147] : memref<1024xf32, #tpu.memory_space<vmem_shared>> -> memref<1024xf32, #tpu.memory_space<vmem_shared>>
          tpu.wait_indirect_dma semaphore(%run_scoped3A : memref<!tpu.dma_semaphore, #tpu.memory_space<semaphore_mem>>) src(%arg10 : memref<80xf32, #tpu.memory_space<vmem>>) dst(%dma_wait3A_148 : memref<1024xf32, #tpu.memory_space<vmem_shared>>)
          tpu.yield
        }) : () -> ()
      } else {
      }
      %jit3A_100 = arith.constant 2 : i32
      %eq3A_101 = arith.constant 0 : i32
      %eq3A_102 = arith.cmpi eq, %jit3A_100, %eq3A_101 : i32
      %jit3A_103 = arith.constant 1 : i32
      %select_n3A_104 = arith.select %eq3A_102, %jit3A_103, %jit3A_100 : i32
      %rem3A_105 = arith.remsi %while3A_82, %select_n3A_104 : i32
      %ne3A_106 = arith.constant 0 : i32
      %ne3A_107 = arith.cmpi ne, %rem3A_105, %ne3A_106 : i32
      %lt3A_108 = arith.constant 0 : i32
      %lt3A_109 = arith.cmpi slt, %rem3A_105, %lt3A_108 : i32
      %lt3A_110 = arith.constant 0 : i32
      %lt3A_111 = arith.cmpi slt, %select_n3A_104, %lt3A_110 : i32
      %ne3A_112 = arith.xori %lt3A_109, %lt3A_111 : i1
      %and3A_113 = arith.andi %ne3A_112, %ne3A_107 : i1
      %add3A_114 = arith.addi %rem3A_105, %select_n3A_104 : i32
      %select_n3A_115 = arith.select %and3A_113, %add3A_114, %rem3A_105 : i32
      %eq3A_116 = arith.constant 1 : i32
      %eq3A_117 = arith.cmpi eq, %select_n3A_115, %eq3A_116 : i32
      %convert_element_type3A_118 = arith.extui %eq3A_117 : i1 to i32
      %cond3A_119 = arith.constant 0 : i32
      %cond3A_120 = arith.cmpi ne, %convert_element_type3A_118, %cond3A_119 : i32
      scf.if %cond3A_120 {
        %add3A_121 = arith.constant 625 : i32
        %add3A_122 = arith.addi %add3A_121, %add3A : i32
        %mul3A_123 = arith.constant 32 : i32
        %mul3A_124 = arith.muli %while3A_82, %mul3A_123 : i32
        %add3A_125 = arith.addi %add3A_122, %mul3A_124 : i32
        %mul3A_126 = arith.constant 80 : i32
        %mul3A_127 = arith.muli %add3A_125, %mul3A_126 : i32
        %sub3A_128 = arith.constant 48640 : i32
        %sub3A_129 = arith.subi %mul3A_127, %sub3A_128 : i32
        %dma_wait3A = tpu.memref_slice %arg3[%mul3A_127] : memref<100000xi32, #tpu.memory_space<hbm>> -> memref<80xi32, #tpu.memory_space<hbm>>
        %dma_wait3A_130 = tpu.memref_slice %arg3[%mul3A_127] : memref<100000xi32, #tpu.memory_space<hbm>> -> memref<80xi32, #tpu.memory_space<hbm>>
        tpu.wait_dma2 semaphore(%arg18 : memref<!tpu.dma_semaphore, #tpu.memory_space<semaphore_mem>>) src(%dma_wait3A_130 : memref<80xi32, #tpu.memory_space<hbm>>) dst(%arg9 : memref<80xi32, #tpu.memory_space<vmem>>)
        %dma_wait3A_131 = tpu.memref_slice %arg4[%sub3A_129] : memref<53760xf32, #tpu.memory_space<hbm>> -> memref<80xf32, #tpu.memory_space<hbm>>
        %dma_wait3A_132 = tpu.memref_slice %arg4[%sub3A_129] : memref<53760xf32, #tpu.memory_space<hbm>> -> memref<80xf32, #tpu.memory_space<hbm>>
        tpu.wait_dma2 semaphore(%arg18 : memref<!tpu.dma_semaphore, #tpu.memory_space<semaphore_mem>>) src(%dma_wait3A_132 : memref<80xf32, #tpu.memory_space<hbm>>) dst(%arg11 : memref<80xf32, #tpu.memory_space<vmem>>)
        %dma_wait3A_133 = arith.constant 0 : i32
        %dma_wait3A_134 = tpu.memref_slice %arg2[%mul3A_127, %dma_wait3A_133] : memref<100000x128xf32, #tpu.memory_space<hbm>> -> memref<80x128xf32, #tpu.memory_space<hbm>>
        %dma_wait3A_135 = arith.constant 0 : i32
        %dma_wait3A_136 = tpu.memref_slice %arg2[%mul3A_127, %dma_wait3A_135] : memref<100000x128xf32, #tpu.memory_space<hbm>> -> memref<80x128xf32, #tpu.memory_space<hbm>>
        tpu.wait_dma2 semaphore(%arg18 : memref<!tpu.dma_semaphore, #tpu.memory_space<semaphore_mem>>) src(%dma_wait3A_136 : memref<80x128xf32, #tpu.memory_space<hbm>>) dst(%arg13 : memref<80x128xf32, #tpu.memory_space<vmem>>)
        %add3A_137 = arith.constant 1 : i32
        %add3A_138 = arith.addi %while3A_82, %add3A_137 : i32
        %lt3A_139 = arith.cmpi slt, %add3A_138, %select_n3A : i32
        %convert_element_type3A_140 = arith.extui %lt3A_139 : i1 to i32
        %cond3A_141 = arith.constant 0 : i32
        %cond3A_142 = arith.cmpi ne, %convert_element_type3A_140, %cond3A_141 : i32
        scf.if %cond3A_142 {
          %add3A_145 = arith.constant 1 : i32
          %add3A_146 = arith.addi %while3A_82, %add3A_145 : i32
          %add3A_147 = arith.constant 625 : i32
          %add3A_148 = arith.addi %add3A_147, %add3A : i32
          %mul3A_149 = arith.constant 32 : i32
          %mul3A_150 = arith.muli %add3A_146, %mul3A_149 : i32
          %add3A_151 = arith.addi %add3A_148, %mul3A_150 : i32
          %mul3A_152 = arith.constant 80 : i32
          %mul3A_153 = arith.muli %add3A_151, %mul3A_152 : i32
          %sub3A_154 = arith.constant 48640 : i32
          %sub3A_155 = arith.subi %mul3A_153, %sub3A_154 : i32
          %dma_start3A_156 = tpu.memref_slice %arg3[%mul3A_153] : memref<100000xi32, #tpu.memory_space<hbm>> -> memref<80xi32, #tpu.memory_space<hbm>>
          %dma_start3A_157 = tpu.memref_slice %arg3[%mul3A_153] : memref<100000xi32, #tpu.memory_space<hbm>> -> memref<80xi32, #tpu.memory_space<hbm>>
          tpu.enqueue_dma source(%dma_start3A_157 : memref<80xi32, #tpu.memory_space<hbm>>) target(%arg8 : memref<80xi32, #tpu.memory_space<vmem>>) target_semaphore(%arg17 : memref<!tpu.dma_semaphore, #tpu.memory_space<semaphore_mem>>)
          %dma_start3A_158 = tpu.memref_slice %arg4[%sub3A_155] : memref<53760xf32, #tpu.memory_space<hbm>> -> memref<80xf32, #tpu.memory_space<hbm>>
          %dma_start3A_159 = tpu.memref_slice %arg4[%sub3A_155] : memref<53760xf32, #tpu.memory_space<hbm>> -> memref<80xf32, #tpu.memory_space<hbm>>
          tpu.enqueue_dma source(%dma_start3A_159 : memref<80xf32, #tpu.memory_space<hbm>>) target(%arg10 : memref<80xf32, #tpu.memory_space<vmem>>) target_semaphore(%arg17 : memref<!tpu.dma_semaphore, #tpu.memory_space<semaphore_mem>>)
          %dma_start3A_160 = arith.constant 0 : i32
          %dma_start3A_161 = tpu.memref_slice %arg2[%mul3A_153, %dma_start3A_160] : memref<100000x128xf32, #tpu.memory_space<hbm>> -> memref<80x128xf32, #tpu.memory_space<hbm>>
          %dma_start3A_162 = arith.constant 0 : i32
          %dma_start3A_163 = tpu.memref_slice %arg2[%mul3A_153, %dma_start3A_162] : memref<100000x128xf32, #tpu.memory_space<hbm>> -> memref<80x128xf32, #tpu.memory_space<hbm>>
          tpu.enqueue_dma source(%dma_start3A_163 : memref<80x128xf32, #tpu.memory_space<hbm>>) target(%arg12 : memref<80x128xf32, #tpu.memory_space<vmem>>) target_semaphore(%arg17 : memref<!tpu.dma_semaphore, #tpu.memory_space<semaphore_mem>>)
        } else {
        }
        %parallel_loop3A = arith.constant 0 : i32
        %parallel_loop3A_143 = arith.constant 80 : i32
        %parallel_loop3A_144 = arith.constant 1 : i32
        scf.for %parallel_loop3A_145 = %parallel_loop3A to %parallel_loop3A_143 step %parallel_loop3A_144  : i32 {
          %parallel_loop3A_146 = arith.constant 16 : i32
          %parallel_loop3A_147 = arith.divsi %parallel_loop3A_145, %parallel_loop3A_146 : i32
          %parallel_loop3A_148 = arith.constant 0 : i32
          %parallel_loop3A_149 = arith.cmpi sgt, %parallel_loop3A_145, %parallel_loop3A_148 : i32
          %parallel_loop3A_150 = arith.extui %parallel_loop3A_149 : i1 to i32
          %parallel_loop3A_151 = arith.constant 0 : i32
          %parallel_loop3A_152 = arith.cmpi slt, %parallel_loop3A_145, %parallel_loop3A_151 : i32
          %parallel_loop3A_153 = arith.extui %parallel_loop3A_152 : i1 to i32
          %parallel_loop3A_154 = arith.subi %parallel_loop3A_150, %parallel_loop3A_153 : i32
          %parallel_loop3A_155 = arith.constant 0 : i32
          %parallel_loop3A_156 = arith.cmpi sgt, %parallel_loop3A_146, %parallel_loop3A_155 : i32
          %parallel_loop3A_157 = arith.extui %parallel_loop3A_156 : i1 to i32
          %parallel_loop3A_158 = arith.constant 0 : i32
          %parallel_loop3A_159 = arith.cmpi slt, %parallel_loop3A_146, %parallel_loop3A_158 : i32
          %parallel_loop3A_160 = arith.extui %parallel_loop3A_159 : i1 to i32
          %parallel_loop3A_161 = arith.subi %parallel_loop3A_157, %parallel_loop3A_160 : i32
          %parallel_loop3A_162 = arith.cmpi ne, %parallel_loop3A_154, %parallel_loop3A_161 : i32
          %parallel_loop3A_163 = arith.remsi %parallel_loop3A_145, %parallel_loop3A_146 : i32
          %parallel_loop3A_164 = arith.constant 0 : i32
          %parallel_loop3A_165 = arith.cmpi ne, %parallel_loop3A_163, %parallel_loop3A_164 : i32
          %parallel_loop3A_166 = arith.andi %parallel_loop3A_162, %parallel_loop3A_165 : i1
          %parallel_loop3A_167 = arith.constant 1 : i32
          %parallel_loop3A_168 = arith.subi %parallel_loop3A_147, %parallel_loop3A_167 : i32
          %parallel_loop3A_169 = arith.select %parallel_loop3A_166, %parallel_loop3A_168, %parallel_loop3A_147 : i32
          %parallel_loop3A_170 = arith.constant 16 : i32
          %parallel_loop3A_171 = arith.muli %parallel_loop3A_169, %parallel_loop3A_170 : i32
          %parallel_loop3A_172 = arith.index_cast %parallel_loop3A_171 : i32 to index
          %parallel_loop3A_173 = tpu.vector_load %arg11[%parallel_loop3A_172] {strides = array<i32>} : memref<80xf32, #tpu.memory_space<vmem>>, vector<16xf32>,
          %parallel_loop3A_174 = vector.shape_cast %parallel_loop3A_173 : vector<16xf32> to vector<16xf32>
          %parallel_loop3A_175 = arith.subi %parallel_loop3A_145, %parallel_loop3A_171 : i32
          %parallel_loop3A_176 = arith.constant 0 : i32
          %parallel_loop3A_177 = vector.broadcast %parallel_loop3A_176 : i32 to vector<16xi32>
          %parallel_loop3A_178 = vector.broadcast %parallel_loop3A_175 : i32 to vector<16xi32>
          %parallel_loop3A_179 = arith.addi %parallel_loop3A_177, %parallel_loop3A_178 : vector<16xi32>
          %parallel_loop3A_180 = vector.shape_cast %parallel_loop3A_179 : vector<16xi32> to vector<16x1xi32>
          %parallel_loop3A_181 = vector.shape_cast %parallel_loop3A_180 : vector<16x1xi32> to vector<16xi32>
          %parallel_loop3A_182 = tpu.dynamic_gather %parallel_loop3A_174[%parallel_loop3A_181] in [0] : vector<16xf32>, vector<16xi32> -> vector<16xf32>
          %parallel_loop3A_183 = arith.index_cast %parallel_loop3A_145 : i32 to index
          %parallel_loop3A_184 = arith.constant 0 : index
          %parallel_loop3A_185 = tpu.vector_load %arg13[%parallel_loop3A_183, %parallel_loop3A_184] {strides = array<i32>} : memref<80x128xf32, #tpu.memory_space<vmem>>, vector<1x16xf32>,
          %parallel_loop3A_186 = vector.shape_cast %parallel_loop3A_185 : vector<1x16xf32> to vector<16xf32>
          %parallel_loop3A_187 = arith.mulf %parallel_loop3A_186, %parallel_loop3A_182 : vector<16xf32>
          %parallel_loop3A_188 = arith.index_cast %parallel_loop3A_145 : i32 to index
          %parallel_loop3A_189 = arith.constant 0 : index
          %parallel_loop3A_190 = tpu.vector_load %arg13[%parallel_loop3A_188, %parallel_loop3A_189] {strides = array<i32>} : memref<80x128xf32, #tpu.memory_space<vmem>>, vector<1x16xf32>,
          %parallel_loop3A_191 = vector.shape_cast %parallel_loop3A_190 : vector<1x16xf32> to vector<16xf32>
          %parallel_loop3A_192 = vector.shape_cast %parallel_loop3A_187 : vector<16xf32> to vector<1x16xf32>
          tpu.vector_store %arg13[%parallel_loop3A_188, %parallel_loop3A_189], %parallel_loop3A_192 {strides = array<i32>} : memref<80x128xf32, #tpu.memory_space<vmem>>, vector<1x16xf32>,
          %parallel_loop3A_193 = arith.index_cast %parallel_loop3A_145 : i32 to index
          %parallel_loop3A_194 = arith.constant 16 : index
          %parallel_loop3A_195 = tpu.vector_load %arg13[%parallel_loop3A_193, %parallel_loop3A_194] {strides = array<i32>} : memref<80x128xf32, #tpu.memory_space<vmem>>, vector<1x16xf32>,
          %parallel_loop3A_196 = vector.shape_cast %parallel_loop3A_195 : vector<1x16xf32> to vector<16xf32>
          %parallel_loop3A_197 = arith.mulf %parallel_loop3A_196, %parallel_loop3A_182 : vector<16xf32>
          %parallel_loop3A_198 = arith.index_cast %parallel_loop3A_145 : i32 to index
          %parallel_loop3A_199 = arith.constant 16 : index
          %parallel_loop3A_200 = tpu.vector_load %arg13[%parallel_loop3A_198, %parallel_loop3A_199] {strides = array<i32>} : memref<80x128xf32, #tpu.memory_space<vmem>>, vector<1x16xf32>,
          %parallel_loop3A_201 = vector.shape_cast %parallel_loop3A_200 : vector<1x16xf32> to vector<16xf32>
          %parallel_loop3A_202 = vector.shape_cast %parallel_loop3A_197 : vector<16xf32> to vector<1x16xf32>
          tpu.vector_store %arg13[%parallel_loop3A_198, %parallel_loop3A_199], %parallel_loop3A_202 {strides = array<i32>} : memref<80x128xf32, #tpu.memory_space<vmem>>, vector<1x16xf32>,
          %parallel_loop3A_203 = arith.index_cast %parallel_loop3A_145 : i32 to index
          %parallel_loop3A_204 = arith.constant 32 : index
          %parallel_loop3A_205 = tpu.vector_load %arg13[%parallel_loop3A_203, %parallel_loop3A_204] {strides = array<i32>} : memref<80x128xf32, #tpu.memory_space<vmem>>, vector<1x16xf32>,
          %parallel_loop3A_206 = vector.shape_cast %parallel_loop3A_205 : vector<1x16xf32> to vector<16xf32>
          %parallel_loop3A_207 = arith.mulf %parallel_loop3A_206, %parallel_loop3A_182 : vector<16xf32>
          %parallel_loop3A_208 = arith.index_cast %parallel_loop3A_145 : i32 to index
          %parallel_loop3A_209 = arith.constant 32 : index
          %parallel_loop3A_210 = tpu.vector_load %arg13[%parallel_loop3A_208, %parallel_loop3A_209] {strides = array<i32>} : memref<80x128xf32, #tpu.memory_space<vmem>>, vector<1x16xf32>,
          %parallel_loop3A_211 = vector.shape_cast %parallel_loop3A_210 : vector<1x16xf32> to vector<16xf32>
          %parallel_loop3A_212 = vector.shape_cast %parallel_loop3A_207 : vector<16xf32> to vector<1x16xf32>
          tpu.vector_store %arg13[%parallel_loop3A_208, %parallel_loop3A_209], %parallel_loop3A_212 {strides = array<i32>} : memref<80x128xf32, #tpu.memory_space<vmem>>, vector<1x16xf32>,
          %parallel_loop3A_213 = arith.index_cast %parallel_loop3A_145 : i32 to index
          %parallel_loop3A_214 = arith.constant 48 : index
          %parallel_loop3A_215 = tpu.vector_load %arg13[%parallel_loop3A_213, %parallel_loop3A_214] {strides = array<i32>} : memref<80x128xf32, #tpu.memory_space<vmem>>, vector<1x16xf32>,
          %parallel_loop3A_216 = vector.shape_cast %parallel_loop3A_215 : vector<1x16xf32> to vector<16xf32>
          %parallel_loop3A_217 = arith.mulf %parallel_loop3A_216, %parallel_loop3A_182 : vector<16xf32>
          %parallel_loop3A_218 = arith.index_cast %parallel_loop3A_145 : i32 to index
          %parallel_loop3A_219 = arith.constant 48 : index
          %parallel_loop3A_220 = tpu.vector_load %arg13[%parallel_loop3A_218, %parallel_loop3A_219] {strides = array<i32>} : memref<80x128xf32, #tpu.memory_space<vmem>>, vector<1x16xf32>,
          %parallel_loop3A_221 = vector.shape_cast %parallel_loop3A_220 : vector<1x16xf32> to vector<16xf32>
          %parallel_loop3A_222 = vector.shape_cast %parallel_loop3A_217 : vector<16xf32> to vector<1x16xf32>
          tpu.vector_store %arg13[%parallel_loop3A_218, %parallel_loop3A_219], %parallel_loop3A_222 {strides = array<i32>} : memref<80x128xf32, #tpu.memory_space<vmem>>, vector<1x16xf32>,
          %parallel_loop3A_223 = arith.index_cast %parallel_loop3A_145 : i32 to index
          %parallel_loop3A_224 = arith.constant 64 : index
          %parallel_loop3A_225 = tpu.vector_load %arg13[%parallel_loop3A_223, %parallel_loop3A_224] {strides = array<i32>} : memref<80x128xf32, #tpu.memory_space<vmem>>, vector<1x16xf32>,
          %parallel_loop3A_226 = vector.shape_cast %parallel_loop3A_225 : vector<1x16xf32> to vector<16xf32>
          %parallel_loop3A_227 = arith.mulf %parallel_loop3A_226, %parallel_loop3A_182 : vector<16xf32>
          %parallel_loop3A_228 = arith.index_cast %parallel_loop3A_145 : i32 to index
          %parallel_loop3A_229 = arith.constant 64 : index
          %parallel_loop3A_230 = tpu.vector_load %arg13[%parallel_loop3A_228, %parallel_loop3A_229] {strides = array<i32>} : memref<80x128xf32, #tpu.memory_space<vmem>>, vector<1x16xf32>,
          %parallel_loop3A_231 = vector.shape_cast %parallel_loop3A_230 : vector<1x16xf32> to vector<16xf32>
          %parallel_loop3A_232 = vector.shape_cast %parallel_loop3A_227 : vector<16xf32> to vector<1x16xf32>
          tpu.vector_store %arg13[%parallel_loop3A_228, %parallel_loop3A_229], %parallel_loop3A_232 {strides = array<i32>} : memref<80x128xf32, #tpu.memory_space<vmem>>, vector<1x16xf32>,
          %parallel_loop3A_233 = arith.index_cast %parallel_loop3A_145 : i32 to index
          %parallel_loop3A_234 = arith.constant 80 : index
          %parallel_loop3A_235 = tpu.vector_load %arg13[%parallel_loop3A_233, %parallel_loop3A_234] {strides = array<i32>} : memref<80x128xf32, #tpu.memory_space<vmem>>, vector<1x16xf32>,
          %parallel_loop3A_236 = vector.shape_cast %parallel_loop3A_235 : vector<1x16xf32> to vector<16xf32>
          %parallel_loop3A_237 = arith.mulf %parallel_loop3A_236, %parallel_loop3A_182 : vector<16xf32>
          %parallel_loop3A_238 = arith.index_cast %parallel_loop3A_145 : i32 to index
          %parallel_loop3A_239 = arith.constant 80 : index
          %parallel_loop3A_240 = tpu.vector_load %arg13[%parallel_loop3A_238, %parallel_loop3A_239] {strides = array<i32>} : memref<80x128xf32, #tpu.memory_space<vmem>>, vector<1x16xf32>,
          %parallel_loop3A_241 = vector.shape_cast %parallel_loop3A_240 : vector<1x16xf32> to vector<16xf32>
          %parallel_loop3A_242 = vector.shape_cast %parallel_loop3A_237 : vector<16xf32> to vector<1x16xf32>
          tpu.vector_store %arg13[%parallel_loop3A_238, %parallel_loop3A_239], %parallel_loop3A_242 {strides = array<i32>} : memref<80x128xf32, #tpu.memory_space<vmem>>, vector<1x16xf32>,
          %parallel_loop3A_243 = arith.index_cast %parallel_loop3A_145 : i32 to index
          %parallel_loop3A_244 = arith.constant 96 : index
          %parallel_loop3A_245 = tpu.vector_load %arg13[%parallel_loop3A_243, %parallel_loop3A_244] {strides = array<i32>} : memref<80x128xf32, #tpu.memory_space<vmem>>, vector<1x16xf32>,
          %parallel_loop3A_246 = vector.shape_cast %parallel_loop3A_245 : vector<1x16xf32> to vector<16xf32>
          %parallel_loop3A_247 = arith.mulf %parallel_loop3A_246, %parallel_loop3A_182 : vector<16xf32>
          %parallel_loop3A_248 = arith.index_cast %parallel_loop3A_145 : i32 to index
          %parallel_loop3A_249 = arith.constant 96 : index
          %parallel_loop3A_250 = tpu.vector_load %arg13[%parallel_loop3A_248, %parallel_loop3A_249] {strides = array<i32>} : memref<80x128xf32, #tpu.memory_space<vmem>>, vector<1x16xf32>,
          %parallel_loop3A_251 = vector.shape_cast %parallel_loop3A_250 : vector<1x16xf32> to vector<16xf32>
          %parallel_loop3A_252 = vector.shape_cast %parallel_loop3A_247 : vector<16xf32> to vector<1x16xf32>
          tpu.vector_store %arg13[%parallel_loop3A_248, %parallel_loop3A_249], %parallel_loop3A_252 {strides = array<i32>} : memref<80x128xf32, #tpu.memory_space<vmem>>, vector<1x16xf32>,
          %parallel_loop3A_253 = arith.index_cast %parallel_loop3A_145 : i32 to index
          %parallel_loop3A_254 = arith.constant 112 : index
          %parallel_loop3A_255 = tpu.vector_load %arg13[%parallel_loop3A_253, %parallel_loop3A_254] {strides = array<i32>} : memref<80x128xf32, #tpu.memory_space<vmem>>, vector<1x16xf32>,
          %parallel_loop3A_256 = vector.shape_cast %parallel_loop3A_255 : vector<1x16xf32> to vector<16xf32>
          %parallel_loop3A_257 = arith.mulf %parallel_loop3A_256, %parallel_loop3A_182 : vector<16xf32>
          %parallel_loop3A_258 = arith.index_cast %parallel_loop3A_145 : i32 to index
          %parallel_loop3A_259 = arith.constant 112 : index
          %parallel_loop3A_260 = tpu.vector_load %arg13[%parallel_loop3A_258, %parallel_loop3A_259] {strides = array<i32>} : memref<80x128xf32, #tpu.memory_space<vmem>>, vector<1x16xf32>,
          %parallel_loop3A_261 = vector.shape_cast %parallel_loop3A_260 : vector<1x16xf32> to vector<16xf32>
          %parallel_loop3A_262 = vector.shape_cast %parallel_loop3A_257 : vector<16xf32> to vector<1x16xf32>
          tpu.vector_store %arg13[%parallel_loop3A_258, %parallel_loop3A_259], %parallel_loop3A_262 {strides = array<i32>} : memref<80x128xf32, #tpu.memory_space<vmem>>, vector<1x16xf32>,
        } {sc.loop_unroll_factor = 4 : i64, sc.parallel_access}
        "tpu.region"() ({
          %run_scoped3A = tpu.sem_alloc : memref<!tpu.dma_semaphore, #tpu.memory_space<semaphore_mem>>
          %dma_start3A_145 = arith.constant 0 : i32
          %dma_start3A_146 = arith.constant 0 : i32
          %dma_start3A_147 = tpu.memref_slice %arg15[%dma_start3A_145, %dma_start3A_146] : memref<1024x128xf32, #tpu.memory_space<vmem_shared>> -> memref<1024x128xf32, #tpu.memory_space<vmem_shared>>
          tpu.enqueue_indirect_dma source(%arg13 : memref<80x128xf32, #tpu.memory_space<vmem>>) target(%dma_start3A_147 : memref<1024x128xf32, #tpu.memory_space<vmem_shared>>) offsets(%arg9 : memref<80xi32, #tpu.memory_space<vmem>>) semaphore(%run_scoped3A : memref<!tpu.dma_semaphore, #tpu.memory_space<semaphore_mem>>) {add = true}
          %dma_wait3A_148 = arith.constant 0 : i32
          %dma_wait3A_149 = arith.constant 0 : i32
          %dma_wait3A_150 = tpu.memref_slice %arg15[%dma_wait3A_148, %dma_wait3A_149] : memref<1024x128xf32, #tpu.memory_space<vmem_shared>> -> memref<1024x128xf32, #tpu.memory_space<vmem_shared>>
          tpu.wait_indirect_dma semaphore(%run_scoped3A : memref<!tpu.dma_semaphore, #tpu.memory_space<semaphore_mem>>) src(%arg13 : memref<80x128xf32, #tpu.memory_space<vmem>>) dst(%dma_wait3A_150 : memref<1024x128xf32, #tpu.memory_space<vmem_shared>>)
          tpu.yield
        }) : () -> ()
        "tpu.region"() ({
          %run_scoped3A = tpu.sem_alloc : memref<!tpu.dma_semaphore, #tpu.memory_space<semaphore_mem>>
          %dma_start3A_145 = arith.constant 0 : i32
          %dma_start3A_146 = tpu.memref_slice %arg16[%dma_start3A_145] : memref<1024xf32, #tpu.memory_space<vmem_shared>> -> memref<1024xf32, #tpu.memory_space<vmem_shared>>
          tpu.enqueue_indirect_dma source(%arg11 : memref<80xf32, #tpu.memory_space<vmem>>) target(%dma_start3A_146 : memref<1024xf32, #tpu.memory_space<vmem_shared>>) offsets(%arg9 : memref<80xi32, #tpu.memory_space<vmem>>) semaphore(%run_scoped3A : memref<!tpu.dma_semaphore, #tpu.memory_space<semaphore_mem>>) {add = true}
          %dma_wait3A_147 = arith.constant 0 : i32
          %dma_wait3A_148 = tpu.memref_slice %arg16[%dma_wait3A_147] : memref<1024xf32, #tpu.memory_space<vmem_shared>> -> memref<1024xf32, #tpu.memory_space<vmem_shared>>
          tpu.wait_indirect_dma semaphore(%run_scoped3A : memref<!tpu.dma_semaphore, #tpu.memory_space<semaphore_mem>>) src(%arg11 : memref<80xf32, #tpu.memory_space<vmem>>) dst(%dma_wait3A_148 : memref<1024xf32, #tpu.memory_space<vmem_shared>>)
          tpu.yield
        }) : () -> ()
      } else {
      }
    }
    %barrier3A_73 = arith.constant 0 : index
    tpu.barrier barrier_id(%barrier3A_73)
    %mul3A_74 = arith.constant 64 : i32
    %mul3A_75 = arith.muli %arg1, %mul3A_74 : i32
    %mul3A_76 = arith.constant 64 : i32
    %mul3A_77 = arith.muli %arg1, %mul3A_76 : i32
    "tpu.region"() ({
      %run_scoped3A = tpu.sem_alloc : memref<!tpu.dma_semaphore, #tpu.memory_space<semaphore_mem>>
      %dma_start3A_82 = arith.constant 0 : i32
      %dma_start3A_83 = tpu.memref_slice %arg6[%arg0, %mul3A_77, %dma_start3A_82] : memref<2x1024x128xf32, #tpu.memory_space<hbm>> -> memref<1x64x128xf32, #tpu.memory_space<hbm>>
      %dma_start3A_84 = tpu.memref_squeeze %dma_start3A_83 : memref<1x64x128xf32, #tpu.memory_space<hbm>> -> memref<64x128xf32, #tpu.memory_space<hbm>>
      %dma_start3A_85 = arith.constant 0 : i32
      %dma_start3A_86 = tpu.memref_slice %arg15[%mul3A_75, %dma_start3A_85] : memref<1024x128xf32, #tpu.memory_space<vmem_shared>> -> memref<64x128xf32, #tpu.memory_space<vmem_shared>>
      tpu.enqueue_dma source(%dma_start3A_86 : memref<64x128xf32, #tpu.memory_space<vmem_shared>>) target(%dma_start3A_84 : memref<64x128xf32, #tpu.memory_space<hbm>>) target_semaphore(%run_scoped3A : memref<!tpu.dma_semaphore, #tpu.memory_space<semaphore_mem>>)
      %dma_wait3A = arith.constant 0 : i32
      %dma_wait3A_87 = tpu.memref_slice %arg6[%arg0, %mul3A_77, %dma_wait3A] : memref<2x1024x128xf32, #tpu.memory_space<hbm>> -> memref<1x64x128xf32, #tpu.memory_space<hbm>>
      %dma_wait3A_88 = tpu.memref_squeeze %dma_wait3A_87 : memref<1x64x128xf32, #tpu.memory_space<hbm>> -> memref<64x128xf32, #tpu.memory_space<hbm>>
      %dma_wait3A_89 = arith.constant 0 : i32
      %dma_wait3A_90 = tpu.memref_slice %arg15[%mul3A_75, %dma_wait3A_89] : memref<1024x128xf32, #tpu.memory_space<vmem_shared>> -> memref<64x128xf32, #tpu.memory_space<vmem_shared>>
      tpu.wait_dma2 semaphore(%run_scoped3A : memref<!tpu.dma_semaphore, #tpu.memory_space<semaphore_mem>>) src(%dma_wait3A_90 : memref<64x128xf32, #tpu.memory_space<vmem_shared>>) dst(%dma_wait3A_88 : memref<64x128xf32, #tpu.memory_space<hbm>>)
      tpu.yield
    }) : () -> ()
    %mul3A_78 = arith.constant 64 : i32
    %mul3A_79 = arith.muli %arg1, %mul3A_78 : i32
    "tpu.region"() ({
      %run_scoped3A = tpu.sem_alloc : memref<!tpu.dma_semaphore, #tpu.memory_space<semaphore_mem>>
      %dma_start3A_82 = tpu.memref_slice %arg16[%mul3A_79] : memref<1024xf32, #tpu.memory_space<vmem_shared>> -> memref<64xf32, #tpu.memory_space<vmem_shared>>
      %dma_start3A_83 = tpu.memref_slice %arg16[%mul3A_79] : memref<1024xf32, #tpu.memory_space<vmem_shared>> -> memref<64xf32, #tpu.memory_space<vmem_shared>>
      tpu.enqueue_dma source(%dma_start3A_83 : memref<64xf32, #tpu.memory_space<vmem_shared>>) target(%arg14 : memref<64xf32, #tpu.memory_space<vmem>>) target_semaphore(%run_scoped3A : memref<!tpu.dma_semaphore, #tpu.memory_space<semaphore_mem>>)
      %dma_wait3A = tpu.memref_slice %arg16[%mul3A_79] : memref<1024xf32, #tpu.memory_space<vmem_shared>> -> memref<64xf32, #tpu.memory_space<vmem_shared>>
      %dma_wait3A_84 = tpu.memref_slice %arg16[%mul3A_79] : memref<1024xf32, #tpu.memory_space<vmem_shared>> -> memref<64xf32, #tpu.memory_space<vmem_shared>>
      tpu.wait_dma2 semaphore(%run_scoped3A : memref<!tpu.dma_semaphore, #tpu.memory_space<semaphore_mem>>) src(%dma_wait3A_84 : memref<64xf32, #tpu.memory_space<vmem_shared>>) dst(%arg14 : memref<64xf32, #tpu.memory_space<vmem>>)
      tpu.yield
    }) : () -> ()
    %mul3A_80 = arith.constant 64 : i32
    %mul3A_81 = arith.muli %arg1, %mul3A_80 : i32
    "tpu.region"() ({
      %run_scoped3A = tpu.sem_alloc : memref<!tpu.dma_semaphore, #tpu.memory_space<semaphore_mem>>
      %dma_start3A_82 = tpu.memref_slice %arg7[%arg0, %mul3A_81] : memref<2x1024xf32, #tpu.memory_space<hbm>> -> memref<1x64xf32, #tpu.memory_space<hbm>>
      %dma_start3A_83 = tpu.memref_squeeze %dma_start3A_82 : memref<1x64xf32, #tpu.memory_space<hbm>> -> memref<64xf32, #tpu.memory_space<hbm>>
      %dma_start3A_84 = tpu.memref_slice %arg7[%arg0, %mul3A_81] : memref<2x1024xf32, #tpu.memory_space<hbm>> -> memref<1x64xf32, #tpu.memory_space<hbm>>
      %dma_start3A_85 = tpu.memref_squeeze %dma_start3A_84 : memref<1x64xf32, #tpu.memory_space<hbm>> -> memref<64xf32, #tpu.memory_space<hbm>>
      tpu.enqueue_dma source(%arg14 : memref<64xf32, #tpu.memory_space<vmem>>) target(%dma_start3A_85 : memref<64xf32, #tpu.memory_space<hbm>>) target_semaphore(%run_scoped3A : memref<!tpu.dma_semaphore, #tpu.memory_space<semaphore_mem>>)
      %dma_wait3A = tpu.memref_slice %arg7[%arg0, %mul3A_81] : memref<2x1024xf32, #tpu.memory_space<hbm>> -> memref<1x64xf32, #tpu.memory_space<hbm>>
      %dma_wait3A_86 = tpu.memref_squeeze %dma_wait3A : memref<1x64xf32, #tpu.memory_space<hbm>> -> memref<64xf32, #tpu.memory_space<hbm>>
      %dma_wait3A_87 = tpu.memref_slice %arg7[%arg0, %mul3A_81] : memref<2x1024xf32, #tpu.memory_space<hbm>> -> memref<1x64xf32, #tpu.memory_space<hbm>>
      %dma_wait3A_88 = tpu.memref_squeeze %dma_wait3A_87 : memref<1x64xf32, #tpu.memory_space<hbm>> -> memref<64xf32, #tpu.memory_space<hbm>>
      tpu.wait_dma2 semaphore(%run_scoped3A : memref<!tpu.dma_semaphore, #tpu.memory_space<semaphore_mem>>) src(%arg14 : memref<64xf32, #tpu.memory_space<vmem>>) dst(%dma_wait3A_88 : memref<64xf32, #tpu.memory_space<hbm>>)
      tpu.yield
    }) : () -> ()
    return
  }
}

module attributes {stable_mosaic.version = 14 : i64} {
  func.func @_gate_body(%arg0: i32, %arg1: memref<2560x128xf32, #tpu.memory_space<vmem>>, %arg2: memref<1x128xf32, #tpu.memory_space<vmem>>, %arg3: memref<1x1xf32, #tpu.memory_space<vmem>>, %arg4: memref<1x1x2560xf32, #tpu.memory_space<vmem>>) attributes {dimension_semantics = [#tpu.dimension_semantics<arbitrary>], iteration_bounds = array<i64: 21>, scalar_prefetch = 0 : i64, scratch_operands = 0 : i64, tpu.core_type = #tpu.core_type<tc>, window_params = [{transform_indices = @transform_0, window_bounds = array<i64: 2560, 128>}, {pipeline_mode = #tpu.pipeline_mode<synchronous>, transform_indices = @transform_1, window_bounds = array<i64: 1, 128>}, {pipeline_mode = #tpu.pipeline_mode<synchronous>, transform_indices = @transform_2, window_bounds = array<i64: 1, 1>}, {transform_indices = @transform_3, window_bounds = array<i64: 1, 1, 2560>}]} {
    %get3A = arith.constant 0 : index
    %get3A_0 = arith.constant 0 : index
    %get3A_1 = vector.load %arg1[%get3A, %get3A_0] : memref<2560x128xf32, #tpu.memory_space<vmem>>, vector<2560x128xf32>
    %get3A_2 = arith.constant 0 : index
    %get3A_3 = arith.constant 0 : index
    %get3A_4 = vector.load %arg2[%get3A_2, %get3A_3] : memref<1x128xf32, #tpu.memory_space<vmem>>, vector<1x128xf32>
    %dot_general3A = arith.constant dense<0.000000e+00> : vector<1x2560xf32>
    %dot_general3A_5 = tpu.matmul %get3A_4, %get3A_1, %dot_general3A {dimension_numbers = #tpu.dot_dimension_numbers<[1], [1], [0], [0], [0, 0, 1, 0], [], []>, transpose_lhs_hint = false} : vector<1x128xf32>, vector<2560x128xf32>, vector<1x2560xf32> -> vector<1x2560xf32>
    %get3A_6 = arith.constant 0 : index
    %get3A_7 = arith.constant 0 : index
    %get3A_8 = vector.load %arg3[%get3A_6, %get3A_7] : memref<1x1xf32, #tpu.memory_space<vmem>>, vector<1x1xf32>
    %add3A = vector.broadcast %get3A_8 : vector<1x1xf32> to vector<1x2560xf32>
    %add3A_9 = arith.addf %dot_general3A_5, %add3A : vector<1x2560xf32>
    %neg3A = arith.constant 0.000000e+00 : f32
    %neg3A_10 = vector.broadcast %neg3A : f32 to vector<1x2560xf32>
    %neg3A_11 = arith.subf %neg3A_10, %add3A_9 : vector<1x2560xf32>
    %exp3A = math.exp %neg3A_11 : vector<1x2560xf32>
    %add3A_12 = arith.constant 1.000000e+00 : f32
    %add3A_13 = vector.broadcast %add3A_12 : f32 to vector<1x2560xf32>
    %add3A_14 = arith.addf %add3A_13, %exp3A : vector<1x2560xf32>
    %div3A = arith.constant 1.000000e+00 : f32
    %div3A_15 = vector.broadcast %div3A : f32 to vector<1x2560xf32>
    %div3A_16 = arith.divf %div3A_15, %add3A_14 : vector<1x2560xf32>
    %swap3A = arith.constant 0 : index
    %swap3A_17 = arith.constant 0 : index
    %swap3A_18 = arith.constant 0 : index
    %swap3A_19 = vector.load %arg4[%swap3A, %swap3A_17, %swap3A_18] : memref<1x1x2560xf32, #tpu.memory_space<vmem>>, vector<1x1x2560xf32>
    %swap3A_20 = vector.shape_cast %swap3A_19 : vector<1x1x2560xf32> to vector<1x2560xf32>
    %swap3A_21 = vector.shape_cast %div3A_16 : vector<1x2560xf32> to vector<1x1x2560xf32>
    tpu.vector_store %arg4[%swap3A, %swap3A_17, %swap3A_18], %swap3A_21 {strides = array<i32>} : memref<1x1x2560xf32, #tpu.memory_space<vmem>>, vector<1x1x2560xf32>,
    return
  }
  func.func @transform_0(%arg0: i32) -> (i32, i32) {
    %add3A = arith.constant 19 : i32
    %add3A_0 = arith.addi %arg0, %add3A : i32
    %c0_i32 = arith.constant 0 : i32
    %c0_i32_1 = arith.constant 0 : i32
    return %add3A_0, %c0_i32 : i32, i32
  }
  func.func @transform_1(%arg0: i32) -> (i32, i32) {
    %c0_i32 = arith.constant 0 : i32
    %c0_i32_0 = arith.constant 0 : i32
    %c0_i32_1 = arith.constant 0 : i32
    return %c0_i32, %c0_i32_0 : i32, i32
  }
  func.func @transform_2(%arg0: i32) -> (i32, i32) {
    %c0_i32 = arith.constant 0 : i32
    %c0_i32_0 = arith.constant 0 : i32
    %c0_i32_1 = arith.constant 0 : i32
    return %c0_i32, %c0_i32_0 : i32, i32
  }
  func.func @transform_3(%arg0: i32) -> (i32, i32, i32) {
    %c0_i32 = arith.constant 0 : i32
    %c0_i32_0 = arith.constant 0 : i32
    %c0_i32_1 = arith.constant 0 : i32
    return %arg0, %c0_i32, %c0_i32_0 : i32, i32, i32
  }
}

module attributes {stable_mosaic.version = 14 : i64} {
  func.func @_gate_body(%arg0: i32, %arg1: memref<2560x128xf32, #tpu.memory_space<vmem>>, %arg2: memref<1x128xf32, #tpu.memory_space<vmem>>, %arg3: memref<1x1xf32, #tpu.memory_space<vmem>>, %arg4: memref<1x1x2560xf32, #tpu.memory_space<vmem>>) attributes {dimension_semantics = [#tpu.dimension_semantics<arbitrary>], iteration_bounds = array<i64: 20>, scalar_prefetch = 0 : i64, scratch_operands = 0 : i64, tpu.core_type = #tpu.core_type<tc>, window_params = [{transform_indices = @transform_0, window_bounds = array<i64: 2560, 128>}, {pipeline_mode = #tpu.pipeline_mode<synchronous>, transform_indices = @transform_1, window_bounds = array<i64: 1, 128>}, {pipeline_mode = #tpu.pipeline_mode<synchronous>, transform_indices = @transform_2, window_bounds = array<i64: 1, 1>}, {transform_indices = @transform_3, window_bounds = array<i64: 1, 1, 2560>}]} {
    %get3A = arith.constant 0 : index
    %get3A_0 = arith.constant 0 : index
    %get3A_1 = vector.load %arg1[%get3A, %get3A_0] : memref<2560x128xf32, #tpu.memory_space<vmem>>, vector<2560x128xf32>
    %get3A_2 = arith.constant 0 : index
    %get3A_3 = arith.constant 0 : index
    %get3A_4 = vector.load %arg2[%get3A_2, %get3A_3] : memref<1x128xf32, #tpu.memory_space<vmem>>, vector<1x128xf32>
    %dot_general3A = arith.constant dense<0.000000e+00> : vector<1x2560xf32>
    %dot_general3A_5 = tpu.matmul %get3A_4, %get3A_1, %dot_general3A {dimension_numbers = #tpu.dot_dimension_numbers<[1], [1], [0], [0], [0, 0, 1, 0], [], []>, transpose_lhs_hint = false} : vector<1x128xf32>, vector<2560x128xf32>, vector<1x2560xf32> -> vector<1x2560xf32>
    %get3A_6 = arith.constant 0 : index
    %get3A_7 = arith.constant 0 : index
    %get3A_8 = vector.load %arg3[%get3A_6, %get3A_7] : memref<1x1xf32, #tpu.memory_space<vmem>>, vector<1x1xf32>
    %add3A = vector.broadcast %get3A_8 : vector<1x1xf32> to vector<1x2560xf32>
    %add3A_9 = arith.addf %dot_general3A_5, %add3A : vector<1x2560xf32>
    %neg3A = arith.constant 0.000000e+00 : f32
    %neg3A_10 = vector.broadcast %neg3A : f32 to vector<1x2560xf32>
    %neg3A_11 = arith.subf %neg3A_10, %add3A_9 : vector<1x2560xf32>
    %exp3A = math.exp %neg3A_11 : vector<1x2560xf32>
    %add3A_12 = arith.constant 1.000000e+00 : f32
    %add3A_13 = vector.broadcast %add3A_12 : f32 to vector<1x2560xf32>
    %add3A_14 = arith.addf %add3A_13, %exp3A : vector<1x2560xf32>
    %div3A = arith.constant 1.000000e+00 : f32
    %div3A_15 = vector.broadcast %div3A : f32 to vector<1x2560xf32>
    %div3A_16 = arith.divf %div3A_15, %add3A_14 : vector<1x2560xf32>
    %swap3A = arith.constant 0 : index
    %swap3A_17 = arith.constant 0 : index
    %swap3A_18 = arith.constant 0 : index
    %swap3A_19 = vector.load %arg4[%swap3A, %swap3A_17, %swap3A_18] : memref<1x1x2560xf32, #tpu.memory_space<vmem>>, vector<1x1x2560xf32>
    %swap3A_20 = vector.shape_cast %swap3A_19 : vector<1x1x2560xf32> to vector<1x2560xf32>
    %swap3A_21 = vector.shape_cast %div3A_16 : vector<1x2560xf32> to vector<1x1x2560xf32>
    tpu.vector_store %arg4[%swap3A, %swap3A_17, %swap3A_18], %swap3A_21 {strides = array<i32>} : memref<1x1x2560xf32, #tpu.memory_space<vmem>>, vector<1x1x2560xf32>,
    return
  }
  func.func @transform_0(%arg0: i32) -> (i32, i32) {
    %add3A = arith.constant 0 : i32
    %add3A_0 = arith.addi %arg0, %add3A : i32
    %c0_i32 = arith.constant 0 : i32
    %c0_i32_1 = arith.constant 0 : i32
    return %add3A_0, %c0_i32 : i32, i32
  }
  func.func @transform_1(%arg0: i32) -> (i32, i32) {
    %c0_i32 = arith.constant 0 : i32
    %c0_i32_0 = arith.constant 0 : i32
    %c0_i32_1 = arith.constant 0 : i32
    return %c0_i32, %c0_i32_0 : i32, i32
  }
  func.func @transform_2(%arg0: i32) -> (i32, i32) {
    %c0_i32 = arith.constant 0 : i32
    %c0_i32_0 = arith.constant 0 : i32
    %c0_i32_1 = arith.constant 0 : i32
    return %c0_i32, %c0_i32_0 : i32, i32
  }
  func.func @transform_3(%arg0: i32) -> (i32, i32, i32) {
    %c0_i32 = arith.constant 0 : i32
    %c0_i32_0 = arith.constant 0 : i32
    %c0_i32_1 = arith.constant 0 : i32
    return %arg0, %c0_i32, %c0_i32_0 : i32, i32, i32
  }
}

module attributes {stable_mosaic.version = 14 : i64} {
  func.func @_final_body(%arg0: memref<2x1024x128xf32, #tpu.memory_space<vmem>>, %arg1: memref<2x1024x128xf32, #tpu.memory_space<vmem>>, %arg2: memref<2x1024xf32, #tpu.memory_space<vmem>>, %arg3: memref<2x1024xf32, #tpu.memory_space<vmem>>, %arg4: memref<128x128xf32, #tpu.memory_space<vmem>>, %arg5: memref<1x128xf32, #tpu.memory_space<vmem>>, %arg6: memref<1024x128xf32, #tpu.memory_space<vmem>>) attributes {dimension_semantics = [], scalar_prefetch = 0 : i64, scratch_operands = 0 : i64, tpu.core_type = #tpu.core_type<tc>} {
    %get3A = arith.constant 0 : index
    %get3A_0 = arith.constant 0 : index
    %get3A_1 = arith.constant 0 : index
    %get3A_2 = vector.load %arg0[%get3A, %get3A_0, %get3A_1] : memref<2x1024x128xf32, #tpu.memory_space<vmem>>, vector<1x1024x128xf32>
    %get3A_3 = vector.shape_cast %get3A_2 : vector<1x1024x128xf32> to vector<1024x128xf32>
    %get3A_4 = arith.constant 1 : index
    %get3A_5 = arith.constant 0 : index
    %get3A_6 = arith.constant 0 : index
    %get3A_7 = vector.load %arg0[%get3A_4, %get3A_5, %get3A_6] : memref<2x1024x128xf32, #tpu.memory_space<vmem>>, vector<1x1024x128xf32>
    %get3A_8 = vector.shape_cast %get3A_7 : vector<1x1024x128xf32> to vector<1024x128xf32>
    %add3A = arith.addf %get3A_3, %get3A_8 : vector<1024x128xf32>
    %get3A_9 = arith.constant 0 : index
    %get3A_10 = arith.constant 0 : index
    %get3A_11 = vector.load %arg2[%get3A_9, %get3A_10] : memref<2x1024xf32, #tpu.memory_space<vmem>>, vector<1x1024xf32>
    %get3A_12 = arith.constant 1 : index
    %get3A_13 = arith.constant 0 : index
    %get3A_14 = vector.load %arg2[%get3A_12, %get3A_13] : memref<2x1024xf32, #tpu.memory_space<vmem>>, vector<1x1024xf32>
    %add3A_15 = arith.addf %get3A_11, %get3A_14 : vector<1x1024xf32>
    %get3A_16 = arith.constant 0 : index
    %get3A_17 = arith.constant 0 : index
    %get3A_18 = arith.constant 0 : index
    %get3A_19 = vector.load %arg1[%get3A_16, %get3A_17, %get3A_18] : memref<2x1024x128xf32, #tpu.memory_space<vmem>>, vector<1x1024x128xf32>
    %get3A_20 = vector.shape_cast %get3A_19 : vector<1x1024x128xf32> to vector<1024x128xf32>
    %add3A_21 = arith.addf %add3A, %get3A_20 : vector<1024x128xf32>
    %get3A_22 = arith.constant 1 : index
    %get3A_23 = arith.constant 0 : index
    %get3A_24 = arith.constant 0 : index
    %get3A_25 = vector.load %arg1[%get3A_22, %get3A_23, %get3A_24] : memref<2x1024x128xf32, #tpu.memory_space<vmem>>, vector<1x1024x128xf32>
    %get3A_26 = vector.shape_cast %get3A_25 : vector<1x1024x128xf32> to vector<1024x128xf32>
    %add3A_27 = arith.addf %add3A_21, %get3A_26 : vector<1024x128xf32>
    %get3A_28 = arith.constant 0 : index
    %get3A_29 = arith.constant 0 : index
    %get3A_30 = vector.load %arg3[%get3A_28, %get3A_29] : memref<2x1024xf32, #tpu.memory_space<vmem>>, vector<1x1024xf32>
    %add3A_31 = arith.addf %add3A_15, %get3A_30 : vector<1x1024xf32>
    %get3A_32 = arith.constant 1 : index
    %get3A_33 = arith.constant 0 : index
    %get3A_34 = vector.load %arg3[%get3A_32, %get3A_33] : memref<2x1024xf32, #tpu.memory_space<vmem>>, vector<1x1024xf32>
    %add3A_35 = arith.addf %add3A_31, %get3A_34 : vector<1x1024xf32>
    %get3A_36 = arith.constant 0 : index
    %get3A_37 = arith.constant 0 : index
    %get3A_38 = vector.load %arg5[%get3A_36, %get3A_37] : memref<1x128xf32, #tpu.memory_space<vmem>>, vector<1x128xf32>
    %dot_general3A = arith.constant dense<0.000000e+00> : vector<1024x128xf32>
    %dot_general3A_39 = tpu.matmul %add3A_35, %get3A_38, %dot_general3A {dimension_numbers = #tpu.dot_dimension_numbers<[0], [0], [1], [1], [0, 1, 1, 1], [], []>, transpose_lhs_hint = false} : vector<1x1024xf32>, vector<1x128xf32>, vector<1024x128xf32> -> vector<1024x128xf32>
    %get3A_40 = arith.constant 0 : index
    %get3A_41 = arith.constant 0 : index
    %get3A_42 = vector.load %arg4[%get3A_40, %get3A_41] : memref<128x128xf32, #tpu.memory_space<vmem>>, vector<128x128xf32>
    %dot_general3A_43 = arith.constant dense<0.000000e+00> : vector<1024x128xf32>
    %dot_general3A_44 = tpu.matmul %add3A_27, %get3A_42, %dot_general3A_43 {dimension_numbers = #tpu.dot_dimension_numbers<[1], [0], [0], [1], [0, 0, 1, 1], [], []>, transpose_lhs_hint = false} : vector<1024x128xf32>, vector<128x128xf32>, vector<1024x128xf32> -> vector<1024x128xf32>
    %add3A_45 = arith.addf %dot_general3A_44, %dot_general3A_39 : vector<1024x128xf32>
    %swap3A = arith.constant 0 : index
    %swap3A_46 = arith.constant 0 : index
    %swap3A_47 = vector.load %arg6[%swap3A, %swap3A_46] : memref<1024x128xf32, #tpu.memory_space<vmem>>, vector<1024x128xf32>
    tpu.vector_store %arg6[%swap3A, %swap3A_46], %add3A_45 {strides = array<i32>} : memref<1024x128xf32, #tpu.memory_space<vmem>>, vector<1024x128xf32>,
    return
  }
}

</mosaic_0001>

<sc_bundles>
// kernel: kernel.10.cloned.1.call-start
scs
__scs_entry_jumppad:
0x0: {  	(pc) =	sbr.rel $0x88, $3  }
0x1: {  	(tag) =	ssettag $0x0;
	lr =	simm.s32 $0x1  }
0x2: {  	[smem:$0x3F9B] =	sst lr;
	_ =	strace $0xD0000000  }
0x3: {  	_ = 	snop  }
0x4: {  	_ = 	snop  }
0x5: {  	_ = 	snop  }
0x6: {  	_ = 	snop  }
0x7: {  	_ = 	snop  }
__scs_overlays_trampoline_lowered:
0x8: {  	[smem:$0x3FAA] =	sst s0  }
0x9: {  	[smem:$0x3FAB] =	sst s1  }
0xa: {  	[smem:$0x3FAC] =	sst s2  }
0xb: {  	[smem:$0x3FAD] =	sst s3  }
0xc: {  	[smem:$0x3FAE] =	sst s4  }
0xd: {  	[smem:$0x3FAF] =	sst s5  }
0xe: {  	[smem:$0x3FB0] =	sst s6  }
0xf: {  	[smem:$0x3FB1] =	sst s7  }
0x10: {  	[smem:$0x3FB2] =	sst s8  }
0x11: {  	[smem:$0x3FB3] =	sst s9;
	s0 =	simm.s32 @!p0 $0x0  }
0x12: {  	s1 =	sld [smem:$0x3F99];
	s0 =	simm.s32 @p0 $0x1  }
0x13: {  	[smem:$0x3FB4] =	sst s0;
	s0 =	simm.s32 @!p1 $0x0  }
0x14: {  	s2 =	sld [smem:$0x3F98];
	s0 =	simm.s32 @p1 $0x1  }
0x15: {  	[smem:$0x3FB5] =	sst s0;
	s0 =	simm.s32 @!p2 $0x0  }
0x16: {  	s3 =	sld [smem:$0x3FDB];
	s0 =	simm.s32 @p2 $0x1  }
0x17: {  	s4 =	simm.s32 $0x1BF5;
	[smem:$0x3FB7] =	sst s0  }
0x18: {  	s0 =	sld [smem:$0x3F9A];
	_ =	swait.ge [sflag:s4], $0x0  }
0x19: {  	s7 =	sld [smem:$0x3F9B]  }
0x1a: {  	s8 =	sadd.s32 $0xFFFFE003, lr  }
0x1b: {  	s9 =	sadd.s32 $0xFFFFFEF7, lr;
	s5 =	simm.s32 $0xFFFFFFFF;
	p2 =	slt.u32 s8, $0xFFFFF086  }
0x1c: {  	p1 =	slt.u32 s9, $0xF7A;
	s5 =	simm.s32 @!p2 $0x0  }
0x1d: {  	s5 =	simm.s32 @p1 $0x1;
	p0 =	seq.s32 s7, s2  }
0x1e: {  	s7 =	smul.u32 @!p0 $0xF7A, s2;
	p2 =	seq.s32 @!p0 s5, $0x0  }
0x1f: {  	s9 =	smul.u32 $0xF7A, s1;
	s8 =	simm.s32 @!p0 $0x1BF5;
	p2 =	por !p2, p0  }
0x20: {  	[sflag:s8] =	ssyncset.s32 @!p0 $0xFFFFF086;
	s6 =	sadd.s32 @!p0 s3, s7;
	s7 =	simm.s32 @!p0 $0x108  }
0x21: {  	s3 =	sadd.s32 s3, s9;
	s6 =	sadd.s32 @!p0 $0x88, s6;
	s7 =	simm.s32 @p2 $0x1082  }
0x22: {  	[simem:s7], [sflag:s8] =	dma.local @!p0 [hbm:s6], $0xF7A  }
0x23: {  	s9 =	sor.u32 $0xD0000000, s2;
	s6 =	simm.s32 $0x108;
	_ =	swait.ge @!p0 [sflag:s8], $0x0  }
0x24: {  	s3 =	sadd.s32 $0x88, s3;
	s6 =	simm.s32 @!p1 $0x1082;
	[sflag:s4] =	ssyncset.s32 $0xFFFFF086  }
0x25: {  	[simem:s6], [sflag:s4] =	dma.local [hbm:s3], $0xF7A  }
0x26: {  	[smem:$0x3F9B] =	sst s1;
	(tag) =	ssettag s2;
	_ =	strace s9  }
0x27: {  	s1 =	sld [smem:$0x3FAB]  }
0x28: {  	s2 =	sld [smem:$0x3FAC]  }
0x29: {  	s4 =	sld [smem:$0x3FAE]  }
0x2a: {  	p0 =	seq.s32 s5, $0x0;
	s5 =	sld [smem:$0x3FAF]  }
0x2b: {  	s6 =	sld [smem:$0x3FB0]  }
0x2c: {  	s7 =	sld [smem:$0x3FB1]  }
0x2d: {  	s3 =	simm.s32 $0x108;
	s8 =	sld [smem:$0x3FB2]  }
0x2e: {  	s3 =	simm.s32 @!p0 $0x1082;
	s9 =	sld [smem:$0x3FB3]  }
0x2f: {  	lr =	sadd.s32 s0, s3;
	s0 =	sld [smem:$0x3FAA]  }
0x30: {  	s3 =	sld [smem:$0x3FAD]  }
0x31: {  	[smem:$0x3FB6] =	sst s10  }
0x32: {  	s10 =	sld [smem:$0x3FB4];
	_ =	sdelay $0x3  }
0x33: {  	p0 =	seq.s32 s10, $0x1;
	s10 =	sld [smem:$0x3FB6];
	_ =	sdelay $0x3  }
0x34: {  	[smem:$0x3FB6] =	sst s10  }
0x35: {  	s10 =	sld [smem:$0x3FB5];
	_ =	sdelay $0x3  }
0x36: {  	p1 =	seq.s32 s10, $0x1;
	s10 =	sld [smem:$0x3FB6];
	_ =	sdelay $0x3  }
0x37: {  	[smem:$0x3FB6] =	sst s10  }
0x38: {  	s10 =	sld [smem:$0x3FB7]  }
0x39: {  	_ = 	snop;
	(pc) =	sbr.ind lr, $3  }
0x3a: {  	_ = 	snop  }
0x3b: {  	_ = 	snop  }
0x3c: {  	p2 =	seq.s32 s10, $0x1;
	s10 =	sld [smem:$0x3FB6]  }
0x3d: {  	_ =	shalt  }
0x3e: {  	_ =	shalt  }
0x3f: {  	_ =	shalt  }
0x40: {  	_ =	shalt  }
0x41: {  	_ =	shalt  }
0x42: {  	_ =	shalt  }
0x43: {  	_ =	shalt  }
0x44: {  	_ =	shalt  }
0x45: {  	_ =	shalt  }
0x46: {  	_ =	shalt  }
0x47: {  	_ =	shalt  }
0x48: {  	_ =	shalt  }
0x49: {  	_ =	shalt  }
0x4a: {  	_ =	shalt  }
0x4b: {  	_ =	shalt  }
0x4c: {  	_ =	shalt  }
0x4d: {  	_ =	shalt  }
0x4e: {  	_ =	shalt  }
0x4f: {  	_ =	shalt  }
0x50: {  	_ =	shalt  }
0x51: {  	_ =	shalt  }
0x52: {  	_ =	shalt  }
0x53: {  	_ =	shalt  }
0x54: {  	_ =	shalt  }
0x55: {  	_ =	shalt  }
0x56: {  	_ =	shalt  }
0x57: {  	_ =	shalt  }
0x58: {  	_ =	shalt  }
0x59: {  	_ =	shalt  }
0x5a: {  	_ =	shalt  }
0x5b: {  	_ =	shalt  }
0x5c: {  	_ =	shalt  }
0x5d: {  	_ =	shalt  }
0x5e: {  	_ =	shalt  }
0x5f: {  	_ =	shalt  }
0x60: {  	_ =	shalt  }
0x61: {  	_ =	shalt  }
0x62: {  	_ =	shalt  }
0x63: {  	_ =	shalt  }
0x64: {  	_ =	shalt  }
0x65: {  	_ =	shalt  }
0x66: {  	_ =	shalt  }
0x67: {  	_ =	shalt  }
0x68: {  	_ =	shalt  }
0x69: {  	_ =	shalt  }
0x6a: {  	_ =	shalt  }
0x6b: {  	_ =	shalt  }
0x6c: {  	_ =	shalt  }
0x6d: {  	_ =	shalt  }
0x6e: {  	_ =	shalt  }
0x6f: {  	_ =	shalt  }
0x70: {  	_ =	shalt  }
0x71: {  	_ =	shalt  }
0x72: {  	_ =	shalt  }
0x73: {  	_ =	shalt  }
0x74: {  	_ =	shalt  }
0x75: {  	_ =	shalt  }
0x76: {  	_ =	shalt  }
0x77: {  	_ =	shalt  }
0x78: {  	_ =	shalt  }
0x79: {  	_ =	shalt  }
0x7a: {  	_ =	shalt  }
0x7b: {  	_ =	shalt  }
0x7c: {  	_ =	shalt  }
0x7d: {  	_ =	shalt  }
0x7e: {  	_ =	shalt  }
0x7f: {  	_ =	shalt  }
0x80: {  	_ =	shalt  }
0x81: {  	_ =	shalt  }
0x82: {  	_ =	shalt  }
0x83: {  	_ =	shalt  }
0x84: {  	_ =	shalt  }
0x85: {  	_ =	shalt  }
0x86: {  	_ =	shalt  }
0x87: {  	_ =	shalt  }
.Lfunc_end0:
.L_simem_size_0:
called_computation.1_lowered:
.L_overlay_start_0:
0x88: {  	s2 =	sld [smem:$0x3FD9]  }
0x89: {  	s3 =	sld [smem:$0x3FFE];
	_ =	sdelay $0x1  }
0x8a: {  	s1 =	srdreg.scid  }
0x8b: {  	s0 =	sand.u32 $0x1, s1  }
0x8c: {  	s17 =	sshll.u32 s0, $0xA;
	s2 =	sadd.s32 s3, s2  }
0x8d: {  	s2 =	sadd.s32 s2, s17  }
0x8e: {  	[smem:$0x3FC2] =	sst s2  }
0x8f: {  	_ = 	snop  }
0x90: {  	s2 =	sld [smem:$0x3FC9]  }
0x91: {  	s18 =	sld [smem:$0x3FC8]  }
0x92: {  	s4 =	sld [smem:$0x3FD0];
	(tm) =	ssettm $0x1  }
0x93: {  	s5 =	sld [smem:$0x3FFB];
	_ =	sdelay $0x3  }
0x94: {  	_ =	strace s5  }
0x95: {  	s5 =	sld [smem:$0x3FFC];
	_ =	sdelay $0x3  }
0x96: {  	_ =	strace s5  }
0x97: {  	s5 =	sld [smem:$0x3FFD];
	_ =	sdelay $0x3  }
0x98: {  	_ =	strace s5  }
0x99: {  	_ =	strace $0x8FFFFFFF  }
0x9a: {  	s19 =	sld [smem:$0x3FDB];
	_ =	sdelay $0x1  }
0x9b: {  	s6 =	simm.s32 $_scs_section_size  }
0x9c: {  	s7 =	simm.s32 $_size__tile_overlayer_lowered;
	s8 =	simm.s32 $_tile_overlayer_lowered  }
0x9d: {  	s22 =	simm.s32 $0x1BFF;
	s21 =	sshll.u32 s8, $0x1;
	s5 =	sadd.s32 s6, s19  }
0x9e: {  	s9 =	simm.s32 $0x0;
	s20 =	sshll.u32 s7, $0x1;
	s7 =	sadd.s32 s21, s5  }
0x9f: {  	[timem:s9], [sflag:s22] =	dma.local [hbm:s7], s20  }
0xa0: {  	_ =	swait.ge [sflag:s22], s20  }
0xa1: {  	s6 =	ssub.s32 $0x0, s20;
	[sflag:s22] =	ssyncset.done $0x0  }
0xa2: {  	[sflag:s22] =	ssyncadd.s32 s6;
	_ =	sdelay $0x1  }
0xa3: {  	s23 =	simm.s32 $0x1B8B  }
0xa4: {  	_ =	swait.ge [sflag:s23], $0x1  }
0xa5: {  	[sflag:s23] =	ssyncset.done $0x0  }
0xa6: {  	s25 =	simm.s32 $0x1B8E;
	s24 =	sld [smem:$0x3FFE];
	[sflag:s23] =	ssyncadd.s32 $0xFFFFFFFF  }
0xa7: {  	s26 =	simm.s32 $execute0_lowered;
	[smem:$0x3FD2] =	sst s25  }
0xa8: {  	s7 =	sshll.u32 s26, $0x1;
	_ =	strace $0x80000046;
	[dreg:$0x1] =	wrdreg $0xFFFFFFFF  }
0xa9: {  	s28 =	simm.s32 $_size_execute0_lowered;
	s5 =	sadd.s32 s5, s7;
	[dreg:$0x0] =	wrdreg $0x0  }
0xaa: {  	s7 =	sshll.u32 s28, $0x1;
	[dreg:$0x2] =	wrdreg s5  }
0xab: {  	[dreg:$0x3] =	wrdreg s7  }
0xac: {  	[dreg:$0x4] =	wrdreg $0xC0  }
0xad: {  	_ =	task [dreg:s9], $0x5FFFF  }
0xae: {  	[dreg:$0x1] =	wrdreg $0xFFFFFFFF  }
0xaf: {  	[dreg:$0x0] =	wrdreg $0x60  }
0xb0: {  	[dreg:$0x2] =	wrdreg s2  }
0xb1: {  	[dreg:$0x3] =	wrdreg s18  }
0xb2: {  	[dreg:$0x4] =	wrdreg s24  }
0xb3: {  	[dreg:$0x5] =	wrdreg s4  }
0xb4: {  	[dreg:$0x6] =	wrdreg $0x52800  }
0xb5: {  	[dreg:$0x7] =	wrdreg $0x72800  }
0xb6: {  	[dreg:$0x8] =	wrdreg $0xA  }
0xb7: {  	_ =	task.clear_ibuf [dreg:s9], $0x9FFFF;
	_ =	strace $0x90000046  }
0xb8: {  	s29 =	simm.s32 $0xA;
	_ =	strace $0x80000048  }
0xb9: {  	_ =	swait.ge [sflag:s29], $0x1  }
0xba: {  	[sflag:s29] =	ssyncadd.s32 $0xFFFFFFFF  }
0xbb: {  	_ =	strace $0x90000048  }
0xbc: {  	_ =	sfence  }
0xbd: {  	s30 =	sld [smem:$0x0];
	_ =	sdelay $0x2  }
0xbe: {  	s31 =	sshll.u32 s1, $0xD;
	s1 =	sshrl.u32 s1, $0x2  }
0xbf: {  	s3 =	sand.u32 $0x4000, s31;
	s1 =	sadd.s32 s1, s30  }
0xc0: {  	s0 =	sor.u32 s3, s0;
	s1 =	sshll.u32 s1, $0x11  }
0xc1: {  	s0 =	sor.u32 s1, s0  }
0xc2: {  	s0 =	sadd.s32 $0x8F2B, s0  }
0xc3: {  	[sflag:s0] =	ssyncadd.remote.s32 $0x1  }
0xc4: {  	_ =	sfence.sel $0xFFFF  }
0xc5: {  	[dreg:$0x0] =	wrdreg $0xFFFFFFFF;
	(pc) =	sbr.abs _section_cstart, $3  }
0xc6: {  	[dreg:$0x1] =	wrdreg $0xFFFFFFFF  }
0xc7: {  	_ =	task.clear_ibuf [dreg:s9], $0x2FFFF;
	_ =	strace $0x9FFFFFFF  }
0xc8: {  	(tm) =	ssettm $0x7FFFFFFF  }
0xc9: {  	_ =	shalt  }
tec
execute0_lowered:
.L_overlay_start_1:
0x0: {  	(tag) =	ssettag $0x1  }
0x1: {  	s1 =	rddreg [dreg:$0x0]  }
0x2: {  	s2 =	rddreg [dreg:$0x1]  }
0x3: {  	s0 =	rddreg [dreg:$0x2]  }
0x4: {  	s3 =	rddreg [dreg:$0x3]  }
0x5: {  	s4 =	rddreg [dreg:$0x4]  }
0x6: {  	s5 =	rddreg [dreg:$0x5];
	s16 =	stileid.u32  }
0x7: {  	s7 =	srdreg.scid;
	s6 =	simm.s32 $0x0;
	s28 =	simm.s32 $0x2  }
0x8: {  	s29 =	simm.s32 $0x80;
	s30 =	simm.s32 $0x2A00;
	s31 =	simm.s32 $0x180  }
0x9: {  	s9 =	sand.u32 $0x1, s7;
	s14 =	sand.u32 $0xE, s16;
	[smem:$0x7FF] =	sst s6  }
0xa: {  	s11 =	sshll.u32 s16, $0x6;
	s12 =	sshll.u32 s16, $0xA;
	s15 =	sshll.u32 s16, $0x1  }
0xb: {  	s16 =	sshll.u32 s16, $0xD;
	s7 =	sor.u32 s9, s14;
	_ =	strace $0x80000047  }
0xc: {  	s10 =	sand.u32 $0x40, s11;
	s13 =	sadd.s32 s12, s0;
	s14 =	ssub.s32 $0x2, s9  }
0xd: {  	s15 =	sor.u32 s9, s15;
	s19 =	sadd.s32 s16, s4;
	s3 =	sadd.s32 s3, s12  }
0xe: {  	s9 =	sshll.u32 s9, $0xE;
	s8 =	sshll.u32 s7, $0x7;
	s7 =	sadd.s32 $0x2000, s0  }
0xf: {  	s17 =	sshrl.u32 s14, $0x1;
	[dreg:$0x7] =	wrdreg s3;
	s20 =	ssub.s32 $0x290, s15  }
0x10: {  	s9 =	sadd.s32 s9, s13;
	s19 =	sshrl.u32 s19, $0x3;
	s8 =	sor.u32 s10, s8  }
0x11: {  	s14 =	ssub.s32 s14, s17;
	s10 =	sor.u32 $0x1C03, s11;
	s11 =	sadd.s32 s11, s5  }
0x12: {  	s12 =	sshrl.u32 s20, $0x5;
	s25 =	sadd.s32 $0x3C00, s9;
	s20 =	simm.s32 $0x3  }
0x13: {  	s8 =	sshrl.u32 s8, $0x3;
	[dreg:$0xb] =	wrdreg s25;
	s26 =	smax.u32 s14, $0x1  }
0x14: {  	s25 =	simm.s32 $0x50;
	s0 =	sadd.s32 s8, s0;
	s8 =	sadd.s32 $0x271, s15  }
0x15: {  	[dreg:$0xd] =	wrdreg s26;
	s18 =	smul.u32 $0x50, s8;
	s0 =	sadd.s32 $0xBC00, s0  }
0x16: {  	s26 =	simm.s32 $0x4;
	s23 =	smul.u32 $0x500, s8;
	[dreg:$0xc] =	wrdreg s0  }
.Ltmp0:
0x17: {  	s0 =	simm.s32 $0x0;
	s21 =	sadd.s32 $0xFFFF4200, s18;
	(pc) =	sbr.rel .LBB2_1-.Ltmp0, $4  }
0x18: {  	s22 =	sshrl.u32 s18, $0x3;
	s24 =	sadd.s32 s1, s23;
	s23 =	simm.s32 $0x200  }
0x19: {  	s15 =	sadd.s32 s2, s22;
	s3 =	sshrl.u32 s21, $0x3;
	[dreg:$0xa] =	wrdreg s24  }
0x1a: {  	s21 =	simm.s32 $0x5200;
	[dreg:$0x8] =	wrdreg s15;
	s3 =	sadd.s32 s7, s3  }
0x1b: {  	v0 =	vimm.f32 $0.0e+00;
	s22 =	simm.s32 $0x100;
	s24 =	simm.s32 $0x1;
	[dreg:$0x9] =	wrdreg s3  }
.LBB2_10:
0x1c: {  	[bflag:$0x0] =	sbarrier.arrive $0xFFFF  }
0x1d: {  	s3 =	rddreg [dreg:$0xb]  }
0x1e: {  	[hbm:s3], [sflag:s10] =	dma.local [spmem:s19], $0x400  }
0x1f: {  	_ =	swait.ge [sflag:s20], $0x400  }
0x20: {  	[sflag:s20] =	ssyncset.done $0x0  }
0x21: {  	[sflag:s20] =	ssyncadd.s32 $0xFFFFFC00  }
0x22: {  	[tilespmem:s21], [sflag:$0x3] =	stream.linear.gather [spmem:s11], $0x40, $0x38;
	[tilespmem:$0x72C0] =	vst v63  }
0x23: {  	_ =	swait.ge [sflag:s20], $0x40  }
0x24: {  	[sflag:s20] =	ssyncset.done $0x0  }
0x25: {  	s17 =	rddreg [dreg:$0xc];
	[sflag:s20] =	ssyncadd.s32 $0xFFFFFFC0  }
0x26: {  	[hbm4b:s17+s6] =	stream.linear.scatter [tilespmem:s21], [sflag:$0x3], $0x40, $0x38;
	[tilespmem:$0x72C0] =	vst v63  }
0x27: {  	_ =	swait.ge [sflag:s20], $0x40  }
0x28: {  	s0 =	sadd.s32 $0x1, s0;
	s18 =	rddreg [dreg:$0xd]  }
0x29: {  	p0 =	sne.s32 s0, s18  }
.Ltmp1:
0x2a: {  	_ = 	snop;
	(pc) =	sbr.rel @!p0 .LBB2_11-.Ltmp1, $3  }
0x2b: {  	_ =	sdelay $0x1  }
0x2c: {  	[sflag:s20] =	ssyncset.done $0x0  }
0x2d: {  	[sflag:s20] =	ssyncadd.s32 $0xFFFFFFC0  }
.LBB2_1:
0x2e: {  	s3 =	rddreg [dreg:$0x7]  }
0x2f: {  	[spmem:s19], [sflag:s10] =	dma.local [hbm:s3], $0x400  }
0x30: {  	_ =	swait.ge [sflag:s20], $0x400  }
0x31: {  	[sflag:s20] =	ssyncset.done $0x0  }
0x32: {  	[sflag:s20] =	ssyncadd.s32 $0xFFFFFC00  }
0x33: {  	[tilespmem:$0x5200] =	vst v0  }
0x34: {  	[tilespmem:$0x5210] =	vst v0  }
0x35: {  	[tilespmem:$0x5220] =	vst v0  }
0x36: {  	[tilespmem:$0x5230] =	vst v0  }
0x37: {  	[spmem:s11] =	stream.linear.scatter [tilespmem:s21], [sflag:$0x3], $0x40, $0x38;
	[tilespmem:$0x72C0] =	vst v63  }
0x38: {  	_ =	swait.ge [sflag:s20], $0x40  }
0x39: {  	[sflag:s20] =	ssyncset.done $0x0  }
0x3a: {  	[sflag:s20] =	ssyncadd.s32 $0xFFFFFFC0  }
0x3b: {  	[bflag:$0x0] =	sbarrier.arrive $0xFFFF  }
0x3c: {  	s16 =	rddreg [dreg:$0x8]  }
0x3d: {  	[tilespmem:s6], [sflag:$0x1] =	stream.linear.gather [hbm4b:s16+s6], $0x50, $0x38;
	[tilespmem:$0x72C0] =	vst v63  }
.Ltmp2:
0x3e: {  	_ = 	snop;
	(pc) =	sbr.rel .LBB2_2-.Ltmp2, $4  }
0x3f: {  	s17 =	rddreg [dreg:$0x9]  }
0x40: {  	[tilespmem:s22], [sflag:$0x1] =	stream.linear.gather [hbm4b:s17+s6], $0x50, $0x38;
	[tilespmem:$0x72C0] =	vst v63  }
0x41: {  	s3 =	simm.s32 $0x0;
	s18 =	rddreg [dreg:$0xa]  }
0x42: {  	[tilespmem:s23], [sflag:$0x1] =	stream.linear.gather [hbm4b:s18+s6], $0x2800, $0x38;
	[tilespmem:$0x72C0] =	vst v63  }
.LBB2_8:
0x43: {  	[tilespmem:s13+$0x60] =	vst v10  }
0x44: {  	[tilespmem:s13+$0x70] =	vst v9  }
0x45: {  	v7 =	vmul.f32 v7, v1;
	v61 =	vld [tilespmem:s13+$0xD0];
	[tilespmem:s9+$0xD0] =	vst v3  }
0x46: {  	v6 =	vmul.f32 v6, v1;
	v63 =	vld [tilespmem:s14+$0xE0];
	[tilespmem:s9+$0xE0] =	vst v2  }
0x47: {  	v62 =	vmul.f32 v8, v1;
	[tilespmem:s14+$0x80] =	vst v7  }
0x48: {  	v5 =	vmul.f32 v5, v1;
	[tilespmem:s14+$0x90] =	vst v6  }
0x49: {  	v4 =	vmul.f32 v4, v1;
	[tilespmem:s14+$0xA0] =	vst v62  }
0x4a: {  	[tilespmem:s14+$0xB0] =	vst v5;
	v3 =	vmul.f32 v61, v1  }
0x4b: {  	[tilespmem:s14+$0xC0] =	vst v4;
	v1 =	vmul.f32 v63, v1  }
0x4c: {  	[tilespmem:s14+$0xD0] =	vst v3  }
0x4d: {  	[tilespmem:s14+$0xE0] =	vst v1  }
0x4e: {  	[spmem:s4] =	stream.indirect.scatter.add.f32 [tilespmem:s30], [sflag:$0x4], $0x80, s29, s25, $0xb8;
	[tilespmem:$0x72C0] =	vst v63  }
0x4f: {  	_ =	swait.ge [sflag:s26], $0x2800  }
0x50: {  	[sflag:s26] =	ssyncset.done $0x0  }
0x51: {  	[sflag:s26] =	ssyncadd.s32 $0xFFFFD800  }
0x52: {  	[spmem:s5] =	stream.indirect.scatter.add.f32 [tilespmem:s31], [sflag:$0x3], $0x1, s29, s25, $0xb8;
	[tilespmem:$0x72C0] =	vst v63  }
0x53: {  	_ =	swait.ge [sflag:s20], $0x50  }
0x54: {  	[sflag:s20] =	ssyncset.done $0x0  }
0x55: {  	[sflag:s20] =	ssyncadd.s32 $0xFFFFFFB0  }
.LBB2_9:
0x56: {  	p0 =	sne.s32 s3, s12  }
.Ltmp3:
0x57: {  	_ = 	snop;
	(pc) =	sbr.rel @!p0 .LBB2_10-.Ltmp3, $1  }
0x58: {  	_ =	sdelay $0x3  }
.LBB2_2:
0x59: {  	s9 =	sand.u32 $0x1, s3  }
0x5a: {  	p0 =	seq.s32 s9, $0x1  }
.Ltmp4:
0x5b: {  	_ = 	snop;
	(pc) =	sbr.rel @p0 .LBB2_6-.Ltmp4, $1  }
0x5c: {  	_ =	sdelay $0x3  }
0x5d: {  	_ =	swait.ge [sflag:s24], $0x50  }
0x5e: {  	s3 =	sor.u32 $0x1, s3;
	[sflag:s24] =	ssyncset.done $0x0  }
0x5f: {  	p0 =	sge.u32 s3, s12;
	[sflag:s24] =	ssyncadd.s32 $0xFFFFFFB0  }
0x60: {  	s9 =	sshll.u32 @!p0 s3, $0x5;
	_ =	swait.ge [sflag:s24], $0x50  }
0x61: {  	s9 =	sadd.s32 @!p0 s8, s9;
	[sflag:s24] =	ssyncset.done $0x0  }
0x62: {  	s13 =	smul.u32 @!p0 $0x50, s9;
	[sflag:s24] =	ssyncadd.s32 $0xFFFFFFB0  }
0x63: {  	s15 =	simm.s32 @!p0 $0x0;
	_ =	swait.ge [sflag:s24], $0x2800  }
0x64: {  	s14 =	sadd.s32 @!p0 $0xFFFF4200, s13;
	s13 =	sshrl.u32 @!p0 s13, $0x3;
	[sflag:s24] =	ssyncset.done $0x0  }
0x65: {  	s16 =	simm.s32 @!p0 $0x80;
	s13 =	sadd.s32 @!p0 s2, s13;
	[sflag:s24] =	ssyncadd.s32 $0xFFFFD800  }
0x66: {  	[tilespmem:s16], [sflag:$0x2] =	stream.linear.gather @!p0 [hbm4b:s13+s15], $0x50, $0x38;
	[tilespmem:$0x72C0] =	vst v63  }
0x67: {  	s13 =	sshrl.u32 @!p0 s14, $0x3  }
0x68: {  	s9 =	smul.u32 @!p0 $0x500, s9;
	s14 =	simm.s32 @!p0 $0x180;
	s13 =	sadd.s32 @!p0 s7, s13  }
0x69: {  	[tilespmem:s14], [sflag:$0x2] =	stream.linear.gather @!p0 [hbm4b:s13+s15], $0x50, $0x38;
	[tilespmem:$0x72C0] =	vst v63  }
0x6a: {  	s9 =	sadd.s32 @!p0 s1, s9;
	s13 =	simm.s32 @!p0 $0x2A00  }
0x6b: {  	[tilespmem:s13], [sflag:$0x2] =	stream.linear.gather @!p0 [hbm4b:s9+s15], $0x2800, $0x38;
	[tilespmem:$0x72C0] =	vst v63  }
0x6c: {  	s9 =	simm.s32 $0x300  }
0x6d: {  	s15 =	simm.s32 $0x0;
	v3 =	vld [tilespmem:s9+$0xF0]  }
0x6e: {  	s16 =	sand.u32 $0x70, s15;
	v4 =	vld [tilespmem:s9+$0xFFFFFF00]  }
0x6f: {  	v1 =	vld [tilespmem:s16+$0x100]  }
0x70: {  	v5 =	vld [tilespmem:s9+$0xFFFFFF10]  }
0x71: {  	v6 =	vld [tilespmem:s9+$0xFFFFFF20];
	s17 =	sand.u32 $0xF, s15  }
0x72: {  	v7 =	vld [tilespmem:s9+$0xFFFFFF30];
	s18 =	sadd.s32 $0x3, s17  }
0x73: {  	v8 =	vld [tilespmem:s9+$0xFFFFFF40];
	s13 =	sand.u32 $0xC, s15;
	v2 =	vmov s18  }
0x74: {  	v9 =	vld [tilespmem:s9+$0xFFFFFF50];
	v12 =	vmov s13;
	v2 =	vperm.xlane v1, v2  }
0x75: {  	v15 =	vld [tilespmem:s9+$0xFFFFFFA0];
	v12 =	vperm.xlane v1, v12  }
0x76: {  	v16 =	vld [tilespmem:s9+$0xFFFFFFB0];
	s16 =	sadd.s32 $0x1, s17;
	v3 =	vmul.f32 v3, v2  }
0x77: {  	v11 =	vld [tilespmem:s9+$0xFFFFFF80];
	v14 =	vmov s16;
	v4 =	vmul.f32 v4, v12  }
0x78: {  	v17 =	vld [tilespmem:s9+$0xFFFFFFC0];
	v14 =	vperm.xlane v1, v14;
	v5 =	vmul.f32 v5, v12;
	[tilespmem:s9+$0xF0] =	vst v3  }
0x79: {  	v10 =	vld [tilespmem:s9+$0xFFFFFF60];
	v6 =	vmul.f32 v6, v12;
	[tilespmem:s9+$0xFFFFFF00] =	vst v4  }
0x7a: {  	v13 =	vld [tilespmem:s9+$0xFFFFFF90];
	v47 =	vmul.f32 v15, v14;
	[tilespmem:s9+$0xFFFFFF10] =	vst v5  }
0x7b: {  	v18 =	vld [tilespmem:s9+$0xFFFFFF70];
	v48 =	vmul.f32 v16, v14;
	[tilespmem:s9+$0xFFFFFF20] =	vst v6  }
0x7c: {  	v46 =	vld [tilespmem:s9+$0x40];
	v3 =	vmul.f32 v11, v14;
	[tilespmem:s9+$0xFFFFFFA0] =	vst v47  }
0x7d: {  	v50 =	vld [tilespmem:s9+$0x70];
	v49 =	vmul.f32 v17, v14;
	[tilespmem:s9+$0xFFFFFFB0] =	vst v48  }
0x7e: {  	v11 =	vld [tilespmem:s9+$0xFFFFFFD0];
	[tilespmem:s9+$0xFFFFFF80] =	vst v3;
	v3 =	vmul.f32 v7, v12  }
0x7f: {  	v6 =	vmul.f32 v8, v12;
	[tilespmem:s9+$0xFFFFFFC0] =	vst v49;
	v7 =	vld [tilespmem:s9+$0x0]  }
0x80: {  	s17 =	sadd.s32 $0x2, s17;
	v4 =	vld [tilespmem:s9+$0xFFFFFFE0];
	[tilespmem:s9+$0xFFFFFF30] =	vst v3;
	v3 =	vmul.f32 v9, v12  }
0x81: {  	v5 =	vld [tilespmem:s9+$0xFFFFFFF0];
	[tilespmem:s9+$0xFFFFFF40] =	vst v6;
	v6 =	vmul.f32 v10, v12;
	v9 =	vmov s17  }
0x82: {  	v8 =	vld [tilespmem:s9+$0x10];
	v1 =	vperm.xlane v1, v9;
	[tilespmem:s9+$0xFFFFFF50] =	vst v3;
	v3 =	vmul.f32 v18, v12  }
0x83: {  	v10 =	vld [tilespmem:s9+$0x20];
	[tilespmem:s9+$0xFFFFFF60] =	vst v6;
	v6 =	vmul.f32 v13, v14  }
0x84: {  	v51 =	vld [tilespmem:s9+$0x90];
	[tilespmem:s9+$0xFFFFFF70] =	vst v3;
	v3 =	vmul.f32 v7, v1  }
0x85: {  	v52 =	vld [tilespmem:s9+$0xA0];
	v11 =	vmul.f32 v11, v14;
	[tilespmem:s9+$0xFFFFFF90] =	vst v6  }
0x86: {  	v5 =	vmul.f32 v5, v14;
	[tilespmem:s9+$0x0] =	vst v3;
	v3 =	vld [tilespmem:s9+$0x80]  }
0x87: {  	v4 =	vmul.f32 v4, v14;
	v6 =	vld [tilespmem:s9+$0x60];
	[tilespmem:s9+$0xFFFFFFD0] =	vst v11  }
0x88: {  	v9 =	vld [tilespmem:s9+$0x30];
	[tilespmem:s9+$0xFFFFFFF0] =	vst v5;
	v5 =	vmul.f32 v8, v1;
	v8 =	vmul.f32 v10, v1  }
0x89: {  	v11 =	vld [tilespmem:s9+$0xB0];
	[tilespmem:s9+$0xFFFFFFE0] =	vst v4  }
0x8a: {  	v7 =	vld [tilespmem:s9+$0x50];
	[tilespmem:s9+$0x20] =	vst v8;
	v8 =	vmul.f32 v46, v1  }
0x8b: {  	v53 =	vld [tilespmem:s9+$0xD0];
	s13 =	simm.s32 $0x500;
	s18 =	simm.s32 $0x4;
	[tilespmem:s9+$0x10] =	vst v5;
	v3 =	vmul.f32 v3, v2  }
0x8c: {  	v54 =	vld [tilespmem:s13+$0xFFFFFF20];
	s15 =	sand.u32 $0x70, s18;
	[tilespmem:s9+$0x40] =	vst v8;
	v6 =	vmul.f32 v6, v1  }
0x8d: {  	v10 =	vld [tilespmem:s15+$0x100];
	[tilespmem:s9+$0x80] =	vst v3;
	v3 =	vmul.f32 v9, v1  }
0x8e: {  	v4 =	vld [tilespmem:s9+$0xC0];
	v11 =	vmul.f32 v11, v2;
	[tilespmem:s9+$0x60] =	vst v6  }
0x8f: {  	[tilespmem:s9+$0x30] =	vst v3;
	v3 =	vmul.f32 v7, v1;
	v7 =	vld [tilespmem:s13+$0xFFFFFF00]  }
0x90: {  	s16 =	sand.u32 $0xC, s18;
	v8 =	vld [tilespmem:s13+$0xFFFFFF10];
	[tilespmem:s9+$0xB0] =	vst v11;
	v1 =	vmul.f32 v50, v1  }
0x91: {  	s14 =	sand.u32 $0xF, s18;
	v6 =	vmul.f32 v51, v2;
	v9 =	vld [tilespmem:s13+$0xF0];
	[tilespmem:s9+$0x50] =	vst v3;
	v3 =	vmov s16  }
0x92: {  	v55 =	vld [tilespmem:s13+$0xFFFFFF30];
	s17 =	sadd.s32 $0x3, s14;
	[tilespmem:s9+$0x70] =	vst v1;
	v1 =	vmul.f32 v52, v2;
	v3 =	vperm.xlane v10, v3  }
0x93: {  	v56 =	vld [tilespmem:s13+$0xFFFFFF40];
	v4 =	vmul.f32 v4, v2;
	[tilespmem:s9+$0x90] =	vst v6;
	v6 =	vmov s17  }
0x94: {  	v57 =	vld [tilespmem:s13+$0xFFFFFF50];
	[tilespmem:s9+$0xA0] =	vst v1;
	v1 =	vperm.xlane v10, v6;
	v7 =	vmul.f32 v7, v3  }
0x95: {  	[tilespmem:s9+$0xC0] =	vst v4;
	v6 =	vld [tilespmem:s13+$0xFFFFFF60];
	v4 =	vmul.f32 v8, v3  }
0x96: {  	v11 =	vld [tilespmem:s13+$0xFFFFFF90];
	[tilespmem:s13+$0xFFFFFF00] =	vst v7;
	v7 =	vmul.f32 v9, v1  }
0x97: {  	v8 =	vld [tilespmem:s13+$0xFFFFFF80];
	[tilespmem:s13+$0xFFFFFF10] =	vst v4;
	v4 =	vmul.f32 v55, v3  }
0x98: {  	s18 =	sadd.s32 $0x1, s14;
	v9 =	vld [tilespmem:s13+$0xFFFFFF70];
	[tilespmem:s13+$0xF0] =	vst v7;
	v7 =	vmul.f32 v54, v3  }
0x99: {  	v59 =	vld [tilespmem:s13+$0xFFFFFFA0];
	v58 =	vmov s18;
	[tilespmem:s13+$0xFFFFFF30] =	vst v4;
	v4 =	vmul.f32 v57, v3  }
0x9a: {  	v60 =	vld [tilespmem:s13+$0xFFFFFFB0];
	v12 =	vperm.xlane v10, v58;
	v6 =	vmul.f32 v6, v3;
	[tilespmem:s13+$0xFFFFFF20] =	vst v7  }
0x9b: {  	v61 =	vld [tilespmem:s13+$0xFFFFFFC0];
	v7 =	vmul.f32 v56, v3;
	[tilespmem:s13+$0xFFFFFF50] =	vst v4  }
0x9c: {  	v63 =	vld [tilespmem:s13+$0x20];
	[tilespmem:s13+$0xFFFFFF60] =	vst v6;
	v6 =	vmul.f32 v11, v12  }
0x9d: {  	v3 =	vmul.f32 v9, v3;
	[tilespmem:s13+$0xFFFFFF40] =	vst v7;
	v7 =	vmul.f32 v8, v12;
	v8 =	vld [tilespmem:s13+$0xFFFFFFD0]  }
0x9e: {  	v4 =	vld [tilespmem:s13+$0xFFFFFFE0];
	[tilespmem:s13+$0xFFFFFF90] =	vst v6  }
0x9f: {  	v9 =	vld [tilespmem:s13+$0x0];
	[tilespmem:s13+$0xFFFFFF70] =	vst v3;
	v3 =	vmul.f32 v59, v12  }
0xa0: {  	s14 =	sadd.s32 $0x2, s14;
	v6 =	vmul.f32 v60, v12;
	[tilespmem:s13+$0xFFFFFF80] =	vst v7;
	v7 =	vld [tilespmem:s13+$0xFFFFFFF0]  }
0xa1: {  	v62 =	vmov s14;
	v11 =	vld [tilespmem:s13+$0x10];
	[tilespmem:s13+$0xFFFFFFA0] =	vst v3;
	v3 =	vmul.f32 v61, v12  }
0xa2: {  	v13 =	vperm.xlane v10, v62;
	v10 =	vld [tilespmem:s13+$0x60];
	[tilespmem:s13+$0xFFFFFFB0] =	vst v6;
	v6 =	vmul.f32 v8, v12  }
0xa3: {  	v8 =	vld [tilespmem:s13+$0x30];
	[tilespmem:s13+$0xFFFFFFC0] =	vst v3;
	v3 =	vmul.f32 v4, v12  }
0xa4: {  	v4 =	vld [tilespmem:s13+$0x40];
	[tilespmem:s13+$0xFFFFFFD0] =	vst v6;
	v6 =	vmul.f32 v9, v13  }
0xa5: {  	v9 =	vld [tilespmem:s13+$0x50];
	v7 =	vmul.f32 v7, v12;
	[tilespmem:s13+$0xFFFFFFE0] =	vst v3  }
0xa6: {  	v5 =	vld [tilespmem:s9+$0xE0];
	v3 =	vmul.f32 v11, v13;
	[tilespmem:s13+$0x0] =	vst v6  }
0xa7: {  	v11 =	vld [tilespmem:s13+$0x70];
	[tilespmem:s13+$0xFFFFFFF0] =	vst v7;
	v6 =	vmul.f32 v63, v13  }
0xa8: {  	[tilespmem:s13+$0x10] =	vst v3;
	v7 =	vld [tilespmem:s13+$0x80];
	v3 =	vmul.f32 v8, v13  }
0xa9: {  	v4 =	vmul.f32 v4, v13;
	[tilespmem:s13+$0x20] =	vst v6;
	v6 =	vld [tilespmem:s13+$0x90]  }
0xaa: {  	v10 =	vmul.f32 v10, v13;
	v8 =	vld [tilespmem:s13+$0xA0];
	[tilespmem:s13+$0x30] =	vst v3;
	v9 =	vmul.f32 v9, v13  }
0xab: {  	v3 =	vmul.f32 v53, v2;
	v2 =	vmul.f32 v5, v2;
	[tilespmem:s13+$0x40] =	vst v4;
	v5 =	vld [tilespmem:s13+$0xB0]  }
0xac: {  	s14 =	simm.s32 $0x500;
	s15 =	simm.s32 $0x8;
	v4 =	vld [tilespmem:s13+$0xC0];
	[tilespmem:s13+$0x50] =	vst v9;
	v9 =	vmul.f32 v11, v13  }
.LBB2_4:
0xad: {  	s16 =	sand.u32 $0x70, s15;
	p0 =	slt.u32 s15, $0x4C;
	[tilespmem:s13+$0x60] =	vst v10;
	v7 =	vmul.f32 v7, v1;
	v10 =	vld [tilespmem:s13+$0xD0]  }
0xae: {  	v11 =	vld [tilespmem:s16+$0x100];
	[tilespmem:s13+$0x70] =	vst v9;
	v6 =	vmul.f32 v6, v1  }
0xaf: {  	s17 =	sand.u32 $0xF, s15;
	s13 =	sadd.s32 $0x200, s13;
	[tilespmem:s14+$0x80] =	vst v7;
	v7 =	vmul.f32 v8, v1;
	v8 =	vld [tilespmem:s14+$0xE0]  }
0xb0: {  	s16 =	sand.u32 $0xC, s15;
	s18 =	sadd.s32 $0x2, s17;
	v9 =	vld [tilespmem:s13+$0xF0];
	[tilespmem:s14+$0x90] =	vst v6;
	v5 =	vmul.f32 v5, v1  }
0xb1: {  	v14 =	vmov s18;
	v6 =	vmov s16;
	s16 =	sadd.s32 $0x1, s17;
	s17 =	sadd.s32 $0x3, s17;
	v12 =	vld [tilespmem:s13+$0xFFFFFF00];
	[tilespmem:s14+$0xA0] =	vst v7;
	v4 =	vmul.f32 v4, v1  }
0xb2: {  	v13 =	vmov s16;
	v15 =	vmov s17;
	v7 =	vld [tilespmem:s13+$0xFFFFFF10];
	[tilespmem:s14+$0xB0] =	vst v5  }
0xb3: {  	v5 =	vperm.xlane v11, v6;
	v6 =	vld [tilespmem:s13+$0xFFFFFF20];
	v15 =	vperm.xlane v11, v15;
	[tilespmem:s14+$0xC0] =	vst v4  }
0xb4: {  	v13 =	vperm.xlane v11, v13;
	v11 =	vperm.xlane v11, v14;
	v4 =	vld [tilespmem:s13+$0xFFFFFF30];
	[tilespmem:s9+$0xD0] =	vst v3  }
0xb5: {  	v3 =	vmul.f32 v10, v1;
	v14 =	vld [tilespmem:s13+$0xFFFFFF40];
	v9 =	vmul.f32 v9, v15;
	[tilespmem:s9+$0xE0] =	vst v2;
	s9 =	smov.u32 s14;
	s14 =	smov.u32 s13  }
0xb6: {  	v2 =	vmul.f32 v8, v1;
	v1 =	vmov v15;
	v10 =	vmul.f32 v12, v5;
	v12 =	vld [tilespmem:s13+$0xFFFFFF50]  }
0xb7: {  	v7 =	vmul.f32 v7, v5;
	v8 =	vld [tilespmem:s13+$0xFFFFFF60];
	[tilespmem:s13+$0xF0] =	vst v9  }
0xb8: {  	[tilespmem:s13+$0xFFFFFF00] =	vst v10;
	v6 =	vmul.f32 v6, v5;
	v9 =	vld [tilespmem:s13+$0xFFFFFF70]  }
0xb9: {  	[tilespmem:s13+$0xFFFFFF10] =	vst v7;
	v4 =	vmul.f32 v4, v5;
	v7 =	vld [tilespmem:s13+$0xFFFFFF80]  }
0xba: {  	[tilespmem:s13+$0xFFFFFF20] =	vst v6;
	v6 =	vmul.f32 v14, v5;
	v10 =	vld [tilespmem:s13+$0xFFFFFF90]  }
0xbb: {  	[tilespmem:s13+$0xFFFFFF30] =	vst v4;
	v4 =	vmul.f32 v12, v5;
	v12 =	vld [tilespmem:s13+$0xFFFFFFA0]  }
0xbc: {  	[tilespmem:s13+$0xFFFFFF40] =	vst v6;
	v6 =	vmul.f32 v8, v5;
	v8 =	vld [tilespmem:s13+$0xFFFFFFB0]  }
0xbd: {  	[tilespmem:s13+$0xFFFFFF50] =	vst v4;
	v4 =	vmul.f32 v9, v5;
	v5 =	vld [tilespmem:s13+$0xFFFFFFC0]  }
0xbe: {  	[tilespmem:s13+$0xFFFFFF60] =	vst v6;
	v6 =	vmul.f32 v7, v13;
	v7 =	vld [tilespmem:s13+$0xFFFFFFD0]  }
0xbf: {  	[tilespmem:s13+$0xFFFFFF70] =	vst v4;
	v4 =	vmul.f32 v10, v13;
	v9 =	vld [tilespmem:s13+$0xFFFFFFE0]  }
0xc0: {  	[tilespmem:s13+$0xFFFFFF80] =	vst v6;
	v6 =	vmul.f32 v12, v13;
	v10 =	vld [tilespmem:s13+$0xFFFFFFF0]  }
0xc1: {  	[tilespmem:s13+$0xFFFFFF90] =	vst v4;
	v4 =	vmul.f32 v8, v13;
	v8 =	vld [tilespmem:s13+$0x0]  }
0xc2: {  	[tilespmem:s13+$0xFFFFFFA0] =	vst v6;
	v5 =	vmul.f32 v5, v13;
	v6 =	vld [tilespmem:s13+$0x10]  }
0xc3: {  	[tilespmem:s13+$0xFFFFFFB0] =	vst v4;
	v4 =	vmul.f32 v7, v13;
	v7 =	vld [tilespmem:s13+$0x20]  }
0xc4: {  	[tilespmem:s13+$0xFFFFFFC0] =	vst v5;
	v5 =	vmul.f32 v9, v13;
	v9 =	vld [tilespmem:s13+$0x30]  }
0xc5: {  	[tilespmem:s13+$0xFFFFFFD0] =	vst v4;
	v4 =	vmul.f32 v10, v13;
	v10 =	vld [tilespmem:s13+$0x40]  }
0xc6: {  	[tilespmem:s13+$0xFFFFFFE0] =	vst v5;
	v5 =	vmul.f32 v8, v11;
	v8 =	vld [tilespmem:s13+$0x50]  }
0xc7: {  	[tilespmem:s13+$0xFFFFFFF0] =	vst v4;
	v4 =	vmul.f32 v6, v11;
	v12 =	vld [tilespmem:s13+$0x60]  }
0xc8: {  	[tilespmem:s13+$0x0] =	vst v5;
	v5 =	vmul.f32 v7, v11;
	v13 =	vld [tilespmem:s13+$0x70]  }
.Ltmp5:
0xc9: {  	[tilespmem:s13+$0x10] =	vst v4;
	v4 =	vmul.f32 v9, v11;
	v7 =	vld [tilespmem:s13+$0x80];
	(pc) =	sbr.rel @p0 .LBB2_4-.Ltmp5, $4  }
0xca: {  	[tilespmem:s13+$0x20] =	vst v5;
	v5 =	vmul.f32 v10, v11;
	v6 =	vld [tilespmem:s13+$0x90]  }
0xcb: {  	[tilespmem:s13+$0x30] =	vst v4;
	v4 =	vmul.f32 v8, v11;
	v8 =	vld [tilespmem:s13+$0xA0]  }
0xcc: {  	[tilespmem:s13+$0x40] =	vst v5;
	v10 =	vmul.f32 v12, v11;
	v5 =	vld [tilespmem:s13+$0xB0]  }
0xcd: {  	s15 =	sadd.s32 $0x4, s15;
	[tilespmem:s13+$0x50] =	vst v4;
	v9 =	vmul.f32 v13, v11;
	v4 =	vld [tilespmem:s13+$0xC0]  }
0xce: {  	[tilespmem:s13+$0x60] =	vst v10  }
0xcf: {  	[tilespmem:s9+$0xD0] =	vst v3  }
0xd0: {  	v7 =	vmul.f32 v7, v1;
	v61 =	vld [tilespmem:s13+$0xD0];
	[tilespmem:s9+$0xE0] =	vst v2  }
0xd1: {  	v63 =	vld [tilespmem:s14+$0xE0];
	v6 =	vmul.f32 v6, v1;
	[tilespmem:s13+$0x70] =	vst v9  }
0xd2: {  	[tilespmem:s14+$0x80] =	vst v7;
	v62 =	vmul.f32 v8, v1  }
0xd3: {  	[tilespmem:s14+$0x90] =	vst v6;
	v5 =	vmul.f32 v5, v1  }
0xd4: {  	[tilespmem:s14+$0xA0] =	vst v62;
	v4 =	vmul.f32 v4, v1  }
0xd5: {  	[tilespmem:s14+$0xB0] =	vst v5;
	v3 =	vmul.f32 v61, v1  }
0xd6: {  	v1 =	vmul.f32 v63, v1;
	[tilespmem:s14+$0xC0] =	vst v4  }
0xd7: {  	[tilespmem:s14+$0xD0] =	vst v3  }
0xd8: {  	[tilespmem:s14+$0xE0] =	vst v1  }
0xd9: {  	[spmem:s4] =	stream.indirect.scatter.add.f32 [tilespmem:s23], [sflag:$0x4], $0x80, s6, s25, $0xb8;
	[tilespmem:$0x72C0] =	vst v63  }
0xda: {  	_ =	swait.ge [sflag:s26], $0x2800  }
0xdb: {  	[sflag:s26] =	ssyncset.done $0x0  }
.Ltmp6:
0xdc: {  	[sflag:s26] =	ssyncadd.s32 $0xFFFFD800;
	(pc) =	sbr.rel .LBB2_9-.Ltmp6, $4  }
0xdd: {  	[spmem:s5] =	stream.indirect.scatter.add.f32 [tilespmem:s22], [sflag:$0x4], $0x1, s6, s25, $0xb8;
	[tilespmem:$0x72C0] =	vst v63  }
0xde: {  	_ =	swait.ge [sflag:s26], $0x50  }
0xdf: {  	[sflag:s26] =	ssyncset.done $0x0  }
0xe0: {  	[sflag:s26] =	ssyncadd.s32 $0xFFFFFFB0  }
.LBB2_6:
0xe1: {  	_ =	swait.ge [sflag:s28], $0x50  }
0xe2: {  	s3 =	sadd.s32 $0x1, s3;
	[sflag:s28] =	ssyncset.done $0x0  }
0xe3: {  	p0 =	sge.u32 s3, s12;
	[sflag:s28] =	ssyncadd.s32 $0xFFFFFFB0  }
0xe4: {  	s9 =	sshll.u32 @!p0 s3, $0x5;
	_ =	swait.ge [sflag:s28], $0x50  }
0xe5: {  	s9 =	sadd.s32 @!p0 s8, s9;
	[sflag:s28] =	ssyncset.done $0x0  }
0xe6: {  	s13 =	smul.u32 @!p0 $0x50, s9;
	[sflag:s28] =	ssyncadd.s32 $0xFFFFFFB0  }
0xe7: {  	s15 =	simm.s32 @!p0 $0x0;
	_ =	swait.ge [sflag:s28], $0x2800  }
0xe8: {  	s14 =	sshrl.u32 @!p0 s13, $0x3;
	s13 =	sadd.s32 @!p0 $0xFFFF4200, s13;
	[sflag:s28] =	ssyncset.done $0x0  }
0xe9: {  	s14 =	sadd.s32 @!p0 s2, s14;
	s13 =	sshrl.u32 @!p0 s13, $0x3;
	[sflag:s28] =	ssyncadd.s32 $0xFFFFD800  }
0xea: {  	[tilespmem:s15], [sflag:$0x1] =	stream.linear.gather @!p0 [hbm4b:s14+s15], $0x50, $0x38;
	[tilespmem:$0x72C0] =	vst v63  }
0xeb: {  	s9 =	smul.u32 @!p0 $0x500, s9;
	s13 =	sadd.s32 @!p0 s7, s13;
	s14 =	simm.s32 @!p0 $0x100  }
0xec: {  	[tilespmem:s14], [sflag:$0x1] =	stream.linear.gather @!p0 [hbm4b:s13+s15], $0x50, $0x38;
	[tilespmem:$0x72C0] =	vst v63  }
0xed: {  	s9 =	sadd.s32 @!p0 s1, s9;
	s13 =	simm.s32 @!p0 $0x200  }
0xee: {  	[tilespmem:s13], [sflag:$0x1] =	stream.linear.gather @!p0 [hbm4b:s9+s15], $0x2800, $0x38;
	[tilespmem:$0x72C0] =	vst v63  }
0xef: {  	s9 =	simm.s32 $0x2B00  }
0xf0: {  	s15 =	simm.s32 $0x0;
	v3 =	vld [tilespmem:s9+$0xF0]  }
0xf1: {  	s16 =	sand.u32 $0x70, s15;
	v4 =	vld [tilespmem:s9+$0xFFFFFF00]  }
0xf2: {  	v1 =	vld [tilespmem:s16+$0x180]  }
0xf3: {  	v5 =	vld [tilespmem:s9+$0xFFFFFF10]  }
0xf4: {  	v6 =	vld [tilespmem:s9+$0xFFFFFF20];
	s17 =	sand.u32 $0xF, s15  }
0xf5: {  	v7 =	vld [tilespmem:s9+$0xFFFFFF30];
	s18 =	sadd.s32 $0x3, s17  }
0xf6: {  	v8 =	vld [tilespmem:s9+$0xFFFFFF40];
	s13 =	sand.u32 $0xC, s15;
	v2 =	vmov s18  }
0xf7: {  	v9 =	vld [tilespmem:s9+$0xFFFFFF50];
	v12 =	vmov s13;
	v2 =	vperm.xlane v1, v2  }
0xf8: {  	v15 =	vld [tilespmem:s9+$0xFFFFFFA0];
	v12 =	vperm.xlane v1, v12  }
0xf9: {  	v16 =	vld [tilespmem:s9+$0xFFFFFFB0];
	s16 =	sadd.s32 $0x1, s17;
	v3 =	vmul.f32 v3, v2  }
0xfa: {  	v11 =	vld [tilespmem:s9+$0xFFFFFF80];
	v14 =	vmov s16;
	v4 =	vmul.f32 v4, v12  }
0xfb: {  	v17 =	vld [tilespmem:s9+$0xFFFFFFC0];
	v14 =	vperm.xlane v1, v14;
	v5 =	vmul.f32 v5, v12;
	[tilespmem:s9+$0xF0] =	vst v3  }
0xfc: {  	v10 =	vld [tilespmem:s9+$0xFFFFFF60];
	v6 =	vmul.f32 v6, v12;
	[tilespmem:s9+$0xFFFFFF00] =	vst v4  }
0xfd: {  	v13 =	vld [tilespmem:s9+$0xFFFFFF90];
	v47 =	vmul.f32 v15, v14;
	[tilespmem:s9+$0xFFFFFF10] =	vst v5  }
0xfe: {  	v18 =	vld [tilespmem:s9+$0xFFFFFF70];
	v48 =	vmul.f32 v16, v14;
	[tilespmem:s9+$0xFFFFFF20] =	vst v6  }
0xff: {  	v46 =	vld [tilespmem:s9+$0x40];
	v3 =	vmul.f32 v11, v14;
	[tilespmem:s9+$0xFFFFFFA0] =	vst v47  }
0x100: {  	v50 =	vld [tilespmem:s9+$0x70];
	v49 =	vmul.f32 v17, v14;
	[tilespmem:s9+$0xFFFFFFB0] =	vst v48  }
0x101: {  	v11 =	vld [tilespmem:s9+$0xFFFFFFD0];
	[tilespmem:s9+$0xFFFFFF80] =	vst v3;
	v3 =	vmul.f32 v7, v12  }
0x102: {  	v6 =	vmul.f32 v8, v12;
	[tilespmem:s9+$0xFFFFFFC0] =	vst v49;
	v7 =	vld [tilespmem:s9+$0x0]  }
0x103: {  	s17 =	sadd.s32 $0x2, s17;
	v4 =	vld [tilespmem:s9+$0xFFFFFFE0];
	[tilespmem:s9+$0xFFFFFF30] =	vst v3;
	v3 =	vmul.f32 v9, v12  }
0x104: {  	v5 =	vld [tilespmem:s9+$0xFFFFFFF0];
	[tilespmem:s9+$0xFFFFFF40] =	vst v6;
	v6 =	vmul.f32 v10, v12;
	v9 =	vmov s17  }
0x105: {  	v8 =	vld [tilespmem:s9+$0x10];
	v1 =	vperm.xlane v1, v9;
	[tilespmem:s9+$0xFFFFFF50] =	vst v3;
	v3 =	vmul.f32 v18, v12  }
0x106: {  	v10 =	vld [tilespmem:s9+$0x20];
	[tilespmem:s9+$0xFFFFFF60] =	vst v6;
	v6 =	vmul.f32 v13, v14  }
0x107: {  	v51 =	vld [tilespmem:s9+$0x90];
	[tilespmem:s9+$0xFFFFFF70] =	vst v3;
	v3 =	vmul.f32 v7, v1  }
0x108: {  	v52 =	vld [tilespmem:s9+$0xA0];
	v11 =	vmul.f32 v11, v14;
	[tilespmem:s9+$0xFFFFFF90] =	vst v6  }
0x109: {  	v5 =	vmul.f32 v5, v14;
	[tilespmem:s9+$0x0] =	vst v3;
	v3 =	vld [tilespmem:s9+$0x80]  }
0x10a: {  	v4 =	vmul.f32 v4, v14;
	v6 =	vld [tilespmem:s9+$0x60];
	[tilespmem:s9+$0xFFFFFFD0] =	vst v11  }
0x10b: {  	v9 =	vld [tilespmem:s9+$0x30];
	[tilespmem:s9+$0xFFFFFFF0] =	vst v5;
	v5 =	vmul.f32 v8, v1;
	v8 =	vmul.f32 v10, v1  }
0x10c: {  	v11 =	vld [tilespmem:s9+$0xB0];
	[tilespmem:s9+$0xFFFFFFE0] =	vst v4  }
0x10d: {  	v7 =	vld [tilespmem:s9+$0x50];
	[tilespmem:s9+$0x20] =	vst v8;
	v8 =	vmul.f32 v46, v1  }
0x10e: {  	v53 =	vld [tilespmem:s9+$0xD0];
	s13 =	simm.s32 $0x2D00;
	s18 =	simm.s32 $0x4;
	[tilespmem:s9+$0x10] =	vst v5;
	v3 =	vmul.f32 v3, v2  }
0x10f: {  	v54 =	vld [tilespmem:s13+$0xFFFFFF20];
	s15 =	sand.u32 $0x70, s18;
	[tilespmem:s9+$0x40] =	vst v8;
	v6 =	vmul.f32 v6, v1  }
0x110: {  	v10 =	vld [tilespmem:s15+$0x180];
	[tilespmem:s9+$0x80] =	vst v3;
	v3 =	vmul.f32 v9, v1  }
0x111: {  	v4 =	vld [tilespmem:s9+$0xC0];
	v11 =	vmul.f32 v11, v2;
	[tilespmem:s9+$0x60] =	vst v6  }
0x112: {  	[tilespmem:s9+$0x30] =	vst v3;
	v3 =	vmul.f32 v7, v1;
	v7 =	vld [tilespmem:s13+$0xFFFFFF00]  }
0x113: {  	s16 =	sand.u32 $0xC, s18;
	v8 =	vld [tilespmem:s13+$0xFFFFFF10];
	[tilespmem:s9+$0xB0] =	vst v11;
	v1 =	vmul.f32 v50, v1  }
0x114: {  	s14 =	sand.u32 $0xF, s18;
	v6 =	vmul.f32 v51, v2;
	v9 =	vld [tilespmem:s13+$0xF0];
	[tilespmem:s9+$0x50] =	vst v3;
	v3 =	vmov s16  }
0x115: {  	v55 =	vld [tilespmem:s13+$0xFFFFFF30];
	s17 =	sadd.s32 $0x3, s14;
	[tilespmem:s9+$0x70] =	vst v1;
	v1 =	vmul.f32 v52, v2;
	v3 =	vperm.xlane v10, v3  }
0x116: {  	v56 =	vld [tilespmem:s13+$0xFFFFFF40];
	v4 =	vmul.f32 v4, v2;
	[tilespmem:s9+$0x90] =	vst v6;
	v6 =	vmov s17  }
0x117: {  	v57 =	vld [tilespmem:s13+$0xFFFFFF50];
	[tilespmem:s9+$0xA0] =	vst v1;
	v1 =	vperm.xlane v10, v6;
	v7 =	vmul.f32 v7, v3  }
0x118: {  	[tilespmem:s9+$0xC0] =	vst v4;
	v6 =	vld [tilespmem:s13+$0xFFFFFF60];
	v4 =	vmul.f32 v8, v3  }
0x119: {  	v11 =	vld [tilespmem:s13+$0xFFFFFF90];
	[tilespmem:s13+$0xFFFFFF00] =	vst v7;
	v7 =	vmul.f32 v9, v1  }
0x11a: {  	v8 =	vld [tilespmem:s13+$0xFFFFFF80];
	[tilespmem:s13+$0xFFFFFF10] =	vst v4;
	v4 =	vmul.f32 v55, v3  }
0x11b: {  	s18 =	sadd.s32 $0x1, s14;
	v9 =	vld [tilespmem:s13+$0xFFFFFF70];
	[tilespmem:s13+$0xF0] =	vst v7;
	v7 =	vmul.f32 v54, v3  }
0x11c: {  	v59 =	vld [tilespmem:s13+$0xFFFFFFA0];
	v58 =	vmov s18;
	[tilespmem:s13+$0xFFFFFF30] =	vst v4;
	v4 =	vmul.f32 v57, v3  }
0x11d: {  	v60 =	vld [tilespmem:s13+$0xFFFFFFB0];
	v12 =	vperm.xlane v10, v58;
	v6 =	vmul.f32 v6, v3;
	[tilespmem:s13+$0xFFFFFF20] =	vst v7  }
0x11e: {  	v61 =	vld [tilespmem:s13+$0xFFFFFFC0];
	v7 =	vmul.f32 v56, v3;
	[tilespmem:s13+$0xFFFFFF50] =	vst v4  }
0x11f: {  	v63 =	vld [tilespmem:s13+$0x20];
	[tilespmem:s13+$0xFFFFFF60] =	vst v6;
	v6 =	vmul.f32 v11, v12  }
0x120: {  	v3 =	vmul.f32 v9, v3;
	[tilespmem:s13+$0xFFFFFF40] =	vst v7;
	v7 =	vmul.f32 v8, v12;
	v8 =	vld [tilespmem:s13+$0xFFFFFFD0]  }
0x121: {  	v4 =	vld [tilespmem:s13+$0xFFFFFFE0];
	[tilespmem:s13+$0xFFFFFF90] =	vst v6  }
0x122: {  	v9 =	vld [tilespmem:s13+$0x0];
	[tilespmem:s13+$0xFFFFFF70] =	vst v3;
	v3 =	vmul.f32 v59, v12  }
0x123: {  	s14 =	sadd.s32 $0x2, s14;
	v6 =	vmul.f32 v60, v12;
	[tilespmem:s13+$0xFFFFFF80] =	vst v7;
	v7 =	vld [tilespmem:s13+$0xFFFFFFF0]  }
0x124: {  	v62 =	vmov s14;
	v11 =	vld [tilespmem:s13+$0x10];
	[tilespmem:s13+$0xFFFFFFA0] =	vst v3;
	v3 =	vmul.f32 v61, v12  }
0x125: {  	v13 =	vperm.xlane v10, v62;
	v10 =	vld [tilespmem:s13+$0x60];
	[tilespmem:s13+$0xFFFFFFB0] =	vst v6;
	v6 =	vmul.f32 v8, v12  }
0x126: {  	v8 =	vld [tilespmem:s13+$0x30];
	[tilespmem:s13+$0xFFFFFFC0] =	vst v3;
	v3 =	vmul.f32 v4, v12  }
0x127: {  	v4 =	vld [tilespmem:s13+$0x40];
	[tilespmem:s13+$0xFFFFFFD0] =	vst v6;
	v6 =	vmul.f32 v9, v13  }
0x128: {  	v9 =	vld [tilespmem:s13+$0x50];
	v7 =	vmul.f32 v7, v12;
	[tilespmem:s13+$0xFFFFFFE0] =	vst v3  }
0x129: {  	v5 =	vld [tilespmem:s9+$0xE0];
	v3 =	vmul.f32 v11, v13;
	[tilespmem:s13+$0x0] =	vst v6  }
0x12a: {  	v11 =	vld [tilespmem:s13+$0x70];
	[tilespmem:s13+$0xFFFFFFF0] =	vst v7;
	v6 =	vmul.f32 v63, v13  }
0x12b: {  	[tilespmem:s13+$0x10] =	vst v3;
	v7 =	vld [tilespmem:s13+$0x80];
	v3 =	vmul.f32 v8, v13  }
0x12c: {  	v4 =	vmul.f32 v4, v13;
	[tilespmem:s13+$0x20] =	vst v6;
	v6 =	vld [tilespmem:s13+$0x90]  }
0x12d: {  	v10 =	vmul.f32 v10, v13;
	v8 =	vld [tilespmem:s13+$0xA0];
	[tilespmem:s13+$0x30] =	vst v3;
	v9 =	vmul.f32 v9, v13  }
0x12e: {  	v3 =	vmul.f32 v53, v2;
	v2 =	vmul.f32 v5, v2;
	[tilespmem:s13+$0x40] =	vst v4;
	v5 =	vld [tilespmem:s13+$0xB0]  }
0x12f: {  	s14 =	simm.s32 $0x2D00;
	s15 =	simm.s32 $0x8;
	v4 =	vld [tilespmem:s13+$0xC0];
	[tilespmem:s13+$0x50] =	vst v9;
	v9 =	vmul.f32 v11, v13  }
.LBB2_7:
0x130: {  	s16 =	sand.u32 $0x70, s15;
	p0 =	slt.u32 s15, $0x4C;
	[tilespmem:s13+$0x60] =	vst v10;
	v7 =	vmul.f32 v7, v1;
	v10 =	vld [tilespmem:s13+$0xD0]  }
0x131: {  	v6 =	vmul.f32 v6, v1;
	v11 =	vld [tilespmem:s16+$0x180];
	[tilespmem:s13+$0x70] =	vst v9  }
0x132: {  	s17 =	sand.u32 $0xF, s15;
	s13 =	sadd.s32 $0x200, s13;
	[tilespmem:s14+$0x80] =	vst v7;
	v7 =	vmul.f32 v8, v1;
	v8 =	vld [tilespmem:s14+$0xE0]  }
0x133: {  	v5 =	vmul.f32 v5, v1;
	s16 =	sand.u32 $0xC, s15;
	s18 =	sadd.s32 $0x2, s17;
	v9 =	vld [tilespmem:s13+$0xF0];
	[tilespmem:s14+$0x90] =	vst v6  }
0x134: {  	v4 =	vmul.f32 v4, v1;
	v14 =	vmov s18;
	v6 =	vmov s16;
	s16 =	sadd.s32 $0x1, s17;
	s17 =	sadd.s32 $0x3, s17;
	v12 =	vld [tilespmem:s13+$0xFFFFFF00];
	[tilespmem:s14+$0xA0] =	vst v7  }
0x135: {  	v13 =	vmov s16;
	v15 =	vmov s17;
	v7 =	vld [tilespmem:s13+$0xFFFFFF10];
	[tilespmem:s14+$0xB0] =	vst v5  }
0x136: {  	v5 =	vperm.xlane v11, v6;
	v6 =	vld [tilespmem:s13+$0xFFFFFF20];
	v15 =	vperm.xlane v11, v15;
	[tilespmem:s14+$0xC0] =	vst v4  }
0x137: {  	v13 =	vperm.xlane v11, v13;
	v11 =	vperm.xlane v11, v14;
	v4 =	vld [tilespmem:s13+$0xFFFFFF30];
	[tilespmem:s9+$0xD0] =	vst v3  }
0x138: {  	v3 =	vmul.f32 v10, v1;
	v14 =	vld [tilespmem:s13+$0xFFFFFF40];
	v9 =	vmul.f32 v9, v15;
	[tilespmem:s9+$0xE0] =	vst v2;
	s9 =	smov.u32 s14;
	s14 =	smov.u32 s13  }
0x139: {  	v2 =	vmul.f32 v8, v1;
	v1 =	vmov v15;
	v10 =	vmul.f32 v12, v5;
	v12 =	vld [tilespmem:s13+$0xFFFFFF50]  }
0x13a: {  	v7 =	vmul.f32 v7, v5;
	v8 =	vld [tilespmem:s13+$0xFFFFFF60];
	[tilespmem:s13+$0xF0] =	vst v9  }
0x13b: {  	[tilespmem:s13+$0xFFFFFF00] =	vst v10;
	v6 =	vmul.f32 v6, v5;
	v9 =	vld [tilespmem:s13+$0xFFFFFF70]  }
0x13c: {  	[tilespmem:s13+$0xFFFFFF10] =	vst v7;
	v4 =	vmul.f32 v4, v5;
	v7 =	vld [tilespmem:s13+$0xFFFFFF80]  }
0x13d: {  	[tilespmem:s13+$0xFFFFFF20] =	vst v6;
	v6 =	vmul.f32 v14, v5;
	v10 =	vld [tilespmem:s13+$0xFFFFFF90]  }
0x13e: {  	[tilespmem:s13+$0xFFFFFF30] =	vst v4;
	v4 =	vmul.f32 v12, v5;
	v12 =	vld [tilespmem:s13+$0xFFFFFFA0]  }
0x13f: {  	[tilespmem:s13+$0xFFFFFF40] =	vst v6;
	v6 =	vmul.f32 v8, v5;
	v8 =	vld [tilespmem:s13+$0xFFFFFFB0]  }
0x140: {  	[tilespmem:s13+$0xFFFFFF50] =	vst v4;
	v4 =	vmul.f32 v9, v5;
	v5 =	vld [tilespmem:s13+$0xFFFFFFC0]  }
0x141: {  	[tilespmem:s13+$0xFFFFFF60] =	vst v6;
	v6 =	vmul.f32 v7, v13;
	v7 =	vld [tilespmem:s13+$0xFFFFFFD0]  }
0x142: {  	[tilespmem:s13+$0xFFFFFF70] =	vst v4;
	v4 =	vmul.f32 v10, v13;
	v9 =	vld [tilespmem:s13+$0xFFFFFFE0]  }
0x143: {  	[tilespmem:s13+$0xFFFFFF80] =	vst v6;
	v6 =	vmul.f32 v12, v13;
	v10 =	vld [tilespmem:s13+$0xFFFFFFF0]  }
0x144: {  	[tilespmem:s13+$0xFFFFFF90] =	vst v4;
	v4 =	vmul.f32 v8, v13;
	v8 =	vld [tilespmem:s13+$0x0]  }
0x145: {  	[tilespmem:s13+$0xFFFFFFA0] =	vst v6;
	v5 =	vmul.f32 v5, v13;
	v6 =	vld [tilespmem:s13+$0x10]  }
0x146: {  	[tilespmem:s13+$0xFFFFFFB0] =	vst v4;
	v4 =	vmul.f32 v7, v13;
	v7 =	vld [tilespmem:s13+$0x20]  }
0x147: {  	[tilespmem:s13+$0xFFFFFFC0] =	vst v5;
	v5 =	vmul.f32 v9, v13;
	v9 =	vld [tilespmem:s13+$0x30]  }
0x148: {  	[tilespmem:s13+$0xFFFFFFD0] =	vst v4;
	v4 =	vmul.f32 v10, v13;
	v10 =	vld [tilespmem:s13+$0x40]  }
0x149: {  	[tilespmem:s13+$0xFFFFFFE0] =	vst v5;
	v5 =	vmul.f32 v8, v11;
	v8 =	vld [tilespmem:s13+$0x50]  }
0x14a: {  	[tilespmem:s13+$0xFFFFFFF0] =	vst v4;
	v4 =	vmul.f32 v6, v11;
	v12 =	vld [tilespmem:s13+$0x60]  }
0x14b: {  	[tilespmem:s13+$0x0] =	vst v5;
	v5 =	vmul.f32 v7, v11;
	v13 =	vld [tilespmem:s13+$0x70]  }
.Ltmp7:
0x14c: {  	[tilespmem:s13+$0x10] =	vst v4;
	v4 =	vmul.f32 v9, v11;
	v7 =	vld [tilespmem:s13+$0x80];
	(pc) =	sbr.rel @p0 .LBB2_7-.Ltmp7, $4  }
0x14d: {  	[tilespmem:s13+$0x20] =	vst v5;
	v5 =	vmul.f32 v10, v11;
	v6 =	vld [tilespmem:s13+$0x90]  }
0x14e: {  	[tilespmem:s13+$0x30] =	vst v4;
	v4 =	vmul.f32 v8, v11;
	v8 =	vld [tilespmem:s13+$0xA0]  }
0x14f: {  	[tilespmem:s13+$0x40] =	vst v5;
	v10 =	vmul.f32 v12, v11;
	v5 =	vld [tilespmem:s13+$0xB0]  }
0x150: {  	s15 =	sadd.s32 $0x4, s15;
	[tilespmem:s13+$0x50] =	vst v4;
	v9 =	vmul.f32 v13, v11;
	v4 =	vld [tilespmem:s13+$0xC0]  }
.Ltmp8:
0x151: {  	_ = 	snop;
	(pc) =	sbr.rel .LBB2_8-.Ltmp8, $1  }
0x152: {  	_ =	sdelay $0x3  }
.LBB2_11:
0x153: {  	_ =	sfence.sel $0x180000  }
0x154: {  	[bflag:$0x0] =	sbarrier.arrive $0xFFFF  }
0x155: {  	_ =	strace $0x90000047  }
0x156: {  	s0 =	stileid.u32;
	[bflag:$0x2] =	sbarrier.arrive $0xFFFF  }
0x157: {  	p0 =	sne.s32 s0, $0x0;
	s0 =	rddreg [dreg:$0x6]  }
0x158: {  	s0 =	sadd.s32 @!p0 $0x100000, s0  }
0x159: {  	[sflag:s0] =	ssyncadd.tile.s32 @!p0 $0x1;
	_ =	shalt  }
.Lfunc_end2:
_tile_overlayer_lowered:
.L_overlay_start_2:
0x15a: {  	(tag) =	ssettag $0x2  }
0x15b: {  	s0 =	rddreg [dreg:$0x0];
	s2 =	stileid.u32  }
0x15c: {  	s1 =	rddreg [dreg:$0x1];
	p0 =	sne.s32 s2, $0x0  }
0x15d: {  	s3 =	rddreg [dreg:$0x2];
	[bflag:$0x3] =	sbarrier.arrive $0xFFFF;
	s2 =	simm.s32 @!p0 $0x1C03  }
0x15e: {  	[timem:s3], [sflag:s2] =	dma.local @!p0 [hbm:s0], s1  }
0x15f: {  	s0 =	simm.s32 @!p0 $0x3  }
0x160: {  	_ =	swait.ge @!p0 [sflag:s0], s1  }
0x161: {  	s1 =	ssub.s32 @!p0 $0x0, s1;
	[sflag:s0] =	ssyncset.done @!p0 $0x0  }
0x162: {  	[sflag:s0] =	ssyncadd.s32 @!p0 s1  }
0x163: {  	[bflag:$0x3] =	sbarrier.arrive $0xFFFF  }
0x164: {  	_ =	shalt  }

// kernel: kernel.7.cloned.1.call-start
scs
__scs_entry_jumppad:
0x0: {  	(pc) =	sbr.rel $0x88, $3  }
0x1: {  	(tag) =	ssettag $0x0;
	lr =	simm.s32 $0x1  }
0x2: {  	[smem:$0x3F9B] =	sst lr;
	_ =	strace $0xD0000000  }
0x3: {  	_ = 	snop  }
0x4: {  	_ = 	snop  }
0x5: {  	_ = 	snop  }
0x6: {  	_ = 	snop  }
0x7: {  	_ = 	snop  }
__scs_overlays_trampoline_lowered:
0x8: {  	[smem:$0x3FAA] =	sst s0  }
0x9: {  	[smem:$0x3FAB] =	sst s1  }
0xa: {  	[smem:$0x3FAC] =	sst s2  }
0xb: {  	[smem:$0x3FAD] =	sst s3  }
0xc: {  	[smem:$0x3FAE] =	sst s4  }
0xd: {  	[smem:$0x3FAF] =	sst s5  }
0xe: {  	[smem:$0x3FB0] =	sst s6  }
0xf: {  	[smem:$0x3FB1] =	sst s7  }
0x10: {  	[smem:$0x3FB2] =	sst s8  }
0x11: {  	[smem:$0x3FB3] =	sst s9;
	s0 =	simm.s32 @!p0 $0x0  }
0x12: {  	s1 =	sld [smem:$0x3F99];
	s0 =	simm.s32 @p0 $0x1  }
0x13: {  	[smem:$0x3FB4] =	sst s0;
	s0 =	simm.s32 @!p1 $0x0  }
0x14: {  	s2 =	sld [smem:$0x3F98];
	s0 =	simm.s32 @p1 $0x1  }
0x15: {  	[smem:$0x3FB5] =	sst s0;
	s0 =	simm.s32 @!p2 $0x0  }
0x16: {  	s3 =	sld [smem:$0x3FDB];
	s0 =	simm.s32 @p2 $0x1  }
0x17: {  	s4 =	simm.s32 $0x1BF5;
	[smem:$0x3FB7] =	sst s0  }
0x18: {  	s0 =	sld [smem:$0x3F9A];
	_ =	swait.ge [sflag:s4], $0x0  }
0x19: {  	s7 =	sld [smem:$0x3F9B]  }
0x1a: {  	s8 =	sadd.s32 $0xFFFFE003, lr  }
0x1b: {  	s9 =	sadd.s32 $0xFFFFFEF7, lr;
	s5 =	simm.s32 $0xFFFFFFFF;
	p2 =	slt.u32 s8, $0xFFFFF086  }
0x1c: {  	p1 =	slt.u32 s9, $0xF7A;
	s5 =	simm.s32 @!p2 $0x0  }
0x1d: {  	s5 =	simm.s32 @p1 $0x1;
	p0 =	seq.s32 s7, s2  }
0x1e: {  	s7 =	smul.u32 @!p0 $0xF7A, s2;
	p2 =	seq.s32 @!p0 s5, $0x0  }
0x1f: {  	s9 =	smul.u32 $0xF7A, s1;
	s8 =	simm.s32 @!p0 $0x1BF5;
	p2 =	por !p2, p0  }
0x20: {  	[sflag:s8] =	ssyncset.s32 @!p0 $0xFFFFF086;
	s6 =	sadd.s32 @!p0 s3, s7;
	s7 =	simm.s32 @!p0 $0x108  }
0x21: {  	s3 =	sadd.s32 s3, s9;
	s6 =	sadd.s32 @!p0 $0x88, s6;
	s7 =	simm.s32 @p2 $0x1082  }
0x22: {  	[simem:s7], [sflag:s8] =	dma.local @!p0 [hbm:s6], $0xF7A  }
0x23: {  	s9 =	sor.u32 $0xD0000000, s2;
	s6 =	simm.s32 $0x108;
	_ =	swait.ge @!p0 [sflag:s8], $0x0  }
0x24: {  	s3 =	sadd.s32 $0x88, s3;
	s6 =	simm.s32 @!p1 $0x1082;
	[sflag:s4] =	ssyncset.s32 $0xFFFFF086  }
0x25: {  	[simem:s6], [sflag:s4] =	dma.local [hbm:s3], $0xF7A  }
0x26: {  	[smem:$0x3F9B] =	sst s1;
	(tag) =	ssettag s2;
	_ =	strace s9  }
0x27: {  	s1 =	sld [smem:$0x3FAB]  }
0x28: {  	s2 =	sld [smem:$0x3FAC]  }
0x29: {  	s4 =	sld [smem:$0x3FAE]  }
0x2a: {  	p0 =	seq.s32 s5, $0x0;
	s5 =	sld [smem:$0x3FAF]  }
0x2b: {  	s6 =	sld [smem:$0x3FB0]  }
0x2c: {  	s7 =	sld [smem:$0x3FB1]  }
0x2d: {  	s3 =	simm.s32 $0x108;
	s8 =	sld [smem:$0x3FB2]  }
0x2e: {  	s3 =	simm.s32 @!p0 $0x1082;
	s9 =	sld [smem:$0x3FB3]  }
0x2f: {  	lr =	sadd.s32 s0, s3;
	s0 =	sld [smem:$0x3FAA]  }
0x30: {  	s3 =	sld [smem:$0x3FAD]  }
0x31: {  	[smem:$0x3FB6] =	sst s10  }
0x32: {  	s10 =	sld [smem:$0x3FB4];
	_ =	sdelay $0x3  }
0x33: {  	p0 =	seq.s32 s10, $0x1;
	s10 =	sld [smem:$0x3FB6];
	_ =	sdelay $0x3  }
0x34: {  	[smem:$0x3FB6] =	sst s10  }
0x35: {  	s10 =	sld [smem:$0x3FB5];
	_ =	sdelay $0x3  }
0x36: {  	p1 =	seq.s32 s10, $0x1;
	s10 =	sld [smem:$0x3FB6];
	_ =	sdelay $0x3  }
0x37: {  	[smem:$0x3FB6] =	sst s10  }
0x38: {  	s10 =	sld [smem:$0x3FB7]  }
0x39: {  	_ = 	snop;
	(pc) =	sbr.ind lr, $3  }
0x3a: {  	_ = 	snop  }
0x3b: {  	_ = 	snop  }
0x3c: {  	p2 =	seq.s32 s10, $0x1;
	s10 =	sld [smem:$0x3FB6]  }
0x3d: {  	_ =	shalt  }
0x3e: {  	_ =	shalt  }
0x3f: {  	_ =	shalt  }
0x40: {  	_ =	shalt  }
0x41: {  	_ =	shalt  }
0x42: {  	_ =	shalt  }
0x43: {  	_ =	shalt  }
0x44: {  	_ =	shalt  }
0x45: {  	_ =	shalt  }
0x46: {  	_ =	shalt  }
0x47: {  	_ =	shalt  }
0x48: {  	_ =	shalt  }
0x49: {  	_ =	shalt  }
0x4a: {  	_ =	shalt  }
0x4b: {  	_ =	shalt  }
0x4c: {  	_ =	shalt  }
0x4d: {  	_ =	shalt  }
0x4e: {  	_ =	shalt  }
0x4f: {  	_ =	shalt  }
0x50: {  	_ =	shalt  }
0x51: {  	_ =	shalt  }
0x52: {  	_ =	shalt  }
0x53: {  	_ =	shalt  }
0x54: {  	_ =	shalt  }
0x55: {  	_ =	shalt  }
0x56: {  	_ =	shalt  }
0x57: {  	_ =	shalt  }
0x58: {  	_ =	shalt  }
0x59: {  	_ =	shalt  }
0x5a: {  	_ =	shalt  }
0x5b: {  	_ =	shalt  }
0x5c: {  	_ =	shalt  }
0x5d: {  	_ =	shalt  }
0x5e: {  	_ =	shalt  }
0x5f: {  	_ =	shalt  }
0x60: {  	_ =	shalt  }
0x61: {  	_ =	shalt  }
0x62: {  	_ =	shalt  }
0x63: {  	_ =	shalt  }
0x64: {  	_ =	shalt  }
0x65: {  	_ =	shalt  }
0x66: {  	_ =	shalt  }
0x67: {  	_ =	shalt  }
0x68: {  	_ =	shalt  }
0x69: {  	_ =	shalt  }
0x6a: {  	_ =	shalt  }
0x6b: {  	_ =	shalt  }
0x6c: {  	_ =	shalt  }
0x6d: {  	_ =	shalt  }
0x6e: {  	_ =	shalt  }
0x6f: {  	_ =	shalt  }
0x70: {  	_ =	shalt  }
0x71: {  	_ =	shalt  }
0x72: {  	_ =	shalt  }
0x73: {  	_ =	shalt  }
0x74: {  	_ =	shalt  }
0x75: {  	_ =	shalt  }
0x76: {  	_ =	shalt  }
0x77: {  	_ =	shalt  }
0x78: {  	_ =	shalt  }
0x79: {  	_ =	shalt  }
0x7a: {  	_ =	shalt  }
0x7b: {  	_ =	shalt  }
0x7c: {  	_ =	shalt  }
0x7d: {  	_ =	shalt  }
0x7e: {  	_ =	shalt  }
0x7f: {  	_ =	shalt  }
0x80: {  	_ =	shalt  }
0x81: {  	_ =	shalt  }
0x82: {  	_ =	shalt  }
0x83: {  	_ =	shalt  }
0x84: {  	_ =	shalt  }
0x85: {  	_ =	shalt  }
0x86: {  	_ =	shalt  }
0x87: {  	_ =	shalt  }
.Lfunc_end0:
.L_simem_size_0:
called_computation_lowered:
.L_overlay_start_0:
0x88: {  	s2 =	sld [smem:$0x3FD9]  }
0x89: {  	s3 =	sld [smem:$0x3FFE];
	_ =	sdelay $0x1  }
0x8a: {  	s1 =	srdreg.scid  }
0x8b: {  	s0 =	sand.u32 $0x1, s1  }
0x8c: {  	s17 =	sshll.u32 s0, $0xA;
	s2 =	sadd.s32 s3, s2  }
0x8d: {  	s2 =	sadd.s32 s2, s17  }
0x8e: {  	[smem:$0x3FC2] =	sst s2  }
0x8f: {  	_ = 	snop  }
0x90: {  	s4 =	sld [smem:$0x3FC9]  }
0x91: {  	s5 =	sld [smem:$0x3FC8]  }
0x92: {  	s18 =	sld [smem:$0x3FD0];
	(tm) =	ssettm $0x1  }
0x93: {  	s19 =	sld [smem:$0x3FFB];
	_ =	sdelay $0x3  }
0x94: {  	_ =	strace s19  }
0x95: {  	s2 =	sld [smem:$0x3FFC];
	_ =	sdelay $0x3  }
0x96: {  	_ =	strace s2  }
0x97: {  	s2 =	sld [smem:$0x3FFD];
	_ =	sdelay $0x3  }
0x98: {  	_ =	strace s2  }
0x99: {  	_ =	strace $0x8FFFFFFF  }
0x9a: {  	s20 =	sld [smem:$0x3FDB];
	_ =	sdelay $0x1  }
0x9b: {  	s6 =	simm.s32 $_scs_section_size  }
0x9c: {  	s7 =	simm.s32 $_size__tile_overlayer_lowered;
	s8 =	simm.s32 $_tile_overlayer_lowered  }
0x9d: {  	s9 =	simm.s32 $0x1BFF;
	s21 =	sshll.u32 s8, $0x1;
	s6 =	sadd.s32 s6, s20  }
0x9e: {  	s22 =	simm.s32 $0x0;
	s7 =	sshll.u32 s7, $0x1;
	s8 =	sadd.s32 s21, s6  }
0x9f: {  	[timem:s22], [sflag:s9] =	dma.local [hbm:s8], s7  }
0xa0: {  	_ =	swait.ge [sflag:s9], s7  }
0xa1: {  	s7 =	ssub.s32 $0x0, s7;
	[sflag:s9] =	ssyncset.done $0x0  }
0xa2: {  	[sflag:s9] =	ssyncadd.s32 s7;
	_ =	sdelay $0x1  }
0xa3: {  	s23 =	simm.s32 $0x1B8B  }
0xa4: {  	_ =	swait.ge [sflag:s23], $0x1  }
0xa5: {  	[sflag:s23] =	ssyncset.done $0x0  }
0xa6: {  	[sflag:s23] =	ssyncadd.s32 $0xFFFFFFFF  }
0xa7: {  	s7 =	sld [smem:$0x0]  }
0xa8: {  	s8 =	sand.u32 $0xFFFFFFFE, s1  }
0xa9: {  	p0 =	sne.s32 s1, s8  }
0xaa: {  	s8 =	sshll.u32 @p0 s8, $0xE  }
0xab: {  	s8 =	sadd.s32 @p0 $0x11B8D, s8;
	s9 =	sshll.u32 @p0 s7, $0x11  }
0xac: {  	s8 =	sor.u32 @p0 s9, s8  }
0xad: {  	[sflag:s8] =	ssyncadd.remote.s32 @p0 $0x1;
	_ =	sdelay $0x1  }
0xae: {  	s8 =	simm.s32 @p0 $0x1B8D  }
0xaf: {  	_ =	swait.eq @p0 [sflag:s8], $0x1  }
0xb0: {  	[sflag:s8] =	ssyncadd.s32 @p0 $0xFFFFFFFF  }
0xb1: {  	s9 =	sshll.u32 @!p0 s1, $0xE  }
0xb2: {  	s9 =	sor.u32 @!p0 $0x4000, s9;
	s8 =	simm.s32 @!p0 $0x1B8D  }
0xb3: {  	s7 =	sshll.u32 @!p0 s7, $0x11;
	s9 =	sadd.s32 @!p0 $0x11B8D, s9;
	_ =	swait.eq @!p0 [sflag:s8], $0x1  }
0xb4: {  	s7 =	sor.u32 @!p0 s7, s9;
	[sflag:s8] =	ssyncadd.s32 @!p0 $0xFFFFFFFF  }
0xb5: {  	s25 =	simm.s32 $0x1B8E;
	s24 =	sld [smem:$0x3FFE];
	[sflag:s7] =	ssyncadd.remote.s32 @!p0 $0x1  }
0xb6: {  	s26 =	simm.s32 $execute0_lowered;
	[smem:$0x3FD2] =	sst s25  }
0xb7: {  	s8 =	sshll.u32 s26, $0x1;
	_ =	strace $0x80000049;
	[dreg:$0x1] =	wrdreg $0xFFFFFFFF  }
0xb8: {  	s28 =	simm.s32 $_size_execute0_lowered;
	s6 =	sadd.s32 s6, s8;
	[dreg:$0x0] =	wrdreg $0x0  }
0xb9: {  	s8 =	sshll.u32 s28, $0x1;
	[dreg:$0x2] =	wrdreg s6  }
0xba: {  	[dreg:$0x3] =	wrdreg s8  }
0xbb: {  	[dreg:$0x4] =	wrdreg $0xC0  }
0xbc: {  	_ =	task [dreg:s22], $0x5FFFF  }
0xbd: {  	[dreg:$0x1] =	wrdreg $0xFFFFFFFF  }
0xbe: {  	[dreg:$0x0] =	wrdreg $0x60  }
0xbf: {  	[dreg:$0x2] =	wrdreg s4  }
0xc0: {  	[dreg:$0x3] =	wrdreg s5  }
0xc1: {  	[dreg:$0x4] =	wrdreg s24  }
0xc2: {  	[dreg:$0x5] =	wrdreg s18  }
0xc3: {  	[dreg:$0x6] =	wrdreg $0x52800  }
0xc4: {  	[dreg:$0x7] =	wrdreg $0x72800  }
0xc5: {  	[dreg:$0x8] =	wrdreg $0x9  }
0xc6: {  	_ =	task.clear_ibuf [dreg:s22], $0x9FFFF;
	_ =	strace $0x90000049  }
0xc7: {  	s29 =	simm.s32 $0x9;
	_ =	strace $0x8000004B  }
0xc8: {  	_ =	swait.ge [sflag:s29], $0x1  }
0xc9: {  	[sflag:s29] =	ssyncadd.s32 $0xFFFFFFFF  }
0xca: {  	_ =	strace $0x9000004B  }
0xcb: {  	_ =	sfence  }
0xcc: {  	s30 =	sld [smem:$0x0];
	_ =	sdelay $0x2  }
0xcd: {  	s31 =	sshll.u32 s1, $0xD;
	s1 =	sshrl.u32 s1, $0x2  }
0xce: {  	s4 =	sand.u32 $0x4000, s31;
	s1 =	sadd.s32 s1, s30  }
0xcf: {  	s0 =	sor.u32 s4, s0;
	s1 =	sshll.u32 s1, $0x11  }
0xd0: {  	s0 =	sor.u32 s1, s0  }
0xd1: {  	s0 =	sadd.s32 $0x8F2B, s0  }
0xd2: {  	[sflag:s0] =	ssyncadd.remote.s32 $0x1  }
0xd3: {  	_ =	sfence.sel $0xFFFF  }
0xd4: {  	[dreg:$0x0] =	wrdreg $0xFFFFFFFF;
	(pc) =	sbr.abs _section_cstart, $3  }
0xd5: {  	[dreg:$0x1] =	wrdreg $0xFFFFFFFF  }
0xd6: {  	_ =	task.clear_ibuf [dreg:s22], $0x2FFFF;
	_ =	strace $0x9FFFFFFF  }
0xd7: {  	(tm) =	ssettm $0x7FFFFFFF  }
tec
execute0_lowered:
.L_overlay_start_1:
0x0: {  	(tag) =	ssettag $0x1  }
0x1: {  	s0 =	rddreg [dreg:$0x0]  }
0x2: {  	s1 =	rddreg [dreg:$0x1]  }
0x3: {  	s2 =	rddreg [dreg:$0x2]  }
0x4: {  	s3 =	rddreg [dreg:$0x3]  }
0x5: {  	s4 =	rddreg [dreg:$0x4]  }
0x6: {  	s5 =	rddreg [dreg:$0x5]  }
0x7: {  	s15 =	stileid.u32;
	s6 =	srdreg.scid;
	s28 =	simm.s32 $0x2  }
0x8: {  	s29 =	simm.s32 $0x80;
	s30 =	simm.s32 $0x2A00;
	s31 =	simm.s32 $0x180  }
0x9: {  	s9 =	sand.u32 $0x1, s6;
	s7 =	sand.u32 $0xE, s15;
	s6 =	simm.s32 $0x0  }
0xa: {  	s11 =	sshll.u32 s15, $0x6;
	s18 =	sshll.u32 s15, $0xA;
	s20 =	sshll.u32 s15, $0x1  }
0xb: {  	s21 =	sshll.u32 s15, $0xD;
	s7 =	sor.u32 s9, s7;
	[smem:$0x7FF] =	sst s6  }
0xc: {  	s10 =	sand.u32 $0x40, s11;
	s12 =	ssub.s32 $0x2, s9;
	s13 =	sadd.s32 s18, s2  }
0xd: {  	s15 =	sadd.s32 s21, s4;
	s3 =	sadd.s32 s3, s18;
	s21 =	simm.s32 $0x5200  }
0xe: {  	s8 =	sshll.u32 s7, $0x7;
	_ =	strace $0x8000004A;
	s7 =	sadd.s32 $0xBE00, s2  }
0xf: {  	s19 =	sshrl.u32 s12, $0x1;
	[dreg:$0x7] =	wrdreg s3;
	s8 =	sor.u32 s10, s8  }
0x10: {  	s14 =	ssub.s32 s12, s19;
	s10 =	sor.u32 $0x1C03, s11;
	s11 =	sadd.s32 s11, s5  }
0x11: {  	s19 =	sshrl.u32 s15, $0x3;
	s8 =	sshrl.u32 s8, $0x3;
	s26 =	smax.u32 s14, $0x1  }
0x12: {  	s2 =	sadd.s32 s8, s2;
	s8 =	sor.u32 s9, s20;
	s9 =	sshll.u32 s9, $0xE  }
0x13: {  	[dreg:$0xd] =	wrdreg s26;
	s20 =	simm.s32 $0x3;
	s22 =	smul.u32 $0xA, s8  }
0x14: {  	s26 =	simm.s32 $0x4;
	s23 =	ssub.s32 $0x290, s8;
	s16 =	smul.u32 $0x500, s8  }
0x15: {  	s9 =	sadd.s32 s9, s13;
	s2 =	sadd.s32 $0x15800, s2;
	s12 =	sshrl.u32 s23, $0x5  }
.Ltmp0:
0x16: {  	s25 =	sadd.s32 $0xD800, s9;
	[dreg:$0xc] =	wrdreg s2;
	(pc) =	sbr.rel .LBB2_1-.Ltmp0, $4  }
0x17: {  	s23 =	simm.s32 $0x200;
	s17 =	sadd.s32 s1, s22;
	[dreg:$0xb] =	wrdreg s25  }
0x18: {  	s2 =	simm.s32 $0x0;
	s3 =	sadd.s32 s7, s22;
	[dreg:$0x8] =	wrdreg s17  }
0x19: {  	s24 =	sadd.s32 s0, s16;
	s22 =	simm.s32 $0x100;
	[dreg:$0x9] =	wrdreg s3  }
0x1a: {  	v0 =	vimm.f32 $0.0e+00;
	s25 =	simm.s32 $0x50;
	[dreg:$0xa] =	wrdreg s24;
	s24 =	simm.s32 $0x1  }
.LBB2_10:
0x1b: {  	[bflag:$0x0] =	sbarrier.arrive $0xFFFF  }
0x1c: {  	s3 =	rddreg [dreg:$0xb]  }
0x1d: {  	[hbm:s3], [sflag:s10] =	dma.local [spmem:s19], $0x400  }
0x1e: {  	_ =	swait.ge [sflag:s20], $0x400  }
0x1f: {  	[sflag:s20] =	ssyncset.done $0x0  }
0x20: {  	[sflag:s20] =	ssyncadd.s32 $0xFFFFFC00  }
0x21: {  	[tilespmem:s21], [sflag:$0x3] =	stream.linear.gather [spmem:s11], $0x40, $0x38;
	[tilespmem:$0x72C0] =	vst v63  }
0x22: {  	_ =	swait.ge [sflag:s20], $0x40  }
0x23: {  	[sflag:s20] =	ssyncset.done $0x0  }
0x24: {  	s17 =	rddreg [dreg:$0xc];
	[sflag:s20] =	ssyncadd.s32 $0xFFFFFFC0  }
0x25: {  	[hbm4b:s17+s6] =	stream.linear.scatter [tilespmem:s21], [sflag:$0x3], $0x40, $0x38;
	[tilespmem:$0x72C0] =	vst v63  }
0x26: {  	_ =	swait.ge [sflag:s20], $0x40  }
0x27: {  	s2 =	sadd.s32 $0x1, s2;
	s18 =	rddreg [dreg:$0xd]  }
0x28: {  	p0 =	sne.s32 s2, s18  }
.Ltmp1:
0x29: {  	_ = 	snop;
	(pc) =	sbr.rel @!p0 .LBB2_11-.Ltmp1, $3  }
0x2a: {  	_ =	sdelay $0x1  }
0x2b: {  	[sflag:s20] =	ssyncset.done $0x0  }
0x2c: {  	[sflag:s20] =	ssyncadd.s32 $0xFFFFFFC0  }
.LBB2_1:
0x2d: {  	s3 =	rddreg [dreg:$0x7]  }
0x2e: {  	[spmem:s19], [sflag:s10] =	dma.local [hbm:s3], $0x400  }
0x2f: {  	_ =	swait.ge [sflag:s20], $0x400  }
0x30: {  	[sflag:s20] =	ssyncset.done $0x0  }
0x31: {  	[sflag:s20] =	ssyncadd.s32 $0xFFFFFC00  }
0x32: {  	[tilespmem:$0x5200] =	vst v0  }
0x33: {  	[tilespmem:$0x5210] =	vst v0  }
0x34: {  	[tilespmem:$0x5220] =	vst v0  }
0x35: {  	[tilespmem:$0x5230] =	vst v0  }
0x36: {  	[spmem:s11] =	stream.linear.scatter [tilespmem:s21], [sflag:$0x3], $0x40, $0x38;
	[tilespmem:$0x72C0] =	vst v63  }
0x37: {  	_ =	swait.ge [sflag:s20], $0x40  }
0x38: {  	[sflag:s20] =	ssyncset.done $0x0  }
0x39: {  	[sflag:s20] =	ssyncadd.s32 $0xFFFFFFC0  }
0x3a: {  	[bflag:$0x0] =	sbarrier.arrive $0xFFFF  }
0x3b: {  	s16 =	rddreg [dreg:$0x8]  }
0x3c: {  	[tilespmem:s6], [sflag:$0x1] =	stream.linear.gather [hbm4b:s16+s6], $0x50, $0x38;
	[tilespmem:$0x72C0] =	vst v63  }
.Ltmp2:
0x3d: {  	_ = 	snop;
	(pc) =	sbr.rel .LBB2_2-.Ltmp2, $4  }
0x3e: {  	s17 =	rddreg [dreg:$0x9]  }
0x3f: {  	[tilespmem:s22], [sflag:$0x1] =	stream.linear.gather [hbm4b:s17+s6], $0x50, $0x38;
	[tilespmem:$0x72C0] =	vst v63  }
0x40: {  	s3 =	simm.s32 $0x0;
	s18 =	rddreg [dreg:$0xa]  }
0x41: {  	[tilespmem:s23], [sflag:$0x1] =	stream.linear.gather [hbm4b:s18+s6], $0x2800, $0x38;
	[tilespmem:$0x72C0] =	vst v63  }
.LBB2_8:
0x42: {  	[tilespmem:s13+$0x60] =	vst v10  }
0x43: {  	[tilespmem:s13+$0x70] =	vst v9  }
0x44: {  	v7 =	vmul.f32 v7, v1;
	v61 =	vld [tilespmem:s13+$0xD0];
	[tilespmem:s9+$0xD0] =	vst v3  }
0x45: {  	v6 =	vmul.f32 v6, v1;
	v63 =	vld [tilespmem:s14+$0xE0];
	[tilespmem:s9+$0xE0] =	vst v2  }
0x46: {  	v62 =	vmul.f32 v8, v1;
	[tilespmem:s14+$0x80] =	vst v7  }
0x47: {  	v5 =	vmul.f32 v5, v1;
	[tilespmem:s14+$0x90] =	vst v6  }
0x48: {  	v4 =	vmul.f32 v4, v1;
	[tilespmem:s14+$0xA0] =	vst v62  }
0x49: {  	[tilespmem:s14+$0xB0] =	vst v5;
	v3 =	vmul.f32 v61, v1  }
0x4a: {  	[tilespmem:s14+$0xC0] =	vst v4;
	v1 =	vmul.f32 v63, v1  }
0x4b: {  	[tilespmem:s14+$0xD0] =	vst v3  }
0x4c: {  	[tilespmem:s14+$0xE0] =	vst v1  }
0x4d: {  	[spmem:s4] =	stream.indirect.scatter.add.f32 [tilespmem:s30], [sflag:$0x4], $0x80, s29, s25, $0xb8;
	[tilespmem:$0x72C0] =	vst v63  }
0x4e: {  	_ =	swait.ge [sflag:s26], $0x2800  }
0x4f: {  	[sflag:s26] =	ssyncset.done $0x0  }
0x50: {  	[sflag:s26] =	ssyncadd.s32 $0xFFFFD800  }
0x51: {  	[spmem:s5] =	stream.indirect.scatter.add.f32 [tilespmem:s31], [sflag:$0x3], $0x1, s29, s25, $0xb8;
	[tilespmem:$0x72C0] =	vst v63  }
0x52: {  	_ =	swait.ge [sflag:s20], $0x50  }
0x53: {  	[sflag:s20] =	ssyncset.done $0x0  }
0x54: {  	[sflag:s20] =	ssyncadd.s32 $0xFFFFFFB0  }
.LBB2_9:
0x55: {  	p0 =	sne.s32 s3, s12  }
.Ltmp3:
0x56: {  	_ = 	snop;
	(pc) =	sbr.rel @!p0 .LBB2_10-.Ltmp3, $1  }
0x57: {  	_ =	sdelay $0x3  }
.LBB2_2:
0x58: {  	s9 =	sand.u32 $0x1, s3  }
0x59: {  	p0 =	seq.s32 s9, $0x1  }
.Ltmp4:
0x5a: {  	_ = 	snop;
	(pc) =	sbr.rel @p0 .LBB2_6-.Ltmp4, $1  }
0x5b: {  	_ =	sdelay $0x3  }
0x5c: {  	_ =	swait.ge [sflag:s24], $0x50  }
0x5d: {  	[sflag:s24] =	ssyncset.done $0x0  }
0x5e: {  	s3 =	sor.u32 $0x1, s3;
	[sflag:s24] =	ssyncadd.s32 $0xFFFFFFB0  }
0x5f: {  	p0 =	sge.u32 s3, s12;
	_ =	swait.ge [sflag:s24], $0x50  }
0x60: {  	s9 =	sshll.u32 @!p0 s3, $0x5;
	[sflag:s24] =	ssyncset.done $0x0  }
0x61: {  	s9 =	sor.u32 @!p0 s8, s9;
	[sflag:s24] =	ssyncadd.s32 $0xFFFFFFB0  }
0x62: {  	s13 =	smul.u32 @!p0 $0xA, s9;
	_ =	swait.ge [sflag:s24], $0x2800  }
0x63: {  	s15 =	simm.s32 @!p0 $0x0;
	[sflag:s24] =	ssyncset.done $0x0  }
0x64: {  	s16 =	simm.s32 @!p0 $0x80;
	s14 =	sadd.s32 @!p0 s1, s13;
	[sflag:s24] =	ssyncadd.s32 $0xFFFFD800  }
0x65: {  	[tilespmem:s16], [sflag:$0x2] =	stream.linear.gather @!p0 [hbm4b:s14+s15], $0x50, $0x38;
	[tilespmem:$0x72C0] =	vst v63  }
0x66: {  	s9 =	smul.u32 @!p0 $0x500, s9;
	s13 =	sadd.s32 @!p0 s7, s13;
	s14 =	simm.s32 @!p0 $0x180  }
0x67: {  	[tilespmem:s14], [sflag:$0x2] =	stream.linear.gather @!p0 [hbm4b:s13+s15], $0x50, $0x38;
	[tilespmem:$0x72C0] =	vst v63  }
0x68: {  	s9 =	sadd.s32 @!p0 s0, s9;
	s13 =	simm.s32 @!p0 $0x2A00  }
0x69: {  	[tilespmem:s13], [sflag:$0x2] =	stream.linear.gather @!p0 [hbm4b:s9+s15], $0x2800, $0x38;
	[tilespmem:$0x72C0] =	vst v63  }
0x6a: {  	s9 =	simm.s32 $0x300  }
0x6b: {  	s15 =	simm.s32 $0x0;
	v3 =	vld [tilespmem:s9+$0xF0]  }
0x6c: {  	s16 =	sand.u32 $0x70, s15;
	v4 =	vld [tilespmem:s9+$0xFFFFFF00]  }
0x6d: {  	v1 =	vld [tilespmem:s16+$0x100]  }
0x6e: {  	v5 =	vld [tilespmem:s9+$0xFFFFFF10]  }
0x6f: {  	v6 =	vld [tilespmem:s9+$0xFFFFFF20];
	s17 =	sand.u32 $0xF, s15  }
0x70: {  	v7 =	vld [tilespmem:s9+$0xFFFFFF30];
	s18 =	sadd.s32 $0x3, s17  }
0x71: {  	v8 =	vld [tilespmem:s9+$0xFFFFFF40];
	s13 =	sand.u32 $0xC, s15;
	v2 =	vmov s18  }
0x72: {  	v9 =	vld [tilespmem:s9+$0xFFFFFF50];
	v12 =	vmov s13;
	v2 =	vperm.xlane v1, v2  }
0x73: {  	v15 =	vld [tilespmem:s9+$0xFFFFFFA0];
	v12 =	vperm.xlane v1, v12  }
0x74: {  	v16 =	vld [tilespmem:s9+$0xFFFFFFB0];
	s16 =	sadd.s32 $0x1, s17;
	v3 =	vmul.f32 v3, v2  }
0x75: {  	v11 =	vld [tilespmem:s9+$0xFFFFFF80];
	v14 =	vmov s16;
	v4 =	vmul.f32 v4, v12  }
0x76: {  	v17 =	vld [tilespmem:s9+$0xFFFFFFC0];
	v14 =	vperm.xlane v1, v14;
	v5 =	vmul.f32 v5, v12;
	[tilespmem:s9+$0xF0] =	vst v3  }
0x77: {  	v10 =	vld [tilespmem:s9+$0xFFFFFF60];
	v6 =	vmul.f32 v6, v12;
	[tilespmem:s9+$0xFFFFFF00] =	vst v4  }
0x78: {  	v13 =	vld [tilespmem:s9+$0xFFFFFF90];
	v47 =	vmul.f32 v15, v14;
	[tilespmem:s9+$0xFFFFFF10] =	vst v5  }
0x79: {  	v18 =	vld [tilespmem:s9+$0xFFFFFF70];
	v48 =	vmul.f32 v16, v14;
	[tilespmem:s9+$0xFFFFFF20] =	vst v6  }
0x7a: {  	v46 =	vld [tilespmem:s9+$0x40];
	v3 =	vmul.f32 v11, v14;
	[tilespmem:s9+$0xFFFFFFA0] =	vst v47  }
0x7b: {  	v50 =	vld [tilespmem:s9+$0x70];
	v49 =	vmul.f32 v17, v14;
	[tilespmem:s9+$0xFFFFFFB0] =	vst v48  }
0x7c: {  	v11 =	vld [tilespmem:s9+$0xFFFFFFD0];
	[tilespmem:s9+$0xFFFFFF80] =	vst v3;
	v3 =	vmul.f32 v7, v12  }
0x7d: {  	v6 =	vmul.f32 v8, v12;
	[tilespmem:s9+$0xFFFFFFC0] =	vst v49;
	v7 =	vld [tilespmem:s9+$0x0]  }
0x7e: {  	s17 =	sadd.s32 $0x2, s17;
	v4 =	vld [tilespmem:s9+$0xFFFFFFE0];
	[tilespmem:s9+$0xFFFFFF30] =	vst v3;
	v3 =	vmul.f32 v9, v12  }
0x7f: {  	v5 =	vld [tilespmem:s9+$0xFFFFFFF0];
	[tilespmem:s9+$0xFFFFFF40] =	vst v6;
	v6 =	vmul.f32 v10, v12;
	v9 =	vmov s17  }
0x80: {  	v8 =	vld [tilespmem:s9+$0x10];
	v1 =	vperm.xlane v1, v9;
	[tilespmem:s9+$0xFFFFFF50] =	vst v3;
	v3 =	vmul.f32 v18, v12  }
0x81: {  	v10 =	vld [tilespmem:s9+$0x20];
	[tilespmem:s9+$0xFFFFFF60] =	vst v6;
	v6 =	vmul.f32 v13, v14  }
0x82: {  	v51 =	vld [tilespmem:s9+$0x90];
	[tilespmem:s9+$0xFFFFFF70] =	vst v3;
	v3 =	vmul.f32 v7, v1  }
0x83: {  	v52 =	vld [tilespmem:s9+$0xA0];
	v11 =	vmul.f32 v11, v14;
	[tilespmem:s9+$0xFFFFFF90] =	vst v6  }
0x84: {  	v5 =	vmul.f32 v5, v14;
	[tilespmem:s9+$0x0] =	vst v3;
	v3 =	vld [tilespmem:s9+$0x80]  }
0x85: {  	v4 =	vmul.f32 v4, v14;
	v6 =	vld [tilespmem:s9+$0x60];
	[tilespmem:s9+$0xFFFFFFD0] =	vst v11  }
0x86: {  	v9 =	vld [tilespmem:s9+$0x30];
	[tilespmem:s9+$0xFFFFFFF0] =	vst v5;
	v5 =	vmul.f32 v8, v1;
	v8 =	vmul.f32 v10, v1  }
0x87: {  	v11 =	vld [tilespmem:s9+$0xB0];
	[tilespmem:s9+$0xFFFFFFE0] =	vst v4  }
0x88: {  	v7 =	vld [tilespmem:s9+$0x50];
	[tilespmem:s9+$0x20] =	vst v8;
	v8 =	vmul.f32 v46, v1  }
0x89: {  	v53 =	vld [tilespmem:s9+$0xD0];
	s13 =	simm.s32 $0x500;
	s18 =	simm.s32 $0x4;
	[tilespmem:s9+$0x10] =	vst v5;
	v3 =	vmul.f32 v3, v2  }
0x8a: {  	v54 =	vld [tilespmem:s13+$0xFFFFFF20];
	s15 =	sand.u32 $0x70, s18;
	[tilespmem:s9+$0x40] =	vst v8;
	v6 =	vmul.f32 v6, v1  }
0x8b: {  	v10 =	vld [tilespmem:s15+$0x100];
	[tilespmem:s9+$0x80] =	vst v3;
	v3 =	vmul.f32 v9, v1  }
0x8c: {  	v4 =	vld [tilespmem:s9+$0xC0];
	v11 =	vmul.f32 v11, v2;
	[tilespmem:s9+$0x60] =	vst v6  }
0x8d: {  	[tilespmem:s9+$0x30] =	vst v3;
	v3 =	vmul.f32 v7, v1;
	v7 =	vld [tilespmem:s13+$0xFFFFFF00]  }
0x8e: {  	s16 =	sand.u32 $0xC, s18;
	v8 =	vld [tilespmem:s13+$0xFFFFFF10];
	[tilespmem:s9+$0xB0] =	vst v11;
	v1 =	vmul.f32 v50, v1  }
0x8f: {  	s14 =	sand.u32 $0xF, s18;
	v6 =	vmul.f32 v51, v2;
	v9 =	vld [tilespmem:s13+$0xF0];
	[tilespmem:s9+$0x50] =	vst v3;
	v3 =	vmov s16  }
0x90: {  	v55 =	vld [tilespmem:s13+$0xFFFFFF30];
	s17 =	sadd.s32 $0x3, s14;
	[tilespmem:s9+$0x70] =	vst v1;
	v1 =	vmul.f32 v52, v2;
	v3 =	vperm.xlane v10, v3  }
0x91: {  	v56 =	vld [tilespmem:s13+$0xFFFFFF40];
	v4 =	vmul.f32 v4, v2;
	[tilespmem:s9+$0x90] =	vst v6;
	v6 =	vmov s17  }
0x92: {  	v57 =	vld [tilespmem:s13+$0xFFFFFF50];
	[tilespmem:s9+$0xA0] =	vst v1;
	v1 =	vperm.xlane v10, v6;
	v7 =	vmul.f32 v7, v3  }
0x93: {  	[tilespmem:s9+$0xC0] =	vst v4;
	v6 =	vld [tilespmem:s13+$0xFFFFFF60];
	v4 =	vmul.f32 v8, v3  }
0x94: {  	v11 =	vld [tilespmem:s13+$0xFFFFFF90];
	[tilespmem:s13+$0xFFFFFF00] =	vst v7;
	v7 =	vmul.f32 v9, v1  }
0x95: {  	v8 =	vld [tilespmem:s13+$0xFFFFFF80];
	[tilespmem:s13+$0xFFFFFF10] =	vst v4;
	v4 =	vmul.f32 v55, v3  }
0x96: {  	s18 =	sadd.s32 $0x1, s14;
	v9 =	vld [tilespmem:s13+$0xFFFFFF70];
	[tilespmem:s13+$0xF0] =	vst v7;
	v7 =	vmul.f32 v54, v3  }
0x97: {  	v59 =	vld [tilespmem:s13+$0xFFFFFFA0];
	v58 =	vmov s18;
	[tilespmem:s13+$0xFFFFFF30] =	vst v4;
	v4 =	vmul.f32 v57, v3  }
0x98: {  	v60 =	vld [tilespmem:s13+$0xFFFFFFB0];
	v12 =	vperm.xlane v10, v58;
	v6 =	vmul.f32 v6, v3;
	[tilespmem:s13+$0xFFFFFF20] =	vst v7  }
0x99: {  	v61 =	vld [tilespmem:s13+$0xFFFFFFC0];
	v7 =	vmul.f32 v56, v3;
	[tilespmem:s13+$0xFFFFFF50] =	vst v4  }
0x9a: {  	v63 =	vld [tilespmem:s13+$0x20];
	[tilespmem:s13+$0xFFFFFF60] =	vst v6;
	v6 =	vmul.f32 v11, v12  }
0x9b: {  	v3 =	vmul.f32 v9, v3;
	[tilespmem:s13+$0xFFFFFF40] =	vst v7;
	v7 =	vmul.f32 v8, v12;
	v8 =	vld [tilespmem:s13+$0xFFFFFFD0]  }
0x9c: {  	v4 =	vld [tilespmem:s13+$0xFFFFFFE0];
	[tilespmem:s13+$0xFFFFFF90] =	vst v6  }
0x9d: {  	v9 =	vld [tilespmem:s13+$0x0];
	[tilespmem:s13+$0xFFFFFF70] =	vst v3;
	v3 =	vmul.f32 v59, v12  }
0x9e: {  	s14 =	sadd.s32 $0x2, s14;
	v6 =	vmul.f32 v60, v12;
	[tilespmem:s13+$0xFFFFFF80] =	vst v7;
	v7 =	vld [tilespmem:s13+$0xFFFFFFF0]  }
0x9f: {  	v62 =	vmov s14;
	v11 =	vld [tilespmem:s13+$0x10];
	[tilespmem:s13+$0xFFFFFFA0] =	vst v3;
	v3 =	vmul.f32 v61, v12  }
0xa0: {  	v13 =	vperm.xlane v10, v62;
	v10 =	vld [tilespmem:s13+$0x60];
	[tilespmem:s13+$0xFFFFFFB0] =	vst v6;
	v6 =	vmul.f32 v8, v12  }
0xa1: {  	v8 =	vld [tilespmem:s13+$0x30];
	[tilespmem:s13+$0xFFFFFFC0] =	vst v3;
	v3 =	vmul.f32 v4, v12  }
0xa2: {  	v4 =	vld [tilespmem:s13+$0x40];
	[tilespmem:s13+$0xFFFFFFD0] =	vst v6;
	v6 =	vmul.f32 v9, v13  }
0xa3: {  	v9 =	vld [tilespmem:s13+$0x50];
	v7 =	vmul.f32 v7, v12;
	[tilespmem:s13+$0xFFFFFFE0] =	vst v3  }
0xa4: {  	v5 =	vld [tilespmem:s9+$0xE0];
	v3 =	vmul.f32 v11, v13;
	[tilespmem:s13+$0x0] =	vst v6  }
0xa5: {  	v11 =	vld [tilespmem:s13+$0x70];
	[tilespmem:s13+$0xFFFFFFF0] =	vst v7;
	v6 =	vmul.f32 v63, v13  }
0xa6: {  	[tilespmem:s13+$0x10] =	vst v3;
	v7 =	vld [tilespmem:s13+$0x80];
	v3 =	vmul.f32 v8, v13  }
0xa7: {  	v4 =	vmul.f32 v4, v13;
	[tilespmem:s13+$0x20] =	vst v6;
	v6 =	vld [tilespmem:s13+$0x90]  }
0xa8: {  	v10 =	vmul.f32 v10, v13;
	v8 =	vld [tilespmem:s13+$0xA0];
	[tilespmem:s13+$0x30] =	vst v3;
	v9 =	vmul.f32 v9, v13  }
0xa9: {  	v3 =	vmul.f32 v53, v2;
	v2 =	vmul.f32 v5, v2;
	[tilespmem:s13+$0x40] =	vst v4;
	v5 =	vld [tilespmem:s13+$0xB0]  }
0xaa: {  	s14 =	simm.s32 $0x500;
	s15 =	simm.s32 $0x8;
	v4 =	vld [tilespmem:s13+$0xC0];
	[tilespmem:s13+$0x50] =	vst v9;
	v9 =	vmul.f32 v11, v13  }
.LBB2_4:
0xab: {  	s16 =	sand.u32 $0x70, s15;
	p0 =	slt.u32 s15, $0x4C;
	[tilespmem:s13+$0x60] =	vst v10;
	v7 =	vmul.f32 v7, v1;
	v10 =	vld [tilespmem:s13+$0xD0]  }
0xac: {  	v11 =	vld [tilespmem:s16+$0x100];
	[tilespmem:s13+$0x70] =	vst v9;
	v6 =	vmul.f32 v6, v1  }
0xad: {  	s17 =	sand.u32 $0xF, s15;
	s13 =	sadd.s32 $0x200, s13;
	[tilespmem:s14+$0x80] =	vst v7;
	v7 =	vmul.f32 v8, v1;
	v8 =	vld [tilespmem:s14+$0xE0]  }
0xae: {  	s16 =	sand.u32 $0xC, s15;
	s18 =	sadd.s32 $0x2, s17;
	v9 =	vld [tilespmem:s13+$0xF0];
	[tilespmem:s14+$0x90] =	vst v6;
	v5 =	vmul.f32 v5, v1  }
0xaf: {  	v14 =	vmov s18;
	v6 =	vmov s16;
	s16 =	sadd.s32 $0x1, s17;
	s17 =	sadd.s32 $0x3, s17;
	v12 =	vld [tilespmem:s13+$0xFFFFFF00];
	[tilespmem:s14+$0xA0] =	vst v7;
	v4 =	vmul.f32 v4, v1  }
0xb0: {  	v13 =	vmov s16;
	v15 =	vmov s17;
	v7 =	vld [tilespmem:s13+$0xFFFFFF10];
	[tilespmem:s14+$0xB0] =	vst v5  }
0xb1: {  	v5 =	vperm.xlane v11, v6;
	v6 =	vld [tilespmem:s13+$0xFFFFFF20];
	v15 =	vperm.xlane v11, v15;
	[tilespmem:s14+$0xC0] =	vst v4  }
0xb2: {  	v13 =	vperm.xlane v11, v13;
	v11 =	vperm.xlane v11, v14;
	v4 =	vld [tilespmem:s13+$0xFFFFFF30];
	[tilespmem:s9+$0xD0] =	vst v3  }
0xb3: {  	v3 =	vmul.f32 v10, v1;
	v14 =	vld [tilespmem:s13+$0xFFFFFF40];
	v9 =	vmul.f32 v9, v15;
	[tilespmem:s9+$0xE0] =	vst v2;
	s9 =	smov.u32 s14;
	s14 =	smov.u32 s13  }
0xb4: {  	v2 =	vmul.f32 v8, v1;
	v1 =	vmov v15;
	v10 =	vmul.f32 v12, v5;
	v12 =	vld [tilespmem:s13+$0xFFFFFF50]  }
0xb5: {  	v7 =	vmul.f32 v7, v5;
	v8 =	vld [tilespmem:s13+$0xFFFFFF60];
	[tilespmem:s13+$0xF0] =	vst v9  }
0xb6: {  	[tilespmem:s13+$0xFFFFFF00] =	vst v10;
	v6 =	vmul.f32 v6, v5;
	v9 =	vld [tilespmem:s13+$0xFFFFFF70]  }
0xb7: {  	[tilespmem:s13+$0xFFFFFF10] =	vst v7;
	v4 =	vmul.f32 v4, v5;
	v7 =	vld [tilespmem:s13+$0xFFFFFF80]  }
0xb8: {  	[tilespmem:s13+$0xFFFFFF20] =	vst v6;
	v6 =	vmul.f32 v14, v5;
	v10 =	vld [tilespmem:s13+$0xFFFFFF90]  }
0xb9: {  	[tilespmem:s13+$0xFFFFFF30] =	vst v4;
	v4 =	vmul.f32 v12, v5;
	v12 =	vld [tilespmem:s13+$0xFFFFFFA0]  }
0xba: {  	[tilespmem:s13+$0xFFFFFF40] =	vst v6;
	v6 =	vmul.f32 v8, v5;
	v8 =	vld [tilespmem:s13+$0xFFFFFFB0]  }
0xbb: {  	[tilespmem:s13+$0xFFFFFF50] =	vst v4;
	v4 =	vmul.f32 v9, v5;
	v5 =	vld [tilespmem:s13+$0xFFFFFFC0]  }
0xbc: {  	[tilespmem:s13+$0xFFFFFF60] =	vst v6;
	v6 =	vmul.f32 v7, v13;
	v7 =	vld [tilespmem:s13+$0xFFFFFFD0]  }
0xbd: {  	[tilespmem:s13+$0xFFFFFF70] =	vst v4;
	v4 =	vmul.f32 v10, v13;
	v9 =	vld [tilespmem:s13+$0xFFFFFFE0]  }
0xbe: {  	[tilespmem:s13+$0xFFFFFF80] =	vst v6;
	v6 =	vmul.f32 v12, v13;
	v10 =	vld [tilespmem:s13+$0xFFFFFFF0]  }
0xbf: {  	[tilespmem:s13+$0xFFFFFF90] =	vst v4;
	v4 =	vmul.f32 v8, v13;
	v8 =	vld [tilespmem:s13+$0x0]  }
0xc0: {  	[tilespmem:s13+$0xFFFFFFA0] =	vst v6;
	v5 =	vmul.f32 v5, v13;
	v6 =	vld [tilespmem:s13+$0x10]  }
0xc1: {  	[tilespmem:s13+$0xFFFFFFB0] =	vst v4;
	v4 =	vmul.f32 v7, v13;
	v7 =	vld [tilespmem:s13+$0x20]  }
0xc2: {  	[tilespmem:s13+$0xFFFFFFC0] =	vst v5;
	v5 =	vmul.f32 v9, v13;
	v9 =	vld [tilespmem:s13+$0x30]  }
0xc3: {  	[tilespmem:s13+$0xFFFFFFD0] =	vst v4;
	v4 =	vmul.f32 v10, v13;
	v10 =	vld [tilespmem:s13+$0x40]  }
0xc4: {  	[tilespmem:s13+$0xFFFFFFE0] =	vst v5;
	v5 =	vmul.f32 v8, v11;
	v8 =	vld [tilespmem:s13+$0x50]  }
0xc5: {  	[tilespmem:s13+$0xFFFFFFF0] =	vst v4;
	v4 =	vmul.f32 v6, v11;
	v12 =	vld [tilespmem:s13+$0x60]  }
0xc6: {  	[tilespmem:s13+$0x0] =	vst v5;
	v5 =	vmul.f32 v7, v11;
	v13 =	vld [tilespmem:s13+$0x70]  }
.Ltmp5:
0xc7: {  	[tilespmem:s13+$0x10] =	vst v4;
	v4 =	vmul.f32 v9, v11;
	v7 =	vld [tilespmem:s13+$0x80];
	(pc) =	sbr.rel @p0 .LBB2_4-.Ltmp5, $4  }
0xc8: {  	[tilespmem:s13+$0x20] =	vst v5;
	v5 =	vmul.f32 v10, v11;
	v6 =	vld [tilespmem:s13+$0x90]  }
0xc9: {  	[tilespmem:s13+$0x30] =	vst v4;
	v4 =	vmul.f32 v8, v11;
	v8 =	vld [tilespmem:s13+$0xA0]  }
0xca: {  	[tilespmem:s13+$0x40] =	vst v5;
	v10 =	vmul.f32 v12, v11;
	v5 =	vld [tilespmem:s13+$0xB0]  }
0xcb: {  	s15 =	sadd.s32 $0x4, s15;
	[tilespmem:s13+$0x50] =	vst v4;
	v9 =	vmul.f32 v13, v11;
	v4 =	vld [tilespmem:s13+$0xC0]  }
0xcc: {  	[tilespmem:s13+$0x60] =	vst v10  }
0xcd: {  	[tilespmem:s9+$0xD0] =	vst v3  }
0xce: {  	v7 =	vmul.f32 v7, v1;
	v61 =	vld [tilespmem:s13+$0xD0];
	[tilespmem:s9+$0xE0] =	vst v2  }
0xcf: {  	v63 =	vld [tilespmem:s14+$0xE0];
	v6 =	vmul.f32 v6, v1;
	[tilespmem:s13+$0x70] =	vst v9  }
0xd0: {  	[tilespmem:s14+$0x80] =	vst v7;
	v62 =	vmul.f32 v8, v1  }
0xd1: {  	[tilespmem:s14+$0x90] =	vst v6;
	v5 =	vmul.f32 v5, v1  }
0xd2: {  	[tilespmem:s14+$0xA0] =	vst v62;
	v4 =	vmul.f32 v4, v1  }
0xd3: {  	[tilespmem:s14+$0xB0] =	vst v5;
	v3 =	vmul.f32 v61, v1  }
0xd4: {  	v1 =	vmul.f32 v63, v1;
	[tilespmem:s14+$0xC0] =	vst v4  }
0xd5: {  	[tilespmem:s14+$0xD0] =	vst v3  }
0xd6: {  	[tilespmem:s14+$0xE0] =	vst v1  }
0xd7: {  	[spmem:s4] =	stream.indirect.scatter.add.f32 [tilespmem:s23], [sflag:$0x4], $0x80, s6, s25, $0xb8;
	[tilespmem:$0x72C0] =	vst v63  }
0xd8: {  	_ =	swait.ge [sflag:s26], $0x2800  }
0xd9: {  	[sflag:s26] =	ssyncset.done $0x0  }
.Ltmp6:
0xda: {  	[sflag:s26] =	ssyncadd.s32 $0xFFFFD800;
	(pc) =	sbr.rel .LBB2_9-.Ltmp6, $4  }
0xdb: {  	[spmem:s5] =	stream.indirect.scatter.add.f32 [tilespmem:s22], [sflag:$0x4], $0x1, s6, s25, $0xb8;
	[tilespmem:$0x72C0] =	vst v63  }
0xdc: {  	_ =	swait.ge [sflag:s26], $0x50  }
0xdd: {  	[sflag:s26] =	ssyncset.done $0x0  }
0xde: {  	[sflag:s26] =	ssyncadd.s32 $0xFFFFFFB0  }
.LBB2_6:
0xdf: {  	_ =	swait.ge [sflag:s28], $0x50  }
0xe0: {  	[sflag:s28] =	ssyncset.done $0x0  }
0xe1: {  	s3 =	sadd.s32 $0x1, s3;
	[sflag:s28] =	ssyncadd.s32 $0xFFFFFFB0  }
0xe2: {  	p0 =	sge.u32 s3, s12;
	_ =	swait.ge [sflag:s28], $0x50  }
0xe3: {  	s9 =	sshll.u32 @!p0 s3, $0x5;
	[sflag:s28] =	ssyncset.done $0x0  }
0xe4: {  	s9 =	sor.u32 @!p0 s8, s9;
	[sflag:s28] =	ssyncadd.s32 $0xFFFFFFB0  }
0xe5: {  	s13 =	smul.u32 @!p0 $0xA, s9;
	_ =	swait.ge [sflag:s28], $0x2800  }
0xe6: {  	[sflag:s28] =	ssyncset.done $0x0  }
0xe7: {  	s15 =	simm.s32 @!p0 $0x0;
	s14 =	sadd.s32 @!p0 s1, s13;
	[sflag:s28] =	ssyncadd.s32 $0xFFFFD800  }
0xe8: {  	[tilespmem:s15], [sflag:$0x1] =	stream.linear.gather @!p0 [hbm4b:s14+s15], $0x50, $0x38;
	[tilespmem:$0x72C0] =	vst v63  }
0xe9: {  	s9 =	smul.u32 @!p0 $0x500, s9;
	s13 =	sadd.s32 @!p0 s7, s13;
	s14 =	simm.s32 @!p0 $0x100  }
0xea: {  	[tilespmem:s14], [sflag:$0x1] =	stream.linear.gather @!p0 [hbm4b:s13+s15], $0x50, $0x38;
	[tilespmem:$0x72C0] =	vst v63  }
0xeb: {  	s9 =	sadd.s32 @!p0 s0, s9;
	s13 =	simm.s32 @!p0 $0x200  }
0xec: {  	[tilespmem:s13], [sflag:$0x1] =	stream.linear.gather @!p0 [hbm4b:s9+s15], $0x2800, $0x38;
	[tilespmem:$0x72C0] =	vst v63  }
0xed: {  	s9 =	simm.s32 $0x2B00  }
0xee: {  	s15 =	simm.s32 $0x0;
	v3 =	vld [tilespmem:s9+$0xF0]  }
0xef: {  	s16 =	sand.u32 $0x70, s15;
	v4 =	vld [tilespmem:s9+$0xFFFFFF00]  }
0xf0: {  	v1 =	vld [tilespmem:s16+$0x180]  }
0xf1: {  	v5 =	vld [tilespmem:s9+$0xFFFFFF10]  }
0xf2: {  	v6 =	vld [tilespmem:s9+$0xFFFFFF20];
	s17 =	sand.u32 $0xF, s15  }
0xf3: {  	v7 =	vld [tilespmem:s9+$0xFFFFFF30];
	s18 =	sadd.s32 $0x3, s17  }
0xf4: {  	v8 =	vld [tilespmem:s9+$0xFFFFFF40];
	s13 =	sand.u32 $0xC, s15;
	v2 =	vmov s18  }
0xf5: {  	v9 =	vld [tilespmem:s9+$0xFFFFFF50];
	v12 =	vmov s13;
	v2 =	vperm.xlane v1, v2  }
0xf6: {  	v15 =	vld [tilespmem:s9+$0xFFFFFFA0];
	v12 =	vperm.xlane v1, v12  }
0xf7: {  	v16 =	vld [tilespmem:s9+$0xFFFFFFB0];
	s16 =	sadd.s32 $0x1, s17;
	v3 =	vmul.f32 v3, v2  }
0xf8: {  	v11 =	vld [tilespmem:s9+$0xFFFFFF80];
	v14 =	vmov s16;
	v4 =	vmul.f32 v4, v12  }
0xf9: {  	v17 =	vld [tilespmem:s9+$0xFFFFFFC0];
	v14 =	vperm.xlane v1, v14;
	v5 =	vmul.f32 v5, v12;
	[tilespmem:s9+$0xF0] =	vst v3  }
0xfa: {  	v10 =	vld [tilespmem:s9+$0xFFFFFF60];
	v6 =	vmul.f32 v6, v12;
	[tilespmem:s9+$0xFFFFFF00] =	vst v4  }
0xfb: {  	v13 =	vld [tilespmem:s9+$0xFFFFFF90];
	v47 =	vmul.f32 v15, v14;
	[tilespmem:s9+$0xFFFFFF10] =	vst v5  }
0xfc: {  	v18 =	vld [tilespmem:s9+$0xFFFFFF70];
	v48 =	vmul.f32 v16, v14;
	[tilespmem:s9+$0xFFFFFF20] =	vst v6  }
0xfd: {  	v46 =	vld [tilespmem:s9+$0x40];
	v3 =	vmul.f32 v11, v14;
	[tilespmem:s9+$0xFFFFFFA0] =	vst v47  }
0xfe: {  	v50 =	vld [tilespmem:s9+$0x70];
	v49 =	vmul.f32 v17, v14;
	[tilespmem:s9+$0xFFFFFFB0] =	vst v48  }
0xff: {  	v11 =	vld [tilespmem:s9+$0xFFFFFFD0];
	[tilespmem:s9+$0xFFFFFF80] =	vst v3;
	v3 =	vmul.f32 v7, v12  }
0x100: {  	v6 =	vmul.f32 v8, v12;
	[tilespmem:s9+$0xFFFFFFC0] =	vst v49;
	v7 =	vld [tilespmem:s9+$0x0]  }
0x101: {  	s17 =	sadd.s32 $0x2, s17;
	v4 =	vld [tilespmem:s9+$0xFFFFFFE0];
	[tilespmem:s9+$0xFFFFFF30] =	vst v3;
	v3 =	vmul.f32 v9, v12  }
0x102: {  	v5 =	vld [tilespmem:s9+$0xFFFFFFF0];
	[tilespmem:s9+$0xFFFFFF40] =	vst v6;
	v6 =	vmul.f32 v10, v12;
	v9 =	vmov s17  }
0x103: {  	v8 =	vld [tilespmem:s9+$0x10];
	v1 =	vperm.xlane v1, v9;
	[tilespmem:s9+$0xFFFFFF50] =	vst v3;
	v3 =	vmul.f32 v18, v12  }
0x104: {  	v10 =	vld [tilespmem:s9+$0x20];
	[tilespmem:s9+$0xFFFFFF60] =	vst v6;
	v6 =	vmul.f32 v13, v14  }
0x105: {  	v51 =	vld [tilespmem:s9+$0x90];
	[tilespmem:s9+$0xFFFFFF70] =	vst v3;
	v3 =	vmul.f32 v7, v1  }
0x106: {  	v52 =	vld [tilespmem:s9+$0xA0];
	v11 =	vmul.f32 v11, v14;
	[tilespmem:s9+$0xFFFFFF90] =	vst v6  }
0x107: {  	v5 =	vmul.f32 v5, v14;
	[tilespmem:s9+$0x0] =	vst v3;
	v3 =	vld [tilespmem:s9+$0x80]  }
0x108: {  	v4 =	vmul.f32 v4, v14;
	v6 =	vld [tilespmem:s9+$0x60];
	[tilespmem:s9+$0xFFFFFFD0] =	vst v11  }
0x109: {  	v9 =	vld [tilespmem:s9+$0x30];
	[tilespmem:s9+$0xFFFFFFF0] =	vst v5;
	v5 =	vmul.f32 v8, v1;
	v8 =	vmul.f32 v10, v1  }
0x10a: {  	v11 =	vld [tilespmem:s9+$0xB0];
	[tilespmem:s9+$0xFFFFFFE0] =	vst v4  }
0x10b: {  	v7 =	vld [tilespmem:s9+$0x50];
	[tilespmem:s9+$0x20] =	vst v8;
	v8 =	vmul.f32 v46, v1  }
0x10c: {  	v53 =	vld [tilespmem:s9+$0xD0];
	s13 =	simm.s32 $0x2D00;
	s18 =	simm.s32 $0x4;
	[tilespmem:s9+$0x10] =	vst v5;
	v3 =	vmul.f32 v3, v2  }
0x10d: {  	v54 =	vld [tilespmem:s13+$0xFFFFFF20];
	s15 =	sand.u32 $0x70, s18;
	[tilespmem:s9+$0x40] =	vst v8;
	v6 =	vmul.f32 v6, v1  }
0x10e: {  	v10 =	vld [tilespmem:s15+$0x180];
	[tilespmem:s9+$0x80] =	vst v3;
	v3 =	vmul.f32 v9, v1  }
0x10f: {  	v4 =	vld [tilespmem:s9+$0xC0];
	v11 =	vmul.f32 v11, v2;
	[tilespmem:s9+$0x60] =	vst v6  }
0x110: {  	[tilespmem:s9+$0x30] =	vst v3;
	v3 =	vmul.f32 v7, v1;
	v7 =	vld [tilespmem:s13+$0xFFFFFF00]  }
0x111: {  	s16 =	sand.u32 $0xC, s18;
	v8 =	vld [tilespmem:s13+$0xFFFFFF10];
	[tilespmem:s9+$0xB0] =	vst v11;
	v1 =	vmul.f32 v50, v1  }
0x112: {  	s14 =	sand.u32 $0xF, s18;
	v6 =	vmul.f32 v51, v2;
	v9 =	vld [tilespmem:s13+$0xF0];
	[tilespmem:s9+$0x50] =	vst v3;
	v3 =	vmov s16  }
0x113: {  	v55 =	vld [tilespmem:s13+$0xFFFFFF30];
	s17 =	sadd.s32 $0x3, s14;
	[tilespmem:s9+$0x70] =	vst v1;
	v1 =	vmul.f32 v52, v2;
	v3 =	vperm.xlane v10, v3  }
0x114: {  	v56 =	vld [tilespmem:s13+$0xFFFFFF40];
	v4 =	vmul.f32 v4, v2;
	[tilespmem:s9+$0x90] =	vst v6;
	v6 =	vmov s17  }
0x115: {  	v57 =	vld [tilespmem:s13+$0xFFFFFF50];
	[tilespmem:s9+$0xA0] =	vst v1;
	v1 =	vperm.xlane v10, v6;
	v7 =	vmul.f32 v7, v3  }
0x116: {  	[tilespmem:s9+$0xC0] =	vst v4;
	v6 =	vld [tilespmem:s13+$0xFFFFFF60];
	v4 =	vmul.f32 v8, v3  }
0x117: {  	v11 =	vld [tilespmem:s13+$0xFFFFFF90];
	[tilespmem:s13+$0xFFFFFF00] =	vst v7;
	v7 =	vmul.f32 v9, v1  }
0x118: {  	v8 =	vld [tilespmem:s13+$0xFFFFFF80];
	[tilespmem:s13+$0xFFFFFF10] =	vst v4;
	v4 =	vmul.f32 v55, v3  }
0x119: {  	s18 =	sadd.s32 $0x1, s14;
	v9 =	vld [tilespmem:s13+$0xFFFFFF70];
	[tilespmem:s13+$0xF0] =	vst v7;
	v7 =	vmul.f32 v54, v3  }
0x11a: {  	v59 =	vld [tilespmem:s13+$0xFFFFFFA0];
	v58 =	vmov s18;
	[tilespmem:s13+$0xFFFFFF30] =	vst v4;
	v4 =	vmul.f32 v57, v3  }
0x11b: {  	v60 =	vld [tilespmem:s13+$0xFFFFFFB0];
	v12 =	vperm.xlane v10, v58;
	v6 =	vmul.f32 v6, v3;
	[tilespmem:s13+$0xFFFFFF20] =	vst v7  }
0x11c: {  	v61 =	vld [tilespmem:s13+$0xFFFFFFC0];
	v7 =	vmul.f32 v56, v3;
	[tilespmem:s13+$0xFFFFFF50] =	vst v4  }
0x11d: {  	v63 =	vld [tilespmem:s13+$0x20];
	[tilespmem:s13+$0xFFFFFF60] =	vst v6;
	v6 =	vmul.f32 v11, v12  }
0x11e: {  	v3 =	vmul.f32 v9, v3;
	[tilespmem:s13+$0xFFFFFF40] =	vst v7;
	v7 =	vmul.f32 v8, v12;
	v8 =	vld [tilespmem:s13+$0xFFFFFFD0]  }
0x11f: {  	v4 =	vld [tilespmem:s13+$0xFFFFFFE0];
	[tilespmem:s13+$0xFFFFFF90] =	vst v6  }
0x120: {  	v9 =	vld [tilespmem:s13+$0x0];
	[tilespmem:s13+$0xFFFFFF70] =	vst v3;
	v3 =	vmul.f32 v59, v12  }
0x121: {  	s14 =	sadd.s32 $0x2, s14;
	v6 =	vmul.f32 v60, v12;
	[tilespmem:s13+$0xFFFFFF80] =	vst v7;
	v7 =	vld [tilespmem:s13+$0xFFFFFFF0]  }
0x122: {  	v62 =	vmov s14;
	v11 =	vld [tilespmem:s13+$0x10];
	[tilespmem:s13+$0xFFFFFFA0] =	vst v3;
	v3 =	vmul.f32 v61, v12  }
0x123: {  	v13 =	vperm.xlane v10, v62;
	v10 =	vld [tilespmem:s13+$0x60];
	[tilespmem:s13+$0xFFFFFFB0] =	vst v6;
	v6 =	vmul.f32 v8, v12  }
0x124: {  	v8 =	vld [tilespmem:s13+$0x30];
	[tilespmem:s13+$0xFFFFFFC0] =	vst v3;
	v3 =	vmul.f32 v4, v12  }
0x125: {  	v4 =	vld [tilespmem:s13+$0x40];
	[tilespmem:s13+$0xFFFFFFD0] =	vst v6;
	v6 =	vmul.f32 v9, v13  }
0x126: {  	v9 =	vld [tilespmem:s13+$0x50];
	v7 =	vmul.f32 v7, v12;
	[tilespmem:s13+$0xFFFFFFE0] =	vst v3  }
0x127: {  	v5 =	vld [tilespmem:s9+$0xE0];
	v3 =	vmul.f32 v11, v13;
	[tilespmem:s13+$0x0] =	vst v6  }
0x128: {  	v11 =	vld [tilespmem:s13+$0x70];
	[tilespmem:s13+$0xFFFFFFF0] =	vst v7;
	v6 =	vmul.f32 v63, v13  }
0x129: {  	[tilespmem:s13+$0x10] =	vst v3;
	v7 =	vld [tilespmem:s13+$0x80];
	v3 =	vmul.f32 v8, v13  }
0x12a: {  	v4 =	vmul.f32 v4, v13;
	[tilespmem:s13+$0x20] =	vst v6;
	v6 =	vld [tilespmem:s13+$0x90]  }
0x12b: {  	v10 =	vmul.f32 v10, v13;
	v8 =	vld [tilespmem:s13+$0xA0];
	[tilespmem:s13+$0x30] =	vst v3;
	v9 =	vmul.f32 v9, v13  }
0x12c: {  	v3 =	vmul.f32 v53, v2;
	v2 =	vmul.f32 v5, v2;
	[tilespmem:s13+$0x40] =	vst v4;
	v5 =	vld [tilespmem:s13+$0xB0]  }
0x12d: {  	s14 =	simm.s32 $0x2D00;
	s15 =	simm.s32 $0x8;
	v4 =	vld [tilespmem:s13+$0xC0];
	[tilespmem:s13+$0x50] =	vst v9;
	v9 =	vmul.f32 v11, v13  }
.LBB2_7:
0x12e: {  	s16 =	sand.u32 $0x70, s15;
	p0 =	slt.u32 s15, $0x4C;
	[tilespmem:s13+$0x60] =	vst v10;
	v7 =	vmul.f32 v7, v1;
	v10 =	vld [tilespmem:s13+$0xD0]  }
0x12f: {  	v6 =	vmul.f32 v6, v1;
	v11 =	vld [tilespmem:s16+$0x180];
	[tilespmem:s13+$0x70] =	vst v9  }
0x130: {  	s17 =	sand.u32 $0xF, s15;
	s13 =	sadd.s32 $0x200, s13;
	[tilespmem:s14+$0x80] =	vst v7;
	v7 =	vmul.f32 v8, v1;
	v8 =	vld [tilespmem:s14+$0xE0]  }
0x131: {  	v5 =	vmul.f32 v5, v1;
	s16 =	sand.u32 $0xC, s15;
	s18 =	sadd.s32 $0x2, s17;
	v9 =	vld [tilespmem:s13+$0xF0];
	[tilespmem:s14+$0x90] =	vst v6  }
0x132: {  	v4 =	vmul.f32 v4, v1;
	v14 =	vmov s18;
	v6 =	vmov s16;
	s16 =	sadd.s32 $0x1, s17;
	s17 =	sadd.s32 $0x3, s17;
	v12 =	vld [tilespmem:s13+$0xFFFFFF00];
	[tilespmem:s14+$0xA0] =	vst v7  }
0x133: {  	v13 =	vmov s16;
	v15 =	vmov s17;
	v7 =	vld [tilespmem:s13+$0xFFFFFF10];
	[tilespmem:s14+$0xB0] =	vst v5  }
0x134: {  	v5 =	vperm.xlane v11, v6;
	v6 =	vld [tilespmem:s13+$0xFFFFFF20];
	v15 =	vperm.xlane v11, v15;
	[tilespmem:s14+$0xC0] =	vst v4  }
0x135: {  	v13 =	vperm.xlane v11, v13;
	v11 =	vperm.xlane v11, v14;
	v4 =	vld [tilespmem:s13+$0xFFFFFF30];
	[tilespmem:s9+$0xD0] =	vst v3  }
0x136: {  	v3 =	vmul.f32 v10, v1;
	v14 =	vld [tilespmem:s13+$0xFFFFFF40];
	v9 =	vmul.f32 v9, v15;
	[tilespmem:s9+$0xE0] =	vst v2;
	s9 =	smov.u32 s14;
	s14 =	smov.u32 s13  }
0x137: {  	v2 =	vmul.f32 v8, v1;
	v1 =	vmov v15;
	v10 =	vmul.f32 v12, v5;
	v12 =	vld [tilespmem:s13+$0xFFFFFF50]  }
0x138: {  	v7 =	vmul.f32 v7, v5;
	v8 =	vld [tilespmem:s13+$0xFFFFFF60];
	[tilespmem:s13+$0xF0] =	vst v9  }
0x139: {  	[tilespmem:s13+$0xFFFFFF00] =	vst v10;
	v6 =	vmul.f32 v6, v5;
	v9 =	vld [tilespmem:s13+$0xFFFFFF70]  }
0x13a: {  	[tilespmem:s13+$0xFFFFFF10] =	vst v7;
	v4 =	vmul.f32 v4, v5;
	v7 =	vld [tilespmem:s13+$0xFFFFFF80]  }
0x13b: {  	[tilespmem:s13+$0xFFFFFF20] =	vst v6;
	v6 =	vmul.f32 v14, v5;
	v10 =	vld [tilespmem:s13+$0xFFFFFF90]  }
0x13c: {  	[tilespmem:s13+$0xFFFFFF30] =	vst v4;
	v4 =	vmul.f32 v12, v5;
	v12 =	vld [tilespmem:s13+$0xFFFFFFA0]  }
0x13d: {  	[tilespmem:s13+$0xFFFFFF40] =	vst v6;
	v6 =	vmul.f32 v8, v5;
	v8 =	vld [tilespmem:s13+$0xFFFFFFB0]  }
0x13e: {  	[tilespmem:s13+$0xFFFFFF50] =	vst v4;
	v4 =	vmul.f32 v9, v5;
	v5 =	vld [tilespmem:s13+$0xFFFFFFC0]  }
0x13f: {  	[tilespmem:s13+$0xFFFFFF60] =	vst v6;
	v6 =	vmul.f32 v7, v13;
	v7 =	vld [tilespmem:s13+$0xFFFFFFD0]  }
0x140: {  	[tilespmem:s13+$0xFFFFFF70] =	vst v4;
	v4 =	vmul.f32 v10, v13;
	v9 =	vld [tilespmem:s13+$0xFFFFFFE0]  }
0x141: {  	[tilespmem:s13+$0xFFFFFF80] =	vst v6;
	v6 =	vmul.f32 v12, v13;
	v10 =	vld [tilespmem:s13+$0xFFFFFFF0]  }
0x142: {  	[tilespmem:s13+$0xFFFFFF90] =	vst v4;
	v4 =	vmul.f32 v8, v13;
	v8 =	vld [tilespmem:s13+$0x0]  }
0x143: {  	[tilespmem:s13+$0xFFFFFFA0] =	vst v6;
	v5 =	vmul.f32 v5, v13;
	v6 =	vld [tilespmem:s13+$0x10]  }
0x144: {  	[tilespmem:s13+$0xFFFFFFB0] =	vst v4;
	v4 =	vmul.f32 v7, v13;
	v7 =	vld [tilespmem:s13+$0x20]  }
0x145: {  	[tilespmem:s13+$0xFFFFFFC0] =	vst v5;
	v5 =	vmul.f32 v9, v13;
	v9 =	vld [tilespmem:s13+$0x30]  }
0x146: {  	[tilespmem:s13+$0xFFFFFFD0] =	vst v4;
	v4 =	vmul.f32 v10, v13;
	v10 =	vld [tilespmem:s13+$0x40]  }
0x147: {  	[tilespmem:s13+$0xFFFFFFE0] =	vst v5;
	v5 =	vmul.f32 v8, v11;
	v8 =	vld [tilespmem:s13+$0x50]  }
0x148: {  	[tilespmem:s13+$0xFFFFFFF0] =	vst v4;
	v4 =	vmul.f32 v6, v11;
	v12 =	vld [tilespmem:s13+$0x60]  }
0x149: {  	[tilespmem:s13+$0x0] =	vst v5;
	v5 =	vmul.f32 v7, v11;
	v13 =	vld [tilespmem:s13+$0x70]  }
.Ltmp7:
0x14a: {  	[tilespmem:s13+$0x10] =	vst v4;
	v4 =	vmul.f32 v9, v11;
	v7 =	vld [tilespmem:s13+$0x80];
	(pc) =	sbr.rel @p0 .LBB2_7-.Ltmp7, $4  }
0x14b: {  	[tilespmem:s13+$0x20] =	vst v5;
	v5 =	vmul.f32 v10, v11;
	v6 =	vld [tilespmem:s13+$0x90]  }
0x14c: {  	[tilespmem:s13+$0x30] =	vst v4;
	v4 =	vmul.f32 v8, v11;
	v8 =	vld [tilespmem:s13+$0xA0]  }
0x14d: {  	[tilespmem:s13+$0x40] =	vst v5;
	v10 =	vmul.f32 v12, v11;
	v5 =	vld [tilespmem:s13+$0xB0]  }
0x14e: {  	s15 =	sadd.s32 $0x4, s15;
	[tilespmem:s13+$0x50] =	vst v4;
	v9 =	vmul.f32 v13, v11;
	v4 =	vld [tilespmem:s13+$0xC0]  }
.Ltmp8:
0x14f: {  	_ = 	snop;
	(pc) =	sbr.rel .LBB2_8-.Ltmp8, $1  }
0x150: {  	_ =	sdelay $0x3  }
.LBB2_11:
0x151: {  	_ =	sfence.sel $0x180000  }
0x152: {  	[bflag:$0x0] =	sbarrier.arrive $0xFFFF  }
0x153: {  	_ =	strace $0x9000004A  }
0x154: {  	s0 =	stileid.u32;
	[bflag:$0x2] =	sbarrier.arrive $0xFFFF  }
0x155: {  	p0 =	sne.s32 s0, $0x0;
	s0 =	rddreg [dreg:$0x6]  }
0x156: {  	s0 =	sadd.s32 @!p0 $0x100000, s0  }
0x157: {  	[sflag:s0] =	ssyncadd.tile.s32 @!p0 $0x1;
	_ =	shalt  }
.Lfunc_end2:
_tile_overlayer_lowered:
.L_overlay_start_2:
0x158: {  	(tag) =	ssettag $0x2  }
0x159: {  	s0 =	rddreg [dreg:$0x0];
	s2 =	stileid.u32  }
0x15a: {  	s1 =	rddreg [dreg:$0x1];
	p0 =	sne.s32 s2, $0x0  }
0x15b: {  	s3 =	rddreg [dreg:$0x2];
	[bflag:$0x3] =	sbarrier.arrive $0xFFFF;
	s2 =	simm.s32 @!p0 $0x1C03  }
0x15c: {  	[timem:s3], [sflag:s2] =	dma.local @!p0 [hbm:s0], s1  }
0x15d: {  	s0 =	simm.s32 @!p0 $0x3  }
0x15e: {  	_ =	swait.ge @!p0 [sflag:s0], s1  }
0x15f: {  	s1 =	ssub.s32 @!p0 $0x0, s1;
	[sflag:s0] =	ssyncset.done @!p0 $0x0  }
0x160: {  	[sflag:s0] =	ssyncadd.s32 @!p0 s1  }
0x161: {  	[bflag:$0x3] =	sbarrier.arrive $0xFFFF  }
0x162: {  	_ =	shalt  }

</sc_bundles>
